<compile_context>
chip_gen: v7x
topology: tpu7x:2x2x1
jax: 0.10.2.dev20260603
libtpu: 0.0.44.dev20260713+nightly
codegen_flags: <defaults>
</compile_context>

<pallas_src>
import functools

import jax
import jax.numpy as jnp
from jax import lax
from jax.experimental import pallas as pl
from jax.experimental.pallas import tpu as pltpu
from jax.experimental.pallas import tpu_sc as plsc

N_NODES = 50000
NPAD = 50176
BN = 1792
NBLK = NPAD // BN
NSEG = 16
NC, NS = 2, 16
IB = 128
NB = 6
SCH = 20
NSUP = 20
TOT_B = SCH * NSUP
E_PER_TILE = TOT_B * IB
EP = E_PER_TILE * NS
RPT = NPAD // NS
CW = 32


def _dense_layer(h_in, nbr_chunks, w0t, b0, w1t, b1):
    n_nbr = len(nbr_chunks)
    din, dout = w0t.shape
    cout = dout // CW

    def body(*refs):
        h_ref = refs[0]
        nbrs = refs[1:1 + n_nbr]
        w0t_r, b0_r, w1t_r, b1_r = refs[1 + n_nbr:5 + n_nbr]
        outs = refs[5 + n_nbr:]
        h = h_ref[...]
        if n_nbr:
            nbr = jnp.concatenate([r[...] for r in nbrs], axis=1)
            h = jnp.maximum(h + nbr, 0.0)
        vw0 = jnp.dot(h, w0t_r[...], preferred_element_type=jnp.float32) + b0_r[...]
        vw1 = jnp.dot(h, w1t_r[...], preferred_element_type=jnp.float32) + b1_r[...]
        outs[0][...] = vw0
        for c in range(cout):
            outs[1 + c][...] = vw1[:, c * CW:(c + 1) * CW]

    row_spec = lambda w: pl.BlockSpec((BN, w), lambda i: (i, 0))
    full_spec = lambda a: pl.BlockSpec(a.shape, lambda i: (0, 0))
    in_specs = ([row_spec(din)] + [row_spec(CW)] * n_nbr
                + [full_spec(w0t), full_spec(b0), full_spec(w1t), full_spec(b1)])
    out_specs = [row_spec(dout)] + [row_spec(CW)] * cout
    out_shape = ([jax.ShapeDtypeStruct((NPAD, dout), jnp.float32)]
                 + [jax.ShapeDtypeStruct((NPAD, CW), jnp.float32)] * cout)
    res = pl.pallas_call(
        body, grid=(NBLK,), in_specs=in_specs, out_specs=out_specs,
        out_shape=out_shape,
    )(h_in, *nbr_chunks, w0t, b0, w1t, b1)
    return res[0], list(res[1:])


def _make_scatter(n_chunks):
    n_pass = n_chunks // NC
    mesh = plsc.VectorSubcoreMesh(core_axis_name="c", subcore_axis_name="s")
    out_type = [jax.ShapeDtypeStruct((NPAD, CW), jnp.float32)] * n_chunks
    scratch = [
        pltpu.VMEM((SCH, IB), jnp.int32),
        pltpu.VMEM((SCH, IB), jnp.int32),
        pltpu.VMEM((NB * IB, CW), jnp.float32),
        pltpu.VMEM_SHARED((NPAD, CW), jnp.float32),
        pltpu.SemaphoreType.DMA,
        pltpu.SemaphoreType.DMA,
    ]

    @functools.partial(pl.kernel, out_type=out_type, mesh=mesh,
                       scratch_types=scratch,
                       compiler_params=pltpu.CompilerParams(
                           use_tc_tiling_on_sc=False))
    def sc_scatter(*refs):
        tables = refs[:n_chunks]
        dst_hbm, src_hbm, zeros_hbm = refs[n_chunks:n_chunks + 3]
        outs = refs[n_chunks + 3:2 * n_chunks + 3]
        dstb, srcb, rows, acc, gsem, ssem = refs[2 * n_chunks + 3:]
        cid = lax.axis_index("c")
        sid = lax.axis_index("s")
        my_rows = pl.ds(sid * RPT, RPT)
        for p in range(n_pass):
            for cc in range(NC):
                c = p * NC + cc

                @pl.when(cid == cc)
                def _(c=c):
                    pltpu.sync_copy(zeros_hbm, acc.at[my_rows])
                    plsc.subcore_barrier()

                    def sup_body(si, _):
                        row0 = sid * TOT_B + si * SCH
                        pltpu.sync_copy(dst_hbm.at[pl.ds(row0, SCH)], dstb)
                        pltpu.sync_copy(src_hbm.at[pl.ds(row0, SCH)], srcb)
                        for q in range(4):
                            pltpu.async_copy(tables[c].at[srcb.at[q]],
                                             rows.at[pl.ds(q * IB, IB)], gsem)

                        def b_body(b, _):
                            @pl.when(b >= 2)
                            def _():
                                pltpu.make_async_copy(
                                    rows.at[pl.ds(0, IB)],
                                    acc.at[pl.ds(0, IB)], ssem).wait()

                            @pl.when(b < SCH - 4)
                            def _():
                                slot = ((b + 4) % NB) * IB
                                pltpu.async_copy(
                                    tables[c].at[srcb.at[b + 4]],
                                    rows.at[pl.ds(slot, IB)], gsem)

                            pltpu.make_async_copy(
                                zeros_hbm.at[pl.ds(0, IB)],
                                rows.at[pl.ds(0, IB)], gsem).wait()
                            pltpu.async_copy(
                                rows.at[pl.ds((b % NB) * IB, IB)],
                                acc.at[dstb.at[b]], ssem, add=True)
                            return 0

                        lax.fori_loop(0, SCH, b_body, 0)
                        for _ in range(2):
                            pltpu.make_async_copy(
                                rows.at[pl.ds(0, IB)],
                                acc.at[pl.ds(0, IB)], ssem).wait()
                        return 0

                    lax.fori_loop(0, NSUP, sup_body, 0)
                    plsc.subcore_barrier()
                    pltpu.sync_copy(acc.at[my_rows], outs[c].at[my_rows])
                    plsc.subcore_barrier()

    return sc_scatter


_make_scatter = functools.lru_cache(maxsize=None)(_make_scatter)


def _scatter2(*args):
    return _make_scatter(2)(*args)


def _scatter4(*args):
    return _make_scatter(4)(*args)


def _pool_head(vw0, nbr_chunks, m_col, h1wt, h1b, h2wt, h2b):
    n_nbr = len(nbr_chunks)
    dim = vw0.shape[1]

    def body(*refs):
        vw0_r = refs[0]
        nbrs = refs[1:1 + n_nbr]
        m_r, h1wt_r, h1b_r, h2wt_r, h2b_r = refs[1 + n_nbr:6 + n_nbr]
        out_r = refs[6 + n_nbr]
        sums, counts = refs[7 + n_nbr:]
        i = pl.program_id(0)

        @pl.when(i == 0)
        def _():
            sums[...] = jnp.zeros_like(sums)
            counts[...] = jnp.zeros_like(counts)
            out_r[...] = jnp.zeros_like(out_r)

        nbr = jnp.concatenate([r[...] for r in nbrs], axis=1)
        h = jnp.maximum(vw0_r[...] + nbr, 0.0)
        seg_ids = lax.broadcasted_iota(jnp.int32, (1, NSEG), 1).astype(jnp.float32)
        seg = (m_r[...] == seg_ids)
        seg = seg.astype(jnp.float32)
        dn = (((0,), (0,)), ((), ()))
        sums[...] += lax.dot_general(seg, h, dn,
                                     preferred_element_type=jnp.float32)
        counts[...] += lax.dot_general(
            seg, jnp.ones((BN, dim), jnp.float32), dn,
            preferred_element_type=jnp.float32)

        @pl.when(i == NBLK - 1)
        def _():
            gfeat = sums[...] / jnp.maximum(counts[...], 1e-6)
            t = jnp.dot(gfeat, h1wt_r[...], preferred_element_type=jnp.float32)
            t = jnp.maximum(t + h1b_r[...], 0.0)
            out_r[...] = (jnp.dot(t, h2wt_r[...],
                                  preferred_element_type=jnp.float32)
                          + h2b_r[...])

    row_spec = lambda w: pl.BlockSpec((BN, w), lambda i: (i, 0))
    full_spec = lambda a: pl.BlockSpec(a.shape, lambda i: (0, 0))
    in_specs = ([row_spec(dim)] + [row_spec(CW)] * n_nbr
                + [row_spec(1), full_spec(h1wt), full_spec(h1b),
                   full_spec(h2wt), full_spec(h2b)])
    return pl.pallas_call(
        body, grid=(NBLK,), in_specs=in_specs,
        out_specs=pl.BlockSpec((NSEG, 128), lambda i: (0, 0)),
        out_shape=jax.ShapeDtypeStruct((NSEG, 128), jnp.float32),
        scratch_shapes=[pltpu.VMEM((NSEG, dim), jnp.float32),
                        pltpu.VMEM((NSEG, dim), jnp.float32)],
    )(vw0, *nbr_chunks, m_col, h1wt, h1b, h2wt, h2b)


def kernel(x, edges, m_idx,
           g1_w0, g1_b0, g1_w1, g1_b1,
           g2_w0, g2_b0, g2_w1, g2_b1,
           g3_w0, g3_b0, g3_w1, g3_b1,
           h1_w, h1_b, h2_w, h2_b):
    f32 = jnp.float32
    n, e = x.shape[0], edges.shape[0]

    xpad = jnp.zeros((NPAD, 128), f32).at[:n, :3].set(x)
    dst = jnp.concatenate([edges[:, 0], edges[:, 1]])
    src = jnp.concatenate([edges[:, 1], edges[:, 0]])
    npad_e = EP - 2 * e
    dst = jnp.concatenate([dst, jnp.full((npad_e,), N_NODES, jnp.int32)])
    src = jnp.concatenate([src, jnp.zeros((npad_e,), jnp.int32)])
    dst2 = dst.reshape(EP // IB, IB)
    src2 = src.reshape(EP // IB, IB)
    zeros_sc = jnp.zeros((RPT, CW), f32)
    m_col = jnp.full((NPAD, 1), float(NSEG), f32).at[:n, 0].set(
        m_idx.astype(f32))

    w0t1 = jnp.zeros((128, 64), f32).at[:3].set(g1_w0.T)
    w1t1 = jnp.zeros((128, 64), f32).at[:3].set(g1_w1.T)
    b01, b11 = g1_b0[None, :], g1_b1[None, :]
    w0t2, w1t2 = g2_w0.T, g2_w1.T
    b02, b12 = g2_b0[None, :], g2_b1[None, :]
    w0t3, w1t3 = g3_w0.T, g3_w1.T
    b03, b13 = g3_b0[None, :], g3_b1[None, :]
    h1wt = h1_w.T
    h1b = h1_b[None, :]
    h2wt = jnp.zeros((256, 128), f32).at[:, :h2_w.shape[0]].set(h2_w.T)
    h2b = jnp.zeros((1, 128), f32).at[0, :h2_b.shape[0]].set(h2_b)

    vw0_1, c1 = _dense_layer(xpad, [], w0t1, b01, w1t1, b11)
    nbr1 = _scatter2(*c1, dst2, src2, zeros_sc)
    vw0_2, c2 = _dense_layer(vw0_1, list(nbr1), w0t2, b02, w1t2, b12)
    nbr2 = _scatter4(*c2, dst2, src2, zeros_sc)
    vw0_3, c3 = _dense_layer(vw0_2, list(nbr2), w0t3, b03, w1t3, b13)
    nbr3 = _scatter4(*c3, dst2, src2, zeros_sc)
    out = _pool_head(vw0_3, list(nbr3), m_col, h1wt, h1b, h2wt, h2b)
    return out[:, :h2_w.shape[0]]

# --- scband reference (transcript-rebuilt; emitter-appended) ---
"""Pipeline reference for scband-mesh-gcn-86870008528906 (READ-ONLY COPY).

The authoritative reference and input builder live on the scoring server;
editing this copy changes nothing except your own understanding.
"""

import jax, jax.numpy as jnp
import numpy as np

N, E, B, NUM_CLASSES = 50000, 400000, 16, 40


def setup_inputs(seed: int = 0) -> dict:
    key = jax.random.key(seed)
    ks = jax.random.split(key, 24)
    x = jax.random.normal(ks[0], (N, 3), dtype=jnp.float32)
    edges = jax.random.randint(ks[1], (E, 2), 0, N).astype(jnp.int32)
    m_idx = jnp.sort(jax.random.randint(ks[2], (N,), 0, B)).astype(jnp.int32)

    def lin(k, out_d, in_d):
        k1, k2 = jax.random.split(k)
        s = 1.0 / np.sqrt(in_d)
        w = jax.random.uniform(k1, (out_d, in_d), minval=-s, maxval=s, dtype=jnp.float32)
        b = jax.random.uniform(k2, (out_d,), minval=-s, maxval=s, dtype=jnp.float32)
        return w, b

    g1_w0, g1_b0 = lin(ks[3], 64, 3)
    g1_w1, g1_b1 = lin(ks[4], 64, 3)
    g2_w0, g2_b0 = lin(ks[5], 128, 64)
    g2_w1, g2_b1 = lin(ks[6], 128, 64)
    g3_w0, g3_b0 = lin(ks[7], 128, 128)
    g3_w1, g3_b1 = lin(ks[8], 128, 128)
    h1_w, h1_b = lin(ks[9], 256, 128)
    h2_w, h2_b = lin(ks[10], NUM_CLASSES, 256)
    return {"x": x, "edges": edges, "m_idx": m_idx,
            "g1_w0": g1_w0, "g1_b0": g1_b0, "g1_w1": g1_w1, "g1_b1": g1_b1,
            "g2_w0": g2_w0, "g2_b0": g2_b0, "g2_w1": g2_w1, "g2_b1": g2_b1,
            "g3_w0": g3_w0, "g3_b0": g3_b0, "g3_w1": g3_w1, "g3_b1": g3_b1,
            "h1_w": h1_w, "h1_b": h1_b, "h2_w": h2_w, "h2_b": h2_b}


def reference(x, edges, m_idx,
              g1_w0, g1_b0, g1_w1, g1_b1,
              g2_w0, g2_b0, g2_w1, g2_b1,
              g3_w0, g3_b0, g3_w1, g3_b1,
              h1_w, h1_b, h2_w, h2_b):
    i = edges[:, 0]
    j = edges[:, 1]

    def gconv(h, w0, b0, w1, b1):
        # pytorch3d-style GraphConv (undirected): w0(x) + sum_{nbrs} w1(x_nbr)
        vw0 = h @ w0.T + b0
        vw1 = h @ w1.T + b1
        nbr = jnp.zeros_like(vw0)
        nbr = nbr.at[i].add(vw1[j])
        nbr = nbr.at[j].add(vw1[i])
        return vw0 + nbr

    h = jax.nn.relu(gconv(x, g1_w0, g1_b0, g1_w1, g1_b1))
    h = jax.nn.relu(gconv(h, g2_w0, g2_b0, g2_w1, g2_b1))
    h = jax.nn.relu(gconv(h, g3_w0, g3_b0, g3_w1, g3_b1))
    sums = jax.ops.segment_sum(h, m_idx, num_segments=B)
    counts = jax.ops.segment_sum(jnp.ones((h.shape[0],), h.dtype), m_idx, num_segments=B)
    gfeat = sums / jnp.clip(counts, 1e-6, None)[:, None]
    out = jax.nn.relu(gfeat @ h1_w.T + h1_b)
    out = out @ h2_w.T + h2_b  # dropout is identity in eval mode
    return out

if __name__ == "__main__":
    import jax
    _d = setup_inputs()
    print(jax.jit(kernel)(*tuple(_d.values())))

</pallas_src>

<mosaic_0001>
#map = affine_map<(d0, d1) -> (0, 0)>
module attributes {stable_mosaic.version = 14 : i64} {
  func.func @sc_scatter(%arg0: i32, %arg1: i32, %arg2: memref<50176x32xf32, #tpu.memory_space<hbm>>, %arg3: memref<50176x32xf32, #tpu.memory_space<hbm>>, %arg4: memref<50176x32xf32, #tpu.memory_space<hbm>>, %arg5: memref<50176x32xf32, #tpu.memory_space<hbm>>, %arg6: memref<6400x128xi32, #tpu.memory_space<hbm>>, %arg7: memref<6400x128xi32, #tpu.memory_space<hbm>>, %arg8: memref<3136x32xf32, #tpu.memory_space<hbm>>, %arg9: memref<50176x32xf32, #tpu.memory_space<hbm>>, %arg10: memref<50176x32xf32, #tpu.memory_space<hbm>>, %arg11: memref<50176x32xf32, #tpu.memory_space<hbm>>, %arg12: memref<50176x32xf32, #tpu.memory_space<hbm>>, %arg13: memref<20x128xi32, #tpu.memory_space<vmem>>, %arg14: memref<20x128xi32, #tpu.memory_space<vmem>>, %arg15: memref<768x32xf32, #tpu.memory_space<vmem>>, %arg16: memref<50176x32xf32, #tpu.memory_space<vmem_shared>>, %arg17: memref<!tpu.dma_semaphore, #tpu.memory_space<semaphore_mem>>, %arg18: memref<!tpu.dma_semaphore, #tpu.memory_space<semaphore_mem>>) attributes {dimension_semantics = [#tpu.dimension_semantics<core_parallel>, #tpu.dimension_semantics<subcore_parallel>], iteration_bounds = array<i64: 2, 16>, scalar_prefetch = 0 : i64, scratch_operands = 6 : i64, tpu.core_type = #tpu.core_type<sc_vector_subcore>, window_params = [{transform_indices = #map}, {transform_indices = #map}, {transform_indices = #map}, {transform_indices = #map}, {transform_indices = #map}, {transform_indices = #map}, {transform_indices = #map}, {transform_indices = #map}, {transform_indices = #map}, {transform_indices = #map}, {transform_indices = #map}]} {
    %mul3A = arith.constant 3136 : i32
    %mul3A_0 = arith.muli %arg1, %mul3A : i32
    %eq3A = arith.constant 0 : i32
    %eq3A_1 = arith.cmpi eq, %arg0, %eq3A : i32
    %convert_element_type3A = arith.extui %eq3A_1 : i1 to i32
    %cond3A = arith.constant 0 : i32
    %cond3A_2 = arith.cmpi ne, %convert_element_type3A, %cond3A : i32
    scf.if %cond3A_2 {
      "tpu.region"() ({
        %run_scoped3A = tpu.sem_alloc : memref<!tpu.dma_semaphore, #tpu.memory_space<semaphore_mem>>
        %dma_start3A = arith.constant 0 : i32
        %dma_start3A_26 = tpu.memref_slice %arg16[%mul3A_0, %dma_start3A] : memref<50176x32xf32, #tpu.memory_space<vmem_shared>> -> memref<3136x32xf32, #tpu.memory_space<vmem_shared>>
        tpu.enqueue_dma source(%arg8 : memref<3136x32xf32, #tpu.memory_space<hbm>>) target(%dma_start3A_26 : memref<3136x32xf32, #tpu.memory_space<vmem_shared>>) target_semaphore(%run_scoped3A : memref<!tpu.dma_semaphore, #tpu.memory_space<semaphore_mem>>)
        %dma_wait3A = arith.constant 0 : i32
        %dma_wait3A_27 = tpu.memref_slice %arg16[%mul3A_0, %dma_wait3A] : memref<50176x32xf32, #tpu.memory_space<vmem_shared>> -> memref<3136x32xf32, #tpu.memory_space<vmem_shared>>
        tpu.wait_dma2 semaphore(%run_scoped3A : memref<!tpu.dma_semaphore, #tpu.memory_space<semaphore_mem>>) src(%arg8 : memref<3136x32xf32, #tpu.memory_space<hbm>>) dst(%dma_wait3A_27 : memref<3136x32xf32, #tpu.memory_space<vmem_shared>>)
        tpu.yield
      }) : () -> ()
      %barrier3A = arith.constant 0 : index
      tpu.barrier barrier_id(%barrier3A)
      %scan3A = arith.constant 0 : i32
      %scan3A_18 = arith.constant 0 : i32
      %scan3A_19 = arith.constant 20 : i32
      %scan3A_20 = arith.addi %scan3A_18, %scan3A_19 : i32
      %scan3A_21 = arith.constant 1 : i32
      %scan3A_22 = scf.for %scan3A_26 = %scan3A_18 to %scan3A_20 step %scan3A_21 iter_args(%scan3A_27 = %scan3A) -> (i32)  : i32 {
        %mul3A_28 = arith.constant 400 : i32
        %mul3A_29 = arith.muli %arg1, %mul3A_28 : i32
        %mul3A_30 = arith.constant 20 : i32
        %mul3A_31 = arith.muli %scan3A_26, %mul3A_30 : i32
        %add3A = arith.addi %mul3A_29, %mul3A_31 : i32
        "tpu.region"() ({
          %run_scoped3A = tpu.sem_alloc : memref<!tpu.dma_semaphore, #tpu.memory_space<semaphore_mem>>
          %dma_start3A_102 = arith.constant 0 : i32
          %dma_start3A_103 = tpu.memref_slice %arg6[%add3A, %dma_start3A_102] : memref<6400x128xi32, #tpu.memory_space<hbm>> -> memref<20x128xi32, #tpu.memory_space<hbm>>
          %dma_start3A_104 = arith.constant 0 : i32
          %dma_start3A_105 = tpu.memref_slice %arg6[%add3A, %dma_start3A_104] : memref<6400x128xi32, #tpu.memory_space<hbm>> -> memref<20x128xi32, #tpu.memory_space<hbm>>
          tpu.enqueue_dma source(%dma_start3A_105 : memref<20x128xi32, #tpu.memory_space<hbm>>) target(%arg13 : memref<20x128xi32, #tpu.memory_space<vmem>>) target_semaphore(%run_scoped3A : memref<!tpu.dma_semaphore, #tpu.memory_space<semaphore_mem>>)
          %dma_wait3A_106 = arith.constant 0 : i32
          %dma_wait3A_107 = tpu.memref_slice %arg6[%add3A, %dma_wait3A_106] : memref<6400x128xi32, #tpu.memory_space<hbm>> -> memref<20x128xi32, #tpu.memory_space<hbm>>
          %dma_wait3A_108 = arith.constant 0 : i32
          %dma_wait3A_109 = tpu.memref_slice %arg6[%add3A, %dma_wait3A_108] : memref<6400x128xi32, #tpu.memory_space<hbm>> -> memref<20x128xi32, #tpu.memory_space<hbm>>
          tpu.wait_dma2 semaphore(%run_scoped3A : memref<!tpu.dma_semaphore, #tpu.memory_space<semaphore_mem>>) src(%dma_wait3A_109 : memref<20x128xi32, #tpu.memory_space<hbm>>) dst(%arg13 : memref<20x128xi32, #tpu.memory_space<vmem>>)
          tpu.yield
        }) : () -> ()
        "tpu.region"() ({
          %run_scoped3A = tpu.sem_alloc : memref<!tpu.dma_semaphore, #tpu.memory_space<semaphore_mem>>
          %dma_start3A_102 = arith.constant 0 : i32
          %dma_start3A_103 = tpu.memref_slice %arg7[%add3A, %dma_start3A_102] : memref<6400x128xi32, #tpu.memory_space<hbm>> -> memref<20x128xi32, #tpu.memory_space<hbm>>
          %dma_start3A_104 = arith.constant 0 : i32
          %dma_start3A_105 = tpu.memref_slice %arg7[%add3A, %dma_start3A_104] : memref<6400x128xi32, #tpu.memory_space<hbm>> -> memref<20x128xi32, #tpu.memory_space<hbm>>
          tpu.enqueue_dma source(%dma_start3A_105 : memref<20x128xi32, #tpu.memory_space<hbm>>) target(%arg14 : memref<20x128xi32, #tpu.memory_space<vmem>>) target_semaphore(%run_scoped3A : memref<!tpu.dma_semaphore, #tpu.memory_space<semaphore_mem>>)
          %dma_wait3A_106 = arith.constant 0 : i32
          %dma_wait3A_107 = tpu.memref_slice %arg7[%add3A, %dma_wait3A_106] : memref<6400x128xi32, #tpu.memory_space<hbm>> -> memref<20x128xi32, #tpu.memory_space<hbm>>
          %dma_wait3A_108 = arith.constant 0 : i32
          %dma_wait3A_109 = tpu.memref_slice %arg7[%add3A, %dma_wait3A_108] : memref<6400x128xi32, #tpu.memory_space<hbm>> -> memref<20x128xi32, #tpu.memory_space<hbm>>
          tpu.wait_dma2 semaphore(%run_scoped3A : memref<!tpu.dma_semaphore, #tpu.memory_space<semaphore_mem>>) src(%dma_wait3A_109 : memref<20x128xi32, #tpu.memory_space<hbm>>) dst(%arg14 : memref<20x128xi32, #tpu.memory_space<vmem>>)
          tpu.yield
        }) : () -> ()
        %dma_start3A = arith.constant 0 : i32
        %dma_start3A_32 = arith.constant 0 : i32
        %dma_start3A_33 = arith.constant 0 : i32
        %dma_start3A_34 = tpu.memref_slice %arg15[%dma_start3A_32, %dma_start3A_33] : memref<768x32xf32, #tpu.memory_space<vmem>> -> memref<128x32xf32, #tpu.memory_space<vmem>>
        %dma_start3A_35 = arith.constant 0 : i32
        %dma_start3A_36 = tpu.memref_slice %arg14[%dma_start3A, %dma_start3A_35] : memref<20x128xi32, #tpu.memory_space<vmem>> -> memref<1x128xi32, #tpu.memory_space<vmem>>
        %dma_start3A_37 = tpu.memref_squeeze %dma_start3A_36 : memref<1x128xi32, #tpu.memory_space<vmem>> -> memref<128xi32, #tpu.memory_space<vmem>>
        %dma_start3A_38 = arith.constant 0 : i32
        %dma_start3A_39 = arith.constant 0 : i32
        %dma_start3A_40 = tpu.memref_slice %arg2[%dma_start3A_38, %dma_start3A_39] : memref<50176x32xf32, #tpu.memory_space<hbm>> -> memref<50176x32xf32, #tpu.memory_space<hbm>>
        tpu.enqueue_indirect_dma source(%dma_start3A_40 : memref<50176x32xf32, #tpu.memory_space<hbm>>) target(%dma_start3A_34 : memref<128x32xf32, #tpu.memory_space<vmem>>) offsets(%dma_start3A_37 : memref<128xi32, #tpu.memory_space<vmem>>) semaphore(%arg17 : memref<!tpu.dma_semaphore, #tpu.memory_space<semaphore_mem>>)
        %dma_start3A_41 = arith.constant 1 : i32
        %dma_start3A_42 = arith.constant 128 : i32
        %dma_start3A_43 = arith.constant 0 : i32
        %dma_start3A_44 = tpu.memref_slice %arg15[%dma_start3A_42, %dma_start3A_43] : memref<768x32xf32, #tpu.memory_space<vmem>> -> memref<128x32xf32, #tpu.memory_space<vmem>>
        %dma_start3A_45 = arith.constant 0 : i32
        %dma_start3A_46 = tpu.memref_slice %arg14[%dma_start3A_41, %dma_start3A_45] : memref<20x128xi32, #tpu.memory_space<vmem>> -> memref<1x128xi32, #tpu.memory_space<vmem>>
        %dma_start3A_47 = tpu.memref_squeeze %dma_start3A_46 : memref<1x128xi32, #tpu.memory_space<vmem>> -> memref<128xi32, #tpu.memory_space<vmem>>
        %dma_start3A_48 = arith.constant 0 : i32
        %dma_start3A_49 = arith.constant 0 : i32
        %dma_start3A_50 = tpu.memref_slice %arg2[%dma_start3A_48, %dma_start3A_49] : memref<50176x32xf32, #tpu.memory_space<hbm>> -> memref<50176x32xf32, #tpu.memory_space<hbm>>
        tpu.enqueue_indirect_dma source(%dma_start3A_50 : memref<50176x32xf32, #tpu.memory_space<hbm>>) target(%dma_start3A_44 : memref<128x32xf32, #tpu.memory_space<vmem>>) offsets(%dma_start3A_47 : memref<128xi32, #tpu.memory_space<vmem>>) semaphore(%arg17 : memref<!tpu.dma_semaphore, #tpu.memory_space<semaphore_mem>>)
        %dma_start3A_51 = arith.constant 2 : i32
        %dma_start3A_52 = arith.constant 256 : i32
        %dma_start3A_53 = arith.constant 0 : i32
        %dma_start3A_54 = tpu.memref_slice %arg15[%dma_start3A_52, %dma_start3A_53] : memref<768x32xf32, #tpu.memory_space<vmem>> -> memref<128x32xf32, #tpu.memory_space<vmem>>
        %dma_start3A_55 = arith.constant 0 : i32
        %dma_start3A_56 = tpu.memref_slice %arg14[%dma_start3A_51, %dma_start3A_55] : memref<20x128xi32, #tpu.memory_space<vmem>> -> memref<1x128xi32, #tpu.memory_space<vmem>>
        %dma_start3A_57 = tpu.memref_squeeze %dma_start3A_56 : memref<1x128xi32, #tpu.memory_space<vmem>> -> memref<128xi32, #tpu.memory_space<vmem>>
        %dma_start3A_58 = arith.constant 0 : i32
        %dma_start3A_59 = arith.constant 0 : i32
        %dma_start3A_60 = tpu.memref_slice %arg2[%dma_start3A_58, %dma_start3A_59] : memref<50176x32xf32, #tpu.memory_space<hbm>> -> memref<50176x32xf32, #tpu.memory_space<hbm>>
        tpu.enqueue_indirect_dma source(%dma_start3A_60 : memref<50176x32xf32, #tpu.memory_space<hbm>>) target(%dma_start3A_54 : memref<128x32xf32, #tpu.memory_space<vmem>>) offsets(%dma_start3A_57 : memref<128xi32, #tpu.memory_space<vmem>>) semaphore(%arg17 : memref<!tpu.dma_semaphore, #tpu.memory_space<semaphore_mem>>)
        %dma_start3A_61 = arith.constant 3 : i32
        %dma_start3A_62 = arith.constant 384 : i32
        %dma_start3A_63 = arith.constant 0 : i32
        %dma_start3A_64 = tpu.memref_slice %arg15[%dma_start3A_62, %dma_start3A_63] : memref<768x32xf32, #tpu.memory_space<vmem>> -> memref<128x32xf32, #tpu.memory_space<vmem>>
        %dma_start3A_65 = arith.constant 0 : i32
        %dma_start3A_66 = tpu.memref_slice %arg14[%dma_start3A_61, %dma_start3A_65] : memref<20x128xi32, #tpu.memory_space<vmem>> -> memref<1x128xi32, #tpu.memory_space<vmem>>
        %dma_start3A_67 = tpu.memref_squeeze %dma_start3A_66 : memref<1x128xi32, #tpu.memory_space<vmem>> -> memref<128xi32, #tpu.memory_space<vmem>>
        %dma_start3A_68 = arith.constant 0 : i32
        %dma_start3A_69 = arith.constant 0 : i32
        %dma_start3A_70 = tpu.memref_slice %arg2[%dma_start3A_68, %dma_start3A_69] : memref<50176x32xf32, #tpu.memory_space<hbm>> -> memref<50176x32xf32, #tpu.memory_space<hbm>>
        tpu.enqueue_indirect_dma source(%dma_start3A_70 : memref<50176x32xf32, #tpu.memory_space<hbm>>) target(%dma_start3A_64 : memref<128x32xf32, #tpu.memory_space<vmem>>) offsets(%dma_start3A_67 : memref<128xi32, #tpu.memory_space<vmem>>) semaphore(%arg17 : memref<!tpu.dma_semaphore, #tpu.memory_space<semaphore_mem>>)
        %scan3A_71 = arith.constant 0 : i32
        %scan3A_72 = arith.constant 0 : i32
        %scan3A_73 = arith.constant 20 : i32
        %scan3A_74 = arith.addi %scan3A_72, %scan3A_73 : i32
        %scan3A_75 = arith.constant 1 : i32
        %scan3A_76 = scf.for %scan3A_102 = %scan3A_72 to %scan3A_74 step %scan3A_75 iter_args(%scan3A_103 = %scan3A_71) -> (i32)  : i32 {
          %ge3A = arith.constant 2 : i32
          %ge3A_104 = arith.cmpi sge, %scan3A_102, %ge3A : i32
          %convert_element_type3A_105 = arith.extui %ge3A_104 : i1 to i32
          %cond3A_106 = arith.constant 0 : i32
          %cond3A_107 = arith.cmpi ne, %convert_element_type3A_105, %cond3A_106 : i32
          scf.if %cond3A_107 {
            %dma_wait3A_146 = arith.constant 0 : i32
            %dma_wait3A_147 = arith.constant 0 : i32
            %dma_wait3A_148 = tpu.memref_slice %arg15[%dma_wait3A_146, %dma_wait3A_147] : memref<768x32xf32, #tpu.memory_space<vmem>> -> memref<128x32xf32, #tpu.memory_space<vmem>>
            %dma_wait3A_149 = arith.constant 0 : i32
            %dma_wait3A_150 = arith.constant 0 : i32
            %dma_wait3A_151 = tpu.memref_slice %arg16[%dma_wait3A_149, %dma_wait3A_150] : memref<50176x32xf32, #tpu.memory_space<vmem_shared>> -> memref<128x32xf32, #tpu.memory_space<vmem_shared>>
            %dma_wait3A_152 = arith.constant 0 : i32
            %dma_wait3A_153 = arith.constant 0 : i32
            %dma_wait3A_154 = tpu.memref_slice %arg16[%dma_wait3A_152, %dma_wait3A_153] : memref<50176x32xf32, #tpu.memory_space<vmem_shared>> -> memref<128x32xf32, #tpu.memory_space<vmem_shared>>
            %dma_wait3A_155 = arith.constant 0 : i32
            %dma_wait3A_156 = arith.constant 0 : i32
            %dma_wait3A_157 = tpu.memref_slice %arg15[%dma_wait3A_155, %dma_wait3A_156] : memref<768x32xf32, #tpu.memory_space<vmem>> -> memref<128x32xf32, #tpu.memory_space<vmem>>
            tpu.wait_dma2 semaphore(%arg18 : memref<!tpu.dma_semaphore, #tpu.memory_space<semaphore_mem>>) src(%dma_wait3A_157 : memref<128x32xf32, #tpu.memory_space<vmem>>) dst(%dma_wait3A_154 : memref<128x32xf32, #tpu.memory_space<vmem_shared>>)
          } else {
          }
          %lt3A = arith.constant 16 : i32
          %lt3A_108 = arith.cmpi slt, %scan3A_102, %lt3A : i32
          %convert_element_type3A_109 = arith.extui %lt3A_108 : i1 to i32
          %cond3A_110 = arith.constant 0 : i32
          %cond3A_111 = arith.cmpi ne, %convert_element_type3A_109, %cond3A_110 : i32
          scf.if %cond3A_111 {
            %add3A_146 = arith.constant 4 : i32
            %add3A_147 = arith.addi %scan3A_102, %add3A_146 : i32
            %jit3A_148 = arith.constant 6 : i32
            %eq3A_149 = arith.constant 0 : i32
            %eq3A_150 = arith.cmpi eq, %jit3A_148, %eq3A_149 : i32
            %jit3A_151 = arith.constant 1 : i32
            %select_n3A_152 = arith.select %eq3A_150, %jit3A_151, %jit3A_148 : i32
            %rem3A_153 = arith.remsi %add3A_147, %select_n3A_152 : i32
            %ne3A_154 = arith.constant 0 : i32
            %ne3A_155 = arith.cmpi ne, %rem3A_153, %ne3A_154 : i32
            %lt3A_156 = arith.constant 0 : i32
            %lt3A_157 = arith.cmpi slt, %rem3A_153, %lt3A_156 : i32
            %lt3A_158 = arith.constant 0 : i32
            %lt3A_159 = arith.cmpi slt, %select_n3A_152, %lt3A_158 : i32
            %ne3A_160 = arith.xori %lt3A_157, %lt3A_159 : i1
            %and3A_161 = arith.andi %ne3A_160, %ne3A_155 : i1
            %add3A_162 = arith.addi %rem3A_153, %select_n3A_152 : i32
            %select_n3A_163 = arith.select %and3A_161, %add3A_162, %rem3A_153 : i32
            %mul3A_164 = arith.constant 128 : i32
            %mul3A_165 = arith.muli %select_n3A_163, %mul3A_164 : i32
            %add3A_166 = arith.constant 4 : i32
            %add3A_167 = arith.addi %scan3A_102, %add3A_166 : i32
            %dma_start3A_168 = arith.constant 0 : i32
            %dma_start3A_169 = tpu.memref_slice %arg15[%mul3A_165, %dma_start3A_168] : memref<768x32xf32, #tpu.memory_space<vmem>> -> memref<128x32xf32, #tpu.memory_space<vmem>>
            %dma_start3A_170 = arith.constant 0 : i32
            %dma_start3A_171 = tpu.memref_slice %arg14[%add3A_167, %dma_start3A_170] : memref<20x128xi32, #tpu.memory_space<vmem>> -> memref<1x128xi32, #tpu.memory_space<vmem>>
            %dma_start3A_172 = tpu.memref_squeeze %dma_start3A_171 : memref<1x128xi32, #tpu.memory_space<vmem>> -> memref<128xi32, #tpu.memory_space<vmem>>
            %dma_start3A_173 = arith.constant 0 : i32
            %dma_start3A_174 = arith.constant 0 : i32
            %dma_start3A_175 = tpu.memref_slice %arg2[%dma_start3A_173, %dma_start3A_174] : memref<50176x32xf32, #tpu.memory_space<hbm>> -> memref<50176x32xf32, #tpu.memory_space<hbm>>
            tpu.enqueue_indirect_dma source(%dma_start3A_175 : memref<50176x32xf32, #tpu.memory_space<hbm>>) target(%dma_start3A_169 : memref<128x32xf32, #tpu.memory_space<vmem>>) offsets(%dma_start3A_172 : memref<128xi32, #tpu.memory_space<vmem>>) semaphore(%arg17 : memref<!tpu.dma_semaphore, #tpu.memory_space<semaphore_mem>>)
          } else {
          }
          %dma_wait3A_112 = arith.constant 0 : i32
          %dma_wait3A_113 = arith.constant 0 : i32
          %dma_wait3A_114 = tpu.memref_slice %arg15[%dma_wait3A_112, %dma_wait3A_113] : memref<768x32xf32, #tpu.memory_space<vmem>> -> memref<128x32xf32, #tpu.memory_space<vmem>>
          %dma_wait3A_115 = arith.constant 0 : i32
          %dma_wait3A_116 = arith.constant 0 : i32
          %dma_wait3A_117 = tpu.memref_slice %arg8[%dma_wait3A_115, %dma_wait3A_116] : memref<3136x32xf32, #tpu.memory_space<hbm>> -> memref<128x32xf32, #tpu.memory_space<hbm>>
          %dma_wait3A_118 = arith.constant 0 : i32
          %dma_wait3A_119 = arith.constant 0 : i32
          %dma_wait3A_120 = tpu.memref_slice %arg15[%dma_wait3A_118, %dma_wait3A_119] : memref<768x32xf32, #tpu.memory_space<vmem>> -> memref<128x32xf32, #tpu.memory_space<vmem>>
          %dma_wait3A_121 = arith.constant 0 : i32
          %dma_wait3A_122 = arith.constant 0 : i32
          %dma_wait3A_123 = tpu.memref_slice %arg8[%dma_wait3A_121, %dma_wait3A_122] : memref<3136x32xf32, #tpu.memory_space<hbm>> -> memref<128x32xf32, #tpu.memory_space<hbm>>
          tpu.wait_dma2 semaphore(%arg17 : memref<!tpu.dma_semaphore, #tpu.memory_space<semaphore_mem>>) src(%dma_wait3A_123 : memref<128x32xf32, #tpu.memory_space<hbm>>) dst(%dma_wait3A_120 : memref<128x32xf32, #tpu.memory_space<vmem>>)
          %jit3A = arith.constant 6 : i32
          %eq3A_124 = arith.constant 0 : i32
          %eq3A_125 = arith.cmpi eq, %jit3A, %eq3A_124 : i32
          %jit3A_126 = arith.constant 1 : i32
          %select_n3A = arith.select %eq3A_125, %jit3A_126, %jit3A : i32
          %rem3A = arith.remsi %scan3A_102, %select_n3A : i32
          %ne3A = arith.constant 0 : i32
          %ne3A_127 = arith.cmpi ne, %rem3A, %ne3A : i32
          %lt3A_128 = arith.constant 0 : i32
          %lt3A_129 = arith.cmpi slt, %rem3A, %lt3A_128 : i32
          %lt3A_130 = arith.constant 0 : i32
          %lt3A_131 = arith.cmpi slt, %select_n3A, %lt3A_130 : i32
          %ne3A_132 = arith.xori %lt3A_129, %lt3A_131 : i1
          %and3A = arith.andi %ne3A_132, %ne3A_127 : i1
          %add3A_133 = arith.addi %rem3A, %select_n3A : i32
          %select_n3A_134 = arith.select %and3A, %add3A_133, %rem3A : i32
          %mul3A_135 = arith.constant 128 : i32
          %mul3A_136 = arith.muli %select_n3A_134, %mul3A_135 : i32
          %dma_start3A_137 = arith.constant 0 : i32
          %dma_start3A_138 = tpu.memref_slice %arg15[%mul3A_136, %dma_start3A_137] : memref<768x32xf32, #tpu.memory_space<vmem>> -> memref<128x32xf32, #tpu.memory_space<vmem>>
          %dma_start3A_139 = arith.constant 0 : i32
          %dma_start3A_140 = tpu.memref_slice %arg13[%scan3A_102, %dma_start3A_139] : memref<20x128xi32, #tpu.memory_space<vmem>> -> memref<1x128xi32, #tpu.memory_space<vmem>>
          %dma_start3A_141 = tpu.memref_squeeze %dma_start3A_140 : memref<1x128xi32, #tpu.memory_space<vmem>> -> memref<128xi32, #tpu.memory_space<vmem>>
          %dma_start3A_142 = arith.constant 0 : i32
          %dma_start3A_143 = arith.constant 0 : i32
          %dma_start3A_144 = tpu.memref_slice %arg16[%dma_start3A_142, %dma_start3A_143] : memref<50176x32xf32, #tpu.memory_space<vmem_shared>> -> memref<50176x32xf32, #tpu.memory_space<vmem_shared>>
          tpu.enqueue_indirect_dma source(%dma_start3A_138 : memref<128x32xf32, #tpu.memory_space<vmem>>) target(%dma_start3A_144 : memref<50176x32xf32, #tpu.memory_space<vmem_shared>>) offsets(%dma_start3A_141 : memref<128xi32, #tpu.memory_space<vmem>>) semaphore(%arg18 : memref<!tpu.dma_semaphore, #tpu.memory_space<semaphore_mem>>) {add = true}
          %scan3A_145 = arith.constant 0 : i32
          scf.yield %scan3A_145 : i32
        }
        %scan3A_77 = arith.constant 20 : i32
        %dma_wait3A = arith.constant 0 : i32
        %dma_wait3A_78 = arith.constant 0 : i32
        %dma_wait3A_79 = tpu.memref_slice %arg15[%dma_wait3A, %dma_wait3A_78] : memref<768x32xf32, #tpu.memory_space<vmem>> -> memref<128x32xf32, #tpu.memory_space<vmem>>
        %dma_wait3A_80 = arith.constant 0 : i32
        %dma_wait3A_81 = arith.constant 0 : i32
        %dma_wait3A_82 = tpu.memref_slice %arg16[%dma_wait3A_80, %dma_wait3A_81] : memref<50176x32xf32, #tpu.memory_space<vmem_shared>> -> memref<128x32xf32, #tpu.memory_space<vmem_shared>>
        %dma_wait3A_83 = arith.constant 0 : i32
        %dma_wait3A_84 = arith.constant 0 : i32
        %dma_wait3A_85 = tpu.memref_slice %arg16[%dma_wait3A_83, %dma_wait3A_84] : memref<50176x32xf32, #tpu.memory_space<vmem_shared>> -> memref<128x32xf32, #tpu.memory_space<vmem_shared>>
        %dma_wait3A_86 = arith.constant 0 : i32
        %dma_wait3A_87 = arith.constant 0 : i32
        %dma_wait3A_88 = tpu.memref_slice %arg15[%dma_wait3A_86, %dma_wait3A_87] : memref<768x32xf32, #tpu.memory_space<vmem>> -> memref<128x32xf32, #tpu.memory_space<vmem>>
        tpu.wait_dma2 semaphore(%arg18 : memref<!tpu.dma_semaphore, #tpu.memory_space<semaphore_mem>>) src(%dma_wait3A_88 : memref<128x32xf32, #tpu.memory_space<vmem>>) dst(%dma_wait3A_85 : memref<128x32xf32, #tpu.memory_space<vmem_shared>>)
        %dma_wait3A_89 = arith.constant 0 : i32
        %dma_wait3A_90 = arith.constant 0 : i32
        %dma_wait3A_91 = tpu.memref_slice %arg15[%dma_wait3A_89, %dma_wait3A_90] : memref<768x32xf32, #tpu.memory_space<vmem>> -> memref<128x32xf32, #tpu.memory_space<vmem>>
        %dma_wait3A_92 = arith.constant 0 : i32
        %dma_wait3A_93 = arith.constant 0 : i32
        %dma_wait3A_94 = tpu.memref_slice %arg16[%dma_wait3A_92, %dma_wait3A_93] : memref<50176x32xf32, #tpu.memory_space<vmem_shared>> -> memref<128x32xf32, #tpu.memory_space<vmem_shared>>
        %dma_wait3A_95 = arith.constant 0 : i32
        %dma_wait3A_96 = arith.constant 0 : i32
        %dma_wait3A_97 = tpu.memref_slice %arg16[%dma_wait3A_95, %dma_wait3A_96] : memref<50176x32xf32, #tpu.memory_space<vmem_shared>> -> memref<128x32xf32, #tpu.memory_space<vmem_shared>>
        %dma_wait3A_98 = arith.constant 0 : i32
        %dma_wait3A_99 = arith.constant 0 : i32
        %dma_wait3A_100 = tpu.memref_slice %arg15[%dma_wait3A_98, %dma_wait3A_99] : memref<768x32xf32, #tpu.memory_space<vmem>> -> memref<128x32xf32, #tpu.memory_space<vmem>>
        tpu.wait_dma2 semaphore(%arg18 : memref<!tpu.dma_semaphore, #tpu.memory_space<semaphore_mem>>) src(%dma_wait3A_100 : memref<128x32xf32, #tpu.memory_space<vmem>>) dst(%dma_wait3A_97 : memref<128x32xf32, #tpu.memory_space<vmem_shared>>)
        %scan3A_101 = arith.constant 0 : i32
        scf.yield %scan3A_101 : i32
      }
      %scan3A_23 = arith.constant 20 : i32
      %barrier3A_24 = arith.constant 0 : index
      tpu.barrier barrier_id(%barrier3A_24)
      "tpu.region"() ({
        %run_scoped3A = tpu.sem_alloc : memref<!tpu.dma_semaphore, #tpu.memory_space<semaphore_mem>>
        %dma_start3A = arith.constant 0 : i32
        %dma_start3A_26 = tpu.memref_slice %arg9[%mul3A_0, %dma_start3A] : memref<50176x32xf32, #tpu.memory_space<hbm>> -> memref<3136x32xf32, #tpu.memory_space<hbm>>
        %dma_start3A_27 = arith.constant 0 : i32
        %dma_start3A_28 = tpu.memref_slice %arg16[%mul3A_0, %dma_start3A_27] : memref<50176x32xf32, #tpu.memory_space<vmem_shared>> -> memref<3136x32xf32, #tpu.memory_space<vmem_shared>>
        tpu.enqueue_dma source(%dma_start3A_28 : memref<3136x32xf32, #tpu.memory_space<vmem_shared>>) target(%dma_start3A_26 : memref<3136x32xf32, #tpu.memory_space<hbm>>) target_semaphore(%run_scoped3A : memref<!tpu.dma_semaphore, #tpu.memory_space<semaphore_mem>>)
        %dma_wait3A = arith.constant 0 : i32
        %dma_wait3A_29 = tpu.memref_slice %arg9[%mul3A_0, %dma_wait3A] : memref<50176x32xf32, #tpu.memory_space<hbm>> -> memref<3136x32xf32, #tpu.memory_space<hbm>>
        %dma_wait3A_30 = arith.constant 0 : i32
        %dma_wait3A_31 = tpu.memref_slice %arg16[%mul3A_0, %dma_wait3A_30] : memref<50176x32xf32, #tpu.memory_space<vmem_shared>> -> memref<3136x32xf32, #tpu.memory_space<vmem_shared>>
        tpu.wait_dma2 semaphore(%run_scoped3A : memref<!tpu.dma_semaphore, #tpu.memory_space<semaphore_mem>>) src(%dma_wait3A_31 : memref<3136x32xf32, #tpu.memory_space<vmem_shared>>) dst(%dma_wait3A_29 : memref<3136x32xf32, #tpu.memory_space<hbm>>)
        tpu.yield
      }) : () -> ()
      %barrier3A_25 = arith.constant 0 : index
      tpu.barrier barrier_id(%barrier3A_25)
    } else {
    }
    %eq3A_3 = arith.constant 1 : i32
    %eq3A_4 = arith.cmpi eq, %arg0, %eq3A_3 : i32
    %convert_element_type3A_5 = arith.extui %eq3A_4 : i1 to i32
    %cond3A_6 = arith.constant 0 : i32
    %cond3A_7 = arith.cmpi ne, %convert_element_type3A_5, %cond3A_6 : i32
    scf.if %cond3A_7 {
      "tpu.region"() ({
        %run_scoped3A = tpu.sem_alloc : memref<!tpu.dma_semaphore, #tpu.memory_space<semaphore_mem>>
        %dma_start3A = arith.constant 0 : i32
        %dma_start3A_26 = tpu.memref_slice %arg16[%mul3A_0, %dma_start3A] : memref<50176x32xf32, #tpu.memory_space<vmem_shared>> -> memref<3136x32xf32, #tpu.memory_space<vmem_shared>>
        tpu.enqueue_dma source(%arg8 : memref<3136x32xf32, #tpu.memory_space<hbm>>) target(%dma_start3A_26 : memref<3136x32xf32, #tpu.memory_space<vmem_shared>>) target_semaphore(%run_scoped3A : memref<!tpu.dma_semaphore, #tpu.memory_space<semaphore_mem>>)
        %dma_wait3A = arith.constant 0 : i32
        %dma_wait3A_27 = tpu.memref_slice %arg16[%mul3A_0, %dma_wait3A] : memref<50176x32xf32, #tpu.memory_space<vmem_shared>> -> memref<3136x32xf32, #tpu.memory_space<vmem_shared>>
        tpu.wait_dma2 semaphore(%run_scoped3A : memref<!tpu.dma_semaphore, #tpu.memory_space<semaphore_mem>>) src(%arg8 : memref<3136x32xf32, #tpu.memory_space<hbm>>) dst(%dma_wait3A_27 : memref<3136x32xf32, #tpu.memory_space<vmem_shared>>)
        tpu.yield
      }) : () -> ()
      %barrier3A = arith.constant 0 : index
      tpu.barrier barrier_id(%barrier3A)
      %scan3A = arith.constant 0 : i32
      %scan3A_18 = arith.constant 0 : i32
      %scan3A_19 = arith.constant 20 : i32
      %scan3A_20 = arith.addi %scan3A_18, %scan3A_19 : i32
      %scan3A_21 = arith.constant 1 : i32
      %scan3A_22 = scf.for %scan3A_26 = %scan3A_18 to %scan3A_20 step %scan3A_21 iter_args(%scan3A_27 = %scan3A) -> (i32)  : i32 {
        %mul3A_28 = arith.constant 400 : i32
        %mul3A_29 = arith.muli %arg1, %mul3A_28 : i32
        %mul3A_30 = arith.constant 20 : i32
        %mul3A_31 = arith.muli %scan3A_26, %mul3A_30 : i32
        %add3A = arith.addi %mul3A_29, %mul3A_31 : i32
        "tpu.region"() ({
          %run_scoped3A = tpu.sem_alloc : memref<!tpu.dma_semaphore, #tpu.memory_space<semaphore_mem>>
          %dma_start3A_102 = arith.constant 0 : i32
          %dma_start3A_103 = tpu.memref_slice %arg6[%add3A, %dma_start3A_102] : memref<6400x128xi32, #tpu.memory_space<hbm>> -> memref<20x128xi32, #tpu.memory_space<hbm>>
          %dma_start3A_104 = arith.constant 0 : i32
          %dma_start3A_105 = tpu.memref_slice %arg6[%add3A, %dma_start3A_104] : memref<6400x128xi32, #tpu.memory_space<hbm>> -> memref<20x128xi32, #tpu.memory_space<hbm>>
          tpu.enqueue_dma source(%dma_start3A_105 : memref<20x128xi32, #tpu.memory_space<hbm>>) target(%arg13 : memref<20x128xi32, #tpu.memory_space<vmem>>) target_semaphore(%run_scoped3A : memref<!tpu.dma_semaphore, #tpu.memory_space<semaphore_mem>>)
          %dma_wait3A_106 = arith.constant 0 : i32
          %dma_wait3A_107 = tpu.memref_slice %arg6[%add3A, %dma_wait3A_106] : memref<6400x128xi32, #tpu.memory_space<hbm>> -> memref<20x128xi32, #tpu.memory_space<hbm>>
          %dma_wait3A_108 = arith.constant 0 : i32
          %dma_wait3A_109 = tpu.memref_slice %arg6[%add3A, %dma_wait3A_108] : memref<6400x128xi32, #tpu.memory_space<hbm>> -> memref<20x128xi32, #tpu.memory_space<hbm>>
          tpu.wait_dma2 semaphore(%run_scoped3A : memref<!tpu.dma_semaphore, #tpu.memory_space<semaphore_mem>>) src(%dma_wait3A_109 : memref<20x128xi32, #tpu.memory_space<hbm>>) dst(%arg13 : memref<20x128xi32, #tpu.memory_space<vmem>>)
          tpu.yield
        }) : () -> ()
        "tpu.region"() ({
          %run_scoped3A = tpu.sem_alloc : memref<!tpu.dma_semaphore, #tpu.memory_space<semaphore_mem>>
          %dma_start3A_102 = arith.constant 0 : i32
          %dma_start3A_103 = tpu.memref_slice %arg7[%add3A, %dma_start3A_102] : memref<6400x128xi32, #tpu.memory_space<hbm>> -> memref<20x128xi32, #tpu.memory_space<hbm>>
          %dma_start3A_104 = arith.constant 0 : i32
          %dma_start3A_105 = tpu.memref_slice %arg7[%add3A, %dma_start3A_104] : memref<6400x128xi32, #tpu.memory_space<hbm>> -> memref<20x128xi32, #tpu.memory_space<hbm>>
          tpu.enqueue_dma source(%dma_start3A_105 : memref<20x128xi32, #tpu.memory_space<hbm>>) target(%arg14 : memref<20x128xi32, #tpu.memory_space<vmem>>) target_semaphore(%run_scoped3A : memref<!tpu.dma_semaphore, #tpu.memory_space<semaphore_mem>>)
          %dma_wait3A_106 = arith.constant 0 : i32
          %dma_wait3A_107 = tpu.memref_slice %arg7[%add3A, %dma_wait3A_106] : memref<6400x128xi32, #tpu.memory_space<hbm>> -> memref<20x128xi32, #tpu.memory_space<hbm>>
          %dma_wait3A_108 = arith.constant 0 : i32
          %dma_wait3A_109 = tpu.memref_slice %arg7[%add3A, %dma_wait3A_108] : memref<6400x128xi32, #tpu.memory_space<hbm>> -> memref<20x128xi32, #tpu.memory_space<hbm>>
          tpu.wait_dma2 semaphore(%run_scoped3A : memref<!tpu.dma_semaphore, #tpu.memory_space<semaphore_mem>>) src(%dma_wait3A_109 : memref<20x128xi32, #tpu.memory_space<hbm>>) dst(%arg14 : memref<20x128xi32, #tpu.memory_space<vmem>>)
          tpu.yield
        }) : () -> ()
        %dma_start3A = arith.constant 0 : i32
        %dma_start3A_32 = arith.constant 0 : i32
        %dma_start3A_33 = arith.constant 0 : i32
        %dma_start3A_34 = tpu.memref_slice %arg15[%dma_start3A_32, %dma_start3A_33] : memref<768x32xf32, #tpu.memory_space<vmem>> -> memref<128x32xf32, #tpu.memory_space<vmem>>
        %dma_start3A_35 = arith.constant 0 : i32
        %dma_start3A_36 = tpu.memref_slice %arg14[%dma_start3A, %dma_start3A_35] : memref<20x128xi32, #tpu.memory_space<vmem>> -> memref<1x128xi32, #tpu.memory_space<vmem>>
        %dma_start3A_37 = tpu.memref_squeeze %dma_start3A_36 : memref<1x128xi32, #tpu.memory_space<vmem>> -> memref<128xi32, #tpu.memory_space<vmem>>
        %dma_start3A_38 = arith.constant 0 : i32
        %dma_start3A_39 = arith.constant 0 : i32
        %dma_start3A_40 = tpu.memref_slice %arg3[%dma_start3A_38, %dma_start3A_39] : memref<50176x32xf32, #tpu.memory_space<hbm>> -> memref<50176x32xf32, #tpu.memory_space<hbm>>
        tpu.enqueue_indirect_dma source(%dma_start3A_40 : memref<50176x32xf32, #tpu.memory_space<hbm>>) target(%dma_start3A_34 : memref<128x32xf32, #tpu.memory_space<vmem>>) offsets(%dma_start3A_37 : memref<128xi32, #tpu.memory_space<vmem>>) semaphore(%arg17 : memref<!tpu.dma_semaphore, #tpu.memory_space<semaphore_mem>>)
        %dma_start3A_41 = arith.constant 1 : i32
        %dma_start3A_42 = arith.constant 128 : i32
        %dma_start3A_43 = arith.constant 0 : i32
        %dma_start3A_44 = tpu.memref_slice %arg15[%dma_start3A_42, %dma_start3A_43] : memref<768x32xf32, #tpu.memory_space<vmem>> -> memref<128x32xf32, #tpu.memory_space<vmem>>
        %dma_start3A_45 = arith.constant 0 : i32
        %dma_start3A_46 = tpu.memref_slice %arg14[%dma_start3A_41, %dma_start3A_45] : memref<20x128xi32, #tpu.memory_space<vmem>> -> memref<1x128xi32, #tpu.memory_space<vmem>>
        %dma_start3A_47 = tpu.memref_squeeze %dma_start3A_46 : memref<1x128xi32, #tpu.memory_space<vmem>> -> memref<128xi32, #tpu.memory_space<vmem>>
        %dma_start3A_48 = arith.constant 0 : i32
        %dma_start3A_49 = arith.constant 0 : i32
        %dma_start3A_50 = tpu.memref_slice %arg3[%dma_start3A_48, %dma_start3A_49] : memref<50176x32xf32, #tpu.memory_space<hbm>> -> memref<50176x32xf32, #tpu.memory_space<hbm>>
        tpu.enqueue_indirect_dma source(%dma_start3A_50 : memref<50176x32xf32, #tpu.memory_space<hbm>>) target(%dma_start3A_44 : memref<128x32xf32, #tpu.memory_space<vmem>>) offsets(%dma_start3A_47 : memref<128xi32, #tpu.memory_space<vmem>>) semaphore(%arg17 : memref<!tpu.dma_semaphore, #tpu.memory_space<semaphore_mem>>)
        %dma_start3A_51 = arith.constant 2 : i32
        %dma_start3A_52 = arith.constant 256 : i32
        %dma_start3A_53 = arith.constant 0 : i32
        %dma_start3A_54 = tpu.memref_slice %arg15[%dma_start3A_52, %dma_start3A_53] : memref<768x32xf32, #tpu.memory_space<vmem>> -> memref<128x32xf32, #tpu.memory_space<vmem>>
        %dma_start3A_55 = arith.constant 0 : i32
        %dma_start3A_56 = tpu.memref_slice %arg14[%dma_start3A_51, %dma_start3A_55] : memref<20x128xi32, #tpu.memory_space<vmem>> -> memref<1x128xi32, #tpu.memory_space<vmem>>
        %dma_start3A_57 = tpu.memref_squeeze %dma_start3A_56 : memref<1x128xi32, #tpu.memory_space<vmem>> -> memref<128xi32, #tpu.memory_space<vmem>>
        %dma_start3A_58 = arith.constant 0 : i32
        %dma_start3A_59 = arith.constant 0 : i32
        %dma_start3A_60 = tpu.memref_slice %arg3[%dma_start3A_58, %dma_start3A_59] : memref<50176x32xf32, #tpu.memory_space<hbm>> -> memref<50176x32xf32, #tpu.memory_space<hbm>>
        tpu.enqueue_indirect_dma source(%dma_start3A_60 : memref<50176x32xf32, #tpu.memory_space<hbm>>) target(%dma_start3A_54 : memref<128x32xf32, #tpu.memory_space<vmem>>) offsets(%dma_start3A_57 : memref<128xi32, #tpu.memory_space<vmem>>) semaphore(%arg17 : memref<!tpu.dma_semaphore, #tpu.memory_space<semaphore_mem>>)
        %dma_start3A_61 = arith.constant 3 : i32
        %dma_start3A_62 = arith.constant 384 : i32
        %dma_start3A_63 = arith.constant 0 : i32
        %dma_start3A_64 = tpu.memref_slice %arg15[%dma_start3A_62, %dma_start3A_63] : memref<768x32xf32, #tpu.memory_space<vmem>> -> memref<128x32xf32, #tpu.memory_space<vmem>>
        %dma_start3A_65 = arith.constant 0 : i32
        %dma_start3A_66 = tpu.memref_slice %arg14[%dma_start3A_61, %dma_start3A_65] : memref<20x128xi32, #tpu.memory_space<vmem>> -> memref<1x128xi32, #tpu.memory_space<vmem>>
        %dma_start3A_67 = tpu.memref_squeeze %dma_start3A_66 : memref<1x128xi32, #tpu.memory_space<vmem>> -> memref<128xi32, #tpu.memory_space<vmem>>
        %dma_start3A_68 = arith.constant 0 : i32
        %dma_start3A_69 = arith.constant 0 : i32
        %dma_start3A_70 = tpu.memref_slice %arg3[%dma_start3A_68, %dma_start3A_69] : memref<50176x32xf32, #tpu.memory_space<hbm>> -> memref<50176x32xf32, #tpu.memory_space<hbm>>
        tpu.enqueue_indirect_dma source(%dma_start3A_70 : memref<50176x32xf32, #tpu.memory_space<hbm>>) target(%dma_start3A_64 : memref<128x32xf32, #tpu.memory_space<vmem>>) offsets(%dma_start3A_67 : memref<128xi32, #tpu.memory_space<vmem>>) semaphore(%arg17 : memref<!tpu.dma_semaphore, #tpu.memory_space<semaphore_mem>>)
        %scan3A_71 = arith.constant 0 : i32
        %scan3A_72 = arith.constant 0 : i32
        %scan3A_73 = arith.constant 20 : i32
        %scan3A_74 = arith.addi %scan3A_72, %scan3A_73 : i32
        %scan3A_75 = arith.constant 1 : i32
        %scan3A_76 = scf.for %scan3A_102 = %scan3A_72 to %scan3A_74 step %scan3A_75 iter_args(%scan3A_103 = %scan3A_71) -> (i32)  : i32 {
          %ge3A = arith.constant 2 : i32
          %ge3A_104 = arith.cmpi sge, %scan3A_102, %ge3A : i32
          %convert_element_type3A_105 = arith.extui %ge3A_104 : i1 to i32
          %cond3A_106 = arith.constant 0 : i32
          %cond3A_107 = arith.cmpi ne, %convert_element_type3A_105, %cond3A_106 : i32
          scf.if %cond3A_107 {
            %dma_wait3A_146 = arith.constant 0 : i32
            %dma_wait3A_147 = arith.constant 0 : i32
            %dma_wait3A_148 = tpu.memref_slice %arg15[%dma_wait3A_146, %dma_wait3A_147] : memref<768x32xf32, #tpu.memory_space<vmem>> -> memref<128x32xf32, #tpu.memory_space<vmem>>
            %dma_wait3A_149 = arith.constant 0 : i32
            %dma_wait3A_150 = arith.constant 0 : i32
            %dma_wait3A_151 = tpu.memref_slice %arg16[%dma_wait3A_149, %dma_wait3A_150] : memref<50176x32xf32, #tpu.memory_space<vmem_shared>> -> memref<128x32xf32, #tpu.memory_space<vmem_shared>>
            %dma_wait3A_152 = arith.constant 0 : i32
            %dma_wait3A_153 = arith.constant 0 : i32
            %dma_wait3A_154 = tpu.memref_slice %arg16[%dma_wait3A_152, %dma_wait3A_153] : memref<50176x32xf32, #tpu.memory_space<vmem_shared>> -> memref<128x32xf32, #tpu.memory_space<vmem_shared>>
            %dma_wait3A_155 = arith.constant 0 : i32
            %dma_wait3A_156 = arith.constant 0 : i32
            %dma_wait3A_157 = tpu.memref_slice %arg15[%dma_wait3A_155, %dma_wait3A_156] : memref<768x32xf32, #tpu.memory_space<vmem>> -> memref<128x32xf32, #tpu.memory_space<vmem>>
            tpu.wait_dma2 semaphore(%arg18 : memref<!tpu.dma_semaphore, #tpu.memory_space<semaphore_mem>>) src(%dma_wait3A_157 : memref<128x32xf32, #tpu.memory_space<vmem>>) dst(%dma_wait3A_154 : memref<128x32xf32, #tpu.memory_space<vmem_shared>>)
          } else {
          }
          %lt3A = arith.constant 16 : i32
          %lt3A_108 = arith.cmpi slt, %scan3A_102, %lt3A : i32
          %convert_element_type3A_109 = arith.extui %lt3A_108 : i1 to i32
          %cond3A_110 = arith.constant 0 : i32
          %cond3A_111 = arith.cmpi ne, %convert_element_type3A_109, %cond3A_110 : i32
          scf.if %cond3A_111 {
            %add3A_146 = arith.constant 4 : i32
            %add3A_147 = arith.addi %scan3A_102, %add3A_146 : i32
            %jit3A_148 = arith.constant 6 : i32
            %eq3A_149 = arith.constant 0 : i32
            %eq3A_150 = arith.cmpi eq, %jit3A_148, %eq3A_149 : i32
            %jit3A_151 = arith.constant 1 : i32
            %select_n3A_152 = arith.select %eq3A_150, %jit3A_151, %jit3A_148 : i32
            %rem3A_153 = arith.remsi %add3A_147, %select_n3A_152 : i32
            %ne3A_154 = arith.constant 0 : i32
            %ne3A_155 = arith.cmpi ne, %rem3A_153, %ne3A_154 : i32
            %lt3A_156 = arith.constant 0 : i32
            %lt3A_157 = arith.cmpi slt, %rem3A_153, %lt3A_156 : i32
            %lt3A_158 = arith.constant 0 : i32
            %lt3A_159 = arith.cmpi slt, %select_n3A_152, %lt3A_158 : i32
            %ne3A_160 = arith.xori %lt3A_157, %lt3A_159 : i1
            %and3A_161 = arith.andi %ne3A_160, %ne3A_155 : i1
            %add3A_162 = arith.addi %rem3A_153, %select_n3A_152 : i32
            %select_n3A_163 = arith.select %and3A_161, %add3A_162, %rem3A_153 : i32
            %mul3A_164 = arith.constant 128 : i32
            %mul3A_165 = arith.muli %select_n3A_163, %mul3A_164 : i32
            %add3A_166 = arith.constant 4 : i32
            %add3A_167 = arith.addi %scan3A_102, %add3A_166 : i32
            %dma_start3A_168 = arith.constant 0 : i32
            %dma_start3A_169 = tpu.memref_slice %arg15[%mul3A_165, %dma_start3A_168] : memref<768x32xf32, #tpu.memory_space<vmem>> -> memref<128x32xf32, #tpu.memory_space<vmem>>
            %dma_start3A_170 = arith.constant 0 : i32
            %dma_start3A_171 = tpu.memref_slice %arg14[%add3A_167, %dma_start3A_170] : memref<20x128xi32, #tpu.memory_space<vmem>> -> memref<1x128xi32, #tpu.memory_space<vmem>>
            %dma_start3A_172 = tpu.memref_squeeze %dma_start3A_171 : memref<1x128xi32, #tpu.memory_space<vmem>> -> memref<128xi32, #tpu.memory_space<vmem>>
            %dma_start3A_173 = arith.constant 0 : i32
            %dma_start3A_174 = arith.constant 0 : i32
            %dma_start3A_175 = tpu.memref_slice %arg3[%dma_start3A_173, %dma_start3A_174] : memref<50176x32xf32, #tpu.memory_space<hbm>> -> memref<50176x32xf32, #tpu.memory_space<hbm>>
            tpu.enqueue_indirect_dma source(%dma_start3A_175 : memref<50176x32xf32, #tpu.memory_space<hbm>>) target(%dma_start3A_169 : memref<128x32xf32, #tpu.memory_space<vmem>>) offsets(%dma_start3A_172 : memref<128xi32, #tpu.memory_space<vmem>>) semaphore(%arg17 : memref<!tpu.dma_semaphore, #tpu.memory_space<semaphore_mem>>)
          } else {
          }
          %dma_wait3A_112 = arith.constant 0 : i32
          %dma_wait3A_113 = arith.constant 0 : i32
          %dma_wait3A_114 = tpu.memref_slice %arg15[%dma_wait3A_112, %dma_wait3A_113] : memref<768x32xf32, #tpu.memory_space<vmem>> -> memref<128x32xf32, #tpu.memory_space<vmem>>
          %dma_wait3A_115 = arith.constant 0 : i32
          %dma_wait3A_116 = arith.constant 0 : i32
          %dma_wait3A_117 = tpu.memref_slice %arg8[%dma_wait3A_115, %dma_wait3A_116] : memref<3136x32xf32, #tpu.memory_space<hbm>> -> memref<128x32xf32, #tpu.memory_space<hbm>>
          %dma_wait3A_118 = arith.constant 0 : i32
          %dma_wait3A_119 = arith.constant 0 : i32
          %dma_wait3A_120 = tpu.memref_slice %arg15[%dma_wait3A_118, %dma_wait3A_119] : memref<768x32xf32, #tpu.memory_space<vmem>> -> memref<128x32xf32, #tpu.memory_space<vmem>>
          %dma_wait3A_121 = arith.constant 0 : i32
          %dma_wait3A_122 = arith.constant 0 : i32
          %dma_wait3A_123 = tpu.memref_slice %arg8[%dma_wait3A_121, %dma_wait3A_122] : memref<3136x32xf32, #tpu.memory_space<hbm>> -> memref<128x32xf32, #tpu.memory_space<hbm>>
          tpu.wait_dma2 semaphore(%arg17 : memref<!tpu.dma_semaphore, #tpu.memory_space<semaphore_mem>>) src(%dma_wait3A_123 : memref<128x32xf32, #tpu.memory_space<hbm>>) dst(%dma_wait3A_120 : memref<128x32xf32, #tpu.memory_space<vmem>>)
          %jit3A = arith.constant 6 : i32
          %eq3A_124 = arith.constant 0 : i32
          %eq3A_125 = arith.cmpi eq, %jit3A, %eq3A_124 : i32
          %jit3A_126 = arith.constant 1 : i32
          %select_n3A = arith.select %eq3A_125, %jit3A_126, %jit3A : i32
          %rem3A = arith.remsi %scan3A_102, %select_n3A : i32
          %ne3A = arith.constant 0 : i32
          %ne3A_127 = arith.cmpi ne, %rem3A, %ne3A : i32
          %lt3A_128 = arith.constant 0 : i32
          %lt3A_129 = arith.cmpi slt, %rem3A, %lt3A_128 : i32
          %lt3A_130 = arith.constant 0 : i32
          %lt3A_131 = arith.cmpi slt, %select_n3A, %lt3A_130 : i32
          %ne3A_132 = arith.xori %lt3A_129, %lt3A_131 : i1
          %and3A = arith.andi %ne3A_132, %ne3A_127 : i1
          %add3A_133 = arith.addi %rem3A, %select_n3A : i32
          %select_n3A_134 = arith.select %and3A, %add3A_133, %rem3A : i32
          %mul3A_135 = arith.constant 128 : i32
          %mul3A_136 = arith.muli %select_n3A_134, %mul3A_135 : i32
          %dma_start3A_137 = arith.constant 0 : i32
          %dma_start3A_138 = tpu.memref_slice %arg15[%mul3A_136, %dma_start3A_137] : memref<768x32xf32, #tpu.memory_space<vmem>> -> memref<128x32xf32, #tpu.memory_space<vmem>>
          %dma_start3A_139 = arith.constant 0 : i32
          %dma_start3A_140 = tpu.memref_slice %arg13[%scan3A_102, %dma_start3A_139] : memref<20x128xi32, #tpu.memory_space<vmem>> -> memref<1x128xi32, #tpu.memory_space<vmem>>
          %dma_start3A_141 = tpu.memref_squeeze %dma_start3A_140 : memref<1x128xi32, #tpu.memory_space<vmem>> -> memref<128xi32, #tpu.memory_space<vmem>>
          %dma_start3A_142 = arith.constant 0 : i32
          %dma_start3A_143 = arith.constant 0 : i32
          %dma_start3A_144 = tpu.memref_slice %arg16[%dma_start3A_142, %dma_start3A_143] : memref<50176x32xf32, #tpu.memory_space<vmem_shared>> -> memref<50176x32xf32, #tpu.memory_space<vmem_shared>>
          tpu.enqueue_indirect_dma source(%dma_start3A_138 : memref<128x32xf32, #tpu.memory_space<vmem>>) target(%dma_start3A_144 : memref<50176x32xf32, #tpu.memory_space<vmem_shared>>) offsets(%dma_start3A_141 : memref<128xi32, #tpu.memory_space<vmem>>) semaphore(%arg18 : memref<!tpu.dma_semaphore, #tpu.memory_space<semaphore_mem>>) {add = true}
          %scan3A_145 = arith.constant 0 : i32
          scf.yield %scan3A_145 : i32
        }
        %scan3A_77 = arith.constant 20 : i32
        %dma_wait3A = arith.constant 0 : i32
        %dma_wait3A_78 = arith.constant 0 : i32
        %dma_wait3A_79 = tpu.memref_slice %arg15[%dma_wait3A, %dma_wait3A_78] : memref<768x32xf32, #tpu.memory_space<vmem>> -> memref<128x32xf32, #tpu.memory_space<vmem>>
        %dma_wait3A_80 = arith.constant 0 : i32
        %dma_wait3A_81 = arith.constant 0 : i32
        %dma_wait3A_82 = tpu.memref_slice %arg16[%dma_wait3A_80, %dma_wait3A_81] : memref<50176x32xf32, #tpu.memory_space<vmem_shared>> -> memref<128x32xf32, #tpu.memory_space<vmem_shared>>
        %dma_wait3A_83 = arith.constant 0 : i32
        %dma_wait3A_84 = arith.constant 0 : i32
        %dma_wait3A_85 = tpu.memref_slice %arg16[%dma_wait3A_83, %dma_wait3A_84] : memref<50176x32xf32, #tpu.memory_space<vmem_shared>> -> memref<128x32xf32, #tpu.memory_space<vmem_shared>>
        %dma_wait3A_86 = arith.constant 0 : i32
        %dma_wait3A_87 = arith.constant 0 : i32
        %dma_wait3A_88 = tpu.memref_slice %arg15[%dma_wait3A_86, %dma_wait3A_87] : memref<768x32xf32, #tpu.memory_space<vmem>> -> memref<128x32xf32, #tpu.memory_space<vmem>>
        tpu.wait_dma2 semaphore(%arg18 : memref<!tpu.dma_semaphore, #tpu.memory_space<semaphore_mem>>) src(%dma_wait3A_88 : memref<128x32xf32, #tpu.memory_space<vmem>>) dst(%dma_wait3A_85 : memref<128x32xf32, #tpu.memory_space<vmem_shared>>)
        %dma_wait3A_89 = arith.constant 0 : i32
        %dma_wait3A_90 = arith.constant 0 : i32
        %dma_wait3A_91 = tpu.memref_slice %arg15[%dma_wait3A_89, %dma_wait3A_90] : memref<768x32xf32, #tpu.memory_space<vmem>> -> memref<128x32xf32, #tpu.memory_space<vmem>>
        %dma_wait3A_92 = arith.constant 0 : i32
        %dma_wait3A_93 = arith.constant 0 : i32
        %dma_wait3A_94 = tpu.memref_slice %arg16[%dma_wait3A_92, %dma_wait3A_93] : memref<50176x32xf32, #tpu.memory_space<vmem_shared>> -> memref<128x32xf32, #tpu.memory_space<vmem_shared>>
        %dma_wait3A_95 = arith.constant 0 : i32
        %dma_wait3A_96 = arith.constant 0 : i32
        %dma_wait3A_97 = tpu.memref_slice %arg16[%dma_wait3A_95, %dma_wait3A_96] : memref<50176x32xf32, #tpu.memory_space<vmem_shared>> -> memref<128x32xf32, #tpu.memory_space<vmem_shared>>
        %dma_wait3A_98 = arith.constant 0 : i32
        %dma_wait3A_99 = arith.constant 0 : i32
        %dma_wait3A_100 = tpu.memref_slice %arg15[%dma_wait3A_98, %dma_wait3A_99] : memref<768x32xf32, #tpu.memory_space<vmem>> -> memref<128x32xf32, #tpu.memory_space<vmem>>
        tpu.wait_dma2 semaphore(%arg18 : memref<!tpu.dma_semaphore, #tpu.memory_space<semaphore_mem>>) src(%dma_wait3A_100 : memref<128x32xf32, #tpu.memory_space<vmem>>) dst(%dma_wait3A_97 : memref<128x32xf32, #tpu.memory_space<vmem_shared>>)
        %scan3A_101 = arith.constant 0 : i32
        scf.yield %scan3A_101 : i32
      }
      %scan3A_23 = arith.constant 20 : i32
      %barrier3A_24 = arith.constant 0 : index
      tpu.barrier barrier_id(%barrier3A_24)
      "tpu.region"() ({
        %run_scoped3A = tpu.sem_alloc : memref<!tpu.dma_semaphore, #tpu.memory_space<semaphore_mem>>
        %dma_start3A = arith.constant 0 : i32
        %dma_start3A_26 = tpu.memref_slice %arg10[%mul3A_0, %dma_start3A] : memref<50176x32xf32, #tpu.memory_space<hbm>> -> memref<3136x32xf32, #tpu.memory_space<hbm>>
        %dma_start3A_27 = arith.constant 0 : i32
        %dma_start3A_28 = tpu.memref_slice %arg16[%mul3A_0, %dma_start3A_27] : memref<50176x32xf32, #tpu.memory_space<vmem_shared>> -> memref<3136x32xf32, #tpu.memory_space<vmem_shared>>
        tpu.enqueue_dma source(%dma_start3A_28 : memref<3136x32xf32, #tpu.memory_space<vmem_shared>>) target(%dma_start3A_26 : memref<3136x32xf32, #tpu.memory_space<hbm>>) target_semaphore(%run_scoped3A : memref<!tpu.dma_semaphore, #tpu.memory_space<semaphore_mem>>)
        %dma_wait3A = arith.constant 0 : i32
        %dma_wait3A_29 = tpu.memref_slice %arg10[%mul3A_0, %dma_wait3A] : memref<50176x32xf32, #tpu.memory_space<hbm>> -> memref<3136x32xf32, #tpu.memory_space<hbm>>
        %dma_wait3A_30 = arith.constant 0 : i32
        %dma_wait3A_31 = tpu.memref_slice %arg16[%mul3A_0, %dma_wait3A_30] : memref<50176x32xf32, #tpu.memory_space<vmem_shared>> -> memref<3136x32xf32, #tpu.memory_space<vmem_shared>>
        tpu.wait_dma2 semaphore(%run_scoped3A : memref<!tpu.dma_semaphore, #tpu.memory_space<semaphore_mem>>) src(%dma_wait3A_31 : memref<3136x32xf32, #tpu.memory_space<vmem_shared>>) dst(%dma_wait3A_29 : memref<3136x32xf32, #tpu.memory_space<hbm>>)
        tpu.yield
      }) : () -> ()
      %barrier3A_25 = arith.constant 0 : index
      tpu.barrier barrier_id(%barrier3A_25)
    } else {
    }
    %eq3A_8 = arith.constant 0 : i32
    %eq3A_9 = arith.cmpi eq, %arg0, %eq3A_8 : i32
    %convert_element_type3A_10 = arith.extui %eq3A_9 : i1 to i32
    %cond3A_11 = arith.constant 0 : i32
    %cond3A_12 = arith.cmpi ne, %convert_element_type3A_10, %cond3A_11 : i32
    scf.if %cond3A_12 {
      "tpu.region"() ({
        %run_scoped3A = tpu.sem_alloc : memref<!tpu.dma_semaphore, #tpu.memory_space<semaphore_mem>>
        %dma_start3A = arith.constant 0 : i32
        %dma_start3A_26 = tpu.memref_slice %arg16[%mul3A_0, %dma_start3A] : memref<50176x32xf32, #tpu.memory_space<vmem_shared>> -> memref<3136x32xf32, #tpu.memory_space<vmem_shared>>
        tpu.enqueue_dma source(%arg8 : memref<3136x32xf32, #tpu.memory_space<hbm>>) target(%dma_start3A_26 : memref<3136x32xf32, #tpu.memory_space<vmem_shared>>) target_semaphore(%run_scoped3A : memref<!tpu.dma_semaphore, #tpu.memory_space<semaphore_mem>>)
        %dma_wait3A = arith.constant 0 : i32
        %dma_wait3A_27 = tpu.memref_slice %arg16[%mul3A_0, %dma_wait3A] : memref<50176x32xf32, #tpu.memory_space<vmem_shared>> -> memref<3136x32xf32, #tpu.memory_space<vmem_shared>>
        tpu.wait_dma2 semaphore(%run_scoped3A : memref<!tpu.dma_semaphore, #tpu.memory_space<semaphore_mem>>) src(%arg8 : memref<3136x32xf32, #tpu.memory_space<hbm>>) dst(%dma_wait3A_27 : memref<3136x32xf32, #tpu.memory_space<vmem_shared>>)
        tpu.yield
      }) : () -> ()
      %barrier3A = arith.constant 0 : index
      tpu.barrier barrier_id(%barrier3A)
      %scan3A = arith.constant 0 : i32
      %scan3A_18 = arith.constant 0 : i32
      %scan3A_19 = arith.constant 20 : i32
      %scan3A_20 = arith.addi %scan3A_18, %scan3A_19 : i32
      %scan3A_21 = arith.constant 1 : i32
      %scan3A_22 = scf.for %scan3A_26 = %scan3A_18 to %scan3A_20 step %scan3A_21 iter_args(%scan3A_27 = %scan3A) -> (i32)  : i32 {
        %mul3A_28 = arith.constant 400 : i32
        %mul3A_29 = arith.muli %arg1, %mul3A_28 : i32
        %mul3A_30 = arith.constant 20 : i32
        %mul3A_31 = arith.muli %scan3A_26, %mul3A_30 : i32
        %add3A = arith.addi %mul3A_29, %mul3A_31 : i32
        "tpu.region"() ({
          %run_scoped3A = tpu.sem_alloc : memref<!tpu.dma_semaphore, #tpu.memory_space<semaphore_mem>>
          %dma_start3A_102 = arith.constant 0 : i32
          %dma_start3A_103 = tpu.memref_slice %arg6[%add3A, %dma_start3A_102] : memref<6400x128xi32, #tpu.memory_space<hbm>> -> memref<20x128xi32, #tpu.memory_space<hbm>>
          %dma_start3A_104 = arith.constant 0 : i32
          %dma_start3A_105 = tpu.memref_slice %arg6[%add3A, %dma_start3A_104] : memref<6400x128xi32, #tpu.memory_space<hbm>> -> memref<20x128xi32, #tpu.memory_space<hbm>>
          tpu.enqueue_dma source(%dma_start3A_105 : memref<20x128xi32, #tpu.memory_space<hbm>>) target(%arg13 : memref<20x128xi32, #tpu.memory_space<vmem>>) target_semaphore(%run_scoped3A : memref<!tpu.dma_semaphore, #tpu.memory_space<semaphore_mem>>)
          %dma_wait3A_106 = arith.constant 0 : i32
          %dma_wait3A_107 = tpu.memref_slice %arg6[%add3A, %dma_wait3A_106] : memref<6400x128xi32, #tpu.memory_space<hbm>> -> memref<20x128xi32, #tpu.memory_space<hbm>>
          %dma_wait3A_108 = arith.constant 0 : i32
          %dma_wait3A_109 = tpu.memref_slice %arg6[%add3A, %dma_wait3A_108] : memref<6400x128xi32, #tpu.memory_space<hbm>> -> memref<20x128xi32, #tpu.memory_space<hbm>>
          tpu.wait_dma2 semaphore(%run_scoped3A : memref<!tpu.dma_semaphore, #tpu.memory_space<semaphore_mem>>) src(%dma_wait3A_109 : memref<20x128xi32, #tpu.memory_space<hbm>>) dst(%arg13 : memref<20x128xi32, #tpu.memory_space<vmem>>)
          tpu.yield
        }) : () -> ()
        "tpu.region"() ({
          %run_scoped3A = tpu.sem_alloc : memref<!tpu.dma_semaphore, #tpu.memory_space<semaphore_mem>>
          %dma_start3A_102 = arith.constant 0 : i32
          %dma_start3A_103 = tpu.memref_slice %arg7[%add3A, %dma_start3A_102] : memref<6400x128xi32, #tpu.memory_space<hbm>> -> memref<20x128xi32, #tpu.memory_space<hbm>>
          %dma_start3A_104 = arith.constant 0 : i32
          %dma_start3A_105 = tpu.memref_slice %arg7[%add3A, %dma_start3A_104] : memref<6400x128xi32, #tpu.memory_space<hbm>> -> memref<20x128xi32, #tpu.memory_space<hbm>>
          tpu.enqueue_dma source(%dma_start3A_105 : memref<20x128xi32, #tpu.memory_space<hbm>>) target(%arg14 : memref<20x128xi32, #tpu.memory_space<vmem>>) target_semaphore(%run_scoped3A : memref<!tpu.dma_semaphore, #tpu.memory_space<semaphore_mem>>)
          %dma_wait3A_106 = arith.constant 0 : i32
          %dma_wait3A_107 = tpu.memref_slice %arg7[%add3A, %dma_wait3A_106] : memref<6400x128xi32, #tpu.memory_space<hbm>> -> memref<20x128xi32, #tpu.memory_space<hbm>>
          %dma_wait3A_108 = arith.constant 0 : i32
          %dma_wait3A_109 = tpu.memref_slice %arg7[%add3A, %dma_wait3A_108] : memref<6400x128xi32, #tpu.memory_space<hbm>> -> memref<20x128xi32, #tpu.memory_space<hbm>>
          tpu.wait_dma2 semaphore(%run_scoped3A : memref<!tpu.dma_semaphore, #tpu.memory_space<semaphore_mem>>) src(%dma_wait3A_109 : memref<20x128xi32, #tpu.memory_space<hbm>>) dst(%arg14 : memref<20x128xi32, #tpu.memory_space<vmem>>)
          tpu.yield
        }) : () -> ()
        %dma_start3A = arith.constant 0 : i32
        %dma_start3A_32 = arith.constant 0 : i32
        %dma_start3A_33 = arith.constant 0 : i32
        %dma_start3A_34 = tpu.memref_slice %arg15[%dma_start3A_32, %dma_start3A_33] : memref<768x32xf32, #tpu.memory_space<vmem>> -> memref<128x32xf32, #tpu.memory_space<vmem>>
        %dma_start3A_35 = arith.constant 0 : i32
        %dma_start3A_36 = tpu.memref_slice %arg14[%dma_start3A, %dma_start3A_35] : memref<20x128xi32, #tpu.memory_space<vmem>> -> memref<1x128xi32, #tpu.memory_space<vmem>>
        %dma_start3A_37 = tpu.memref_squeeze %dma_start3A_36 : memref<1x128xi32, #tpu.memory_space<vmem>> -> memref<128xi32, #tpu.memory_space<vmem>>
        %dma_start3A_38 = arith.constant 0 : i32
        %dma_start3A_39 = arith.constant 0 : i32
        %dma_start3A_40 = tpu.memref_slice %arg4[%dma_start3A_38, %dma_start3A_39] : memref<50176x32xf32, #tpu.memory_space<hbm>> -> memref<50176x32xf32, #tpu.memory_space<hbm>>
        tpu.enqueue_indirect_dma source(%dma_start3A_40 : memref<50176x32xf32, #tpu.memory_space<hbm>>) target(%dma_start3A_34 : memref<128x32xf32, #tpu.memory_space<vmem>>) offsets(%dma_start3A_37 : memref<128xi32, #tpu.memory_space<vmem>>) semaphore(%arg17 : memref<!tpu.dma_semaphore, #tpu.memory_space<semaphore_mem>>)
        %dma_start3A_41 = arith.constant 1 : i32
        %dma_start3A_42 = arith.constant 128 : i32
        %dma_start3A_43 = arith.constant 0 : i32
        %dma_start3A_44 = tpu.memref_slice %arg15[%dma_start3A_42, %dma_start3A_43] : memref<768x32xf32, #tpu.memory_space<vmem>> -> memref<128x32xf32, #tpu.memory_space<vmem>>
        %dma_start3A_45 = arith.constant 0 : i32
        %dma_start3A_46 = tpu.memref_slice %arg14[%dma_start3A_41, %dma_start3A_45] : memref<20x128xi32, #tpu.memory_space<vmem>> -> memref<1x128xi32, #tpu.memory_space<vmem>>
        %dma_start3A_47 = tpu.memref_squeeze %dma_start3A_46 : memref<1x128xi32, #tpu.memory_space<vmem>> -> memref<128xi32, #tpu.memory_space<vmem>>
        %dma_start3A_48 = arith.constant 0 : i32
        %dma_start3A_49 = arith.constant 0 : i32
        %dma_start3A_50 = tpu.memref_slice %arg4[%dma_start3A_48, %dma_start3A_49] : memref<50176x32xf32, #tpu.memory_space<hbm>> -> memref<50176x32xf32, #tpu.memory_space<hbm>>
        tpu.enqueue_indirect_dma source(%dma_start3A_50 : memref<50176x32xf32, #tpu.memory_space<hbm>>) target(%dma_start3A_44 : memref<128x32xf32, #tpu.memory_space<vmem>>) offsets(%dma_start3A_47 : memref<128xi32, #tpu.memory_space<vmem>>) semaphore(%arg17 : memref<!tpu.dma_semaphore, #tpu.memory_space<semaphore_mem>>)
        %dma_start3A_51 = arith.constant 2 : i32
        %dma_start3A_52 = arith.constant 256 : i32
        %dma_start3A_53 = arith.constant 0 : i32
        %dma_start3A_54 = tpu.memref_slice %arg15[%dma_start3A_52, %dma_start3A_53] : memref<768x32xf32, #tpu.memory_space<vmem>> -> memref<128x32xf32, #tpu.memory_space<vmem>>
        %dma_start3A_55 = arith.constant 0 : i32
        %dma_start3A_56 = tpu.memref_slice %arg14[%dma_start3A_51, %dma_start3A_55] : memref<20x128xi32, #tpu.memory_space<vmem>> -> memref<1x128xi32, #tpu.memory_space<vmem>>
        %dma_start3A_57 = tpu.memref_squeeze %dma_start3A_56 : memref<1x128xi32, #tpu.memory_space<vmem>> -> memref<128xi32, #tpu.memory_space<vmem>>
        %dma_start3A_58 = arith.constant 0 : i32
        %dma_start3A_59 = arith.constant 0 : i32
        %dma_start3A_60 = tpu.memref_slice %arg4[%dma_start3A_58, %dma_start3A_59] : memref<50176x32xf32, #tpu.memory_space<hbm>> -> memref<50176x32xf32, #tpu.memory_space<hbm>>
        tpu.enqueue_indirect_dma source(%dma_start3A_60 : memref<50176x32xf32, #tpu.memory_space<hbm>>) target(%dma_start3A_54 : memref<128x32xf32, #tpu.memory_space<vmem>>) offsets(%dma_start3A_57 : memref<128xi32, #tpu.memory_space<vmem>>) semaphore(%arg17 : memref<!tpu.dma_semaphore, #tpu.memory_space<semaphore_mem>>)
        %dma_start3A_61 = arith.constant 3 : i32
        %dma_start3A_62 = arith.constant 384 : i32
        %dma_start3A_63 = arith.constant 0 : i32
        %dma_start3A_64 = tpu.memref_slice %arg15[%dma_start3A_62, %dma_start3A_63] : memref<768x32xf32, #tpu.memory_space<vmem>> -> memref<128x32xf32, #tpu.memory_space<vmem>>
        %dma_start3A_65 = arith.constant 0 : i32
        %dma_start3A_66 = tpu.memref_slice %arg14[%dma_start3A_61, %dma_start3A_65] : memref<20x128xi32, #tpu.memory_space<vmem>> -> memref<1x128xi32, #tpu.memory_space<vmem>>
        %dma_start3A_67 = tpu.memref_squeeze %dma_start3A_66 : memref<1x128xi32, #tpu.memory_space<vmem>> -> memref<128xi32, #tpu.memory_space<vmem>>
        %dma_start3A_68 = arith.constant 0 : i32
        %dma_start3A_69 = arith.constant 0 : i32
        %dma_start3A_70 = tpu.memref_slice %arg4[%dma_start3A_68, %dma_start3A_69] : memref<50176x32xf32, #tpu.memory_space<hbm>> -> memref<50176x32xf32, #tpu.memory_space<hbm>>
        tpu.enqueue_indirect_dma source(%dma_start3A_70 : memref<50176x32xf32, #tpu.memory_space<hbm>>) target(%dma_start3A_64 : memref<128x32xf32, #tpu.memory_space<vmem>>) offsets(%dma_start3A_67 : memref<128xi32, #tpu.memory_space<vmem>>) semaphore(%arg17 : memref<!tpu.dma_semaphore, #tpu.memory_space<semaphore_mem>>)
        %scan3A_71 = arith.constant 0 : i32
        %scan3A_72 = arith.constant 0 : i32
        %scan3A_73 = arith.constant 20 : i32
        %scan3A_74 = arith.addi %scan3A_72, %scan3A_73 : i32
        %scan3A_75 = arith.constant 1 : i32
        %scan3A_76 = scf.for %scan3A_102 = %scan3A_72 to %scan3A_74 step %scan3A_75 iter_args(%scan3A_103 = %scan3A_71) -> (i32)  : i32 {
          %ge3A = arith.constant 2 : i32
          %ge3A_104 = arith.cmpi sge, %scan3A_102, %ge3A : i32
          %convert_element_type3A_105 = arith.extui %ge3A_104 : i1 to i32
          %cond3A_106 = arith.constant 0 : i32
          %cond3A_107 = arith.cmpi ne, %convert_element_type3A_105, %cond3A_106 : i32
          scf.if %cond3A_107 {
            %dma_wait3A_146 = arith.constant 0 : i32
            %dma_wait3A_147 = arith.constant 0 : i32
            %dma_wait3A_148 = tpu.memref_slice %arg15[%dma_wait3A_146, %dma_wait3A_147] : memref<768x32xf32, #tpu.memory_space<vmem>> -> memref<128x32xf32, #tpu.memory_space<vmem>>
            %dma_wait3A_149 = arith.constant 0 : i32
            %dma_wait3A_150 = arith.constant 0 : i32
            %dma_wait3A_151 = tpu.memref_slice %arg16[%dma_wait3A_149, %dma_wait3A_150] : memref<50176x32xf32, #tpu.memory_space<vmem_shared>> -> memref<128x32xf32, #tpu.memory_space<vmem_shared>>
            %dma_wait3A_152 = arith.constant 0 : i32
            %dma_wait3A_153 = arith.constant 0 : i32
            %dma_wait3A_154 = tpu.memref_slice %arg16[%dma_wait3A_152, %dma_wait3A_153] : memref<50176x32xf32, #tpu.memory_space<vmem_shared>> -> memref<128x32xf32, #tpu.memory_space<vmem_shared>>
            %dma_wait3A_155 = arith.constant 0 : i32
            %dma_wait3A_156 = arith.constant 0 : i32
            %dma_wait3A_157 = tpu.memref_slice %arg15[%dma_wait3A_155, %dma_wait3A_156] : memref<768x32xf32, #tpu.memory_space<vmem>> -> memref<128x32xf32, #tpu.memory_space<vmem>>
            tpu.wait_dma2 semaphore(%arg18 : memref<!tpu.dma_semaphore, #tpu.memory_space<semaphore_mem>>) src(%dma_wait3A_157 : memref<128x32xf32, #tpu.memory_space<vmem>>) dst(%dma_wait3A_154 : memref<128x32xf32, #tpu.memory_space<vmem_shared>>)
          } else {
          }
          %lt3A = arith.constant 16 : i32
          %lt3A_108 = arith.cmpi slt, %scan3A_102, %lt3A : i32
          %convert_element_type3A_109 = arith.extui %lt3A_108 : i1 to i32
          %cond3A_110 = arith.constant 0 : i32
          %cond3A_111 = arith.cmpi ne, %convert_element_type3A_109, %cond3A_110 : i32
          scf.if %cond3A_111 {
            %add3A_146 = arith.constant 4 : i32
            %add3A_147 = arith.addi %scan3A_102, %add3A_146 : i32
            %jit3A_148 = arith.constant 6 : i32
            %eq3A_149 = arith.constant 0 : i32
            %eq3A_150 = arith.cmpi eq, %jit3A_148, %eq3A_149 : i32
            %jit3A_151 = arith.constant 1 : i32
            %select_n3A_152 = arith.select %eq3A_150, %jit3A_151, %jit3A_148 : i32
            %rem3A_153 = arith.remsi %add3A_147, %select_n3A_152 : i32
            %ne3A_154 = arith.constant 0 : i32
            %ne3A_155 = arith.cmpi ne, %rem3A_153, %ne3A_154 : i32
            %lt3A_156 = arith.constant 0 : i32
            %lt3A_157 = arith.cmpi slt, %rem3A_153, %lt3A_156 : i32
            %lt3A_158 = arith.constant 0 : i32
            %lt3A_159 = arith.cmpi slt, %select_n3A_152, %lt3A_158 : i32
            %ne3A_160 = arith.xori %lt3A_157, %lt3A_159 : i1
            %and3A_161 = arith.andi %ne3A_160, %ne3A_155 : i1
            %add3A_162 = arith.addi %rem3A_153, %select_n3A_152 : i32
            %select_n3A_163 = arith.select %and3A_161, %add3A_162, %rem3A_153 : i32
            %mul3A_164 = arith.constant 128 : i32
            %mul3A_165 = arith.muli %select_n3A_163, %mul3A_164 : i32
            %add3A_166 = arith.constant 4 : i32
            %add3A_167 = arith.addi %scan3A_102, %add3A_166 : i32
            %dma_start3A_168 = arith.constant 0 : i32
            %dma_start3A_169 = tpu.memref_slice %arg15[%mul3A_165, %dma_start3A_168] : memref<768x32xf32, #tpu.memory_space<vmem>> -> memref<128x32xf32, #tpu.memory_space<vmem>>
            %dma_start3A_170 = arith.constant 0 : i32
            %dma_start3A_171 = tpu.memref_slice %arg14[%add3A_167, %dma_start3A_170] : memref<20x128xi32, #tpu.memory_space<vmem>> -> memref<1x128xi32, #tpu.memory_space<vmem>>
            %dma_start3A_172 = tpu.memref_squeeze %dma_start3A_171 : memref<1x128xi32, #tpu.memory_space<vmem>> -> memref<128xi32, #tpu.memory_space<vmem>>
            %dma_start3A_173 = arith.constant 0 : i32
            %dma_start3A_174 = arith.constant 0 : i32
            %dma_start3A_175 = tpu.memref_slice %arg4[%dma_start3A_173, %dma_start3A_174] : memref<50176x32xf32, #tpu.memory_space<hbm>> -> memref<50176x32xf32, #tpu.memory_space<hbm>>
            tpu.enqueue_indirect_dma source(%dma_start3A_175 : memref<50176x32xf32, #tpu.memory_space<hbm>>) target(%dma_start3A_169 : memref<128x32xf32, #tpu.memory_space<vmem>>) offsets(%dma_start3A_172 : memref<128xi32, #tpu.memory_space<vmem>>) semaphore(%arg17 : memref<!tpu.dma_semaphore, #tpu.memory_space<semaphore_mem>>)
          } else {
          }
          %dma_wait3A_112 = arith.constant 0 : i32
          %dma_wait3A_113 = arith.constant 0 : i32
          %dma_wait3A_114 = tpu.memref_slice %arg15[%dma_wait3A_112, %dma_wait3A_113] : memref<768x32xf32, #tpu.memory_space<vmem>> -> memref<128x32xf32, #tpu.memory_space<vmem>>
          %dma_wait3A_115 = arith.constant 0 : i32
          %dma_wait3A_116 = arith.constant 0 : i32
          %dma_wait3A_117 = tpu.memref_slice %arg8[%dma_wait3A_115, %dma_wait3A_116] : memref<3136x32xf32, #tpu.memory_space<hbm>> -> memref<128x32xf32, #tpu.memory_space<hbm>>
          %dma_wait3A_118 = arith.constant 0 : i32
          %dma_wait3A_119 = arith.constant 0 : i32
          %dma_wait3A_120 = tpu.memref_slice %arg15[%dma_wait3A_118, %dma_wait3A_119] : memref<768x32xf32, #tpu.memory_space<vmem>> -> memref<128x32xf32, #tpu.memory_space<vmem>>
          %dma_wait3A_121 = arith.constant 0 : i32
          %dma_wait3A_122 = arith.constant 0 : i32
          %dma_wait3A_123 = tpu.memref_slice %arg8[%dma_wait3A_121, %dma_wait3A_122] : memref<3136x32xf32, #tpu.memory_space<hbm>> -> memref<128x32xf32, #tpu.memory_space<hbm>>
          tpu.wait_dma2 semaphore(%arg17 : memref<!tpu.dma_semaphore, #tpu.memory_space<semaphore_mem>>) src(%dma_wait3A_123 : memref<128x32xf32, #tpu.memory_space<hbm>>) dst(%dma_wait3A_120 : memref<128x32xf32, #tpu.memory_space<vmem>>)
          %jit3A = arith.constant 6 : i32
          %eq3A_124 = arith.constant 0 : i32
          %eq3A_125 = arith.cmpi eq, %jit3A, %eq3A_124 : i32
          %jit3A_126 = arith.constant 1 : i32
          %select_n3A = arith.select %eq3A_125, %jit3A_126, %jit3A : i32
          %rem3A = arith.remsi %scan3A_102, %select_n3A : i32
          %ne3A = arith.constant 0 : i32
          %ne3A_127 = arith.cmpi ne, %rem3A, %ne3A : i32
          %lt3A_128 = arith.constant 0 : i32
          %lt3A_129 = arith.cmpi slt, %rem3A, %lt3A_128 : i32
          %lt3A_130 = arith.constant 0 : i32
          %lt3A_131 = arith.cmpi slt, %select_n3A, %lt3A_130 : i32
          %ne3A_132 = arith.xori %lt3A_129, %lt3A_131 : i1
          %and3A = arith.andi %ne3A_132, %ne3A_127 : i1
          %add3A_133 = arith.addi %rem3A, %select_n3A : i32
          %select_n3A_134 = arith.select %and3A, %add3A_133, %rem3A : i32
          %mul3A_135 = arith.constant 128 : i32
          %mul3A_136 = arith.muli %select_n3A_134, %mul3A_135 : i32
          %dma_start3A_137 = arith.constant 0 : i32
          %dma_start3A_138 = tpu.memref_slice %arg15[%mul3A_136, %dma_start3A_137] : memref<768x32xf32, #tpu.memory_space<vmem>> -> memref<128x32xf32, #tpu.memory_space<vmem>>
          %dma_start3A_139 = arith.constant 0 : i32
          %dma_start3A_140 = tpu.memref_slice %arg13[%scan3A_102, %dma_start3A_139] : memref<20x128xi32, #tpu.memory_space<vmem>> -> memref<1x128xi32, #tpu.memory_space<vmem>>
          %dma_start3A_141 = tpu.memref_squeeze %dma_start3A_140 : memref<1x128xi32, #tpu.memory_space<vmem>> -> memref<128xi32, #tpu.memory_space<vmem>>
          %dma_start3A_142 = arith.constant 0 : i32
          %dma_start3A_143 = arith.constant 0 : i32
          %dma_start3A_144 = tpu.memref_slice %arg16[%dma_start3A_142, %dma_start3A_143] : memref<50176x32xf32, #tpu.memory_space<vmem_shared>> -> memref<50176x32xf32, #tpu.memory_space<vmem_shared>>
          tpu.enqueue_indirect_dma source(%dma_start3A_138 : memref<128x32xf32, #tpu.memory_space<vmem>>) target(%dma_start3A_144 : memref<50176x32xf32, #tpu.memory_space<vmem_shared>>) offsets(%dma_start3A_141 : memref<128xi32, #tpu.memory_space<vmem>>) semaphore(%arg18 : memref<!tpu.dma_semaphore, #tpu.memory_space<semaphore_mem>>) {add = true}
          %scan3A_145 = arith.constant 0 : i32
          scf.yield %scan3A_145 : i32
        }
        %scan3A_77 = arith.constant 20 : i32
        %dma_wait3A = arith.constant 0 : i32
        %dma_wait3A_78 = arith.constant 0 : i32
        %dma_wait3A_79 = tpu.memref_slice %arg15[%dma_wait3A, %dma_wait3A_78] : memref<768x32xf32, #tpu.memory_space<vmem>> -> memref<128x32xf32, #tpu.memory_space<vmem>>
        %dma_wait3A_80 = arith.constant 0 : i32
        %dma_wait3A_81 = arith.constant 0 : i32
        %dma_wait3A_82 = tpu.memref_slice %arg16[%dma_wait3A_80, %dma_wait3A_81] : memref<50176x32xf32, #tpu.memory_space<vmem_shared>> -> memref<128x32xf32, #tpu.memory_space<vmem_shared>>
        %dma_wait3A_83 = arith.constant 0 : i32
        %dma_wait3A_84 = arith.constant 0 : i32
        %dma_wait3A_85 = tpu.memref_slice %arg16[%dma_wait3A_83, %dma_wait3A_84] : memref<50176x32xf32, #tpu.memory_space<vmem_shared>> -> memref<128x32xf32, #tpu.memory_space<vmem_shared>>
        %dma_wait3A_86 = arith.constant 0 : i32
        %dma_wait3A_87 = arith.constant 0 : i32
        %dma_wait3A_88 = tpu.memref_slice %arg15[%dma_wait3A_86, %dma_wait3A_87] : memref<768x32xf32, #tpu.memory_space<vmem>> -> memref<128x32xf32, #tpu.memory_space<vmem>>
        tpu.wait_dma2 semaphore(%arg18 : memref<!tpu.dma_semaphore, #tpu.memory_space<semaphore_mem>>) src(%dma_wait3A_88 : memref<128x32xf32, #tpu.memory_space<vmem>>) dst(%dma_wait3A_85 : memref<128x32xf32, #tpu.memory_space<vmem_shared>>)
        %dma_wait3A_89 = arith.constant 0 : i32
        %dma_wait3A_90 = arith.constant 0 : i32
        %dma_wait3A_91 = tpu.memref_slice %arg15[%dma_wait3A_89, %dma_wait3A_90] : memref<768x32xf32, #tpu.memory_space<vmem>> -> memref<128x32xf32, #tpu.memory_space<vmem>>
        %dma_wait3A_92 = arith.constant 0 : i32
        %dma_wait3A_93 = arith.constant 0 : i32
        %dma_wait3A_94 = tpu.memref_slice %arg16[%dma_wait3A_92, %dma_wait3A_93] : memref<50176x32xf32, #tpu.memory_space<vmem_shared>> -> memref<128x32xf32, #tpu.memory_space<vmem_shared>>
        %dma_wait3A_95 = arith.constant 0 : i32
        %dma_wait3A_96 = arith.constant 0 : i32
        %dma_wait3A_97 = tpu.memref_slice %arg16[%dma_wait3A_95, %dma_wait3A_96] : memref<50176x32xf32, #tpu.memory_space<vmem_shared>> -> memref<128x32xf32, #tpu.memory_space<vmem_shared>>
        %dma_wait3A_98 = arith.constant 0 : i32
        %dma_wait3A_99 = arith.constant 0 : i32
        %dma_wait3A_100 = tpu.memref_slice %arg15[%dma_wait3A_98, %dma_wait3A_99] : memref<768x32xf32, #tpu.memory_space<vmem>> -> memref<128x32xf32, #tpu.memory_space<vmem>>
        tpu.wait_dma2 semaphore(%arg18 : memref<!tpu.dma_semaphore, #tpu.memory_space<semaphore_mem>>) src(%dma_wait3A_100 : memref<128x32xf32, #tpu.memory_space<vmem>>) dst(%dma_wait3A_97 : memref<128x32xf32, #tpu.memory_space<vmem_shared>>)
        %scan3A_101 = arith.constant 0 : i32
        scf.yield %scan3A_101 : i32
      }
      %scan3A_23 = arith.constant 20 : i32
      %barrier3A_24 = arith.constant 0 : index
      tpu.barrier barrier_id(%barrier3A_24)
      "tpu.region"() ({
        %run_scoped3A = tpu.sem_alloc : memref<!tpu.dma_semaphore, #tpu.memory_space<semaphore_mem>>
        %dma_start3A = arith.constant 0 : i32
        %dma_start3A_26 = tpu.memref_slice %arg11[%mul3A_0, %dma_start3A] : memref<50176x32xf32, #tpu.memory_space<hbm>> -> memref<3136x32xf32, #tpu.memory_space<hbm>>
        %dma_start3A_27 = arith.constant 0 : i32
        %dma_start3A_28 = tpu.memref_slice %arg16[%mul3A_0, %dma_start3A_27] : memref<50176x32xf32, #tpu.memory_space<vmem_shared>> -> memref<3136x32xf32, #tpu.memory_space<vmem_shared>>
        tpu.enqueue_dma source(%dma_start3A_28 : memref<3136x32xf32, #tpu.memory_space<vmem_shared>>) target(%dma_start3A_26 : memref<3136x32xf32, #tpu.memory_space<hbm>>) target_semaphore(%run_scoped3A : memref<!tpu.dma_semaphore, #tpu.memory_space<semaphore_mem>>)
        %dma_wait3A = arith.constant 0 : i32
        %dma_wait3A_29 = tpu.memref_slice %arg11[%mul3A_0, %dma_wait3A] : memref<50176x32xf32, #tpu.memory_space<hbm>> -> memref<3136x32xf32, #tpu.memory_space<hbm>>
        %dma_wait3A_30 = arith.constant 0 : i32
        %dma_wait3A_31 = tpu.memref_slice %arg16[%mul3A_0, %dma_wait3A_30] : memref<50176x32xf32, #tpu.memory_space<vmem_shared>> -> memref<3136x32xf32, #tpu.memory_space<vmem_shared>>
        tpu.wait_dma2 semaphore(%run_scoped3A : memref<!tpu.dma_semaphore, #tpu.memory_space<semaphore_mem>>) src(%dma_wait3A_31 : memref<3136x32xf32, #tpu.memory_space<vmem_shared>>) dst(%dma_wait3A_29 : memref<3136x32xf32, #tpu.memory_space<hbm>>)
        tpu.yield
      }) : () -> ()
      %barrier3A_25 = arith.constant 0 : index
      tpu.barrier barrier_id(%barrier3A_25)
    } else {
    }
    %eq3A_13 = arith.constant 1 : i32
    %eq3A_14 = arith.cmpi eq, %arg0, %eq3A_13 : i32
    %convert_element_type3A_15 = arith.extui %eq3A_14 : i1 to i32
    %cond3A_16 = arith.constant 0 : i32
    %cond3A_17 = arith.cmpi ne, %convert_element_type3A_15, %cond3A_16 : i32
    scf.if %cond3A_17 {
      "tpu.region"() ({
        %run_scoped3A = tpu.sem_alloc : memref<!tpu.dma_semaphore, #tpu.memory_space<semaphore_mem>>
        %dma_start3A = arith.constant 0 : i32
        %dma_start3A_26 = tpu.memref_slice %arg16[%mul3A_0, %dma_start3A] : memref<50176x32xf32, #tpu.memory_space<vmem_shared>> -> memref<3136x32xf32, #tpu.memory_space<vmem_shared>>
        tpu.enqueue_dma source(%arg8 : memref<3136x32xf32, #tpu.memory_space<hbm>>) target(%dma_start3A_26 : memref<3136x32xf32, #tpu.memory_space<vmem_shared>>) target_semaphore(%run_scoped3A : memref<!tpu.dma_semaphore, #tpu.memory_space<semaphore_mem>>)
        %dma_wait3A = arith.constant 0 : i32
        %dma_wait3A_27 = tpu.memref_slice %arg16[%mul3A_0, %dma_wait3A] : memref<50176x32xf32, #tpu.memory_space<vmem_shared>> -> memref<3136x32xf32, #tpu.memory_space<vmem_shared>>
        tpu.wait_dma2 semaphore(%run_scoped3A : memref<!tpu.dma_semaphore, #tpu.memory_space<semaphore_mem>>) src(%arg8 : memref<3136x32xf32, #tpu.memory_space<hbm>>) dst(%dma_wait3A_27 : memref<3136x32xf32, #tpu.memory_space<vmem_shared>>)
        tpu.yield
      }) : () -> ()
      %barrier3A = arith.constant 0 : index
      tpu.barrier barrier_id(%barrier3A)
      %scan3A = arith.constant 0 : i32
      %scan3A_18 = arith.constant 0 : i32
      %scan3A_19 = arith.constant 20 : i32
      %scan3A_20 = arith.addi %scan3A_18, %scan3A_19 : i32
      %scan3A_21 = arith.constant 1 : i32
      %scan3A_22 = scf.for %scan3A_26 = %scan3A_18 to %scan3A_20 step %scan3A_21 iter_args(%scan3A_27 = %scan3A) -> (i32)  : i32 {
        %mul3A_28 = arith.constant 400 : i32
        %mul3A_29 = arith.muli %arg1, %mul3A_28 : i32
        %mul3A_30 = arith.constant 20 : i32
        %mul3A_31 = arith.muli %scan3A_26, %mul3A_30 : i32
        %add3A = arith.addi %mul3A_29, %mul3A_31 : i32
        "tpu.region"() ({
          %run_scoped3A = tpu.sem_alloc : memref<!tpu.dma_semaphore, #tpu.memory_space<semaphore_mem>>
          %dma_start3A_102 = arith.constant 0 : i32
          %dma_start3A_103 = tpu.memref_slice %arg6[%add3A, %dma_start3A_102] : memref<6400x128xi32, #tpu.memory_space<hbm>> -> memref<20x128xi32, #tpu.memory_space<hbm>>
          %dma_start3A_104 = arith.constant 0 : i32
          %dma_start3A_105 = tpu.memref_slice %arg6[%add3A, %dma_start3A_104] : memref<6400x128xi32, #tpu.memory_space<hbm>> -> memref<20x128xi32, #tpu.memory_space<hbm>>
          tpu.enqueue_dma source(%dma_start3A_105 : memref<20x128xi32, #tpu.memory_space<hbm>>) target(%arg13 : memref<20x128xi32, #tpu.memory_space<vmem>>) target_semaphore(%run_scoped3A : memref<!tpu.dma_semaphore, #tpu.memory_space<semaphore_mem>>)
          %dma_wait3A_106 = arith.constant 0 : i32
          %dma_wait3A_107 = tpu.memref_slice %arg6[%add3A, %dma_wait3A_106] : memref<6400x128xi32, #tpu.memory_space<hbm>> -> memref<20x128xi32, #tpu.memory_space<hbm>>
          %dma_wait3A_108 = arith.constant 0 : i32
          %dma_wait3A_109 = tpu.memref_slice %arg6[%add3A, %dma_wait3A_108] : memref<6400x128xi32, #tpu.memory_space<hbm>> -> memref<20x128xi32, #tpu.memory_space<hbm>>
          tpu.wait_dma2 semaphore(%run_scoped3A : memref<!tpu.dma_semaphore, #tpu.memory_space<semaphore_mem>>) src(%dma_wait3A_109 : memref<20x128xi32, #tpu.memory_space<hbm>>) dst(%arg13 : memref<20x128xi32, #tpu.memory_space<vmem>>)
          tpu.yield
        }) : () -> ()
        "tpu.region"() ({
          %run_scoped3A = tpu.sem_alloc : memref<!tpu.dma_semaphore, #tpu.memory_space<semaphore_mem>>
          %dma_start3A_102 = arith.constant 0 : i32
          %dma_start3A_103 = tpu.memref_slice %arg7[%add3A, %dma_start3A_102] : memref<6400x128xi32, #tpu.memory_space<hbm>> -> memref<20x128xi32, #tpu.memory_space<hbm>>
          %dma_start3A_104 = arith.constant 0 : i32
          %dma_start3A_105 = tpu.memref_slice %arg7[%add3A, %dma_start3A_104] : memref<6400x128xi32, #tpu.memory_space<hbm>> -> memref<20x128xi32, #tpu.memory_space<hbm>>
          tpu.enqueue_dma source(%dma_start3A_105 : memref<20x128xi32, #tpu.memory_space<hbm>>) target(%arg14 : memref<20x128xi32, #tpu.memory_space<vmem>>) target_semaphore(%run_scoped3A : memref<!tpu.dma_semaphore, #tpu.memory_space<semaphore_mem>>)
          %dma_wait3A_106 = arith.constant 0 : i32
          %dma_wait3A_107 = tpu.memref_slice %arg7[%add3A, %dma_wait3A_106] : memref<6400x128xi32, #tpu.memory_space<hbm>> -> memref<20x128xi32, #tpu.memory_space<hbm>>
          %dma_wait3A_108 = arith.constant 0 : i32
          %dma_wait3A_109 = tpu.memref_slice %arg7[%add3A, %dma_wait3A_108] : memref<6400x128xi32, #tpu.memory_space<hbm>> -> memref<20x128xi32, #tpu.memory_space<hbm>>
          tpu.wait_dma2 semaphore(%run_scoped3A : memref<!tpu.dma_semaphore, #tpu.memory_space<semaphore_mem>>) src(%dma_wait3A_109 : memref<20x128xi32, #tpu.memory_space<hbm>>) dst(%arg14 : memref<20x128xi32, #tpu.memory_space<vmem>>)
          tpu.yield
        }) : () -> ()
        %dma_start3A = arith.constant 0 : i32
        %dma_start3A_32 = arith.constant 0 : i32
        %dma_start3A_33 = arith.constant 0 : i32
        %dma_start3A_34 = tpu.memref_slice %arg15[%dma_start3A_32, %dma_start3A_33] : memref<768x32xf32, #tpu.memory_space<vmem>> -> memref<128x32xf32, #tpu.memory_space<vmem>>
        %dma_start3A_35 = arith.constant 0 : i32
        %dma_start3A_36 = tpu.memref_slice %arg14[%dma_start3A, %dma_start3A_35] : memref<20x128xi32, #tpu.memory_space<vmem>> -> memref<1x128xi32, #tpu.memory_space<vmem>>
        %dma_start3A_37 = tpu.memref_squeeze %dma_start3A_36 : memref<1x128xi32, #tpu.memory_space<vmem>> -> memref<128xi32, #tpu.memory_space<vmem>>
        %dma_start3A_38 = arith.constant 0 : i32
        %dma_start3A_39 = arith.constant 0 : i32
        %dma_start3A_40 = tpu.memref_slice %arg5[%dma_start3A_38, %dma_start3A_39] : memref<50176x32xf32, #tpu.memory_space<hbm>> -> memref<50176x32xf32, #tpu.memory_space<hbm>>
        tpu.enqueue_indirect_dma source(%dma_start3A_40 : memref<50176x32xf32, #tpu.memory_space<hbm>>) target(%dma_start3A_34 : memref<128x32xf32, #tpu.memory_space<vmem>>) offsets(%dma_start3A_37 : memref<128xi32, #tpu.memory_space<vmem>>) semaphore(%arg17 : memref<!tpu.dma_semaphore, #tpu.memory_space<semaphore_mem>>)
        %dma_start3A_41 = arith.constant 1 : i32
        %dma_start3A_42 = arith.constant 128 : i32
        %dma_start3A_43 = arith.constant 0 : i32
        %dma_start3A_44 = tpu.memref_slice %arg15[%dma_start3A_42, %dma_start3A_43] : memref<768x32xf32, #tpu.memory_space<vmem>> -> memref<128x32xf32, #tpu.memory_space<vmem>>
        %dma_start3A_45 = arith.constant 0 : i32
        %dma_start3A_46 = tpu.memref_slice %arg14[%dma_start3A_41, %dma_start3A_45] : memref<20x128xi32, #tpu.memory_space<vmem>> -> memref<1x128xi32, #tpu.memory_space<vmem>>
        %dma_start3A_47 = tpu.memref_squeeze %dma_start3A_46 : memref<1x128xi32, #tpu.memory_space<vmem>> -> memref<128xi32, #tpu.memory_space<vmem>>
        %dma_start3A_48 = arith.constant 0 : i32
        %dma_start3A_49 = arith.constant 0 : i32
        %dma_start3A_50 = tpu.memref_slice %arg5[%dma_start3A_48, %dma_start3A_49] : memref<50176x32xf32, #tpu.memory_space<hbm>> -> memref<50176x32xf32, #tpu.memory_space<hbm>>
        tpu.enqueue_indirect_dma source(%dma_start3A_50 : memref<50176x32xf32, #tpu.memory_space<hbm>>) target(%dma_start3A_44 : memref<128x32xf32, #tpu.memory_space<vmem>>) offsets(%dma_start3A_47 : memref<128xi32, #tpu.memory_space<vmem>>) semaphore(%arg17 : memref<!tpu.dma_semaphore, #tpu.memory_space<semaphore_mem>>)
        %dma_start3A_51 = arith.constant 2 : i32
        %dma_start3A_52 = arith.constant 256 : i32
        %dma_start3A_53 = arith.constant 0 : i32
        %dma_start3A_54 = tpu.memref_slice %arg15[%dma_start3A_52, %dma_start3A_53] : memref<768x32xf32, #tpu.memory_space<vmem>> -> memref<128x32xf32, #tpu.memory_space<vmem>>
        %dma_start3A_55 = arith.constant 0 : i32
        %dma_start3A_56 = tpu.memref_slice %arg14[%dma_start3A_51, %dma_start3A_55] : memref<20x128xi32, #tpu.memory_space<vmem>> -> memref<1x128xi32, #tpu.memory_space<vmem>>
        %dma_start3A_57 = tpu.memref_squeeze %dma_start3A_56 : memref<1x128xi32, #tpu.memory_space<vmem>> -> memref<128xi32, #tpu.memory_space<vmem>>
        %dma_start3A_58 = arith.constant 0 : i32
        %dma_start3A_59 = arith.constant 0 : i32
        %dma_start3A_60 = tpu.memref_slice %arg5[%dma_start3A_58, %dma_start3A_59] : memref<50176x32xf32, #tpu.memory_space<hbm>> -> memref<50176x32xf32, #tpu.memory_space<hbm>>
        tpu.enqueue_indirect_dma source(%dma_start3A_60 : memref<50176x32xf32, #tpu.memory_space<hbm>>) target(%dma_start3A_54 : memref<128x32xf32, #tpu.memory_space<vmem>>) offsets(%dma_start3A_57 : memref<128xi32, #tpu.memory_space<vmem>>) semaphore(%arg17 : memref<!tpu.dma_semaphore, #tpu.memory_space<semaphore_mem>>)
        %dma_start3A_61 = arith.constant 3 : i32
        %dma_start3A_62 = arith.constant 384 : i32
        %dma_start3A_63 = arith.constant 0 : i32
        %dma_start3A_64 = tpu.memref_slice %arg15[%dma_start3A_62, %dma_start3A_63] : memref<768x32xf32, #tpu.memory_space<vmem>> -> memref<128x32xf32, #tpu.memory_space<vmem>>
        %dma_start3A_65 = arith.constant 0 : i32
        %dma_start3A_66 = tpu.memref_slice %arg14[%dma_start3A_61, %dma_start3A_65] : memref<20x128xi32, #tpu.memory_space<vmem>> -> memref<1x128xi32, #tpu.memory_space<vmem>>
        %dma_start3A_67 = tpu.memref_squeeze %dma_start3A_66 : memref<1x128xi32, #tpu.memory_space<vmem>> -> memref<128xi32, #tpu.memory_space<vmem>>
        %dma_start3A_68 = arith.constant 0 : i32
        %dma_start3A_69 = arith.constant 0 : i32
        %dma_start3A_70 = tpu.memref_slice %arg5[%dma_start3A_68, %dma_start3A_69] : memref<50176x32xf32, #tpu.memory_space<hbm>> -> memref<50176x32xf32, #tpu.memory_space<hbm>>
        tpu.enqueue_indirect_dma source(%dma_start3A_70 : memref<50176x32xf32, #tpu.memory_space<hbm>>) target(%dma_start3A_64 : memref<128x32xf32, #tpu.memory_space<vmem>>) offsets(%dma_start3A_67 : memref<128xi32, #tpu.memory_space<vmem>>) semaphore(%arg17 : memref<!tpu.dma_semaphore, #tpu.memory_space<semaphore_mem>>)
        %scan3A_71 = arith.constant 0 : i32
        %scan3A_72 = arith.constant 0 : i32
        %scan3A_73 = arith.constant 20 : i32
        %scan3A_74 = arith.addi %scan3A_72, %scan3A_73 : i32
        %scan3A_75 = arith.constant 1 : i32
        %scan3A_76 = scf.for %scan3A_102 = %scan3A_72 to %scan3A_74 step %scan3A_75 iter_args(%scan3A_103 = %scan3A_71) -> (i32)  : i32 {
          %ge3A = arith.constant 2 : i32
          %ge3A_104 = arith.cmpi sge, %scan3A_102, %ge3A : i32
          %convert_element_type3A_105 = arith.extui %ge3A_104 : i1 to i32
          %cond3A_106 = arith.constant 0 : i32
          %cond3A_107 = arith.cmpi ne, %convert_element_type3A_105, %cond3A_106 : i32
          scf.if %cond3A_107 {
            %dma_wait3A_146 = arith.constant 0 : i32
            %dma_wait3A_147 = arith.constant 0 : i32
            %dma_wait3A_148 = tpu.memref_slice %arg15[%dma_wait3A_146, %dma_wait3A_147] : memref<768x32xf32, #tpu.memory_space<vmem>> -> memref<128x32xf32, #tpu.memory_space<vmem>>
            %dma_wait3A_149 = arith.constant 0 : i32
            %dma_wait3A_150 = arith.constant 0 : i32
            %dma_wait3A_151 = tpu.memref_slice %arg16[%dma_wait3A_149, %dma_wait3A_150] : memref<50176x32xf32, #tpu.memory_space<vmem_shared>> -> memref<128x32xf32, #tpu.memory_space<vmem_shared>>
            %dma_wait3A_152 = arith.constant 0 : i32
            %dma_wait3A_153 = arith.constant 0 : i32
            %dma_wait3A_154 = tpu.memref_slice %arg16[%dma_wait3A_152, %dma_wait3A_153] : memref<50176x32xf32, #tpu.memory_space<vmem_shared>> -> memref<128x32xf32, #tpu.memory_space<vmem_shared>>
            %dma_wait3A_155 = arith.constant 0 : i32
            %dma_wait3A_156 = arith.constant 0 : i32
            %dma_wait3A_157 = tpu.memref_slice %arg15[%dma_wait3A_155, %dma_wait3A_156] : memref<768x32xf32, #tpu.memory_space<vmem>> -> memref<128x32xf32, #tpu.memory_space<vmem>>
            tpu.wait_dma2 semaphore(%arg18 : memref<!tpu.dma_semaphore, #tpu.memory_space<semaphore_mem>>) src(%dma_wait3A_157 : memref<128x32xf32, #tpu.memory_space<vmem>>) dst(%dma_wait3A_154 : memref<128x32xf32, #tpu.memory_space<vmem_shared>>)
          } else {
          }
          %lt3A = arith.constant 16 : i32
          %lt3A_108 = arith.cmpi slt, %scan3A_102, %lt3A : i32
          %convert_element_type3A_109 = arith.extui %lt3A_108 : i1 to i32
          %cond3A_110 = arith.constant 0 : i32
          %cond3A_111 = arith.cmpi ne, %convert_element_type3A_109, %cond3A_110 : i32
          scf.if %cond3A_111 {
            %add3A_146 = arith.constant 4 : i32
            %add3A_147 = arith.addi %scan3A_102, %add3A_146 : i32
            %jit3A_148 = arith.constant 6 : i32
            %eq3A_149 = arith.constant 0 : i32
            %eq3A_150 = arith.cmpi eq, %jit3A_148, %eq3A_149 : i32
            %jit3A_151 = arith.constant 1 : i32
            %select_n3A_152 = arith.select %eq3A_150, %jit3A_151, %jit3A_148 : i32
            %rem3A_153 = arith.remsi %add3A_147, %select_n3A_152 : i32
            %ne3A_154 = arith.constant 0 : i32
            %ne3A_155 = arith.cmpi ne, %rem3A_153, %ne3A_154 : i32
            %lt3A_156 = arith.constant 0 : i32
            %lt3A_157 = arith.cmpi slt, %rem3A_153, %lt3A_156 : i32
            %lt3A_158 = arith.constant 0 : i32
            %lt3A_159 = arith.cmpi slt, %select_n3A_152, %lt3A_158 : i32
            %ne3A_160 = arith.xori %lt3A_157, %lt3A_159 : i1
            %and3A_161 = arith.andi %ne3A_160, %ne3A_155 : i1
            %add3A_162 = arith.addi %rem3A_153, %select_n3A_152 : i32
            %select_n3A_163 = arith.select %and3A_161, %add3A_162, %rem3A_153 : i32
            %mul3A_164 = arith.constant 128 : i32
            %mul3A_165 = arith.muli %select_n3A_163, %mul3A_164 : i32
            %add3A_166 = arith.constant 4 : i32
            %add3A_167 = arith.addi %scan3A_102, %add3A_166 : i32
            %dma_start3A_168 = arith.constant 0 : i32
            %dma_start3A_169 = tpu.memref_slice %arg15[%mul3A_165, %dma_start3A_168] : memref<768x32xf32, #tpu.memory_space<vmem>> -> memref<128x32xf32, #tpu.memory_space<vmem>>
            %dma_start3A_170 = arith.constant 0 : i32
            %dma_start3A_171 = tpu.memref_slice %arg14[%add3A_167, %dma_start3A_170] : memref<20x128xi32, #tpu.memory_space<vmem>> -> memref<1x128xi32, #tpu.memory_space<vmem>>
            %dma_start3A_172 = tpu.memref_squeeze %dma_start3A_171 : memref<1x128xi32, #tpu.memory_space<vmem>> -> memref<128xi32, #tpu.memory_space<vmem>>
            %dma_start3A_173 = arith.constant 0 : i32
            %dma_start3A_174 = arith.constant 0 : i32
            %dma_start3A_175 = tpu.memref_slice %arg5[%dma_start3A_173, %dma_start3A_174] : memref<50176x32xf32, #tpu.memory_space<hbm>> -> memref<50176x32xf32, #tpu.memory_space<hbm>>
            tpu.enqueue_indirect_dma source(%dma_start3A_175 : memref<50176x32xf32, #tpu.memory_space<hbm>>) target(%dma_start3A_169 : memref<128x32xf32, #tpu.memory_space<vmem>>) offsets(%dma_start3A_172 : memref<128xi32, #tpu.memory_space<vmem>>) semaphore(%arg17 : memref<!tpu.dma_semaphore, #tpu.memory_space<semaphore_mem>>)
          } else {
          }
          %dma_wait3A_112 = arith.constant 0 : i32
          %dma_wait3A_113 = arith.constant 0 : i32
          %dma_wait3A_114 = tpu.memref_slice %arg15[%dma_wait3A_112, %dma_wait3A_113] : memref<768x32xf32, #tpu.memory_space<vmem>> -> memref<128x32xf32, #tpu.memory_space<vmem>>
          %dma_wait3A_115 = arith.constant 0 : i32
          %dma_wait3A_116 = arith.constant 0 : i32
          %dma_wait3A_117 = tpu.memref_slice %arg8[%dma_wait3A_115, %dma_wait3A_116] : memref<3136x32xf32, #tpu.memory_space<hbm>> -> memref<128x32xf32, #tpu.memory_space<hbm>>
          %dma_wait3A_118 = arith.constant 0 : i32
          %dma_wait3A_119 = arith.constant 0 : i32
          %dma_wait3A_120 = tpu.memref_slice %arg15[%dma_wait3A_118, %dma_wait3A_119] : memref<768x32xf32, #tpu.memory_space<vmem>> -> memref<128x32xf32, #tpu.memory_space<vmem>>
          %dma_wait3A_121 = arith.constant 0 : i32
          %dma_wait3A_122 = arith.constant 0 : i32
          %dma_wait3A_123 = tpu.memref_slice %arg8[%dma_wait3A_121, %dma_wait3A_122] : memref<3136x32xf32, #tpu.memory_space<hbm>> -> memref<128x32xf32, #tpu.memory_space<hbm>>
          tpu.wait_dma2 semaphore(%arg17 : memref<!tpu.dma_semaphore, #tpu.memory_space<semaphore_mem>>) src(%dma_wait3A_123 : memref<128x32xf32, #tpu.memory_space<hbm>>) dst(%dma_wait3A_120 : memref<128x32xf32, #tpu.memory_space<vmem>>)
          %jit3A = arith.constant 6 : i32
          %eq3A_124 = arith.constant 0 : i32
          %eq3A_125 = arith.cmpi eq, %jit3A, %eq3A_124 : i32
          %jit3A_126 = arith.constant 1 : i32
          %select_n3A = arith.select %eq3A_125, %jit3A_126, %jit3A : i32
          %rem3A = arith.remsi %scan3A_102, %select_n3A : i32
          %ne3A = arith.constant 0 : i32
          %ne3A_127 = arith.cmpi ne, %rem3A, %ne3A : i32
          %lt3A_128 = arith.constant 0 : i32
          %lt3A_129 = arith.cmpi slt, %rem3A, %lt3A_128 : i32
          %lt3A_130 = arith.constant 0 : i32
          %lt3A_131 = arith.cmpi slt, %select_n3A, %lt3A_130 : i32
          %ne3A_132 = arith.xori %lt3A_129, %lt3A_131 : i1
          %and3A = arith.andi %ne3A_132, %ne3A_127 : i1
          %add3A_133 = arith.addi %rem3A, %select_n3A : i32
          %select_n3A_134 = arith.select %and3A, %add3A_133, %rem3A : i32
          %mul3A_135 = arith.constant 128 : i32
          %mul3A_136 = arith.muli %select_n3A_134, %mul3A_135 : i32
          %dma_start3A_137 = arith.constant 0 : i32
          %dma_start3A_138 = tpu.memref_slice %arg15[%mul3A_136, %dma_start3A_137] : memref<768x32xf32, #tpu.memory_space<vmem>> -> memref<128x32xf32, #tpu.memory_space<vmem>>
          %dma_start3A_139 = arith.constant 0 : i32
          %dma_start3A_140 = tpu.memref_slice %arg13[%scan3A_102, %dma_start3A_139] : memref<20x128xi32, #tpu.memory_space<vmem>> -> memref<1x128xi32, #tpu.memory_space<vmem>>
          %dma_start3A_141 = tpu.memref_squeeze %dma_start3A_140 : memref<1x128xi32, #tpu.memory_space<vmem>> -> memref<128xi32, #tpu.memory_space<vmem>>
          %dma_start3A_142 = arith.constant 0 : i32
          %dma_start3A_143 = arith.constant 0 : i32
          %dma_start3A_144 = tpu.memref_slice %arg16[%dma_start3A_142, %dma_start3A_143] : memref<50176x32xf32, #tpu.memory_space<vmem_shared>> -> memref<50176x32xf32, #tpu.memory_space<vmem_shared>>
          tpu.enqueue_indirect_dma source(%dma_start3A_138 : memref<128x32xf32, #tpu.memory_space<vmem>>) target(%dma_start3A_144 : memref<50176x32xf32, #tpu.memory_space<vmem_shared>>) offsets(%dma_start3A_141 : memref<128xi32, #tpu.memory_space<vmem>>) semaphore(%arg18 : memref<!tpu.dma_semaphore, #tpu.memory_space<semaphore_mem>>) {add = true}
          %scan3A_145 = arith.constant 0 : i32
          scf.yield %scan3A_145 : i32
        }
        %scan3A_77 = arith.constant 20 : i32
        %dma_wait3A = arith.constant 0 : i32
        %dma_wait3A_78 = arith.constant 0 : i32
        %dma_wait3A_79 = tpu.memref_slice %arg15[%dma_wait3A, %dma_wait3A_78] : memref<768x32xf32, #tpu.memory_space<vmem>> -> memref<128x32xf32, #tpu.memory_space<vmem>>
        %dma_wait3A_80 = arith.constant 0 : i32
        %dma_wait3A_81 = arith.constant 0 : i32
        %dma_wait3A_82 = tpu.memref_slice %arg16[%dma_wait3A_80, %dma_wait3A_81] : memref<50176x32xf32, #tpu.memory_space<vmem_shared>> -> memref<128x32xf32, #tpu.memory_space<vmem_shared>>
        %dma_wait3A_83 = arith.constant 0 : i32
        %dma_wait3A_84 = arith.constant 0 : i32
        %dma_wait3A_85 = tpu.memref_slice %arg16[%dma_wait3A_83, %dma_wait3A_84] : memref<50176x32xf32, #tpu.memory_space<vmem_shared>> -> memref<128x32xf32, #tpu.memory_space<vmem_shared>>
        %dma_wait3A_86 = arith.constant 0 : i32
        %dma_wait3A_87 = arith.constant 0 : i32
        %dma_wait3A_88 = tpu.memref_slice %arg15[%dma_wait3A_86, %dma_wait3A_87] : memref<768x32xf32, #tpu.memory_space<vmem>> -> memref<128x32xf32, #tpu.memory_space<vmem>>
        tpu.wait_dma2 semaphore(%arg18 : memref<!tpu.dma_semaphore, #tpu.memory_space<semaphore_mem>>) src(%dma_wait3A_88 : memref<128x32xf32, #tpu.memory_space<vmem>>) dst(%dma_wait3A_85 : memref<128x32xf32, #tpu.memory_space<vmem_shared>>)
        %dma_wait3A_89 = arith.constant 0 : i32
        %dma_wait3A_90 = arith.constant 0 : i32
        %dma_wait3A_91 = tpu.memref_slice %arg15[%dma_wait3A_89, %dma_wait3A_90] : memref<768x32xf32, #tpu.memory_space<vmem>> -> memref<128x32xf32, #tpu.memory_space<vmem>>
        %dma_wait3A_92 = arith.constant 0 : i32
        %dma_wait3A_93 = arith.constant 0 : i32
        %dma_wait3A_94 = tpu.memref_slice %arg16[%dma_wait3A_92, %dma_wait3A_93] : memref<50176x32xf32, #tpu.memory_space<vmem_shared>> -> memref<128x32xf32, #tpu.memory_space<vmem_shared>>
        %dma_wait3A_95 = arith.constant 0 : i32
        %dma_wait3A_96 = arith.constant 0 : i32
        %dma_wait3A_97 = tpu.memref_slice %arg16[%dma_wait3A_95, %dma_wait3A_96] : memref<50176x32xf32, #tpu.memory_space<vmem_shared>> -> memref<128x32xf32, #tpu.memory_space<vmem_shared>>
        %dma_wait3A_98 = arith.constant 0 : i32
        %dma_wait3A_99 = arith.constant 0 : i32
        %dma_wait3A_100 = tpu.memref_slice %arg15[%dma_wait3A_98, %dma_wait3A_99] : memref<768x32xf32, #tpu.memory_space<vmem>> -> memref<128x32xf32, #tpu.memory_space<vmem>>
        tpu.wait_dma2 semaphore(%arg18 : memref<!tpu.dma_semaphore, #tpu.memory_space<semaphore_mem>>) src(%dma_wait3A_100 : memref<128x32xf32, #tpu.memory_space<vmem>>) dst(%dma_wait3A_97 : memref<128x32xf32, #tpu.memory_space<vmem_shared>>)
        %scan3A_101 = arith.constant 0 : i32
        scf.yield %scan3A_101 : i32
      }
      %scan3A_23 = arith.constant 20 : i32
      %barrier3A_24 = arith.constant 0 : index
      tpu.barrier barrier_id(%barrier3A_24)
      "tpu.region"() ({
        %run_scoped3A = tpu.sem_alloc : memref<!tpu.dma_semaphore, #tpu.memory_space<semaphore_mem>>
        %dma_start3A = arith.constant 0 : i32
        %dma_start3A_26 = tpu.memref_slice %arg12[%mul3A_0, %dma_start3A] : memref<50176x32xf32, #tpu.memory_space<hbm>> -> memref<3136x32xf32, #tpu.memory_space<hbm>>
        %dma_start3A_27 = arith.constant 0 : i32
        %dma_start3A_28 = tpu.memref_slice %arg16[%mul3A_0, %dma_start3A_27] : memref<50176x32xf32, #tpu.memory_space<vmem_shared>> -> memref<3136x32xf32, #tpu.memory_space<vmem_shared>>
        tpu.enqueue_dma source(%dma_start3A_28 : memref<3136x32xf32, #tpu.memory_space<vmem_shared>>) target(%dma_start3A_26 : memref<3136x32xf32, #tpu.memory_space<hbm>>) target_semaphore(%run_scoped3A : memref<!tpu.dma_semaphore, #tpu.memory_space<semaphore_mem>>)
        %dma_wait3A = arith.constant 0 : i32
        %dma_wait3A_29 = tpu.memref_slice %arg12[%mul3A_0, %dma_wait3A] : memref<50176x32xf32, #tpu.memory_space<hbm>> -> memref<3136x32xf32, #tpu.memory_space<hbm>>
        %dma_wait3A_30 = arith.constant 0 : i32
        %dma_wait3A_31 = tpu.memref_slice %arg16[%mul3A_0, %dma_wait3A_30] : memref<50176x32xf32, #tpu.memory_space<vmem_shared>> -> memref<3136x32xf32, #tpu.memory_space<vmem_shared>>
        tpu.wait_dma2 semaphore(%run_scoped3A : memref<!tpu.dma_semaphore, #tpu.memory_space<semaphore_mem>>) src(%dma_wait3A_31 : memref<3136x32xf32, #tpu.memory_space<vmem_shared>>) dst(%dma_wait3A_29 : memref<3136x32xf32, #tpu.memory_space<hbm>>)
        tpu.yield
      }) : () -> ()
      %barrier3A_25 = arith.constant 0 : index
      tpu.barrier barrier_id(%barrier3A_25)
    } else {
    }
    return
  }
}

#map = affine_map<(d0, d1) -> (0, 0)>
module attributes {stable_mosaic.version = 14 : i64} {
  func.func @sc_scatter(%arg0: i32, %arg1: i32, %arg2: memref<50176x32xf32, #tpu.memory_space<hbm>>, %arg3: memref<50176x32xf32, #tpu.memory_space<hbm>>, %arg4: memref<6400x128xi32, #tpu.memory_space<hbm>>, %arg5: memref<6400x128xi32, #tpu.memory_space<hbm>>, %arg6: memref<3136x32xf32, #tpu.memory_space<hbm>>, %arg7: memref<50176x32xf32, #tpu.memory_space<hbm>>, %arg8: memref<50176x32xf32, #tpu.memory_space<hbm>>, %arg9: memref<20x128xi32, #tpu.memory_space<vmem>>, %arg10: memref<20x128xi32, #tpu.memory_space<vmem>>, %arg11: memref<768x32xf32, #tpu.memory_space<vmem>>, %arg12: memref<50176x32xf32, #tpu.memory_space<vmem_shared>>, %arg13: memref<!tpu.dma_semaphore, #tpu.memory_space<semaphore_mem>>, %arg14: memref<!tpu.dma_semaphore, #tpu.memory_space<semaphore_mem>>) attributes {dimension_semantics = [#tpu.dimension_semantics<core_parallel>, #tpu.dimension_semantics<subcore_parallel>], iteration_bounds = array<i64: 2, 16>, scalar_prefetch = 0 : i64, scratch_operands = 6 : i64, tpu.core_type = #tpu.core_type<sc_vector_subcore>, window_params = [{transform_indices = #map}, {transform_indices = #map}, {transform_indices = #map}, {transform_indices = #map}, {transform_indices = #map}, {transform_indices = #map}, {transform_indices = #map}]} {
    %mul3A = arith.constant 3136 : i32
    %mul3A_0 = arith.muli %arg1, %mul3A : i32
    %eq3A = arith.constant 0 : i32
    %eq3A_1 = arith.cmpi eq, %arg0, %eq3A : i32
    %convert_element_type3A = arith.extui %eq3A_1 : i1 to i32
    %cond3A = arith.constant 0 : i32
    %cond3A_2 = arith.cmpi ne, %convert_element_type3A, %cond3A : i32
    scf.if %cond3A_2 {
      "tpu.region"() ({
        %run_scoped3A = tpu.sem_alloc : memref<!tpu.dma_semaphore, #tpu.memory_space<semaphore_mem>>
        %dma_start3A = arith.constant 0 : i32
        %dma_start3A_16 = tpu.memref_slice %arg12[%mul3A_0, %dma_start3A] : memref<50176x32xf32, #tpu.memory_space<vmem_shared>> -> memref<3136x32xf32, #tpu.memory_space<vmem_shared>>
        tpu.enqueue_dma source(%arg6 : memref<3136x32xf32, #tpu.memory_space<hbm>>) target(%dma_start3A_16 : memref<3136x32xf32, #tpu.memory_space<vmem_shared>>) target_semaphore(%run_scoped3A : memref<!tpu.dma_semaphore, #tpu.memory_space<semaphore_mem>>)
        %dma_wait3A = arith.constant 0 : i32
        %dma_wait3A_17 = tpu.memref_slice %arg12[%mul3A_0, %dma_wait3A] : memref<50176x32xf32, #tpu.memory_space<vmem_shared>> -> memref<3136x32xf32, #tpu.memory_space<vmem_shared>>
        tpu.wait_dma2 semaphore(%run_scoped3A : memref<!tpu.dma_semaphore, #tpu.memory_space<semaphore_mem>>) src(%arg6 : memref<3136x32xf32, #tpu.memory_space<hbm>>) dst(%dma_wait3A_17 : memref<3136x32xf32, #tpu.memory_space<vmem_shared>>)
        tpu.yield
      }) : () -> ()
      %barrier3A = arith.constant 0 : index
      tpu.barrier barrier_id(%barrier3A)
      %scan3A = arith.constant 0 : i32
      %scan3A_8 = arith.constant 0 : i32
      %scan3A_9 = arith.constant 20 : i32
      %scan3A_10 = arith.addi %scan3A_8, %scan3A_9 : i32
      %scan3A_11 = arith.constant 1 : i32
      %scan3A_12 = scf.for %scan3A_16 = %scan3A_8 to %scan3A_10 step %scan3A_11 iter_args(%scan3A_17 = %scan3A) -> (i32)  : i32 {
        %mul3A_18 = arith.constant 400 : i32
        %mul3A_19 = arith.muli %arg1, %mul3A_18 : i32
        %mul3A_20 = arith.constant 20 : i32
        %mul3A_21 = arith.muli %scan3A_16, %mul3A_20 : i32
        %add3A = arith.addi %mul3A_19, %mul3A_21 : i32
        "tpu.region"() ({
          %run_scoped3A = tpu.sem_alloc : memref<!tpu.dma_semaphore, #tpu.memory_space<semaphore_mem>>
          %dma_start3A_92 = arith.constant 0 : i32
          %dma_start3A_93 = tpu.memref_slice %arg4[%add3A, %dma_start3A_92] : memref<6400x128xi32, #tpu.memory_space<hbm>> -> memref<20x128xi32, #tpu.memory_space<hbm>>
          %dma_start3A_94 = arith.constant 0 : i32
          %dma_start3A_95 = tpu.memref_slice %arg4[%add3A, %dma_start3A_94] : memref<6400x128xi32, #tpu.memory_space<hbm>> -> memref<20x128xi32, #tpu.memory_space<hbm>>
          tpu.enqueue_dma source(%dma_start3A_95 : memref<20x128xi32, #tpu.memory_space<hbm>>) target(%arg9 : memref<20x128xi32, #tpu.memory_space<vmem>>) target_semaphore(%run_scoped3A : memref<!tpu.dma_semaphore, #tpu.memory_space<semaphore_mem>>)
          %dma_wait3A_96 = arith.constant 0 : i32
          %dma_wait3A_97 = tpu.memref_slice %arg4[%add3A, %dma_wait3A_96] : memref<6400x128xi32, #tpu.memory_space<hbm>> -> memref<20x128xi32, #tpu.memory_space<hbm>>
          %dma_wait3A_98 = arith.constant 0 : i32
          %dma_wait3A_99 = tpu.memref_slice %arg4[%add3A, %dma_wait3A_98] : memref<6400x128xi32, #tpu.memory_space<hbm>> -> memref<20x128xi32, #tpu.memory_space<hbm>>
          tpu.wait_dma2 semaphore(%run_scoped3A : memref<!tpu.dma_semaphore, #tpu.memory_space<semaphore_mem>>) src(%dma_wait3A_99 : memref<20x128xi32, #tpu.memory_space<hbm>>) dst(%arg9 : memref<20x128xi32, #tpu.memory_space<vmem>>)
          tpu.yield
        }) : () -> ()
        "tpu.region"() ({
          %run_scoped3A = tpu.sem_alloc : memref<!tpu.dma_semaphore, #tpu.memory_space<semaphore_mem>>
          %dma_start3A_92 = arith.constant 0 : i32
          %dma_start3A_93 = tpu.memref_slice %arg5[%add3A, %dma_start3A_92] : memref<6400x128xi32, #tpu.memory_space<hbm>> -> memref<20x128xi32, #tpu.memory_space<hbm>>
          %dma_start3A_94 = arith.constant 0 : i32
          %dma_start3A_95 = tpu.memref_slice %arg5[%add3A, %dma_start3A_94] : memref<6400x128xi32, #tpu.memory_space<hbm>> -> memref<20x128xi32, #tpu.memory_space<hbm>>
          tpu.enqueue_dma source(%dma_start3A_95 : memref<20x128xi32, #tpu.memory_space<hbm>>) target(%arg10 : memref<20x128xi32, #tpu.memory_space<vmem>>) target_semaphore(%run_scoped3A : memref<!tpu.dma_semaphore, #tpu.memory_space<semaphore_mem>>)
          %dma_wait3A_96 = arith.constant 0 : i32
          %dma_wait3A_97 = tpu.memref_slice %arg5[%add3A, %dma_wait3A_96] : memref<6400x128xi32, #tpu.memory_space<hbm>> -> memref<20x128xi32, #tpu.memory_space<hbm>>
          %dma_wait3A_98 = arith.constant 0 : i32
          %dma_wait3A_99 = tpu.memref_slice %arg5[%add3A, %dma_wait3A_98] : memref<6400x128xi32, #tpu.memory_space<hbm>> -> memref<20x128xi32, #tpu.memory_space<hbm>>
          tpu.wait_dma2 semaphore(%run_scoped3A : memref<!tpu.dma_semaphore, #tpu.memory_space<semaphore_mem>>) src(%dma_wait3A_99 : memref<20x128xi32, #tpu.memory_space<hbm>>) dst(%arg10 : memref<20x128xi32, #tpu.memory_space<vmem>>)
          tpu.yield
        }) : () -> ()
        %dma_start3A = arith.constant 0 : i32
        %dma_start3A_22 = arith.constant 0 : i32
        %dma_start3A_23 = arith.constant 0 : i32
        %dma_start3A_24 = tpu.memref_slice %arg11[%dma_start3A_22, %dma_start3A_23] : memref<768x32xf32, #tpu.memory_space<vmem>> -> memref<128x32xf32, #tpu.memory_space<vmem>>
        %dma_start3A_25 = arith.constant 0 : i32
        %dma_start3A_26 = tpu.memref_slice %arg10[%dma_start3A, %dma_start3A_25] : memref<20x128xi32, #tpu.memory_space<vmem>> -> memref<1x128xi32, #tpu.memory_space<vmem>>
        %dma_start3A_27 = tpu.memref_squeeze %dma_start3A_26 : memref<1x128xi32, #tpu.memory_space<vmem>> -> memref<128xi32, #tpu.memory_space<vmem>>
        %dma_start3A_28 = arith.constant 0 : i32
        %dma_start3A_29 = arith.constant 0 : i32
        %dma_start3A_30 = tpu.memref_slice %arg2[%dma_start3A_28, %dma_start3A_29] : memref<50176x32xf32, #tpu.memory_space<hbm>> -> memref<50176x32xf32, #tpu.memory_space<hbm>>
        tpu.enqueue_indirect_dma source(%dma_start3A_30 : memref<50176x32xf32, #tpu.memory_space<hbm>>) target(%dma_start3A_24 : memref<128x32xf32, #tpu.memory_space<vmem>>) offsets(%dma_start3A_27 : memref<128xi32, #tpu.memory_space<vmem>>) semaphore(%arg13 : memref<!tpu.dma_semaphore, #tpu.memory_space<semaphore_mem>>)
        %dma_start3A_31 = arith.constant 1 : i32
        %dma_start3A_32 = arith.constant 128 : i32
        %dma_start3A_33 = arith.constant 0 : i32
        %dma_start3A_34 = tpu.memref_slice %arg11[%dma_start3A_32, %dma_start3A_33] : memref<768x32xf32, #tpu.memory_space<vmem>> -> memref<128x32xf32, #tpu.memory_space<vmem>>
        %dma_start3A_35 = arith.constant 0 : i32
        %dma_start3A_36 = tpu.memref_slice %arg10[%dma_start3A_31, %dma_start3A_35] : memref<20x128xi32, #tpu.memory_space<vmem>> -> memref<1x128xi32, #tpu.memory_space<vmem>>
        %dma_start3A_37 = tpu.memref_squeeze %dma_start3A_36 : memref<1x128xi32, #tpu.memory_space<vmem>> -> memref<128xi32, #tpu.memory_space<vmem>>
        %dma_start3A_38 = arith.constant 0 : i32
        %dma_start3A_39 = arith.constant 0 : i32
        %dma_start3A_40 = tpu.memref_slice %arg2[%dma_start3A_38, %dma_start3A_39] : memref<50176x32xf32, #tpu.memory_space<hbm>> -> memref<50176x32xf32, #tpu.memory_space<hbm>>
        tpu.enqueue_indirect_dma source(%dma_start3A_40 : memref<50176x32xf32, #tpu.memory_space<hbm>>) target(%dma_start3A_34 : memref<128x32xf32, #tpu.memory_space<vmem>>) offsets(%dma_start3A_37 : memref<128xi32, #tpu.memory_space<vmem>>) semaphore(%arg13 : memref<!tpu.dma_semaphore, #tpu.memory_space<semaphore_mem>>)
        %dma_start3A_41 = arith.constant 2 : i32
        %dma_start3A_42 = arith.constant 256 : i32
        %dma_start3A_43 = arith.constant 0 : i32
        %dma_start3A_44 = tpu.memref_slice %arg11[%dma_start3A_42, %dma_start3A_43] : memref<768x32xf32, #tpu.memory_space<vmem>> -> memref<128x32xf32, #tpu.memory_space<vmem>>
        %dma_start3A_45 = arith.constant 0 : i32
        %dma_start3A_46 = tpu.memref_slice %arg10[%dma_start3A_41, %dma_start3A_45] : memref<20x128xi32, #tpu.memory_space<vmem>> -> memref<1x128xi32, #tpu.memory_space<vmem>>
        %dma_start3A_47 = tpu.memref_squeeze %dma_start3A_46 : memref<1x128xi32, #tpu.memory_space<vmem>> -> memref<128xi32, #tpu.memory_space<vmem>>
        %dma_start3A_48 = arith.constant 0 : i32
        %dma_start3A_49 = arith.constant 0 : i32
        %dma_start3A_50 = tpu.memref_slice %arg2[%dma_start3A_48, %dma_start3A_49] : memref<50176x32xf32, #tpu.memory_space<hbm>> -> memref<50176x32xf32, #tpu.memory_space<hbm>>
        tpu.enqueue_indirect_dma source(%dma_start3A_50 : memref<50176x32xf32, #tpu.memory_space<hbm>>) target(%dma_start3A_44 : memref<128x32xf32, #tpu.memory_space<vmem>>) offsets(%dma_start3A_47 : memref<128xi32, #tpu.memory_space<vmem>>) semaphore(%arg13 : memref<!tpu.dma_semaphore, #tpu.memory_space<semaphore_mem>>)
        %dma_start3A_51 = arith.constant 3 : i32
        %dma_start3A_52 = arith.constant 384 : i32
        %dma_start3A_53 = arith.constant 0 : i32
        %dma_start3A_54 = tpu.memref_slice %arg11[%dma_start3A_52, %dma_start3A_53] : memref<768x32xf32, #tpu.memory_space<vmem>> -> memref<128x32xf32, #tpu.memory_space<vmem>>
        %dma_start3A_55 = arith.constant 0 : i32
        %dma_start3A_56 = tpu.memref_slice %arg10[%dma_start3A_51, %dma_start3A_55] : memref<20x128xi32, #tpu.memory_space<vmem>> -> memref<1x128xi32, #tpu.memory_space<vmem>>
        %dma_start3A_57 = tpu.memref_squeeze %dma_start3A_56 : memref<1x128xi32, #tpu.memory_space<vmem>> -> memref<128xi32, #tpu.memory_space<vmem>>
        %dma_start3A_58 = arith.constant 0 : i32
        %dma_start3A_59 = arith.constant 0 : i32
        %dma_start3A_60 = tpu.memref_slice %arg2[%dma_start3A_58, %dma_start3A_59] : memref<50176x32xf32, #tpu.memory_space<hbm>> -> memref<50176x32xf32, #tpu.memory_space<hbm>>
        tpu.enqueue_indirect_dma source(%dma_start3A_60 : memref<50176x32xf32, #tpu.memory_space<hbm>>) target(%dma_start3A_54 : memref<128x32xf32, #tpu.memory_space<vmem>>) offsets(%dma_start3A_57 : memref<128xi32, #tpu.memory_space<vmem>>) semaphore(%arg13 : memref<!tpu.dma_semaphore, #tpu.memory_space<semaphore_mem>>)
        %scan3A_61 = arith.constant 0 : i32
        %scan3A_62 = arith.constant 0 : i32
        %scan3A_63 = arith.constant 20 : i32
        %scan3A_64 = arith.addi %scan3A_62, %scan3A_63 : i32
        %scan3A_65 = arith.constant 1 : i32
        %scan3A_66 = scf.for %scan3A_92 = %scan3A_62 to %scan3A_64 step %scan3A_65 iter_args(%scan3A_93 = %scan3A_61) -> (i32)  : i32 {
          %ge3A = arith.constant 2 : i32
          %ge3A_94 = arith.cmpi sge, %scan3A_92, %ge3A : i32
          %convert_element_type3A_95 = arith.extui %ge3A_94 : i1 to i32
          %cond3A_96 = arith.constant 0 : i32
          %cond3A_97 = arith.cmpi ne, %convert_element_type3A_95, %cond3A_96 : i32
          scf.if %cond3A_97 {
            %dma_wait3A_136 = arith.constant 0 : i32
            %dma_wait3A_137 = arith.constant 0 : i32
            %dma_wait3A_138 = tpu.memref_slice %arg11[%dma_wait3A_136, %dma_wait3A_137] : memref<768x32xf32, #tpu.memory_space<vmem>> -> memref<128x32xf32, #tpu.memory_space<vmem>>
            %dma_wait3A_139 = arith.constant 0 : i32
            %dma_wait3A_140 = arith.constant 0 : i32
            %dma_wait3A_141 = tpu.memref_slice %arg12[%dma_wait3A_139, %dma_wait3A_140] : memref<50176x32xf32, #tpu.memory_space<vmem_shared>> -> memref<128x32xf32, #tpu.memory_space<vmem_shared>>
            %dma_wait3A_142 = arith.constant 0 : i32
            %dma_wait3A_143 = arith.constant 0 : i32
            %dma_wait3A_144 = tpu.memref_slice %arg12[%dma_wait3A_142, %dma_wait3A_143] : memref<50176x32xf32, #tpu.memory_space<vmem_shared>> -> memref<128x32xf32, #tpu.memory_space<vmem_shared>>
            %dma_wait3A_145 = arith.constant 0 : i32
            %dma_wait3A_146 = arith.constant 0 : i32
            %dma_wait3A_147 = tpu.memref_slice %arg11[%dma_wait3A_145, %dma_wait3A_146] : memref<768x32xf32, #tpu.memory_space<vmem>> -> memref<128x32xf32, #tpu.memory_space<vmem>>
            tpu.wait_dma2 semaphore(%arg14 : memref<!tpu.dma_semaphore, #tpu.memory_space<semaphore_mem>>) src(%dma_wait3A_147 : memref<128x32xf32, #tpu.memory_space<vmem>>) dst(%dma_wait3A_144 : memref<128x32xf32, #tpu.memory_space<vmem_shared>>)
          } else {
          }
          %lt3A = arith.constant 16 : i32
          %lt3A_98 = arith.cmpi slt, %scan3A_92, %lt3A : i32
          %convert_element_type3A_99 = arith.extui %lt3A_98 : i1 to i32
          %cond3A_100 = arith.constant 0 : i32
          %cond3A_101 = arith.cmpi ne, %convert_element_type3A_99, %cond3A_100 : i32
          scf.if %cond3A_101 {
            %add3A_136 = arith.constant 4 : i32
            %add3A_137 = arith.addi %scan3A_92, %add3A_136 : i32
            %jit3A_138 = arith.constant 6 : i32
            %eq3A_139 = arith.constant 0 : i32
            %eq3A_140 = arith.cmpi eq, %jit3A_138, %eq3A_139 : i32
            %jit3A_141 = arith.constant 1 : i32
            %select_n3A_142 = arith.select %eq3A_140, %jit3A_141, %jit3A_138 : i32
            %rem3A_143 = arith.remsi %add3A_137, %select_n3A_142 : i32
            %ne3A_144 = arith.constant 0 : i32
            %ne3A_145 = arith.cmpi ne, %rem3A_143, %ne3A_144 : i32
            %lt3A_146 = arith.constant 0 : i32
            %lt3A_147 = arith.cmpi slt, %rem3A_143, %lt3A_146 : i32
            %lt3A_148 = arith.constant 0 : i32
            %lt3A_149 = arith.cmpi slt, %select_n3A_142, %lt3A_148 : i32
            %ne3A_150 = arith.xori %lt3A_147, %lt3A_149 : i1
            %and3A_151 = arith.andi %ne3A_150, %ne3A_145 : i1
            %add3A_152 = arith.addi %rem3A_143, %select_n3A_142 : i32
            %select_n3A_153 = arith.select %and3A_151, %add3A_152, %rem3A_143 : i32
            %mul3A_154 = arith.constant 128 : i32
            %mul3A_155 = arith.muli %select_n3A_153, %mul3A_154 : i32
            %add3A_156 = arith.constant 4 : i32
            %add3A_157 = arith.addi %scan3A_92, %add3A_156 : i32
            %dma_start3A_158 = arith.constant 0 : i32
            %dma_start3A_159 = tpu.memref_slice %arg11[%mul3A_155, %dma_start3A_158] : memref<768x32xf32, #tpu.memory_space<vmem>> -> memref<128x32xf32, #tpu.memory_space<vmem>>
            %dma_start3A_160 = arith.constant 0 : i32
            %dma_start3A_161 = tpu.memref_slice %arg10[%add3A_157, %dma_start3A_160] : memref<20x128xi32, #tpu.memory_space<vmem>> -> memref<1x128xi32, #tpu.memory_space<vmem>>
            %dma_start3A_162 = tpu.memref_squeeze %dma_start3A_161 : memref<1x128xi32, #tpu.memory_space<vmem>> -> memref<128xi32, #tpu.memory_space<vmem>>
            %dma_start3A_163 = arith.constant 0 : i32
            %dma_start3A_164 = arith.constant 0 : i32
            %dma_start3A_165 = tpu.memref_slice %arg2[%dma_start3A_163, %dma_start3A_164] : memref<50176x32xf32, #tpu.memory_space<hbm>> -> memref<50176x32xf32, #tpu.memory_space<hbm>>
            tpu.enqueue_indirect_dma source(%dma_start3A_165 : memref<50176x32xf32, #tpu.memory_space<hbm>>) target(%dma_start3A_159 : memref<128x32xf32, #tpu.memory_space<vmem>>) offsets(%dma_start3A_162 : memref<128xi32, #tpu.memory_space<vmem>>) semaphore(%arg13 : memref<!tpu.dma_semaphore, #tpu.memory_space<semaphore_mem>>)
          } else {
          }
          %dma_wait3A_102 = arith.constant 0 : i32
          %dma_wait3A_103 = arith.constant 0 : i32
          %dma_wait3A_104 = tpu.memref_slice %arg11[%dma_wait3A_102, %dma_wait3A_103] : memref<768x32xf32, #tpu.memory_space<vmem>> -> memref<128x32xf32, #tpu.memory_space<vmem>>
          %dma_wait3A_105 = arith.constant 0 : i32
          %dma_wait3A_106 = arith.constant 0 : i32
          %dma_wait3A_107 = tpu.memref_slice %arg6[%dma_wait3A_105, %dma_wait3A_106] : memref<3136x32xf32, #tpu.memory_space<hbm>> -> memref<128x32xf32, #tpu.memory_space<hbm>>
          %dma_wait3A_108 = arith.constant 0 : i32
          %dma_wait3A_109 = arith.constant 0 : i32
          %dma_wait3A_110 = tpu.memref_slice %arg11[%dma_wait3A_108, %dma_wait3A_109] : memref<768x32xf32, #tpu.memory_space<vmem>> -> memref<128x32xf32, #tpu.memory_space<vmem>>
          %dma_wait3A_111 = arith.constant 0 : i32
          %dma_wait3A_112 = arith.constant 0 : i32
          %dma_wait3A_113 = tpu.memref_slice %arg6[%dma_wait3A_111, %dma_wait3A_112] : memref<3136x32xf32, #tpu.memory_space<hbm>> -> memref<128x32xf32, #tpu.memory_space<hbm>>
          tpu.wait_dma2 semaphore(%arg13 : memref<!tpu.dma_semaphore, #tpu.memory_space<semaphore_mem>>) src(%dma_wait3A_113 : memref<128x32xf32, #tpu.memory_space<hbm>>) dst(%dma_wait3A_110 : memref<128x32xf32, #tpu.memory_space<vmem>>)
          %jit3A = arith.constant 6 : i32
          %eq3A_114 = arith.constant 0 : i32
          %eq3A_115 = arith.cmpi eq, %jit3A, %eq3A_114 : i32
          %jit3A_116 = arith.constant 1 : i32
          %select_n3A = arith.select %eq3A_115, %jit3A_116, %jit3A : i32
          %rem3A = arith.remsi %scan3A_92, %select_n3A : i32
          %ne3A = arith.constant 0 : i32
          %ne3A_117 = arith.cmpi ne, %rem3A, %ne3A : i32
          %lt3A_118 = arith.constant 0 : i32
          %lt3A_119 = arith.cmpi slt, %rem3A, %lt3A_118 : i32
          %lt3A_120 = arith.constant 0 : i32
          %lt3A_121 = arith.cmpi slt, %select_n3A, %lt3A_120 : i32
          %ne3A_122 = arith.xori %lt3A_119, %lt3A_121 : i1
          %and3A = arith.andi %ne3A_122, %ne3A_117 : i1
          %add3A_123 = arith.addi %rem3A, %select_n3A : i32
          %select_n3A_124 = arith.select %and3A, %add3A_123, %rem3A : i32
          %mul3A_125 = arith.constant 128 : i32
          %mul3A_126 = arith.muli %select_n3A_124, %mul3A_125 : i32
          %dma_start3A_127 = arith.constant 0 : i32
          %dma_start3A_128 = tpu.memref_slice %arg11[%mul3A_126, %dma_start3A_127] : memref<768x32xf32, #tpu.memory_space<vmem>> -> memref<128x32xf32, #tpu.memory_space<vmem>>
          %dma_start3A_129 = arith.constant 0 : i32
          %dma_start3A_130 = tpu.memref_slice %arg9[%scan3A_92, %dma_start3A_129] : memref<20x128xi32, #tpu.memory_space<vmem>> -> memref<1x128xi32, #tpu.memory_space<vmem>>
          %dma_start3A_131 = tpu.memref_squeeze %dma_start3A_130 : memref<1x128xi32, #tpu.memory_space<vmem>> -> memref<128xi32, #tpu.memory_space<vmem>>
          %dma_start3A_132 = arith.constant 0 : i32
          %dma_start3A_133 = arith.constant 0 : i32
          %dma_start3A_134 = tpu.memref_slice %arg12[%dma_start3A_132, %dma_start3A_133] : memref<50176x32xf32, #tpu.memory_space<vmem_shared>> -> memref<50176x32xf32, #tpu.memory_space<vmem_shared>>
          tpu.enqueue_indirect_dma source(%dma_start3A_128 : memref<128x32xf32, #tpu.memory_space<vmem>>) target(%dma_start3A_134 : memref<50176x32xf32, #tpu.memory_space<vmem_shared>>) offsets(%dma_start3A_131 : memref<128xi32, #tpu.memory_space<vmem>>) semaphore(%arg14 : memref<!tpu.dma_semaphore, #tpu.memory_space<semaphore_mem>>) {add = true}
          %scan3A_135 = arith.constant 0 : i32
          scf.yield %scan3A_135 : i32
        }
        %scan3A_67 = arith.constant 20 : i32
        %dma_wait3A = arith.constant 0 : i32
        %dma_wait3A_68 = arith.constant 0 : i32
        %dma_wait3A_69 = tpu.memref_slice %arg11[%dma_wait3A, %dma_wait3A_68] : memref<768x32xf32, #tpu.memory_space<vmem>> -> memref<128x32xf32, #tpu.memory_space<vmem>>
        %dma_wait3A_70 = arith.constant 0 : i32
        %dma_wait3A_71 = arith.constant 0 : i32
        %dma_wait3A_72 = tpu.memref_slice %arg12[%dma_wait3A_70, %dma_wait3A_71] : memref<50176x32xf32, #tpu.memory_space<vmem_shared>> -> memref<128x32xf32, #tpu.memory_space<vmem_shared>>
        %dma_wait3A_73 = arith.constant 0 : i32
        %dma_wait3A_74 = arith.constant 0 : i32
        %dma_wait3A_75 = tpu.memref_slice %arg12[%dma_wait3A_73, %dma_wait3A_74] : memref<50176x32xf32, #tpu.memory_space<vmem_shared>> -> memref<128x32xf32, #tpu.memory_space<vmem_shared>>
        %dma_wait3A_76 = arith.constant 0 : i32
        %dma_wait3A_77 = arith.constant 0 : i32
        %dma_wait3A_78 = tpu.memref_slice %arg11[%dma_wait3A_76, %dma_wait3A_77] : memref<768x32xf32, #tpu.memory_space<vmem>> -> memref<128x32xf32, #tpu.memory_space<vmem>>
        tpu.wait_dma2 semaphore(%arg14 : memref<!tpu.dma_semaphore, #tpu.memory_space<semaphore_mem>>) src(%dma_wait3A_78 : memref<128x32xf32, #tpu.memory_space<vmem>>) dst(%dma_wait3A_75 : memref<128x32xf32, #tpu.memory_space<vmem_shared>>)
        %dma_wait3A_79 = arith.constant 0 : i32
        %dma_wait3A_80 = arith.constant 0 : i32
        %dma_wait3A_81 = tpu.memref_slice %arg11[%dma_wait3A_79, %dma_wait3A_80] : memref<768x32xf32, #tpu.memory_space<vmem>> -> memref<128x32xf32, #tpu.memory_space<vmem>>
        %dma_wait3A_82 = arith.constant 0 : i32
        %dma_wait3A_83 = arith.constant 0 : i32
        %dma_wait3A_84 = tpu.memref_slice %arg12[%dma_wait3A_82, %dma_wait3A_83] : memref<50176x32xf32, #tpu.memory_space<vmem_shared>> -> memref<128x32xf32, #tpu.memory_space<vmem_shared>>
        %dma_wait3A_85 = arith.constant 0 : i32
        %dma_wait3A_86 = arith.constant 0 : i32
        %dma_wait3A_87 = tpu.memref_slice %arg12[%dma_wait3A_85, %dma_wait3A_86] : memref<50176x32xf32, #tpu.memory_space<vmem_shared>> -> memref<128x32xf32, #tpu.memory_space<vmem_shared>>
        %dma_wait3A_88 = arith.constant 0 : i32
        %dma_wait3A_89 = arith.constant 0 : i32
        %dma_wait3A_90 = tpu.memref_slice %arg11[%dma_wait3A_88, %dma_wait3A_89] : memref<768x32xf32, #tpu.memory_space<vmem>> -> memref<128x32xf32, #tpu.memory_space<vmem>>
        tpu.wait_dma2 semaphore(%arg14 : memref<!tpu.dma_semaphore, #tpu.memory_space<semaphore_mem>>) src(%dma_wait3A_90 : memref<128x32xf32, #tpu.memory_space<vmem>>) dst(%dma_wait3A_87 : memref<128x32xf32, #tpu.memory_space<vmem_shared>>)
        %scan3A_91 = arith.constant 0 : i32
        scf.yield %scan3A_91 : i32
      }
      %scan3A_13 = arith.constant 20 : i32
      %barrier3A_14 = arith.constant 0 : index
      tpu.barrier barrier_id(%barrier3A_14)
      "tpu.region"() ({
        %run_scoped3A = tpu.sem_alloc : memref<!tpu.dma_semaphore, #tpu.memory_space<semaphore_mem>>
        %dma_start3A = arith.constant 0 : i32
        %dma_start3A_16 = tpu.memref_slice %arg7[%mul3A_0, %dma_start3A] : memref<50176x32xf32, #tpu.memory_space<hbm>> -> memref<3136x32xf32, #tpu.memory_space<hbm>>
        %dma_start3A_17 = arith.constant 0 : i32
        %dma_start3A_18 = tpu.memref_slice %arg12[%mul3A_0, %dma_start3A_17] : memref<50176x32xf32, #tpu.memory_space<vmem_shared>> -> memref<3136x32xf32, #tpu.memory_space<vmem_shared>>
        tpu.enqueue_dma source(%dma_start3A_18 : memref<3136x32xf32, #tpu.memory_space<vmem_shared>>) target(%dma_start3A_16 : memref<3136x32xf32, #tpu.memory_space<hbm>>) target_semaphore(%run_scoped3A : memref<!tpu.dma_semaphore, #tpu.memory_space<semaphore_mem>>)
        %dma_wait3A = arith.constant 0 : i32
        %dma_wait3A_19 = tpu.memref_slice %arg7[%mul3A_0, %dma_wait3A] : memref<50176x32xf32, #tpu.memory_space<hbm>> -> memref<3136x32xf32, #tpu.memory_space<hbm>>
        %dma_wait3A_20 = arith.constant 0 : i32
        %dma_wait3A_21 = tpu.memref_slice %arg12[%mul3A_0, %dma_wait3A_20] : memref<50176x32xf32, #tpu.memory_space<vmem_shared>> -> memref<3136x32xf32, #tpu.memory_space<vmem_shared>>
        tpu.wait_dma2 semaphore(%run_scoped3A : memref<!tpu.dma_semaphore, #tpu.memory_space<semaphore_mem>>) src(%dma_wait3A_21 : memref<3136x32xf32, #tpu.memory_space<vmem_shared>>) dst(%dma_wait3A_19 : memref<3136x32xf32, #tpu.memory_space<hbm>>)
        tpu.yield
      }) : () -> ()
      %barrier3A_15 = arith.constant 0 : index
      tpu.barrier barrier_id(%barrier3A_15)
    } else {
    }
    %eq3A_3 = arith.constant 1 : i32
    %eq3A_4 = arith.cmpi eq, %arg0, %eq3A_3 : i32
    %convert_element_type3A_5 = arith.extui %eq3A_4 : i1 to i32
    %cond3A_6 = arith.constant 0 : i32
    %cond3A_7 = arith.cmpi ne, %convert_element_type3A_5, %cond3A_6 : i32
    scf.if %cond3A_7 {
      "tpu.region"() ({
        %run_scoped3A = tpu.sem_alloc : memref<!tpu.dma_semaphore, #tpu.memory_space<semaphore_mem>>
        %dma_start3A = arith.constant 0 : i32
        %dma_start3A_16 = tpu.memref_slice %arg12[%mul3A_0, %dma_start3A] : memref<50176x32xf32, #tpu.memory_space<vmem_shared>> -> memref<3136x32xf32, #tpu.memory_space<vmem_shared>>
        tpu.enqueue_dma source(%arg6 : memref<3136x32xf32, #tpu.memory_space<hbm>>) target(%dma_start3A_16 : memref<3136x32xf32, #tpu.memory_space<vmem_shared>>) target_semaphore(%run_scoped3A : memref<!tpu.dma_semaphore, #tpu.memory_space<semaphore_mem>>)
        %dma_wait3A = arith.constant 0 : i32
        %dma_wait3A_17 = tpu.memref_slice %arg12[%mul3A_0, %dma_wait3A] : memref<50176x32xf32, #tpu.memory_space<vmem_shared>> -> memref<3136x32xf32, #tpu.memory_space<vmem_shared>>
        tpu.wait_dma2 semaphore(%run_scoped3A : memref<!tpu.dma_semaphore, #tpu.memory_space<semaphore_mem>>) src(%arg6 : memref<3136x32xf32, #tpu.memory_space<hbm>>) dst(%dma_wait3A_17 : memref<3136x32xf32, #tpu.memory_space<vmem_shared>>)
        tpu.yield
      }) : () -> ()
      %barrier3A = arith.constant 0 : index
      tpu.barrier barrier_id(%barrier3A)
      %scan3A = arith.constant 0 : i32
      %scan3A_8 = arith.constant 0 : i32
      %scan3A_9 = arith.constant 20 : i32
      %scan3A_10 = arith.addi %scan3A_8, %scan3A_9 : i32
      %scan3A_11 = arith.constant 1 : i32
      %scan3A_12 = scf.for %scan3A_16 = %scan3A_8 to %scan3A_10 step %scan3A_11 iter_args(%scan3A_17 = %scan3A) -> (i32)  : i32 {
        %mul3A_18 = arith.constant 400 : i32
        %mul3A_19 = arith.muli %arg1, %mul3A_18 : i32
        %mul3A_20 = arith.constant 20 : i32
        %mul3A_21 = arith.muli %scan3A_16, %mul3A_20 : i32
        %add3A = arith.addi %mul3A_19, %mul3A_21 : i32
        "tpu.region"() ({
          %run_scoped3A = tpu.sem_alloc : memref<!tpu.dma_semaphore, #tpu.memory_space<semaphore_mem>>
          %dma_start3A_92 = arith.constant 0 : i32
          %dma_start3A_93 = tpu.memref_slice %arg4[%add3A, %dma_start3A_92] : memref<6400x128xi32, #tpu.memory_space<hbm>> -> memref<20x128xi32, #tpu.memory_space<hbm>>
          %dma_start3A_94 = arith.constant 0 : i32
          %dma_start3A_95 = tpu.memref_slice %arg4[%add3A, %dma_start3A_94] : memref<6400x128xi32, #tpu.memory_space<hbm>> -> memref<20x128xi32, #tpu.memory_space<hbm>>
          tpu.enqueue_dma source(%dma_start3A_95 : memref<20x128xi32, #tpu.memory_space<hbm>>) target(%arg9 : memref<20x128xi32, #tpu.memory_space<vmem>>) target_semaphore(%run_scoped3A : memref<!tpu.dma_semaphore, #tpu.memory_space<semaphore_mem>>)
          %dma_wait3A_96 = arith.constant 0 : i32
          %dma_wait3A_97 = tpu.memref_slice %arg4[%add3A, %dma_wait3A_96] : memref<6400x128xi32, #tpu.memory_space<hbm>> -> memref<20x128xi32, #tpu.memory_space<hbm>>
          %dma_wait3A_98 = arith.constant 0 : i32
          %dma_wait3A_99 = tpu.memref_slice %arg4[%add3A, %dma_wait3A_98] : memref<6400x128xi32, #tpu.memory_space<hbm>> -> memref<20x128xi32, #tpu.memory_space<hbm>>
          tpu.wait_dma2 semaphore(%run_scoped3A : memref<!tpu.dma_semaphore, #tpu.memory_space<semaphore_mem>>) src(%dma_wait3A_99 : memref<20x128xi32, #tpu.memory_space<hbm>>) dst(%arg9 : memref<20x128xi32, #tpu.memory_space<vmem>>)
          tpu.yield
        }) : () -> ()
        "tpu.region"() ({
          %run_scoped3A = tpu.sem_alloc : memref<!tpu.dma_semaphore, #tpu.memory_space<semaphore_mem>>
          %dma_start3A_92 = arith.constant 0 : i32
          %dma_start3A_93 = tpu.memref_slice %arg5[%add3A, %dma_start3A_92] : memref<6400x128xi32, #tpu.memory_space<hbm>> -> memref<20x128xi32, #tpu.memory_space<hbm>>
          %dma_start3A_94 = arith.constant 0 : i32
          %dma_start3A_95 = tpu.memref_slice %arg5[%add3A, %dma_start3A_94] : memref<6400x128xi32, #tpu.memory_space<hbm>> -> memref<20x128xi32, #tpu.memory_space<hbm>>
          tpu.enqueue_dma source(%dma_start3A_95 : memref<20x128xi32, #tpu.memory_space<hbm>>) target(%arg10 : memref<20x128xi32, #tpu.memory_space<vmem>>) target_semaphore(%run_scoped3A : memref<!tpu.dma_semaphore, #tpu.memory_space<semaphore_mem>>)
          %dma_wait3A_96 = arith.constant 0 : i32
          %dma_wait3A_97 = tpu.memref_slice %arg5[%add3A, %dma_wait3A_96] : memref<6400x128xi32, #tpu.memory_space<hbm>> -> memref<20x128xi32, #tpu.memory_space<hbm>>
          %dma_wait3A_98 = arith.constant 0 : i32
          %dma_wait3A_99 = tpu.memref_slice %arg5[%add3A, %dma_wait3A_98] : memref<6400x128xi32, #tpu.memory_space<hbm>> -> memref<20x128xi32, #tpu.memory_space<hbm>>
          tpu.wait_dma2 semaphore(%run_scoped3A : memref<!tpu.dma_semaphore, #tpu.memory_space<semaphore_mem>>) src(%dma_wait3A_99 : memref<20x128xi32, #tpu.memory_space<hbm>>) dst(%arg10 : memref<20x128xi32, #tpu.memory_space<vmem>>)
          tpu.yield
        }) : () -> ()
        %dma_start3A = arith.constant 0 : i32
        %dma_start3A_22 = arith.constant 0 : i32
        %dma_start3A_23 = arith.constant 0 : i32
        %dma_start3A_24 = tpu.memref_slice %arg11[%dma_start3A_22, %dma_start3A_23] : memref<768x32xf32, #tpu.memory_space<vmem>> -> memref<128x32xf32, #tpu.memory_space<vmem>>
        %dma_start3A_25 = arith.constant 0 : i32
        %dma_start3A_26 = tpu.memref_slice %arg10[%dma_start3A, %dma_start3A_25] : memref<20x128xi32, #tpu.memory_space<vmem>> -> memref<1x128xi32, #tpu.memory_space<vmem>>
        %dma_start3A_27 = tpu.memref_squeeze %dma_start3A_26 : memref<1x128xi32, #tpu.memory_space<vmem>> -> memref<128xi32, #tpu.memory_space<vmem>>
        %dma_start3A_28 = arith.constant 0 : i32
        %dma_start3A_29 = arith.constant 0 : i32
        %dma_start3A_30 = tpu.memref_slice %arg3[%dma_start3A_28, %dma_start3A_29] : memref<50176x32xf32, #tpu.memory_space<hbm>> -> memref<50176x32xf32, #tpu.memory_space<hbm>>
        tpu.enqueue_indirect_dma source(%dma_start3A_30 : memref<50176x32xf32, #tpu.memory_space<hbm>>) target(%dma_start3A_24 : memref<128x32xf32, #tpu.memory_space<vmem>>) offsets(%dma_start3A_27 : memref<128xi32, #tpu.memory_space<vmem>>) semaphore(%arg13 : memref<!tpu.dma_semaphore, #tpu.memory_space<semaphore_mem>>)
        %dma_start3A_31 = arith.constant 1 : i32
        %dma_start3A_32 = arith.constant 128 : i32
        %dma_start3A_33 = arith.constant 0 : i32
        %dma_start3A_34 = tpu.memref_slice %arg11[%dma_start3A_32, %dma_start3A_33] : memref<768x32xf32, #tpu.memory_space<vmem>> -> memref<128x32xf32, #tpu.memory_space<vmem>>
        %dma_start3A_35 = arith.constant 0 : i32
        %dma_start3A_36 = tpu.memref_slice %arg10[%dma_start3A_31, %dma_start3A_35] : memref<20x128xi32, #tpu.memory_space<vmem>> -> memref<1x128xi32, #tpu.memory_space<vmem>>
        %dma_start3A_37 = tpu.memref_squeeze %dma_start3A_36 : memref<1x128xi32, #tpu.memory_space<vmem>> -> memref<128xi32, #tpu.memory_space<vmem>>
        %dma_start3A_38 = arith.constant 0 : i32
        %dma_start3A_39 = arith.constant 0 : i32
        %dma_start3A_40 = tpu.memref_slice %arg3[%dma_start3A_38, %dma_start3A_39] : memref<50176x32xf32, #tpu.memory_space<hbm>> -> memref<50176x32xf32, #tpu.memory_space<hbm>>
        tpu.enqueue_indirect_dma source(%dma_start3A_40 : memref<50176x32xf32, #tpu.memory_space<hbm>>) target(%dma_start3A_34 : memref<128x32xf32, #tpu.memory_space<vmem>>) offsets(%dma_start3A_37 : memref<128xi32, #tpu.memory_space<vmem>>) semaphore(%arg13 : memref<!tpu.dma_semaphore, #tpu.memory_space<semaphore_mem>>)
        %dma_start3A_41 = arith.constant 2 : i32
        %dma_start3A_42 = arith.constant 256 : i32
        %dma_start3A_43 = arith.constant 0 : i32
        %dma_start3A_44 = tpu.memref_slice %arg11[%dma_start3A_42, %dma_start3A_43] : memref<768x32xf32, #tpu.memory_space<vmem>> -> memref<128x32xf32, #tpu.memory_space<vmem>>
        %dma_start3A_45 = arith.constant 0 : i32
        %dma_start3A_46 = tpu.memref_slice %arg10[%dma_start3A_41, %dma_start3A_45] : memref<20x128xi32, #tpu.memory_space<vmem>> -> memref<1x128xi32, #tpu.memory_space<vmem>>
        %dma_start3A_47 = tpu.memref_squeeze %dma_start3A_46 : memref<1x128xi32, #tpu.memory_space<vmem>> -> memref<128xi32, #tpu.memory_space<vmem>>
        %dma_start3A_48 = arith.constant 0 : i32
        %dma_start3A_49 = arith.constant 0 : i32
        %dma_start3A_50 = tpu.memref_slice %arg3[%dma_start3A_48, %dma_start3A_49] : memref<50176x32xf32, #tpu.memory_space<hbm>> -> memref<50176x32xf32, #tpu.memory_space<hbm>>
        tpu.enqueue_indirect_dma source(%dma_start3A_50 : memref<50176x32xf32, #tpu.memory_space<hbm>>) target(%dma_start3A_44 : memref<128x32xf32, #tpu.memory_space<vmem>>) offsets(%dma_start3A_47 : memref<128xi32, #tpu.memory_space<vmem>>) semaphore(%arg13 : memref<!tpu.dma_semaphore, #tpu.memory_space<semaphore_mem>>)
        %dma_start3A_51 = arith.constant 3 : i32
        %dma_start3A_52 = arith.constant 384 : i32
        %dma_start3A_53 = arith.constant 0 : i32
        %dma_start3A_54 = tpu.memref_slice %arg11[%dma_start3A_52, %dma_start3A_53] : memref<768x32xf32, #tpu.memory_space<vmem>> -> memref<128x32xf32, #tpu.memory_space<vmem>>
        %dma_start3A_55 = arith.constant 0 : i32
        %dma_start3A_56 = tpu.memref_slice %arg10[%dma_start3A_51, %dma_start3A_55] : memref<20x128xi32, #tpu.memory_space<vmem>> -> memref<1x128xi32, #tpu.memory_space<vmem>>
        %dma_start3A_57 = tpu.memref_squeeze %dma_start3A_56 : memref<1x128xi32, #tpu.memory_space<vmem>> -> memref<128xi32, #tpu.memory_space<vmem>>
        %dma_start3A_58 = arith.constant 0 : i32
        %dma_start3A_59 = arith.constant 0 : i32
        %dma_start3A_60 = tpu.memref_slice %arg3[%dma_start3A_58, %dma_start3A_59] : memref<50176x32xf32, #tpu.memory_space<hbm>> -> memref<50176x32xf32, #tpu.memory_space<hbm>>
        tpu.enqueue_indirect_dma source(%dma_start3A_60 : memref<50176x32xf32, #tpu.memory_space<hbm>>) target(%dma_start3A_54 : memref<128x32xf32, #tpu.memory_space<vmem>>) offsets(%dma_start3A_57 : memref<128xi32, #tpu.memory_space<vmem>>) semaphore(%arg13 : memref<!tpu.dma_semaphore, #tpu.memory_space<semaphore_mem>>)
        %scan3A_61 = arith.constant 0 : i32
        %scan3A_62 = arith.constant 0 : i32
        %scan3A_63 = arith.constant 20 : i32
        %scan3A_64 = arith.addi %scan3A_62, %scan3A_63 : i32
        %scan3A_65 = arith.constant 1 : i32
        %scan3A_66 = scf.for %scan3A_92 = %scan3A_62 to %scan3A_64 step %scan3A_65 iter_args(%scan3A_93 = %scan3A_61) -> (i32)  : i32 {
          %ge3A = arith.constant 2 : i32
          %ge3A_94 = arith.cmpi sge, %scan3A_92, %ge3A : i32
          %convert_element_type3A_95 = arith.extui %ge3A_94 : i1 to i32
          %cond3A_96 = arith.constant 0 : i32
          %cond3A_97 = arith.cmpi ne, %convert_element_type3A_95, %cond3A_96 : i32
          scf.if %cond3A_97 {
            %dma_wait3A_136 = arith.constant 0 : i32
            %dma_wait3A_137 = arith.constant 0 : i32
            %dma_wait3A_138 = tpu.memref_slice %arg11[%dma_wait3A_136, %dma_wait3A_137] : memref<768x32xf32, #tpu.memory_space<vmem>> -> memref<128x32xf32, #tpu.memory_space<vmem>>
            %dma_wait3A_139 = arith.constant 0 : i32
            %dma_wait3A_140 = arith.constant 0 : i32
            %dma_wait3A_141 = tpu.memref_slice %arg12[%dma_wait3A_139, %dma_wait3A_140] : memref<50176x32xf32, #tpu.memory_space<vmem_shared>> -> memref<128x32xf32, #tpu.memory_space<vmem_shared>>
            %dma_wait3A_142 = arith.constant 0 : i32
            %dma_wait3A_143 = arith.constant 0 : i32
            %dma_wait3A_144 = tpu.memref_slice %arg12[%dma_wait3A_142, %dma_wait3A_143] : memref<50176x32xf32, #tpu.memory_space<vmem_shared>> -> memref<128x32xf32, #tpu.memory_space<vmem_shared>>
            %dma_wait3A_145 = arith.constant 0 : i32
            %dma_wait3A_146 = arith.constant 0 : i32
            %dma_wait3A_147 = tpu.memref_slice %arg11[%dma_wait3A_145, %dma_wait3A_146] : memref<768x32xf32, #tpu.memory_space<vmem>> -> memref<128x32xf32, #tpu.memory_space<vmem>>
            tpu.wait_dma2 semaphore(%arg14 : memref<!tpu.dma_semaphore, #tpu.memory_space<semaphore_mem>>) src(%dma_wait3A_147 : memref<128x32xf32, #tpu.memory_space<vmem>>) dst(%dma_wait3A_144 : memref<128x32xf32, #tpu.memory_space<vmem_shared>>)
          } else {
          }
          %lt3A = arith.constant 16 : i32
          %lt3A_98 = arith.cmpi slt, %scan3A_92, %lt3A : i32
          %convert_element_type3A_99 = arith.extui %lt3A_98 : i1 to i32
          %cond3A_100 = arith.constant 0 : i32
          %cond3A_101 = arith.cmpi ne, %convert_element_type3A_99, %cond3A_100 : i32
          scf.if %cond3A_101 {
            %add3A_136 = arith.constant 4 : i32
            %add3A_137 = arith.addi %scan3A_92, %add3A_136 : i32
            %jit3A_138 = arith.constant 6 : i32
            %eq3A_139 = arith.constant 0 : i32
            %eq3A_140 = arith.cmpi eq, %jit3A_138, %eq3A_139 : i32
            %jit3A_141 = arith.constant 1 : i32
            %select_n3A_142 = arith.select %eq3A_140, %jit3A_141, %jit3A_138 : i32
            %rem3A_143 = arith.remsi %add3A_137, %select_n3A_142 : i32
            %ne3A_144 = arith.constant 0 : i32
            %ne3A_145 = arith.cmpi ne, %rem3A_143, %ne3A_144 : i32
            %lt3A_146 = arith.constant 0 : i32
            %lt3A_147 = arith.cmpi slt, %rem3A_143, %lt3A_146 : i32
            %lt3A_148 = arith.constant 0 : i32
            %lt3A_149 = arith.cmpi slt, %select_n3A_142, %lt3A_148 : i32
            %ne3A_150 = arith.xori %lt3A_147, %lt3A_149 : i1
            %and3A_151 = arith.andi %ne3A_150, %ne3A_145 : i1
            %add3A_152 = arith.addi %rem3A_143, %select_n3A_142 : i32
            %select_n3A_153 = arith.select %and3A_151, %add3A_152, %rem3A_143 : i32
            %mul3A_154 = arith.constant 128 : i32
            %mul3A_155 = arith.muli %select_n3A_153, %mul3A_154 : i32
            %add3A_156 = arith.constant 4 : i32
            %add3A_157 = arith.addi %scan3A_92, %add3A_156 : i32
            %dma_start3A_158 = arith.constant 0 : i32
            %dma_start3A_159 = tpu.memref_slice %arg11[%mul3A_155, %dma_start3A_158] : memref<768x32xf32, #tpu.memory_space<vmem>> -> memref<128x32xf32, #tpu.memory_space<vmem>>
            %dma_start3A_160 = arith.constant 0 : i32
            %dma_start3A_161 = tpu.memref_slice %arg10[%add3A_157, %dma_start3A_160] : memref<20x128xi32, #tpu.memory_space<vmem>> -> memref<1x128xi32, #tpu.memory_space<vmem>>
            %dma_start3A_162 = tpu.memref_squeeze %dma_start3A_161 : memref<1x128xi32, #tpu.memory_space<vmem>> -> memref<128xi32, #tpu.memory_space<vmem>>
            %dma_start3A_163 = arith.constant 0 : i32
            %dma_start3A_164 = arith.constant 0 : i32
            %dma_start3A_165 = tpu.memref_slice %arg3[%dma_start3A_163, %dma_start3A_164] : memref<50176x32xf32, #tpu.memory_space<hbm>> -> memref<50176x32xf32, #tpu.memory_space<hbm>>
            tpu.enqueue_indirect_dma source(%dma_start3A_165 : memref<50176x32xf32, #tpu.memory_space<hbm>>) target(%dma_start3A_159 : memref<128x32xf32, #tpu.memory_space<vmem>>) offsets(%dma_start3A_162 : memref<128xi32, #tpu.memory_space<vmem>>) semaphore(%arg13 : memref<!tpu.dma_semaphore, #tpu.memory_space<semaphore_mem>>)
          } else {
          }
          %dma_wait3A_102 = arith.constant 0 : i32
          %dma_wait3A_103 = arith.constant 0 : i32
          %dma_wait3A_104 = tpu.memref_slice %arg11[%dma_wait3A_102, %dma_wait3A_103] : memref<768x32xf32, #tpu.memory_space<vmem>> -> memref<128x32xf32, #tpu.memory_space<vmem>>
          %dma_wait3A_105 = arith.constant 0 : i32
          %dma_wait3A_106 = arith.constant 0 : i32
          %dma_wait3A_107 = tpu.memref_slice %arg6[%dma_wait3A_105, %dma_wait3A_106] : memref<3136x32xf32, #tpu.memory_space<hbm>> -> memref<128x32xf32, #tpu.memory_space<hbm>>
          %dma_wait3A_108 = arith.constant 0 : i32
          %dma_wait3A_109 = arith.constant 0 : i32
          %dma_wait3A_110 = tpu.memref_slice %arg11[%dma_wait3A_108, %dma_wait3A_109] : memref<768x32xf32, #tpu.memory_space<vmem>> -> memref<128x32xf32, #tpu.memory_space<vmem>>
          %dma_wait3A_111 = arith.constant 0 : i32
          %dma_wait3A_112 = arith.constant 0 : i32
          %dma_wait3A_113 = tpu.memref_slice %arg6[%dma_wait3A_111, %dma_wait3A_112] : memref<3136x32xf32, #tpu.memory_space<hbm>> -> memref<128x32xf32, #tpu.memory_space<hbm>>
          tpu.wait_dma2 semaphore(%arg13 : memref<!tpu.dma_semaphore, #tpu.memory_space<semaphore_mem>>) src(%dma_wait3A_113 : memref<128x32xf32, #tpu.memory_space<hbm>>) dst(%dma_wait3A_110 : memref<128x32xf32, #tpu.memory_space<vmem>>)
          %jit3A = arith.constant 6 : i32
          %eq3A_114 = arith.constant 0 : i32
          %eq3A_115 = arith.cmpi eq, %jit3A, %eq3A_114 : i32
          %jit3A_116 = arith.constant 1 : i32
          %select_n3A = arith.select %eq3A_115, %jit3A_116, %jit3A : i32
          %rem3A = arith.remsi %scan3A_92, %select_n3A : i32
          %ne3A = arith.constant 0 : i32
          %ne3A_117 = arith.cmpi ne, %rem3A, %ne3A : i32
          %lt3A_118 = arith.constant 0 : i32
          %lt3A_119 = arith.cmpi slt, %rem3A, %lt3A_118 : i32
          %lt3A_120 = arith.constant 0 : i32
          %lt3A_121 = arith.cmpi slt, %select_n3A, %lt3A_120 : i32
          %ne3A_122 = arith.xori %lt3A_119, %lt3A_121 : i1
          %and3A = arith.andi %ne3A_122, %ne3A_117 : i1
          %add3A_123 = arith.addi %rem3A, %select_n3A : i32
          %select_n3A_124 = arith.select %and3A, %add3A_123, %rem3A : i32
          %mul3A_125 = arith.constant 128 : i32
          %mul3A_126 = arith.muli %select_n3A_124, %mul3A_125 : i32
          %dma_start3A_127 = arith.constant 0 : i32
          %dma_start3A_128 = tpu.memref_slice %arg11[%mul3A_126, %dma_start3A_127] : memref<768x32xf32, #tpu.memory_space<vmem>> -> memref<128x32xf32, #tpu.memory_space<vmem>>
          %dma_start3A_129 = arith.constant 0 : i32
          %dma_start3A_130 = tpu.memref_slice %arg9[%scan3A_92, %dma_start3A_129] : memref<20x128xi32, #tpu.memory_space<vmem>> -> memref<1x128xi32, #tpu.memory_space<vmem>>
          %dma_start3A_131 = tpu.memref_squeeze %dma_start3A_130 : memref<1x128xi32, #tpu.memory_space<vmem>> -> memref<128xi32, #tpu.memory_space<vmem>>
          %dma_start3A_132 = arith.constant 0 : i32
          %dma_start3A_133 = arith.constant 0 : i32
          %dma_start3A_134 = tpu.memref_slice %arg12[%dma_start3A_132, %dma_start3A_133] : memref<50176x32xf32, #tpu.memory_space<vmem_shared>> -> memref<50176x32xf32, #tpu.memory_space<vmem_shared>>
          tpu.enqueue_indirect_dma source(%dma_start3A_128 : memref<128x32xf32, #tpu.memory_space<vmem>>) target(%dma_start3A_134 : memref<50176x32xf32, #tpu.memory_space<vmem_shared>>) offsets(%dma_start3A_131 : memref<128xi32, #tpu.memory_space<vmem>>) semaphore(%arg14 : memref<!tpu.dma_semaphore, #tpu.memory_space<semaphore_mem>>) {add = true}
          %scan3A_135 = arith.constant 0 : i32
          scf.yield %scan3A_135 : i32
        }
        %scan3A_67 = arith.constant 20 : i32
        %dma_wait3A = arith.constant 0 : i32
        %dma_wait3A_68 = arith.constant 0 : i32
        %dma_wait3A_69 = tpu.memref_slice %arg11[%dma_wait3A, %dma_wait3A_68] : memref<768x32xf32, #tpu.memory_space<vmem>> -> memref<128x32xf32, #tpu.memory_space<vmem>>
        %dma_wait3A_70 = arith.constant 0 : i32
        %dma_wait3A_71 = arith.constant 0 : i32
        %dma_wait3A_72 = tpu.memref_slice %arg12[%dma_wait3A_70, %dma_wait3A_71] : memref<50176x32xf32, #tpu.memory_space<vmem_shared>> -> memref<128x32xf32, #tpu.memory_space<vmem_shared>>
        %dma_wait3A_73 = arith.constant 0 : i32
        %dma_wait3A_74 = arith.constant 0 : i32
        %dma_wait3A_75 = tpu.memref_slice %arg12[%dma_wait3A_73, %dma_wait3A_74] : memref<50176x32xf32, #tpu.memory_space<vmem_shared>> -> memref<128x32xf32, #tpu.memory_space<vmem_shared>>
        %dma_wait3A_76 = arith.constant 0 : i32
        %dma_wait3A_77 = arith.constant 0 : i32
        %dma_wait3A_78 = tpu.memref_slice %arg11[%dma_wait3A_76, %dma_wait3A_77] : memref<768x32xf32, #tpu.memory_space<vmem>> -> memref<128x32xf32, #tpu.memory_space<vmem>>
        tpu.wait_dma2 semaphore(%arg14 : memref<!tpu.dma_semaphore, #tpu.memory_space<semaphore_mem>>) src(%dma_wait3A_78 : memref<128x32xf32, #tpu.memory_space<vmem>>) dst(%dma_wait3A_75 : memref<128x32xf32, #tpu.memory_space<vmem_shared>>)
        %dma_wait3A_79 = arith.constant 0 : i32
        %dma_wait3A_80 = arith.constant 0 : i32
        %dma_wait3A_81 = tpu.memref_slice %arg11[%dma_wait3A_79, %dma_wait3A_80] : memref<768x32xf32, #tpu.memory_space<vmem>> -> memref<128x32xf32, #tpu.memory_space<vmem>>
        %dma_wait3A_82 = arith.constant 0 : i32
        %dma_wait3A_83 = arith.constant 0 : i32
        %dma_wait3A_84 = tpu.memref_slice %arg12[%dma_wait3A_82, %dma_wait3A_83] : memref<50176x32xf32, #tpu.memory_space<vmem_shared>> -> memref<128x32xf32, #tpu.memory_space<vmem_shared>>
        %dma_wait3A_85 = arith.constant 0 : i32
        %dma_wait3A_86 = arith.constant 0 : i32
        %dma_wait3A_87 = tpu.memref_slice %arg12[%dma_wait3A_85, %dma_wait3A_86] : memref<50176x32xf32, #tpu.memory_space<vmem_shared>> -> memref<128x32xf32, #tpu.memory_space<vmem_shared>>
        %dma_wait3A_88 = arith.constant 0 : i32
        %dma_wait3A_89 = arith.constant 0 : i32
        %dma_wait3A_90 = tpu.memref_slice %arg11[%dma_wait3A_88, %dma_wait3A_89] : memref<768x32xf32, #tpu.memory_space<vmem>> -> memref<128x32xf32, #tpu.memory_space<vmem>>
        tpu.wait_dma2 semaphore(%arg14 : memref<!tpu.dma_semaphore, #tpu.memory_space<semaphore_mem>>) src(%dma_wait3A_90 : memref<128x32xf32, #tpu.memory_space<vmem>>) dst(%dma_wait3A_87 : memref<128x32xf32, #tpu.memory_space<vmem_shared>>)
        %scan3A_91 = arith.constant 0 : i32
        scf.yield %scan3A_91 : i32
      }
      %scan3A_13 = arith.constant 20 : i32
      %barrier3A_14 = arith.constant 0 : index
      tpu.barrier barrier_id(%barrier3A_14)
      "tpu.region"() ({
        %run_scoped3A = tpu.sem_alloc : memref<!tpu.dma_semaphore, #tpu.memory_space<semaphore_mem>>
        %dma_start3A = arith.constant 0 : i32
        %dma_start3A_16 = tpu.memref_slice %arg8[%mul3A_0, %dma_start3A] : memref<50176x32xf32, #tpu.memory_space<hbm>> -> memref<3136x32xf32, #tpu.memory_space<hbm>>
        %dma_start3A_17 = arith.constant 0 : i32
        %dma_start3A_18 = tpu.memref_slice %arg12[%mul3A_0, %dma_start3A_17] : memref<50176x32xf32, #tpu.memory_space<vmem_shared>> -> memref<3136x32xf32, #tpu.memory_space<vmem_shared>>
        tpu.enqueue_dma source(%dma_start3A_18 : memref<3136x32xf32, #tpu.memory_space<vmem_shared>>) target(%dma_start3A_16 : memref<3136x32xf32, #tpu.memory_space<hbm>>) target_semaphore(%run_scoped3A : memref<!tpu.dma_semaphore, #tpu.memory_space<semaphore_mem>>)
        %dma_wait3A = arith.constant 0 : i32
        %dma_wait3A_19 = tpu.memref_slice %arg8[%mul3A_0, %dma_wait3A] : memref<50176x32xf32, #tpu.memory_space<hbm>> -> memref<3136x32xf32, #tpu.memory_space<hbm>>
        %dma_wait3A_20 = arith.constant 0 : i32
        %dma_wait3A_21 = tpu.memref_slice %arg12[%mul3A_0, %dma_wait3A_20] : memref<50176x32xf32, #tpu.memory_space<vmem_shared>> -> memref<3136x32xf32, #tpu.memory_space<vmem_shared>>
        tpu.wait_dma2 semaphore(%run_scoped3A : memref<!tpu.dma_semaphore, #tpu.memory_space<semaphore_mem>>) src(%dma_wait3A_21 : memref<3136x32xf32, #tpu.memory_space<vmem_shared>>) dst(%dma_wait3A_19 : memref<3136x32xf32, #tpu.memory_space<hbm>>)
        tpu.yield
      }) : () -> ()
      %barrier3A_15 = arith.constant 0 : index
      tpu.barrier barrier_id(%barrier3A_15)
    } else {
    }
    return
  }
}

#map = affine_map<(d0, d1) -> (0, 0)>
module attributes {stable_mosaic.version = 14 : i64} {
  func.func @sc_scatter(%arg0: i32, %arg1: i32, %arg2: memref<50176x32xf32, #tpu.memory_space<hbm>>, %arg3: memref<50176x32xf32, #tpu.memory_space<hbm>>, %arg4: memref<50176x32xf32, #tpu.memory_space<hbm>>, %arg5: memref<50176x32xf32, #tpu.memory_space<hbm>>, %arg6: memref<6400x128xi32, #tpu.memory_space<hbm>>, %arg7: memref<6400x128xi32, #tpu.memory_space<hbm>>, %arg8: memref<3136x32xf32, #tpu.memory_space<hbm>>, %arg9: memref<50176x32xf32, #tpu.memory_space<hbm>>, %arg10: memref<50176x32xf32, #tpu.memory_space<hbm>>, %arg11: memref<50176x32xf32, #tpu.memory_space<hbm>>, %arg12: memref<50176x32xf32, #tpu.memory_space<hbm>>, %arg13: memref<20x128xi32, #tpu.memory_space<vmem>>, %arg14: memref<20x128xi32, #tpu.memory_space<vmem>>, %arg15: memref<768x32xf32, #tpu.memory_space<vmem>>, %arg16: memref<50176x32xf32, #tpu.memory_space<vmem_shared>>, %arg17: memref<!tpu.dma_semaphore, #tpu.memory_space<semaphore_mem>>, %arg18: memref<!tpu.dma_semaphore, #tpu.memory_space<semaphore_mem>>) attributes {dimension_semantics = [#tpu.dimension_semantics<core_parallel>, #tpu.dimension_semantics<subcore_parallel>], iteration_bounds = array<i64: 2, 16>, scalar_prefetch = 0 : i64, scratch_operands = 6 : i64, tpu.core_type = #tpu.core_type<sc_vector_subcore>, window_params = [{transform_indices = #map}, {transform_indices = #map}, {transform_indices = #map}, {transform_indices = #map}, {transform_indices = #map}, {transform_indices = #map}, {transform_indices = #map}, {transform_indices = #map}, {transform_indices = #map}, {transform_indices = #map}, {transform_indices = #map}]} {
    %mul3A = arith.constant 3136 : i32
    %mul3A_0 = arith.muli %arg1, %mul3A : i32
    %eq3A = arith.constant 0 : i32
    %eq3A_1 = arith.cmpi eq, %arg0, %eq3A : i32
    %convert_element_type3A = arith.extui %eq3A_1 : i1 to i32
    %cond3A = arith.constant 0 : i32
    %cond3A_2 = arith.cmpi ne, %convert_element_type3A, %cond3A : i32
    scf.if %cond3A_2 {
      "tpu.region"() ({
        %run_scoped3A = tpu.sem_alloc : memref<!tpu.dma_semaphore, #tpu.memory_space<semaphore_mem>>
        %dma_start3A = arith.constant 0 : i32
        %dma_start3A_26 = tpu.memref_slice %arg16[%mul3A_0, %dma_start3A] : memref<50176x32xf32, #tpu.memory_space<vmem_shared>> -> memref<3136x32xf32, #tpu.memory_space<vmem_shared>>
        tpu.enqueue_dma source(%arg8 : memref<3136x32xf32, #tpu.memory_space<hbm>>) target(%dma_start3A_26 : memref<3136x32xf32, #tpu.memory_space<vmem_shared>>) target_semaphore(%run_scoped3A : memref<!tpu.dma_semaphore, #tpu.memory_space<semaphore_mem>>)
        %dma_wait3A = arith.constant 0 : i32
        %dma_wait3A_27 = tpu.memref_slice %arg16[%mul3A_0, %dma_wait3A] : memref<50176x32xf32, #tpu.memory_space<vmem_shared>> -> memref<3136x32xf32, #tpu.memory_space<vmem_shared>>
        tpu.wait_dma2 semaphore(%run_scoped3A : memref<!tpu.dma_semaphore, #tpu.memory_space<semaphore_mem>>) src(%arg8 : memref<3136x32xf32, #tpu.memory_space<hbm>>) dst(%dma_wait3A_27 : memref<3136x32xf32, #tpu.memory_space<vmem_shared>>)
        tpu.yield
      }) : () -> ()
      %barrier3A = arith.constant 0 : index
      tpu.barrier barrier_id(%barrier3A)
      %scan3A = arith.constant 0 : i32
      %scan3A_18 = arith.constant 0 : i32
      %scan3A_19 = arith.constant 20 : i32
      %scan3A_20 = arith.addi %scan3A_18, %scan3A_19 : i32
      %scan3A_21 = arith.constant 1 : i32
      %scan3A_22 = scf.for %scan3A_26 = %scan3A_18 to %scan3A_20 step %scan3A_21 iter_args(%scan3A_27 = %scan3A) -> (i32)  : i32 {
        %mul3A_28 = arith.constant 400 : i32
        %mul3A_29 = arith.muli %arg1, %mul3A_28 : i32
        %mul3A_30 = arith.constant 20 : i32
        %mul3A_31 = arith.muli %scan3A_26, %mul3A_30 : i32
        %add3A = arith.addi %mul3A_29, %mul3A_31 : i32
        "tpu.region"() ({
          %run_scoped3A = tpu.sem_alloc : memref<!tpu.dma_semaphore, #tpu.memory_space<semaphore_mem>>
          %dma_start3A_102 = arith.constant 0 : i32
          %dma_start3A_103 = tpu.memref_slice %arg6[%add3A, %dma_start3A_102] : memref<6400x128xi32, #tpu.memory_space<hbm>> -> memref<20x128xi32, #tpu.memory_space<hbm>>
          %dma_start3A_104 = arith.constant 0 : i32
          %dma_start3A_105 = tpu.memref_slice %arg6[%add3A, %dma_start3A_104] : memref<6400x128xi32, #tpu.memory_space<hbm>> -> memref<20x128xi32, #tpu.memory_space<hbm>>
          tpu.enqueue_dma source(%dma_start3A_105 : memref<20x128xi32, #tpu.memory_space<hbm>>) target(%arg13 : memref<20x128xi32, #tpu.memory_space<vmem>>) target_semaphore(%run_scoped3A : memref<!tpu.dma_semaphore, #tpu.memory_space<semaphore_mem>>)
          %dma_wait3A_106 = arith.constant 0 : i32
          %dma_wait3A_107 = tpu.memref_slice %arg6[%add3A, %dma_wait3A_106] : memref<6400x128xi32, #tpu.memory_space<hbm>> -> memref<20x128xi32, #tpu.memory_space<hbm>>
          %dma_wait3A_108 = arith.constant 0 : i32
          %dma_wait3A_109 = tpu.memref_slice %arg6[%add3A, %dma_wait3A_108] : memref<6400x128xi32, #tpu.memory_space<hbm>> -> memref<20x128xi32, #tpu.memory_space<hbm>>
          tpu.wait_dma2 semaphore(%run_scoped3A : memref<!tpu.dma_semaphore, #tpu.memory_space<semaphore_mem>>) src(%dma_wait3A_109 : memref<20x128xi32, #tpu.memory_space<hbm>>) dst(%arg13 : memref<20x128xi32, #tpu.memory_space<vmem>>)
          tpu.yield
        }) : () -> ()
        "tpu.region"() ({
          %run_scoped3A = tpu.sem_alloc : memref<!tpu.dma_semaphore, #tpu.memory_space<semaphore_mem>>
          %dma_start3A_102 = arith.constant 0 : i32
          %dma_start3A_103 = tpu.memref_slice %arg7[%add3A, %dma_start3A_102] : memref<6400x128xi32, #tpu.memory_space<hbm>> -> memref<20x128xi32, #tpu.memory_space<hbm>>
          %dma_start3A_104 = arith.constant 0 : i32
          %dma_start3A_105 = tpu.memref_slice %arg7[%add3A, %dma_start3A_104] : memref<6400x128xi32, #tpu.memory_space<hbm>> -> memref<20x128xi32, #tpu.memory_space<hbm>>
          tpu.enqueue_dma source(%dma_start3A_105 : memref<20x128xi32, #tpu.memory_space<hbm>>) target(%arg14 : memref<20x128xi32, #tpu.memory_space<vmem>>) target_semaphore(%run_scoped3A : memref<!tpu.dma_semaphore, #tpu.memory_space<semaphore_mem>>)
          %dma_wait3A_106 = arith.constant 0 : i32
          %dma_wait3A_107 = tpu.memref_slice %arg7[%add3A, %dma_wait3A_106] : memref<6400x128xi32, #tpu.memory_space<hbm>> -> memref<20x128xi32, #tpu.memory_space<hbm>>
          %dma_wait3A_108 = arith.constant 0 : i32
          %dma_wait3A_109 = tpu.memref_slice %arg7[%add3A, %dma_wait3A_108] : memref<6400x128xi32, #tpu.memory_space<hbm>> -> memref<20x128xi32, #tpu.memory_space<hbm>>
          tpu.wait_dma2 semaphore(%run_scoped3A : memref<!tpu.dma_semaphore, #tpu.memory_space<semaphore_mem>>) src(%dma_wait3A_109 : memref<20x128xi32, #tpu.memory_space<hbm>>) dst(%arg14 : memref<20x128xi32, #tpu.memory_space<vmem>>)
          tpu.yield
        }) : () -> ()
        %dma_start3A = arith.constant 0 : i32
        %dma_start3A_32 = arith.constant 0 : i32
        %dma_start3A_33 = arith.constant 0 : i32
        %dma_start3A_34 = tpu.memref_slice %arg15[%dma_start3A_32, %dma_start3A_33] : memref<768x32xf32, #tpu.memory_space<vmem>> -> memref<128x32xf32, #tpu.memory_space<vmem>>
        %dma_start3A_35 = arith.constant 0 : i32
        %dma_start3A_36 = tpu.memref_slice %arg14[%dma_start3A, %dma_start3A_35] : memref<20x128xi32, #tpu.memory_space<vmem>> -> memref<1x128xi32, #tpu.memory_space<vmem>>
        %dma_start3A_37 = tpu.memref_squeeze %dma_start3A_36 : memref<1x128xi32, #tpu.memory_space<vmem>> -> memref<128xi32, #tpu.memory_space<vmem>>
        %dma_start3A_38 = arith.constant 0 : i32
        %dma_start3A_39 = arith.constant 0 : i32
        %dma_start3A_40 = tpu.memref_slice %arg2[%dma_start3A_38, %dma_start3A_39] : memref<50176x32xf32, #tpu.memory_space<hbm>> -> memref<50176x32xf32, #tpu.memory_space<hbm>>
        tpu.enqueue_indirect_dma source(%dma_start3A_40 : memref<50176x32xf32, #tpu.memory_space<hbm>>) target(%dma_start3A_34 : memref<128x32xf32, #tpu.memory_space<vmem>>) offsets(%dma_start3A_37 : memref<128xi32, #tpu.memory_space<vmem>>) semaphore(%arg17 : memref<!tpu.dma_semaphore, #tpu.memory_space<semaphore_mem>>)
        %dma_start3A_41 = arith.constant 1 : i32
        %dma_start3A_42 = arith.constant 128 : i32
        %dma_start3A_43 = arith.constant 0 : i32
        %dma_start3A_44 = tpu.memref_slice %arg15[%dma_start3A_42, %dma_start3A_43] : memref<768x32xf32, #tpu.memory_space<vmem>> -> memref<128x32xf32, #tpu.memory_space<vmem>>
        %dma_start3A_45 = arith.constant 0 : i32
        %dma_start3A_46 = tpu.memref_slice %arg14[%dma_start3A_41, %dma_start3A_45] : memref<20x128xi32, #tpu.memory_space<vmem>> -> memref<1x128xi32, #tpu.memory_space<vmem>>
        %dma_start3A_47 = tpu.memref_squeeze %dma_start3A_46 : memref<1x128xi32, #tpu.memory_space<vmem>> -> memref<128xi32, #tpu.memory_space<vmem>>
        %dma_start3A_48 = arith.constant 0 : i32
        %dma_start3A_49 = arith.constant 0 : i32
        %dma_start3A_50 = tpu.memref_slice %arg2[%dma_start3A_48, %dma_start3A_49] : memref<50176x32xf32, #tpu.memory_space<hbm>> -> memref<50176x32xf32, #tpu.memory_space<hbm>>
        tpu.enqueue_indirect_dma source(%dma_start3A_50 : memref<50176x32xf32, #tpu.memory_space<hbm>>) target(%dma_start3A_44 : memref<128x32xf32, #tpu.memory_space<vmem>>) offsets(%dma_start3A_47 : memref<128xi32, #tpu.memory_space<vmem>>) semaphore(%arg17 : memref<!tpu.dma_semaphore, #tpu.memory_space<semaphore_mem>>)
        %dma_start3A_51 = arith.constant 2 : i32
        %dma_start3A_52 = arith.constant 256 : i32
        %dma_start3A_53 = arith.constant 0 : i32
        %dma_start3A_54 = tpu.memref_slice %arg15[%dma_start3A_52, %dma_start3A_53] : memref<768x32xf32, #tpu.memory_space<vmem>> -> memref<128x32xf32, #tpu.memory_space<vmem>>
        %dma_start3A_55 = arith.constant 0 : i32
        %dma_start3A_56 = tpu.memref_slice %arg14[%dma_start3A_51, %dma_start3A_55] : memref<20x128xi32, #tpu.memory_space<vmem>> -> memref<1x128xi32, #tpu.memory_space<vmem>>
        %dma_start3A_57 = tpu.memref_squeeze %dma_start3A_56 : memref<1x128xi32, #tpu.memory_space<vmem>> -> memref<128xi32, #tpu.memory_space<vmem>>
        %dma_start3A_58 = arith.constant 0 : i32
        %dma_start3A_59 = arith.constant 0 : i32
        %dma_start3A_60 = tpu.memref_slice %arg2[%dma_start3A_58, %dma_start3A_59] : memref<50176x32xf32, #tpu.memory_space<hbm>> -> memref<50176x32xf32, #tpu.memory_space<hbm>>
        tpu.enqueue_indirect_dma source(%dma_start3A_60 : memref<50176x32xf32, #tpu.memory_space<hbm>>) target(%dma_start3A_54 : memref<128x32xf32, #tpu.memory_space<vmem>>) offsets(%dma_start3A_57 : memref<128xi32, #tpu.memory_space<vmem>>) semaphore(%arg17 : memref<!tpu.dma_semaphore, #tpu.memory_space<semaphore_mem>>)
        %dma_start3A_61 = arith.constant 3 : i32
        %dma_start3A_62 = arith.constant 384 : i32
        %dma_start3A_63 = arith.constant 0 : i32
        %dma_start3A_64 = tpu.memref_slice %arg15[%dma_start3A_62, %dma_start3A_63] : memref<768x32xf32, #tpu.memory_space<vmem>> -> memref<128x32xf32, #tpu.memory_space<vmem>>
        %dma_start3A_65 = arith.constant 0 : i32
        %dma_start3A_66 = tpu.memref_slice %arg14[%dma_start3A_61, %dma_start3A_65] : memref<20x128xi32, #tpu.memory_space<vmem>> -> memref<1x128xi32, #tpu.memory_space<vmem>>
        %dma_start3A_67 = tpu.memref_squeeze %dma_start3A_66 : memref<1x128xi32, #tpu.memory_space<vmem>> -> memref<128xi32, #tpu.memory_space<vmem>>
        %dma_start3A_68 = arith.constant 0 : i32
        %dma_start3A_69 = arith.constant 0 : i32
        %dma_start3A_70 = tpu.memref_slice %arg2[%dma_start3A_68, %dma_start3A_69] : memref<50176x32xf32, #tpu.memory_space<hbm>> -> memref<50176x32xf32, #tpu.memory_space<hbm>>
        tpu.enqueue_indirect_dma source(%dma_start3A_70 : memref<50176x32xf32, #tpu.memory_space<hbm>>) target(%dma_start3A_64 : memref<128x32xf32, #tpu.memory_space<vmem>>) offsets(%dma_start3A_67 : memref<128xi32, #tpu.memory_space<vmem>>) semaphore(%arg17 : memref<!tpu.dma_semaphore, #tpu.memory_space<semaphore_mem>>)
        %scan3A_71 = arith.constant 0 : i32
        %scan3A_72 = arith.constant 0 : i32
        %scan3A_73 = arith.constant 20 : i32
        %scan3A_74 = arith.addi %scan3A_72, %scan3A_73 : i32
        %scan3A_75 = arith.constant 1 : i32
        %scan3A_76 = scf.for %scan3A_102 = %scan3A_72 to %scan3A_74 step %scan3A_75 iter_args(%scan3A_103 = %scan3A_71) -> (i32)  : i32 {
          %ge3A = arith.constant 2 : i32
          %ge3A_104 = arith.cmpi sge, %scan3A_102, %ge3A : i32
          %convert_element_type3A_105 = arith.extui %ge3A_104 : i1 to i32
          %cond3A_106 = arith.constant 0 : i32
          %cond3A_107 = arith.cmpi ne, %convert_element_type3A_105, %cond3A_106 : i32
          scf.if %cond3A_107 {
            %dma_wait3A_146 = arith.constant 0 : i32
            %dma_wait3A_147 = arith.constant 0 : i32
            %dma_wait3A_148 = tpu.memref_slice %arg15[%dma_wait3A_146, %dma_wait3A_147] : memref<768x32xf32, #tpu.memory_space<vmem>> -> memref<128x32xf32, #tpu.memory_space<vmem>>
            %dma_wait3A_149 = arith.constant 0 : i32
            %dma_wait3A_150 = arith.constant 0 : i32
            %dma_wait3A_151 = tpu.memref_slice %arg16[%dma_wait3A_149, %dma_wait3A_150] : memref<50176x32xf32, #tpu.memory_space<vmem_shared>> -> memref<128x32xf32, #tpu.memory_space<vmem_shared>>
            %dma_wait3A_152 = arith.constant 0 : i32
            %dma_wait3A_153 = arith.constant 0 : i32
            %dma_wait3A_154 = tpu.memref_slice %arg16[%dma_wait3A_152, %dma_wait3A_153] : memref<50176x32xf32, #tpu.memory_space<vmem_shared>> -> memref<128x32xf32, #tpu.memory_space<vmem_shared>>
            %dma_wait3A_155 = arith.constant 0 : i32
            %dma_wait3A_156 = arith.constant 0 : i32
            %dma_wait3A_157 = tpu.memref_slice %arg15[%dma_wait3A_155, %dma_wait3A_156] : memref<768x32xf32, #tpu.memory_space<vmem>> -> memref<128x32xf32, #tpu.memory_space<vmem>>
            tpu.wait_dma2 semaphore(%arg18 : memref<!tpu.dma_semaphore, #tpu.memory_space<semaphore_mem>>) src(%dma_wait3A_157 : memref<128x32xf32, #tpu.memory_space<vmem>>) dst(%dma_wait3A_154 : memref<128x32xf32, #tpu.memory_space<vmem_shared>>)
          } else {
          }
          %lt3A = arith.constant 16 : i32
          %lt3A_108 = arith.cmpi slt, %scan3A_102, %lt3A : i32
          %convert_element_type3A_109 = arith.extui %lt3A_108 : i1 to i32
          %cond3A_110 = arith.constant 0 : i32
          %cond3A_111 = arith.cmpi ne, %convert_element_type3A_109, %cond3A_110 : i32
          scf.if %cond3A_111 {
            %add3A_146 = arith.constant 4 : i32
            %add3A_147 = arith.addi %scan3A_102, %add3A_146 : i32
            %jit3A_148 = arith.constant 6 : i32
            %eq3A_149 = arith.constant 0 : i32
            %eq3A_150 = arith.cmpi eq, %jit3A_148, %eq3A_149 : i32
            %jit3A_151 = arith.constant 1 : i32
            %select_n3A_152 = arith.select %eq3A_150, %jit3A_151, %jit3A_148 : i32
            %rem3A_153 = arith.remsi %add3A_147, %select_n3A_152 : i32
            %ne3A_154 = arith.constant 0 : i32
            %ne3A_155 = arith.cmpi ne, %rem3A_153, %ne3A_154 : i32
            %lt3A_156 = arith.constant 0 : i32
            %lt3A_157 = arith.cmpi slt, %rem3A_153, %lt3A_156 : i32
            %lt3A_158 = arith.constant 0 : i32
            %lt3A_159 = arith.cmpi slt, %select_n3A_152, %lt3A_158 : i32
            %ne3A_160 = arith.xori %lt3A_157, %lt3A_159 : i1
            %and3A_161 = arith.andi %ne3A_160, %ne3A_155 : i1
            %add3A_162 = arith.addi %rem3A_153, %select_n3A_152 : i32
            %select_n3A_163 = arith.select %and3A_161, %add3A_162, %rem3A_153 : i32
            %mul3A_164 = arith.constant 128 : i32
            %mul3A_165 = arith.muli %select_n3A_163, %mul3A_164 : i32
            %add3A_166 = arith.constant 4 : i32
            %add3A_167 = arith.addi %scan3A_102, %add3A_166 : i32
            %dma_start3A_168 = arith.constant 0 : i32
            %dma_start3A_169 = tpu.memref_slice %arg15[%mul3A_165, %dma_start3A_168] : memref<768x32xf32, #tpu.memory_space<vmem>> -> memref<128x32xf32, #tpu.memory_space<vmem>>
            %dma_start3A_170 = arith.constant 0 : i32
            %dma_start3A_171 = tpu.memref_slice %arg14[%add3A_167, %dma_start3A_170] : memref<20x128xi32, #tpu.memory_space<vmem>> -> memref<1x128xi32, #tpu.memory_space<vmem>>
            %dma_start3A_172 = tpu.memref_squeeze %dma_start3A_171 : memref<1x128xi32, #tpu.memory_space<vmem>> -> memref<128xi32, #tpu.memory_space<vmem>>
            %dma_start3A_173 = arith.constant 0 : i32
            %dma_start3A_174 = arith.constant 0 : i32
            %dma_start3A_175 = tpu.memref_slice %arg2[%dma_start3A_173, %dma_start3A_174] : memref<50176x32xf32, #tpu.memory_space<hbm>> -> memref<50176x32xf32, #tpu.memory_space<hbm>>
            tpu.enqueue_indirect_dma source(%dma_start3A_175 : memref<50176x32xf32, #tpu.memory_space<hbm>>) target(%dma_start3A_169 : memref<128x32xf32, #tpu.memory_space<vmem>>) offsets(%dma_start3A_172 : memref<128xi32, #tpu.memory_space<vmem>>) semaphore(%arg17 : memref<!tpu.dma_semaphore, #tpu.memory_space<semaphore_mem>>)
          } else {
          }
          %dma_wait3A_112 = arith.constant 0 : i32
          %dma_wait3A_113 = arith.constant 0 : i32
          %dma_wait3A_114 = tpu.memref_slice %arg15[%dma_wait3A_112, %dma_wait3A_113] : memref<768x32xf32, #tpu.memory_space<vmem>> -> memref<128x32xf32, #tpu.memory_space<vmem>>
          %dma_wait3A_115 = arith.constant 0 : i32
          %dma_wait3A_116 = arith.constant 0 : i32
          %dma_wait3A_117 = tpu.memref_slice %arg8[%dma_wait3A_115, %dma_wait3A_116] : memref<3136x32xf32, #tpu.memory_space<hbm>> -> memref<128x32xf32, #tpu.memory_space<hbm>>
          %dma_wait3A_118 = arith.constant 0 : i32
          %dma_wait3A_119 = arith.constant 0 : i32
          %dma_wait3A_120 = tpu.memref_slice %arg15[%dma_wait3A_118, %dma_wait3A_119] : memref<768x32xf32, #tpu.memory_space<vmem>> -> memref<128x32xf32, #tpu.memory_space<vmem>>
          %dma_wait3A_121 = arith.constant 0 : i32
          %dma_wait3A_122 = arith.constant 0 : i32
          %dma_wait3A_123 = tpu.memref_slice %arg8[%dma_wait3A_121, %dma_wait3A_122] : memref<3136x32xf32, #tpu.memory_space<hbm>> -> memref<128x32xf32, #tpu.memory_space<hbm>>
          tpu.wait_dma2 semaphore(%arg17 : memref<!tpu.dma_semaphore, #tpu.memory_space<semaphore_mem>>) src(%dma_wait3A_123 : memref<128x32xf32, #tpu.memory_space<hbm>>) dst(%dma_wait3A_120 : memref<128x32xf32, #tpu.memory_space<vmem>>)
          %jit3A = arith.constant 6 : i32
          %eq3A_124 = arith.constant 0 : i32
          %eq3A_125 = arith.cmpi eq, %jit3A, %eq3A_124 : i32
          %jit3A_126 = arith.constant 1 : i32
          %select_n3A = arith.select %eq3A_125, %jit3A_126, %jit3A : i32
          %rem3A = arith.remsi %scan3A_102, %select_n3A : i32
          %ne3A = arith.constant 0 : i32
          %ne3A_127 = arith.cmpi ne, %rem3A, %ne3A : i32
          %lt3A_128 = arith.constant 0 : i32
          %lt3A_129 = arith.cmpi slt, %rem3A, %lt3A_128 : i32
          %lt3A_130 = arith.constant 0 : i32
          %lt3A_131 = arith.cmpi slt, %select_n3A, %lt3A_130 : i32
          %ne3A_132 = arith.xori %lt3A_129, %lt3A_131 : i1
          %and3A = arith.andi %ne3A_132, %ne3A_127 : i1
          %add3A_133 = arith.addi %rem3A, %select_n3A : i32
          %select_n3A_134 = arith.select %and3A, %add3A_133, %rem3A : i32
          %mul3A_135 = arith.constant 128 : i32
          %mul3A_136 = arith.muli %select_n3A_134, %mul3A_135 : i32
          %dma_start3A_137 = arith.constant 0 : i32
          %dma_start3A_138 = tpu.memref_slice %arg15[%mul3A_136, %dma_start3A_137] : memref<768x32xf32, #tpu.memory_space<vmem>> -> memref<128x32xf32, #tpu.memory_space<vmem>>
          %dma_start3A_139 = arith.constant 0 : i32
          %dma_start3A_140 = tpu.memref_slice %arg13[%scan3A_102, %dma_start3A_139] : memref<20x128xi32, #tpu.memory_space<vmem>> -> memref<1x128xi32, #tpu.memory_space<vmem>>
          %dma_start3A_141 = tpu.memref_squeeze %dma_start3A_140 : memref<1x128xi32, #tpu.memory_space<vmem>> -> memref<128xi32, #tpu.memory_space<vmem>>
          %dma_start3A_142 = arith.constant 0 : i32
          %dma_start3A_143 = arith.constant 0 : i32
          %dma_start3A_144 = tpu.memref_slice %arg16[%dma_start3A_142, %dma_start3A_143] : memref<50176x32xf32, #tpu.memory_space<vmem_shared>> -> memref<50176x32xf32, #tpu.memory_space<vmem_shared>>
          tpu.enqueue_indirect_dma source(%dma_start3A_138 : memref<128x32xf32, #tpu.memory_space<vmem>>) target(%dma_start3A_144 : memref<50176x32xf32, #tpu.memory_space<vmem_shared>>) offsets(%dma_start3A_141 : memref<128xi32, #tpu.memory_space<vmem>>) semaphore(%arg18 : memref<!tpu.dma_semaphore, #tpu.memory_space<semaphore_mem>>) {add = true}
          %scan3A_145 = arith.constant 0 : i32
          scf.yield %scan3A_145 : i32
        }
        %scan3A_77 = arith.constant 20 : i32
        %dma_wait3A = arith.constant 0 : i32
        %dma_wait3A_78 = arith.constant 0 : i32
        %dma_wait3A_79 = tpu.memref_slice %arg15[%dma_wait3A, %dma_wait3A_78] : memref<768x32xf32, #tpu.memory_space<vmem>> -> memref<128x32xf32, #tpu.memory_space<vmem>>
        %dma_wait3A_80 = arith.constant 0 : i32
        %dma_wait3A_81 = arith.constant 0 : i32
        %dma_wait3A_82 = tpu.memref_slice %arg16[%dma_wait3A_80, %dma_wait3A_81] : memref<50176x32xf32, #tpu.memory_space<vmem_shared>> -> memref<128x32xf32, #tpu.memory_space<vmem_shared>>
        %dma_wait3A_83 = arith.constant 0 : i32
        %dma_wait3A_84 = arith.constant 0 : i32
        %dma_wait3A_85 = tpu.memref_slice %arg16[%dma_wait3A_83, %dma_wait3A_84] : memref<50176x32xf32, #tpu.memory_space<vmem_shared>> -> memref<128x32xf32, #tpu.memory_space<vmem_shared>>
        %dma_wait3A_86 = arith.constant 0 : i32
        %dma_wait3A_87 = arith.constant 0 : i32
        %dma_wait3A_88 = tpu.memref_slice %arg15[%dma_wait3A_86, %dma_wait3A_87] : memref<768x32xf32, #tpu.memory_space<vmem>> -> memref<128x32xf32, #tpu.memory_space<vmem>>
        tpu.wait_dma2 semaphore(%arg18 : memref<!tpu.dma_semaphore, #tpu.memory_space<semaphore_mem>>) src(%dma_wait3A_88 : memref<128x32xf32, #tpu.memory_space<vmem>>) dst(%dma_wait3A_85 : memref<128x32xf32, #tpu.memory_space<vmem_shared>>)
        %dma_wait3A_89 = arith.constant 0 : i32
        %dma_wait3A_90 = arith.constant 0 : i32
        %dma_wait3A_91 = tpu.memref_slice %arg15[%dma_wait3A_89, %dma_wait3A_90] : memref<768x32xf32, #tpu.memory_space<vmem>> -> memref<128x32xf32, #tpu.memory_space<vmem>>
        %dma_wait3A_92 = arith.constant 0 : i32
        %dma_wait3A_93 = arith.constant 0 : i32
        %dma_wait3A_94 = tpu.memref_slice %arg16[%dma_wait3A_92, %dma_wait3A_93] : memref<50176x32xf32, #tpu.memory_space<vmem_shared>> -> memref<128x32xf32, #tpu.memory_space<vmem_shared>>
        %dma_wait3A_95 = arith.constant 0 : i32
        %dma_wait3A_96 = arith.constant 0 : i32
        %dma_wait3A_97 = tpu.memref_slice %arg16[%dma_wait3A_95, %dma_wait3A_96] : memref<50176x32xf32, #tpu.memory_space<vmem_shared>> -> memref<128x32xf32, #tpu.memory_space<vmem_shared>>
        %dma_wait3A_98 = arith.constant 0 : i32
        %dma_wait3A_99 = arith.constant 0 : i32
        %dma_wait3A_100 = tpu.memref_slice %arg15[%dma_wait3A_98, %dma_wait3A_99] : memref<768x32xf32, #tpu.memory_space<vmem>> -> memref<128x32xf32, #tpu.memory_space<vmem>>
        tpu.wait_dma2 semaphore(%arg18 : memref<!tpu.dma_semaphore, #tpu.memory_space<semaphore_mem>>) src(%dma_wait3A_100 : memref<128x32xf32, #tpu.memory_space<vmem>>) dst(%dma_wait3A_97 : memref<128x32xf32, #tpu.memory_space<vmem_shared>>)
        %scan3A_101 = arith.constant 0 : i32
        scf.yield %scan3A_101 : i32
      }
      %scan3A_23 = arith.constant 20 : i32
      %barrier3A_24 = arith.constant 0 : index
      tpu.barrier barrier_id(%barrier3A_24)
      "tpu.region"() ({
        %run_scoped3A = tpu.sem_alloc : memref<!tpu.dma_semaphore, #tpu.memory_space<semaphore_mem>>
        %dma_start3A = arith.constant 0 : i32
        %dma_start3A_26 = tpu.memref_slice %arg9[%mul3A_0, %dma_start3A] : memref<50176x32xf32, #tpu.memory_space<hbm>> -> memref<3136x32xf32, #tpu.memory_space<hbm>>
        %dma_start3A_27 = arith.constant 0 : i32
        %dma_start3A_28 = tpu.memref_slice %arg16[%mul3A_0, %dma_start3A_27] : memref<50176x32xf32, #tpu.memory_space<vmem_shared>> -> memref<3136x32xf32, #tpu.memory_space<vmem_shared>>
        tpu.enqueue_dma source(%dma_start3A_28 : memref<3136x32xf32, #tpu.memory_space<vmem_shared>>) target(%dma_start3A_26 : memref<3136x32xf32, #tpu.memory_space<hbm>>) target_semaphore(%run_scoped3A : memref<!tpu.dma_semaphore, #tpu.memory_space<semaphore_mem>>)
        %dma_wait3A = arith.constant 0 : i32
        %dma_wait3A_29 = tpu.memref_slice %arg9[%mul3A_0, %dma_wait3A] : memref<50176x32xf32, #tpu.memory_space<hbm>> -> memref<3136x32xf32, #tpu.memory_space<hbm>>
        %dma_wait3A_30 = arith.constant 0 : i32
        %dma_wait3A_31 = tpu.memref_slice %arg16[%mul3A_0, %dma_wait3A_30] : memref<50176x32xf32, #tpu.memory_space<vmem_shared>> -> memref<3136x32xf32, #tpu.memory_space<vmem_shared>>
        tpu.wait_dma2 semaphore(%run_scoped3A : memref<!tpu.dma_semaphore, #tpu.memory_space<semaphore_mem>>) src(%dma_wait3A_31 : memref<3136x32xf32, #tpu.memory_space<vmem_shared>>) dst(%dma_wait3A_29 : memref<3136x32xf32, #tpu.memory_space<hbm>>)
        tpu.yield
      }) : () -> ()
      %barrier3A_25 = arith.constant 0 : index
      tpu.barrier barrier_id(%barrier3A_25)
    } else {
    }
    %eq3A_3 = arith.constant 1 : i32
    %eq3A_4 = arith.cmpi eq, %arg0, %eq3A_3 : i32
    %convert_element_type3A_5 = arith.extui %eq3A_4 : i1 to i32
    %cond3A_6 = arith.constant 0 : i32
    %cond3A_7 = arith.cmpi ne, %convert_element_type3A_5, %cond3A_6 : i32
    scf.if %cond3A_7 {
      "tpu.region"() ({
        %run_scoped3A = tpu.sem_alloc : memref<!tpu.dma_semaphore, #tpu.memory_space<semaphore_mem>>
        %dma_start3A = arith.constant 0 : i32
        %dma_start3A_26 = tpu.memref_slice %arg16[%mul3A_0, %dma_start3A] : memref<50176x32xf32, #tpu.memory_space<vmem_shared>> -> memref<3136x32xf32, #tpu.memory_space<vmem_shared>>
        tpu.enqueue_dma source(%arg8 : memref<3136x32xf32, #tpu.memory_space<hbm>>) target(%dma_start3A_26 : memref<3136x32xf32, #tpu.memory_space<vmem_shared>>) target_semaphore(%run_scoped3A : memref<!tpu.dma_semaphore, #tpu.memory_space<semaphore_mem>>)
        %dma_wait3A = arith.constant 0 : i32
        %dma_wait3A_27 = tpu.memref_slice %arg16[%mul3A_0, %dma_wait3A] : memref<50176x32xf32, #tpu.memory_space<vmem_shared>> -> memref<3136x32xf32, #tpu.memory_space<vmem_shared>>
        tpu.wait_dma2 semaphore(%run_scoped3A : memref<!tpu.dma_semaphore, #tpu.memory_space<semaphore_mem>>) src(%arg8 : memref<3136x32xf32, #tpu.memory_space<hbm>>) dst(%dma_wait3A_27 : memref<3136x32xf32, #tpu.memory_space<vmem_shared>>)
        tpu.yield
      }) : () -> ()
      %barrier3A = arith.constant 0 : index
      tpu.barrier barrier_id(%barrier3A)
      %scan3A = arith.constant 0 : i32
      %scan3A_18 = arith.constant 0 : i32
      %scan3A_19 = arith.constant 20 : i32
      %scan3A_20 = arith.addi %scan3A_18, %scan3A_19 : i32
      %scan3A_21 = arith.constant 1 : i32
      %scan3A_22 = scf.for %scan3A_26 = %scan3A_18 to %scan3A_20 step %scan3A_21 iter_args(%scan3A_27 = %scan3A) -> (i32)  : i32 {
        %mul3A_28 = arith.constant 400 : i32
        %mul3A_29 = arith.muli %arg1, %mul3A_28 : i32
        %mul3A_30 = arith.constant 20 : i32
        %mul3A_31 = arith.muli %scan3A_26, %mul3A_30 : i32
        %add3A = arith.addi %mul3A_29, %mul3A_31 : i32
        "tpu.region"() ({
          %run_scoped3A = tpu.sem_alloc : memref<!tpu.dma_semaphore, #tpu.memory_space<semaphore_mem>>
          %dma_start3A_102 = arith.constant 0 : i32
          %dma_start3A_103 = tpu.memref_slice %arg6[%add3A, %dma_start3A_102] : memref<6400x128xi32, #tpu.memory_space<hbm>> -> memref<20x128xi32, #tpu.memory_space<hbm>>
          %dma_start3A_104 = arith.constant 0 : i32
          %dma_start3A_105 = tpu.memref_slice %arg6[%add3A, %dma_start3A_104] : memref<6400x128xi32, #tpu.memory_space<hbm>> -> memref<20x128xi32, #tpu.memory_space<hbm>>
          tpu.enqueue_dma source(%dma_start3A_105 : memref<20x128xi32, #tpu.memory_space<hbm>>) target(%arg13 : memref<20x128xi32, #tpu.memory_space<vmem>>) target_semaphore(%run_scoped3A : memref<!tpu.dma_semaphore, #tpu.memory_space<semaphore_mem>>)
          %dma_wait3A_106 = arith.constant 0 : i32
          %dma_wait3A_107 = tpu.memref_slice %arg6[%add3A, %dma_wait3A_106] : memref<6400x128xi32, #tpu.memory_space<hbm>> -> memref<20x128xi32, #tpu.memory_space<hbm>>
          %dma_wait3A_108 = arith.constant 0 : i32
          %dma_wait3A_109 = tpu.memref_slice %arg6[%add3A, %dma_wait3A_108] : memref<6400x128xi32, #tpu.memory_space<hbm>> -> memref<20x128xi32, #tpu.memory_space<hbm>>
          tpu.wait_dma2 semaphore(%run_scoped3A : memref<!tpu.dma_semaphore, #tpu.memory_space<semaphore_mem>>) src(%dma_wait3A_109 : memref<20x128xi32, #tpu.memory_space<hbm>>) dst(%arg13 : memref<20x128xi32, #tpu.memory_space<vmem>>)
          tpu.yield
        }) : () -> ()
        "tpu.region"() ({
          %run_scoped3A = tpu.sem_alloc : memref<!tpu.dma_semaphore, #tpu.memory_space<semaphore_mem>>
          %dma_start3A_102 = arith.constant 0 : i32
          %dma_start3A_103 = tpu.memref_slice %arg7[%add3A, %dma_start3A_102] : memref<6400x128xi32, #tpu.memory_space<hbm>> -> memref<20x128xi32, #tpu.memory_space<hbm>>
          %dma_start3A_104 = arith.constant 0 : i32
          %dma_start3A_105 = tpu.memref_slice %arg7[%add3A, %dma_start3A_104] : memref<6400x128xi32, #tpu.memory_space<hbm>> -> memref<20x128xi32, #tpu.memory_space<hbm>>
          tpu.enqueue_dma source(%dma_start3A_105 : memref<20x128xi32, #tpu.memory_space<hbm>>) target(%arg14 : memref<20x128xi32, #tpu.memory_space<vmem>>) target_semaphore(%run_scoped3A : memref<!tpu.dma_semaphore, #tpu.memory_space<semaphore_mem>>)
          %dma_wait3A_106 = arith.constant 0 : i32
          %dma_wait3A_107 = tpu.memref_slice %arg7[%add3A, %dma_wait3A_106] : memref<6400x128xi32, #tpu.memory_space<hbm>> -> memref<20x128xi32, #tpu.memory_space<hbm>>
          %dma_wait3A_108 = arith.constant 0 : i32
          %dma_wait3A_109 = tpu.memref_slice %arg7[%add3A, %dma_wait3A_108] : memref<6400x128xi32, #tpu.memory_space<hbm>> -> memref<20x128xi32, #tpu.memory_space<hbm>>
          tpu.wait_dma2 semaphore(%run_scoped3A : memref<!tpu.dma_semaphore, #tpu.memory_space<semaphore_mem>>) src(%dma_wait3A_109 : memref<20x128xi32, #tpu.memory_space<hbm>>) dst(%arg14 : memref<20x128xi32, #tpu.memory_space<vmem>>)
          tpu.yield
        }) : () -> ()
        %dma_start3A = arith.constant 0 : i32
        %dma_start3A_32 = arith.constant 0 : i32
        %dma_start3A_33 = arith.constant 0 : i32
        %dma_start3A_34 = tpu.memref_slice %arg15[%dma_start3A_32, %dma_start3A_33] : memref<768x32xf32, #tpu.memory_space<vmem>> -> memref<128x32xf32, #tpu.memory_space<vmem>>
        %dma_start3A_35 = arith.constant 0 : i32
        %dma_start3A_36 = tpu.memref_slice %arg14[%dma_start3A, %dma_start3A_35] : memref<20x128xi32, #tpu.memory_space<vmem>> -> memref<1x128xi32, #tpu.memory_space<vmem>>
        %dma_start3A_37 = tpu.memref_squeeze %dma_start3A_36 : memref<1x128xi32, #tpu.memory_space<vmem>> -> memref<128xi32, #tpu.memory_space<vmem>>
        %dma_start3A_38 = arith.constant 0 : i32
        %dma_start3A_39 = arith.constant 0 : i32
        %dma_start3A_40 = tpu.memref_slice %arg3[%dma_start3A_38, %dma_start3A_39] : memref<50176x32xf32, #tpu.memory_space<hbm>> -> memref<50176x32xf32, #tpu.memory_space<hbm>>
        tpu.enqueue_indirect_dma source(%dma_start3A_40 : memref<50176x32xf32, #tpu.memory_space<hbm>>) target(%dma_start3A_34 : memref<128x32xf32, #tpu.memory_space<vmem>>) offsets(%dma_start3A_37 : memref<128xi32, #tpu.memory_space<vmem>>) semaphore(%arg17 : memref<!tpu.dma_semaphore, #tpu.memory_space<semaphore_mem>>)
        %dma_start3A_41 = arith.constant 1 : i32
        %dma_start3A_42 = arith.constant 128 : i32
        %dma_start3A_43 = arith.constant 0 : i32
        %dma_start3A_44 = tpu.memref_slice %arg15[%dma_start3A_42, %dma_start3A_43] : memref<768x32xf32, #tpu.memory_space<vmem>> -> memref<128x32xf32, #tpu.memory_space<vmem>>
        %dma_start3A_45 = arith.constant 0 : i32
        %dma_start3A_46 = tpu.memref_slice %arg14[%dma_start3A_41, %dma_start3A_45] : memref<20x128xi32, #tpu.memory_space<vmem>> -> memref<1x128xi32, #tpu.memory_space<vmem>>
        %dma_start3A_47 = tpu.memref_squeeze %dma_start3A_46 : memref<1x128xi32, #tpu.memory_space<vmem>> -> memref<128xi32, #tpu.memory_space<vmem>>
        %dma_start3A_48 = arith.constant 0 : i32
        %dma_start3A_49 = arith.constant 0 : i32
        %dma_start3A_50 = tpu.memref_slice %arg3[%dma_start3A_48, %dma_start3A_49] : memref<50176x32xf32, #tpu.memory_space<hbm>> -> memref<50176x32xf32, #tpu.memory_space<hbm>>
        tpu.enqueue_indirect_dma source(%dma_start3A_50 : memref<50176x32xf32, #tpu.memory_space<hbm>>) target(%dma_start3A_44 : memref<128x32xf32, #tpu.memory_space<vmem>>) offsets(%dma_start3A_47 : memref<128xi32, #tpu.memory_space<vmem>>) semaphore(%arg17 : memref<!tpu.dma_semaphore, #tpu.memory_space<semaphore_mem>>)
        %dma_start3A_51 = arith.constant 2 : i32
        %dma_start3A_52 = arith.constant 256 : i32
        %dma_start3A_53 = arith.constant 0 : i32
        %dma_start3A_54 = tpu.memref_slice %arg15[%dma_start3A_52, %dma_start3A_53] : memref<768x32xf32, #tpu.memory_space<vmem>> -> memref<128x32xf32, #tpu.memory_space<vmem>>
        %dma_start3A_55 = arith.constant 0 : i32
        %dma_start3A_56 = tpu.memref_slice %arg14[%dma_start3A_51, %dma_start3A_55] : memref<20x128xi32, #tpu.memory_space<vmem>> -> memref<1x128xi32, #tpu.memory_space<vmem>>
        %dma_start3A_57 = tpu.memref_squeeze %dma_start3A_56 : memref<1x128xi32, #tpu.memory_space<vmem>> -> memref<128xi32, #tpu.memory_space<vmem>>
        %dma_start3A_58 = arith.constant 0 : i32
        %dma_start3A_59 = arith.constant 0 : i32
        %dma_start3A_60 = tpu.memref_slice %arg3[%dma_start3A_58, %dma_start3A_59] : memref<50176x32xf32, #tpu.memory_space<hbm>> -> memref<50176x32xf32, #tpu.memory_space<hbm>>
        tpu.enqueue_indirect_dma source(%dma_start3A_60 : memref<50176x32xf32, #tpu.memory_space<hbm>>) target(%dma_start3A_54 : memref<128x32xf32, #tpu.memory_space<vmem>>) offsets(%dma_start3A_57 : memref<128xi32, #tpu.memory_space<vmem>>) semaphore(%arg17 : memref<!tpu.dma_semaphore, #tpu.memory_space<semaphore_mem>>)
        %dma_start3A_61 = arith.constant 3 : i32
        %dma_start3A_62 = arith.constant 384 : i32
        %dma_start3A_63 = arith.constant 0 : i32
        %dma_start3A_64 = tpu.memref_slice %arg15[%dma_start3A_62, %dma_start3A_63] : memref<768x32xf32, #tpu.memory_space<vmem>> -> memref<128x32xf32, #tpu.memory_space<vmem>>
        %dma_start3A_65 = arith.constant 0 : i32
        %dma_start3A_66 = tpu.memref_slice %arg14[%dma_start3A_61, %dma_start3A_65] : memref<20x128xi32, #tpu.memory_space<vmem>> -> memref<1x128xi32, #tpu.memory_space<vmem>>
        %dma_start3A_67 = tpu.memref_squeeze %dma_start3A_66 : memref<1x128xi32, #tpu.memory_space<vmem>> -> memref<128xi32, #tpu.memory_space<vmem>>
        %dma_start3A_68 = arith.constant 0 : i32
        %dma_start3A_69 = arith.constant 0 : i32
        %dma_start3A_70 = tpu.memref_slice %arg3[%dma_start3A_68, %dma_start3A_69] : memref<50176x32xf32, #tpu.memory_space<hbm>> -> memref<50176x32xf32, #tpu.memory_space<hbm>>
        tpu.enqueue_indirect_dma source(%dma_start3A_70 : memref<50176x32xf32, #tpu.memory_space<hbm>>) target(%dma_start3A_64 : memref<128x32xf32, #tpu.memory_space<vmem>>) offsets(%dma_start3A_67 : memref<128xi32, #tpu.memory_space<vmem>>) semaphore(%arg17 : memref<!tpu.dma_semaphore, #tpu.memory_space<semaphore_mem>>)
        %scan3A_71 = arith.constant 0 : i32
        %scan3A_72 = arith.constant 0 : i32
        %scan3A_73 = arith.constant 20 : i32
        %scan3A_74 = arith.addi %scan3A_72, %scan3A_73 : i32
        %scan3A_75 = arith.constant 1 : i32
        %scan3A_76 = scf.for %scan3A_102 = %scan3A_72 to %scan3A_74 step %scan3A_75 iter_args(%scan3A_103 = %scan3A_71) -> (i32)  : i32 {
          %ge3A = arith.constant 2 : i32
          %ge3A_104 = arith.cmpi sge, %scan3A_102, %ge3A : i32
          %convert_element_type3A_105 = arith.extui %ge3A_104 : i1 to i32
          %cond3A_106 = arith.constant 0 : i32
          %cond3A_107 = arith.cmpi ne, %convert_element_type3A_105, %cond3A_106 : i32
          scf.if %cond3A_107 {
            %dma_wait3A_146 = arith.constant 0 : i32
            %dma_wait3A_147 = arith.constant 0 : i32
            %dma_wait3A_148 = tpu.memref_slice %arg15[%dma_wait3A_146, %dma_wait3A_147] : memref<768x32xf32, #tpu.memory_space<vmem>> -> memref<128x32xf32, #tpu.memory_space<vmem>>
            %dma_wait3A_149 = arith.constant 0 : i32
            %dma_wait3A_150 = arith.constant 0 : i32
            %dma_wait3A_151 = tpu.memref_slice %arg16[%dma_wait3A_149, %dma_wait3A_150] : memref<50176x32xf32, #tpu.memory_space<vmem_shared>> -> memref<128x32xf32, #tpu.memory_space<vmem_shared>>
            %dma_wait3A_152 = arith.constant 0 : i32
            %dma_wait3A_153 = arith.constant 0 : i32
            %dma_wait3A_154 = tpu.memref_slice %arg16[%dma_wait3A_152, %dma_wait3A_153] : memref<50176x32xf32, #tpu.memory_space<vmem_shared>> -> memref<128x32xf32, #tpu.memory_space<vmem_shared>>
            %dma_wait3A_155 = arith.constant 0 : i32
            %dma_wait3A_156 = arith.constant 0 : i32
            %dma_wait3A_157 = tpu.memref_slice %arg15[%dma_wait3A_155, %dma_wait3A_156] : memref<768x32xf32, #tpu.memory_space<vmem>> -> memref<128x32xf32, #tpu.memory_space<vmem>>
            tpu.wait_dma2 semaphore(%arg18 : memref<!tpu.dma_semaphore, #tpu.memory_space<semaphore_mem>>) src(%dma_wait3A_157 : memref<128x32xf32, #tpu.memory_space<vmem>>) dst(%dma_wait3A_154 : memref<128x32xf32, #tpu.memory_space<vmem_shared>>)
          } else {
          }
          %lt3A = arith.constant 16 : i32
          %lt3A_108 = arith.cmpi slt, %scan3A_102, %lt3A : i32
          %convert_element_type3A_109 = arith.extui %lt3A_108 : i1 to i32
          %cond3A_110 = arith.constant 0 : i32
          %cond3A_111 = arith.cmpi ne, %convert_element_type3A_109, %cond3A_110 : i32
          scf.if %cond3A_111 {
            %add3A_146 = arith.constant 4 : i32
            %add3A_147 = arith.addi %scan3A_102, %add3A_146 : i32
            %jit3A_148 = arith.constant 6 : i32
            %eq3A_149 = arith.constant 0 : i32
            %eq3A_150 = arith.cmpi eq, %jit3A_148, %eq3A_149 : i32
            %jit3A_151 = arith.constant 1 : i32
            %select_n3A_152 = arith.select %eq3A_150, %jit3A_151, %jit3A_148 : i32
            %rem3A_153 = arith.remsi %add3A_147, %select_n3A_152 : i32
            %ne3A_154 = arith.constant 0 : i32
            %ne3A_155 = arith.cmpi ne, %rem3A_153, %ne3A_154 : i32
            %lt3A_156 = arith.constant 0 : i32
            %lt3A_157 = arith.cmpi slt, %rem3A_153, %lt3A_156 : i32
            %lt3A_158 = arith.constant 0 : i32
            %lt3A_159 = arith.cmpi slt, %select_n3A_152, %lt3A_158 : i32
            %ne3A_160 = arith.xori %lt3A_157, %lt3A_159 : i1
            %and3A_161 = arith.andi %ne3A_160, %ne3A_155 : i1
            %add3A_162 = arith.addi %rem3A_153, %select_n3A_152 : i32
            %select_n3A_163 = arith.select %and3A_161, %add3A_162, %rem3A_153 : i32
            %mul3A_164 = arith.constant 128 : i32
            %mul3A_165 = arith.muli %select_n3A_163, %mul3A_164 : i32
            %add3A_166 = arith.constant 4 : i32
            %add3A_167 = arith.addi %scan3A_102, %add3A_166 : i32
            %dma_start3A_168 = arith.constant 0 : i32
            %dma_start3A_169 = tpu.memref_slice %arg15[%mul3A_165, %dma_start3A_168] : memref<768x32xf32, #tpu.memory_space<vmem>> -> memref<128x32xf32, #tpu.memory_space<vmem>>
            %dma_start3A_170 = arith.constant 0 : i32
            %dma_start3A_171 = tpu.memref_slice %arg14[%add3A_167, %dma_start3A_170] : memref<20x128xi32, #tpu.memory_space<vmem>> -> memref<1x128xi32, #tpu.memory_space<vmem>>
            %dma_start3A_172 = tpu.memref_squeeze %dma_start3A_171 : memref<1x128xi32, #tpu.memory_space<vmem>> -> memref<128xi32, #tpu.memory_space<vmem>>
            %dma_start3A_173 = arith.constant 0 : i32
            %dma_start3A_174 = arith.constant 0 : i32
            %dma_start3A_175 = tpu.memref_slice %arg3[%dma_start3A_173, %dma_start3A_174] : memref<50176x32xf32, #tpu.memory_space<hbm>> -> memref<50176x32xf32, #tpu.memory_space<hbm>>
            tpu.enqueue_indirect_dma source(%dma_start3A_175 : memref<50176x32xf32, #tpu.memory_space<hbm>>) target(%dma_start3A_169 : memref<128x32xf32, #tpu.memory_space<vmem>>) offsets(%dma_start3A_172 : memref<128xi32, #tpu.memory_space<vmem>>) semaphore(%arg17 : memref<!tpu.dma_semaphore, #tpu.memory_space<semaphore_mem>>)
          } else {
          }
          %dma_wait3A_112 = arith.constant 0 : i32
          %dma_wait3A_113 = arith.constant 0 : i32
          %dma_wait3A_114 = tpu.memref_slice %arg15[%dma_wait3A_112, %dma_wait3A_113] : memref<768x32xf32, #tpu.memory_space<vmem>> -> memref<128x32xf32, #tpu.memory_space<vmem>>
          %dma_wait3A_115 = arith.constant 0 : i32
          %dma_wait3A_116 = arith.constant 0 : i32
          %dma_wait3A_117 = tpu.memref_slice %arg8[%dma_wait3A_115, %dma_wait3A_116] : memref<3136x32xf32, #tpu.memory_space<hbm>> -> memref<128x32xf32, #tpu.memory_space<hbm>>
          %dma_wait3A_118 = arith.constant 0 : i32
          %dma_wait3A_119 = arith.constant 0 : i32
          %dma_wait3A_120 = tpu.memref_slice %arg15[%dma_wait3A_118, %dma_wait3A_119] : memref<768x32xf32, #tpu.memory_space<vmem>> -> memref<128x32xf32, #tpu.memory_space<vmem>>
          %dma_wait3A_121 = arith.constant 0 : i32
          %dma_wait3A_122 = arith.constant 0 : i32
          %dma_wait3A_123 = tpu.memref_slice %arg8[%dma_wait3A_121, %dma_wait3A_122] : memref<3136x32xf32, #tpu.memory_space<hbm>> -> memref<128x32xf32, #tpu.memory_space<hbm>>
          tpu.wait_dma2 semaphore(%arg17 : memref<!tpu.dma_semaphore, #tpu.memory_space<semaphore_mem>>) src(%dma_wait3A_123 : memref<128x32xf32, #tpu.memory_space<hbm>>) dst(%dma_wait3A_120 : memref<128x32xf32, #tpu.memory_space<vmem>>)
          %jit3A = arith.constant 6 : i32
          %eq3A_124 = arith.constant 0 : i32
          %eq3A_125 = arith.cmpi eq, %jit3A, %eq3A_124 : i32
          %jit3A_126 = arith.constant 1 : i32
          %select_n3A = arith.select %eq3A_125, %jit3A_126, %jit3A : i32
          %rem3A = arith.remsi %scan3A_102, %select_n3A : i32
          %ne3A = arith.constant 0 : i32
          %ne3A_127 = arith.cmpi ne, %rem3A, %ne3A : i32
          %lt3A_128 = arith.constant 0 : i32
          %lt3A_129 = arith.cmpi slt, %rem3A, %lt3A_128 : i32
          %lt3A_130 = arith.constant 0 : i32
          %lt3A_131 = arith.cmpi slt, %select_n3A, %lt3A_130 : i32
          %ne3A_132 = arith.xori %lt3A_129, %lt3A_131 : i1
          %and3A = arith.andi %ne3A_132, %ne3A_127 : i1
          %add3A_133 = arith.addi %rem3A, %select_n3A : i32
          %select_n3A_134 = arith.select %and3A, %add3A_133, %rem3A : i32
          %mul3A_135 = arith.constant 128 : i32
          %mul3A_136 = arith.muli %select_n3A_134, %mul3A_135 : i32
          %dma_start3A_137 = arith.constant 0 : i32
          %dma_start3A_138 = tpu.memref_slice %arg15[%mul3A_136, %dma_start3A_137] : memref<768x32xf32, #tpu.memory_space<vmem>> -> memref<128x32xf32, #tpu.memory_space<vmem>>
          %dma_start3A_139 = arith.constant 0 : i32
          %dma_start3A_140 = tpu.memref_slice %arg13[%scan3A_102, %dma_start3A_139] : memref<20x128xi32, #tpu.memory_space<vmem>> -> memref<1x128xi32, #tpu.memory_space<vmem>>
          %dma_start3A_141 = tpu.memref_squeeze %dma_start3A_140 : memref<1x128xi32, #tpu.memory_space<vmem>> -> memref<128xi32, #tpu.memory_space<vmem>>
          %dma_start3A_142 = arith.constant 0 : i32
          %dma_start3A_143 = arith.constant 0 : i32
          %dma_start3A_144 = tpu.memref_slice %arg16[%dma_start3A_142, %dma_start3A_143] : memref<50176x32xf32, #tpu.memory_space<vmem_shared>> -> memref<50176x32xf32, #tpu.memory_space<vmem_shared>>
          tpu.enqueue_indirect_dma source(%dma_start3A_138 : memref<128x32xf32, #tpu.memory_space<vmem>>) target(%dma_start3A_144 : memref<50176x32xf32, #tpu.memory_space<vmem_shared>>) offsets(%dma_start3A_141 : memref<128xi32, #tpu.memory_space<vmem>>) semaphore(%arg18 : memref<!tpu.dma_semaphore, #tpu.memory_space<semaphore_mem>>) {add = true}
          %scan3A_145 = arith.constant 0 : i32
          scf.yield %scan3A_145 : i32
        }
        %scan3A_77 = arith.constant 20 : i32
        %dma_wait3A = arith.constant 0 : i32
        %dma_wait3A_78 = arith.constant 0 : i32
        %dma_wait3A_79 = tpu.memref_slice %arg15[%dma_wait3A, %dma_wait3A_78] : memref<768x32xf32, #tpu.memory_space<vmem>> -> memref<128x32xf32, #tpu.memory_space<vmem>>
        %dma_wait3A_80 = arith.constant 0 : i32
        %dma_wait3A_81 = arith.constant 0 : i32
        %dma_wait3A_82 = tpu.memref_slice %arg16[%dma_wait3A_80, %dma_wait3A_81] : memref<50176x32xf32, #tpu.memory_space<vmem_shared>> -> memref<128x32xf32, #tpu.memory_space<vmem_shared>>
        %dma_wait3A_83 = arith.constant 0 : i32
        %dma_wait3A_84 = arith.constant 0 : i32
        %dma_wait3A_85 = tpu.memref_slice %arg16[%dma_wait3A_83, %dma_wait3A_84] : memref<50176x32xf32, #tpu.memory_space<vmem_shared>> -> memref<128x32xf32, #tpu.memory_space<vmem_shared>>
        %dma_wait3A_86 = arith.constant 0 : i32
        %dma_wait3A_87 = arith.constant 0 : i32
        %dma_wait3A_88 = tpu.memref_slice %arg15[%dma_wait3A_86, %dma_wait3A_87] : memref<768x32xf32, #tpu.memory_space<vmem>> -> memref<128x32xf32, #tpu.memory_space<vmem>>
        tpu.wait_dma2 semaphore(%arg18 : memref<!tpu.dma_semaphore, #tpu.memory_space<semaphore_mem>>) src(%dma_wait3A_88 : memref<128x32xf32, #tpu.memory_space<vmem>>) dst(%dma_wait3A_85 : memref<128x32xf32, #tpu.memory_space<vmem_shared>>)
        %dma_wait3A_89 = arith.constant 0 : i32
        %dma_wait3A_90 = arith.constant 0 : i32
        %dma_wait3A_91 = tpu.memref_slice %arg15[%dma_wait3A_89, %dma_wait3A_90] : memref<768x32xf32, #tpu.memory_space<vmem>> -> memref<128x32xf32, #tpu.memory_space<vmem>>
        %dma_wait3A_92 = arith.constant 0 : i32
        %dma_wait3A_93 = arith.constant 0 : i32
        %dma_wait3A_94 = tpu.memref_slice %arg16[%dma_wait3A_92, %dma_wait3A_93] : memref<50176x32xf32, #tpu.memory_space<vmem_shared>> -> memref<128x32xf32, #tpu.memory_space<vmem_shared>>
        %dma_wait3A_95 = arith.constant 0 : i32
        %dma_wait3A_96 = arith.constant 0 : i32
        %dma_wait3A_97 = tpu.memref_slice %arg16[%dma_wait3A_95, %dma_wait3A_96] : memref<50176x32xf32, #tpu.memory_space<vmem_shared>> -> memref<128x32xf32, #tpu.memory_space<vmem_shared>>
        %dma_wait3A_98 = arith.constant 0 : i32
        %dma_wait3A_99 = arith.constant 0 : i32
        %dma_wait3A_100 = tpu.memref_slice %arg15[%dma_wait3A_98, %dma_wait3A_99] : memref<768x32xf32, #tpu.memory_space<vmem>> -> memref<128x32xf32, #tpu.memory_space<vmem>>
        tpu.wait_dma2 semaphore(%arg18 : memref<!tpu.dma_semaphore, #tpu.memory_space<semaphore_mem>>) src(%dma_wait3A_100 : memref<128x32xf32, #tpu.memory_space<vmem>>) dst(%dma_wait3A_97 : memref<128x32xf32, #tpu.memory_space<vmem_shared>>)
        %scan3A_101 = arith.constant 0 : i32
        scf.yield %scan3A_101 : i32
      }
      %scan3A_23 = arith.constant 20 : i32
      %barrier3A_24 = arith.constant 0 : index
      tpu.barrier barrier_id(%barrier3A_24)
      "tpu.region"() ({
        %run_scoped3A = tpu.sem_alloc : memref<!tpu.dma_semaphore, #tpu.memory_space<semaphore_mem>>
        %dma_start3A = arith.constant 0 : i32
        %dma_start3A_26 = tpu.memref_slice %arg10[%mul3A_0, %dma_start3A] : memref<50176x32xf32, #tpu.memory_space<hbm>> -> memref<3136x32xf32, #tpu.memory_space<hbm>>
        %dma_start3A_27 = arith.constant 0 : i32
        %dma_start3A_28 = tpu.memref_slice %arg16[%mul3A_0, %dma_start3A_27] : memref<50176x32xf32, #tpu.memory_space<vmem_shared>> -> memref<3136x32xf32, #tpu.memory_space<vmem_shared>>
        tpu.enqueue_dma source(%dma_start3A_28 : memref<3136x32xf32, #tpu.memory_space<vmem_shared>>) target(%dma_start3A_26 : memref<3136x32xf32, #tpu.memory_space<hbm>>) target_semaphore(%run_scoped3A : memref<!tpu.dma_semaphore, #tpu.memory_space<semaphore_mem>>)
        %dma_wait3A = arith.constant 0 : i32
        %dma_wait3A_29 = tpu.memref_slice %arg10[%mul3A_0, %dma_wait3A] : memref<50176x32xf32, #tpu.memory_space<hbm>> -> memref<3136x32xf32, #tpu.memory_space<hbm>>
        %dma_wait3A_30 = arith.constant 0 : i32
        %dma_wait3A_31 = tpu.memref_slice %arg16[%mul3A_0, %dma_wait3A_30] : memref<50176x32xf32, #tpu.memory_space<vmem_shared>> -> memref<3136x32xf32, #tpu.memory_space<vmem_shared>>
        tpu.wait_dma2 semaphore(%run_scoped3A : memref<!tpu.dma_semaphore, #tpu.memory_space<semaphore_mem>>) src(%dma_wait3A_31 : memref<3136x32xf32, #tpu.memory_space<vmem_shared>>) dst(%dma_wait3A_29 : memref<3136x32xf32, #tpu.memory_space<hbm>>)
        tpu.yield
      }) : () -> ()
      %barrier3A_25 = arith.constant 0 : index
      tpu.barrier barrier_id(%barrier3A_25)
    } else {
    }
    %eq3A_8 = arith.constant 0 : i32
    %eq3A_9 = arith.cmpi eq, %arg0, %eq3A_8 : i32
    %convert_element_type3A_10 = arith.extui %eq3A_9 : i1 to i32
    %cond3A_11 = arith.constant 0 : i32
    %cond3A_12 = arith.cmpi ne, %convert_element_type3A_10, %cond3A_11 : i32
    scf.if %cond3A_12 {
      "tpu.region"() ({
        %run_scoped3A = tpu.sem_alloc : memref<!tpu.dma_semaphore, #tpu.memory_space<semaphore_mem>>
        %dma_start3A = arith.constant 0 : i32
        %dma_start3A_26 = tpu.memref_slice %arg16[%mul3A_0, %dma_start3A] : memref<50176x32xf32, #tpu.memory_space<vmem_shared>> -> memref<3136x32xf32, #tpu.memory_space<vmem_shared>>
        tpu.enqueue_dma source(%arg8 : memref<3136x32xf32, #tpu.memory_space<hbm>>) target(%dma_start3A_26 : memref<3136x32xf32, #tpu.memory_space<vmem_shared>>) target_semaphore(%run_scoped3A : memref<!tpu.dma_semaphore, #tpu.memory_space<semaphore_mem>>)
        %dma_wait3A = arith.constant 0 : i32
        %dma_wait3A_27 = tpu.memref_slice %arg16[%mul3A_0, %dma_wait3A] : memref<50176x32xf32, #tpu.memory_space<vmem_shared>> -> memref<3136x32xf32, #tpu.memory_space<vmem_shared>>
        tpu.wait_dma2 semaphore(%run_scoped3A : memref<!tpu.dma_semaphore, #tpu.memory_space<semaphore_mem>>) src(%arg8 : memref<3136x32xf32, #tpu.memory_space<hbm>>) dst(%dma_wait3A_27 : memref<3136x32xf32, #tpu.memory_space<vmem_shared>>)
        tpu.yield
      }) : () -> ()
      %barrier3A = arith.constant 0 : index
      tpu.barrier barrier_id(%barrier3A)
      %scan3A = arith.constant 0 : i32
      %scan3A_18 = arith.constant 0 : i32
      %scan3A_19 = arith.constant 20 : i32
      %scan3A_20 = arith.addi %scan3A_18, %scan3A_19 : i32
      %scan3A_21 = arith.constant 1 : i32
      %scan3A_22 = scf.for %scan3A_26 = %scan3A_18 to %scan3A_20 step %scan3A_21 iter_args(%scan3A_27 = %scan3A) -> (i32)  : i32 {
        %mul3A_28 = arith.constant 400 : i32
        %mul3A_29 = arith.muli %arg1, %mul3A_28 : i32
        %mul3A_30 = arith.constant 20 : i32
        %mul3A_31 = arith.muli %scan3A_26, %mul3A_30 : i32
        %add3A = arith.addi %mul3A_29, %mul3A_31 : i32
        "tpu.region"() ({
          %run_scoped3A = tpu.sem_alloc : memref<!tpu.dma_semaphore, #tpu.memory_space<semaphore_mem>>
          %dma_start3A_102 = arith.constant 0 : i32
          %dma_start3A_103 = tpu.memref_slice %arg6[%add3A, %dma_start3A_102] : memref<6400x128xi32, #tpu.memory_space<hbm>> -> memref<20x128xi32, #tpu.memory_space<hbm>>
          %dma_start3A_104 = arith.constant 0 : i32
          %dma_start3A_105 = tpu.memref_slice %arg6[%add3A, %dma_start3A_104] : memref<6400x128xi32, #tpu.memory_space<hbm>> -> memref<20x128xi32, #tpu.memory_space<hbm>>
          tpu.enqueue_dma source(%dma_start3A_105 : memref<20x128xi32, #tpu.memory_space<hbm>>) target(%arg13 : memref<20x128xi32, #tpu.memory_space<vmem>>) target_semaphore(%run_scoped3A : memref<!tpu.dma_semaphore, #tpu.memory_space<semaphore_mem>>)
          %dma_wait3A_106 = arith.constant 0 : i32
          %dma_wait3A_107 = tpu.memref_slice %arg6[%add3A, %dma_wait3A_106] : memref<6400x128xi32, #tpu.memory_space<hbm>> -> memref<20x128xi32, #tpu.memory_space<hbm>>
          %dma_wait3A_108 = arith.constant 0 : i32
          %dma_wait3A_109 = tpu.memref_slice %arg6[%add3A, %dma_wait3A_108] : memref<6400x128xi32, #tpu.memory_space<hbm>> -> memref<20x128xi32, #tpu.memory_space<hbm>>
          tpu.wait_dma2 semaphore(%run_scoped3A : memref<!tpu.dma_semaphore, #tpu.memory_space<semaphore_mem>>) src(%dma_wait3A_109 : memref<20x128xi32, #tpu.memory_space<hbm>>) dst(%arg13 : memref<20x128xi32, #tpu.memory_space<vmem>>)
          tpu.yield
        }) : () -> ()
        "tpu.region"() ({
          %run_scoped3A = tpu.sem_alloc : memref<!tpu.dma_semaphore, #tpu.memory_space<semaphore_mem>>
          %dma_start3A_102 = arith.constant 0 : i32
          %dma_start3A_103 = tpu.memref_slice %arg7[%add3A, %dma_start3A_102] : memref<6400x128xi32, #tpu.memory_space<hbm>> -> memref<20x128xi32, #tpu.memory_space<hbm>>
          %dma_start3A_104 = arith.constant 0 : i32
          %dma_start3A_105 = tpu.memref_slice %arg7[%add3A, %dma_start3A_104] : memref<6400x128xi32, #tpu.memory_space<hbm>> -> memref<20x128xi32, #tpu.memory_space<hbm>>
          tpu.enqueue_dma source(%dma_start3A_105 : memref<20x128xi32, #tpu.memory_space<hbm>>) target(%arg14 : memref<20x128xi32, #tpu.memory_space<vmem>>) target_semaphore(%run_scoped3A : memref<!tpu.dma_semaphore, #tpu.memory_space<semaphore_mem>>)
          %dma_wait3A_106 = arith.constant 0 : i32
          %dma_wait3A_107 = tpu.memref_slice %arg7[%add3A, %dma_wait3A_106] : memref<6400x128xi32, #tpu.memory_space<hbm>> -> memref<20x128xi32, #tpu.memory_space<hbm>>
          %dma_wait3A_108 = arith.constant 0 : i32
          %dma_wait3A_109 = tpu.memref_slice %arg7[%add3A, %dma_wait3A_108] : memref<6400x128xi32, #tpu.memory_space<hbm>> -> memref<20x128xi32, #tpu.memory_space<hbm>>
          tpu.wait_dma2 semaphore(%run_scoped3A : memref<!tpu.dma_semaphore, #tpu.memory_space<semaphore_mem>>) src(%dma_wait3A_109 : memref<20x128xi32, #tpu.memory_space<hbm>>) dst(%arg14 : memref<20x128xi32, #tpu.memory_space<vmem>>)
          tpu.yield
        }) : () -> ()
        %dma_start3A = arith.constant 0 : i32
        %dma_start3A_32 = arith.constant 0 : i32
        %dma_start3A_33 = arith.constant 0 : i32
        %dma_start3A_34 = tpu.memref_slice %arg15[%dma_start3A_32, %dma_start3A_33] : memref<768x32xf32, #tpu.memory_space<vmem>> -> memref<128x32xf32, #tpu.memory_space<vmem>>
        %dma_start3A_35 = arith.constant 0 : i32
        %dma_start3A_36 = tpu.memref_slice %arg14[%dma_start3A, %dma_start3A_35] : memref<20x128xi32, #tpu.memory_space<vmem>> -> memref<1x128xi32, #tpu.memory_space<vmem>>
        %dma_start3A_37 = tpu.memref_squeeze %dma_start3A_36 : memref<1x128xi32, #tpu.memory_space<vmem>> -> memref<128xi32, #tpu.memory_space<vmem>>
        %dma_start3A_38 = arith.constant 0 : i32
        %dma_start3A_39 = arith.constant 0 : i32
        %dma_start3A_40 = tpu.memref_slice %arg4[%dma_start3A_38, %dma_start3A_39] : memref<50176x32xf32, #tpu.memory_space<hbm>> -> memref<50176x32xf32, #tpu.memory_space<hbm>>
        tpu.enqueue_indirect_dma source(%dma_start3A_40 : memref<50176x32xf32, #tpu.memory_space<hbm>>) target(%dma_start3A_34 : memref<128x32xf32, #tpu.memory_space<vmem>>) offsets(%dma_start3A_37 : memref<128xi32, #tpu.memory_space<vmem>>) semaphore(%arg17 : memref<!tpu.dma_semaphore, #tpu.memory_space<semaphore_mem>>)
        %dma_start3A_41 = arith.constant 1 : i32
        %dma_start3A_42 = arith.constant 128 : i32
        %dma_start3A_43 = arith.constant 0 : i32
        %dma_start3A_44 = tpu.memref_slice %arg15[%dma_start3A_42, %dma_start3A_43] : memref<768x32xf32, #tpu.memory_space<vmem>> -> memref<128x32xf32, #tpu.memory_space<vmem>>
        %dma_start3A_45 = arith.constant 0 : i32
        %dma_start3A_46 = tpu.memref_slice %arg14[%dma_start3A_41, %dma_start3A_45] : memref<20x128xi32, #tpu.memory_space<vmem>> -> memref<1x128xi32, #tpu.memory_space<vmem>>
        %dma_start3A_47 = tpu.memref_squeeze %dma_start3A_46 : memref<1x128xi32, #tpu.memory_space<vmem>> -> memref<128xi32, #tpu.memory_space<vmem>>
        %dma_start3A_48 = arith.constant 0 : i32
        %dma_start3A_49 = arith.constant 0 : i32
        %dma_start3A_50 = tpu.memref_slice %arg4[%dma_start3A_48, %dma_start3A_49] : memref<50176x32xf32, #tpu.memory_space<hbm>> -> memref<50176x32xf32, #tpu.memory_space<hbm>>
        tpu.enqueue_indirect_dma source(%dma_start3A_50 : memref<50176x32xf32, #tpu.memory_space<hbm>>) target(%dma_start3A_44 : memref<128x32xf32, #tpu.memory_space<vmem>>) offsets(%dma_start3A_47 : memref<128xi32, #tpu.memory_space<vmem>>) semaphore(%arg17 : memref<!tpu.dma_semaphore, #tpu.memory_space<semaphore_mem>>)
        %dma_start3A_51 = arith.constant 2 : i32
        %dma_start3A_52 = arith.constant 256 : i32
        %dma_start3A_53 = arith.constant 0 : i32
        %dma_start3A_54 = tpu.memref_slice %arg15[%dma_start3A_52, %dma_start3A_53] : memref<768x32xf32, #tpu.memory_space<vmem>> -> memref<128x32xf32, #tpu.memory_space<vmem>>
        %dma_start3A_55 = arith.constant 0 : i32
        %dma_start3A_56 = tpu.memref_slice %arg14[%dma_start3A_51, %dma_start3A_55] : memref<20x128xi32, #tpu.memory_space<vmem>> -> memref<1x128xi32, #tpu.memory_space<vmem>>
        %dma_start3A_57 = tpu.memref_squeeze %dma_start3A_56 : memref<1x128xi32, #tpu.memory_space<vmem>> -> memref<128xi32, #tpu.memory_space<vmem>>
        %dma_start3A_58 = arith.constant 0 : i32
        %dma_start3A_59 = arith.constant 0 : i32
        %dma_start3A_60 = tpu.memref_slice %arg4[%dma_start3A_58, %dma_start3A_59] : memref<50176x32xf32, #tpu.memory_space<hbm>> -> memref<50176x32xf32, #tpu.memory_space<hbm>>
        tpu.enqueue_indirect_dma source(%dma_start3A_60 : memref<50176x32xf32, #tpu.memory_space<hbm>>) target(%dma_start3A_54 : memref<128x32xf32, #tpu.memory_space<vmem>>) offsets(%dma_start3A_57 : memref<128xi32, #tpu.memory_space<vmem>>) semaphore(%arg17 : memref<!tpu.dma_semaphore, #tpu.memory_space<semaphore_mem>>)
        %dma_start3A_61 = arith.constant 3 : i32
        %dma_start3A_62 = arith.constant 384 : i32
        %dma_start3A_63 = arith.constant 0 : i32
        %dma_start3A_64 = tpu.memref_slice %arg15[%dma_start3A_62, %dma_start3A_63] : memref<768x32xf32, #tpu.memory_space<vmem>> -> memref<128x32xf32, #tpu.memory_space<vmem>>
        %dma_start3A_65 = arith.constant 0 : i32
        %dma_start3A_66 = tpu.memref_slice %arg14[%dma_start3A_61, %dma_start3A_65] : memref<20x128xi32, #tpu.memory_space<vmem>> -> memref<1x128xi32, #tpu.memory_space<vmem>>
        %dma_start3A_67 = tpu.memref_squeeze %dma_start3A_66 : memref<1x128xi32, #tpu.memory_space<vmem>> -> memref<128xi32, #tpu.memory_space<vmem>>
        %dma_start3A_68 = arith.constant 0 : i32
        %dma_start3A_69 = arith.constant 0 : i32
        %dma_start3A_70 = tpu.memref_slice %arg4[%dma_start3A_68, %dma_start3A_69] : memref<50176x32xf32, #tpu.memory_space<hbm>> -> memref<50176x32xf32, #tpu.memory_space<hbm>>
        tpu.enqueue_indirect_dma source(%dma_start3A_70 : memref<50176x32xf32, #tpu.memory_space<hbm>>) target(%dma_start3A_64 : memref<128x32xf32, #tpu.memory_space<vmem>>) offsets(%dma_start3A_67 : memref<128xi32, #tpu.memory_space<vmem>>) semaphore(%arg17 : memref<!tpu.dma_semaphore, #tpu.memory_space<semaphore_mem>>)
        %scan3A_71 = arith.constant 0 : i32
        %scan3A_72 = arith.constant 0 : i32
        %scan3A_73 = arith.constant 20 : i32
        %scan3A_74 = arith.addi %scan3A_72, %scan3A_73 : i32
        %scan3A_75 = arith.constant 1 : i32
        %scan3A_76 = scf.for %scan3A_102 = %scan3A_72 to %scan3A_74 step %scan3A_75 iter_args(%scan3A_103 = %scan3A_71) -> (i32)  : i32 {
          %ge3A = arith.constant 2 : i32
          %ge3A_104 = arith.cmpi sge, %scan3A_102, %ge3A : i32
          %convert_element_type3A_105 = arith.extui %ge3A_104 : i1 to i32
          %cond3A_106 = arith.constant 0 : i32
          %cond3A_107 = arith.cmpi ne, %convert_element_type3A_105, %cond3A_106 : i32
          scf.if %cond3A_107 {
            %dma_wait3A_146 = arith.constant 0 : i32
            %dma_wait3A_147 = arith.constant 0 : i32
            %dma_wait3A_148 = tpu.memref_slice %arg15[%dma_wait3A_146, %dma_wait3A_147] : memref<768x32xf32, #tpu.memory_space<vmem>> -> memref<128x32xf32, #tpu.memory_space<vmem>>
            %dma_wait3A_149 = arith.constant 0 : i32
            %dma_wait3A_150 = arith.constant 0 : i32
            %dma_wait3A_151 = tpu.memref_slice %arg16[%dma_wait3A_149, %dma_wait3A_150] : memref<50176x32xf32, #tpu.memory_space<vmem_shared>> -> memref<128x32xf32, #tpu.memory_space<vmem_shared>>
            %dma_wait3A_152 = arith.constant 0 : i32
            %dma_wait3A_153 = arith.constant 0 : i32
            %dma_wait3A_154 = tpu.memref_slice %arg16[%dma_wait3A_152, %dma_wait3A_153] : memref<50176x32xf32, #tpu.memory_space<vmem_shared>> -> memref<128x32xf32, #tpu.memory_space<vmem_shared>>
            %dma_wait3A_155 = arith.constant 0 : i32
            %dma_wait3A_156 = arith.constant 0 : i32
            %dma_wait3A_157 = tpu.memref_slice %arg15[%dma_wait3A_155, %dma_wait3A_156] : memref<768x32xf32, #tpu.memory_space<vmem>> -> memref<128x32xf32, #tpu.memory_space<vmem>>
            tpu.wait_dma2 semaphore(%arg18 : memref<!tpu.dma_semaphore, #tpu.memory_space<semaphore_mem>>) src(%dma_wait3A_157 : memref<128x32xf32, #tpu.memory_space<vmem>>) dst(%dma_wait3A_154 : memref<128x32xf32, #tpu.memory_space<vmem_shared>>)
          } else {
          }
          %lt3A = arith.constant 16 : i32
          %lt3A_108 = arith.cmpi slt, %scan3A_102, %lt3A : i32
          %convert_element_type3A_109 = arith.extui %lt3A_108 : i1 to i32
          %cond3A_110 = arith.constant 0 : i32
          %cond3A_111 = arith.cmpi ne, %convert_element_type3A_109, %cond3A_110 : i32
          scf.if %cond3A_111 {
            %add3A_146 = arith.constant 4 : i32
            %add3A_147 = arith.addi %scan3A_102, %add3A_146 : i32
            %jit3A_148 = arith.constant 6 : i32
            %eq3A_149 = arith.constant 0 : i32
            %eq3A_150 = arith.cmpi eq, %jit3A_148, %eq3A_149 : i32
            %jit3A_151 = arith.constant 1 : i32
            %select_n3A_152 = arith.select %eq3A_150, %jit3A_151, %jit3A_148 : i32
            %rem3A_153 = arith.remsi %add3A_147, %select_n3A_152 : i32
            %ne3A_154 = arith.constant 0 : i32
            %ne3A_155 = arith.cmpi ne, %rem3A_153, %ne3A_154 : i32
            %lt3A_156 = arith.constant 0 : i32
            %lt3A_157 = arith.cmpi slt, %rem3A_153, %lt3A_156 : i32
            %lt3A_158 = arith.constant 0 : i32
            %lt3A_159 = arith.cmpi slt, %select_n3A_152, %lt3A_158 : i32
            %ne3A_160 = arith.xori %lt3A_157, %lt3A_159 : i1
            %and3A_161 = arith.andi %ne3A_160, %ne3A_155 : i1
            %add3A_162 = arith.addi %rem3A_153, %select_n3A_152 : i32
            %select_n3A_163 = arith.select %and3A_161, %add3A_162, %rem3A_153 : i32
            %mul3A_164 = arith.constant 128 : i32
            %mul3A_165 = arith.muli %select_n3A_163, %mul3A_164 : i32
            %add3A_166 = arith.constant 4 : i32
            %add3A_167 = arith.addi %scan3A_102, %add3A_166 : i32
            %dma_start3A_168 = arith.constant 0 : i32
            %dma_start3A_169 = tpu.memref_slice %arg15[%mul3A_165, %dma_start3A_168] : memref<768x32xf32, #tpu.memory_space<vmem>> -> memref<128x32xf32, #tpu.memory_space<vmem>>
            %dma_start3A_170 = arith.constant 0 : i32
            %dma_start3A_171 = tpu.memref_slice %arg14[%add3A_167, %dma_start3A_170] : memref<20x128xi32, #tpu.memory_space<vmem>> -> memref<1x128xi32, #tpu.memory_space<vmem>>
            %dma_start3A_172 = tpu.memref_squeeze %dma_start3A_171 : memref<1x128xi32, #tpu.memory_space<vmem>> -> memref<128xi32, #tpu.memory_space<vmem>>
            %dma_start3A_173 = arith.constant 0 : i32
            %dma_start3A_174 = arith.constant 0 : i32
            %dma_start3A_175 = tpu.memref_slice %arg4[%dma_start3A_173, %dma_start3A_174] : memref<50176x32xf32, #tpu.memory_space<hbm>> -> memref<50176x32xf32, #tpu.memory_space<hbm>>
            tpu.enqueue_indirect_dma source(%dma_start3A_175 : memref<50176x32xf32, #tpu.memory_space<hbm>>) target(%dma_start3A_169 : memref<128x32xf32, #tpu.memory_space<vmem>>) offsets(%dma_start3A_172 : memref<128xi32, #tpu.memory_space<vmem>>) semaphore(%arg17 : memref<!tpu.dma_semaphore, #tpu.memory_space<semaphore_mem>>)
          } else {
          }
          %dma_wait3A_112 = arith.constant 0 : i32
          %dma_wait3A_113 = arith.constant 0 : i32
          %dma_wait3A_114 = tpu.memref_slice %arg15[%dma_wait3A_112, %dma_wait3A_113] : memref<768x32xf32, #tpu.memory_space<vmem>> -> memref<128x32xf32, #tpu.memory_space<vmem>>
          %dma_wait3A_115 = arith.constant 0 : i32
          %dma_wait3A_116 = arith.constant 0 : i32
          %dma_wait3A_117 = tpu.memref_slice %arg8[%dma_wait3A_115, %dma_wait3A_116] : memref<3136x32xf32, #tpu.memory_space<hbm>> -> memref<128x32xf32, #tpu.memory_space<hbm>>
          %dma_wait3A_118 = arith.constant 0 : i32
          %dma_wait3A_119 = arith.constant 0 : i32
          %dma_wait3A_120 = tpu.memref_slice %arg15[%dma_wait3A_118, %dma_wait3A_119] : memref<768x32xf32, #tpu.memory_space<vmem>> -> memref<128x32xf32, #tpu.memory_space<vmem>>
          %dma_wait3A_121 = arith.constant 0 : i32
          %dma_wait3A_122 = arith.constant 0 : i32
          %dma_wait3A_123 = tpu.memref_slice %arg8[%dma_wait3A_121, %dma_wait3A_122] : memref<3136x32xf32, #tpu.memory_space<hbm>> -> memref<128x32xf32, #tpu.memory_space<hbm>>
          tpu.wait_dma2 semaphore(%arg17 : memref<!tpu.dma_semaphore, #tpu.memory_space<semaphore_mem>>) src(%dma_wait3A_123 : memref<128x32xf32, #tpu.memory_space<hbm>>) dst(%dma_wait3A_120 : memref<128x32xf32, #tpu.memory_space<vmem>>)
          %jit3A = arith.constant 6 : i32
          %eq3A_124 = arith.constant 0 : i32
          %eq3A_125 = arith.cmpi eq, %jit3A, %eq3A_124 : i32
          %jit3A_126 = arith.constant 1 : i32
          %select_n3A = arith.select %eq3A_125, %jit3A_126, %jit3A : i32
          %rem3A = arith.remsi %scan3A_102, %select_n3A : i32
          %ne3A = arith.constant 0 : i32
          %ne3A_127 = arith.cmpi ne, %rem3A, %ne3A : i32
          %lt3A_128 = arith.constant 0 : i32
          %lt3A_129 = arith.cmpi slt, %rem3A, %lt3A_128 : i32
          %lt3A_130 = arith.constant 0 : i32
          %lt3A_131 = arith.cmpi slt, %select_n3A, %lt3A_130 : i32
          %ne3A_132 = arith.xori %lt3A_129, %lt3A_131 : i1
          %and3A = arith.andi %ne3A_132, %ne3A_127 : i1
          %add3A_133 = arith.addi %rem3A, %select_n3A : i32
          %select_n3A_134 = arith.select %and3A, %add3A_133, %rem3A : i32
          %mul3A_135 = arith.constant 128 : i32
          %mul3A_136 = arith.muli %select_n3A_134, %mul3A_135 : i32
          %dma_start3A_137 = arith.constant 0 : i32
          %dma_start3A_138 = tpu.memref_slice %arg15[%mul3A_136, %dma_start3A_137] : memref<768x32xf32, #tpu.memory_space<vmem>> -> memref<128x32xf32, #tpu.memory_space<vmem>>
          %dma_start3A_139 = arith.constant 0 : i32
          %dma_start3A_140 = tpu.memref_slice %arg13[%scan3A_102, %dma_start3A_139] : memref<20x128xi32, #tpu.memory_space<vmem>> -> memref<1x128xi32, #tpu.memory_space<vmem>>
          %dma_start3A_141 = tpu.memref_squeeze %dma_start3A_140 : memref<1x128xi32, #tpu.memory_space<vmem>> -> memref<128xi32, #tpu.memory_space<vmem>>
          %dma_start3A_142 = arith.constant 0 : i32
          %dma_start3A_143 = arith.constant 0 : i32
          %dma_start3A_144 = tpu.memref_slice %arg16[%dma_start3A_142, %dma_start3A_143] : memref<50176x32xf32, #tpu.memory_space<vmem_shared>> -> memref<50176x32xf32, #tpu.memory_space<vmem_shared>>
          tpu.enqueue_indirect_dma source(%dma_start3A_138 : memref<128x32xf32, #tpu.memory_space<vmem>>) target(%dma_start3A_144 : memref<50176x32xf32, #tpu.memory_space<vmem_shared>>) offsets(%dma_start3A_141 : memref<128xi32, #tpu.memory_space<vmem>>) semaphore(%arg18 : memref<!tpu.dma_semaphore, #tpu.memory_space<semaphore_mem>>) {add = true}
          %scan3A_145 = arith.constant 0 : i32
          scf.yield %scan3A_145 : i32
        }
        %scan3A_77 = arith.constant 20 : i32
        %dma_wait3A = arith.constant 0 : i32
        %dma_wait3A_78 = arith.constant 0 : i32
        %dma_wait3A_79 = tpu.memref_slice %arg15[%dma_wait3A, %dma_wait3A_78] : memref<768x32xf32, #tpu.memory_space<vmem>> -> memref<128x32xf32, #tpu.memory_space<vmem>>
        %dma_wait3A_80 = arith.constant 0 : i32
        %dma_wait3A_81 = arith.constant 0 : i32
        %dma_wait3A_82 = tpu.memref_slice %arg16[%dma_wait3A_80, %dma_wait3A_81] : memref<50176x32xf32, #tpu.memory_space<vmem_shared>> -> memref<128x32xf32, #tpu.memory_space<vmem_shared>>
        %dma_wait3A_83 = arith.constant 0 : i32
        %dma_wait3A_84 = arith.constant 0 : i32
        %dma_wait3A_85 = tpu.memref_slice %arg16[%dma_wait3A_83, %dma_wait3A_84] : memref<50176x32xf32, #tpu.memory_space<vmem_shared>> -> memref<128x32xf32, #tpu.memory_space<vmem_shared>>
        %dma_wait3A_86 = arith.constant 0 : i32
        %dma_wait3A_87 = arith.constant 0 : i32
        %dma_wait3A_88 = tpu.memref_slice %arg15[%dma_wait3A_86, %dma_wait3A_87] : memref<768x32xf32, #tpu.memory_space<vmem>> -> memref<128x32xf32, #tpu.memory_space<vmem>>
        tpu.wait_dma2 semaphore(%arg18 : memref<!tpu.dma_semaphore, #tpu.memory_space<semaphore_mem>>) src(%dma_wait3A_88 : memref<128x32xf32, #tpu.memory_space<vmem>>) dst(%dma_wait3A_85 : memref<128x32xf32, #tpu.memory_space<vmem_shared>>)
        %dma_wait3A_89 = arith.constant 0 : i32
        %dma_wait3A_90 = arith.constant 0 : i32
        %dma_wait3A_91 = tpu.memref_slice %arg15[%dma_wait3A_89, %dma_wait3A_90] : memref<768x32xf32, #tpu.memory_space<vmem>> -> memref<128x32xf32, #tpu.memory_space<vmem>>
        %dma_wait3A_92 = arith.constant 0 : i32
        %dma_wait3A_93 = arith.constant 0 : i32
        %dma_wait3A_94 = tpu.memref_slice %arg16[%dma_wait3A_92, %dma_wait3A_93] : memref<50176x32xf32, #tpu.memory_space<vmem_shared>> -> memref<128x32xf32, #tpu.memory_space<vmem_shared>>
        %dma_wait3A_95 = arith.constant 0 : i32
        %dma_wait3A_96 = arith.constant 0 : i32
        %dma_wait3A_97 = tpu.memref_slice %arg16[%dma_wait3A_95, %dma_wait3A_96] : memref<50176x32xf32, #tpu.memory_space<vmem_shared>> -> memref<128x32xf32, #tpu.memory_space<vmem_shared>>
        %dma_wait3A_98 = arith.constant 0 : i32
        %dma_wait3A_99 = arith.constant 0 : i32
        %dma_wait3A_100 = tpu.memref_slice %arg15[%dma_wait3A_98, %dma_wait3A_99] : memref<768x32xf32, #tpu.memory_space<vmem>> -> memref<128x32xf32, #tpu.memory_space<vmem>>
        tpu.wait_dma2 semaphore(%arg18 : memref<!tpu.dma_semaphore, #tpu.memory_space<semaphore_mem>>) src(%dma_wait3A_100 : memref<128x32xf32, #tpu.memory_space<vmem>>) dst(%dma_wait3A_97 : memref<128x32xf32, #tpu.memory_space<vmem_shared>>)
        %scan3A_101 = arith.constant 0 : i32
        scf.yield %scan3A_101 : i32
      }
      %scan3A_23 = arith.constant 20 : i32
      %barrier3A_24 = arith.constant 0 : index
      tpu.barrier barrier_id(%barrier3A_24)
      "tpu.region"() ({
        %run_scoped3A = tpu.sem_alloc : memref<!tpu.dma_semaphore, #tpu.memory_space<semaphore_mem>>
        %dma_start3A = arith.constant 0 : i32
        %dma_start3A_26 = tpu.memref_slice %arg11[%mul3A_0, %dma_start3A] : memref<50176x32xf32, #tpu.memory_space<hbm>> -> memref<3136x32xf32, #tpu.memory_space<hbm>>
        %dma_start3A_27 = arith.constant 0 : i32
        %dma_start3A_28 = tpu.memref_slice %arg16[%mul3A_0, %dma_start3A_27] : memref<50176x32xf32, #tpu.memory_space<vmem_shared>> -> memref<3136x32xf32, #tpu.memory_space<vmem_shared>>
        tpu.enqueue_dma source(%dma_start3A_28 : memref<3136x32xf32, #tpu.memory_space<vmem_shared>>) target(%dma_start3A_26 : memref<3136x32xf32, #tpu.memory_space<hbm>>) target_semaphore(%run_scoped3A : memref<!tpu.dma_semaphore, #tpu.memory_space<semaphore_mem>>)
        %dma_wait3A = arith.constant 0 : i32
        %dma_wait3A_29 = tpu.memref_slice %arg11[%mul3A_0, %dma_wait3A] : memref<50176x32xf32, #tpu.memory_space<hbm>> -> memref<3136x32xf32, #tpu.memory_space<hbm>>
        %dma_wait3A_30 = arith.constant 0 : i32
        %dma_wait3A_31 = tpu.memref_slice %arg16[%mul3A_0, %dma_wait3A_30] : memref<50176x32xf32, #tpu.memory_space<vmem_shared>> -> memref<3136x32xf32, #tpu.memory_space<vmem_shared>>
        tpu.wait_dma2 semaphore(%run_scoped3A : memref<!tpu.dma_semaphore, #tpu.memory_space<semaphore_mem>>) src(%dma_wait3A_31 : memref<3136x32xf32, #tpu.memory_space<vmem_shared>>) dst(%dma_wait3A_29 : memref<3136x32xf32, #tpu.memory_space<hbm>>)
        tpu.yield
      }) : () -> ()
      %barrier3A_25 = arith.constant 0 : index
      tpu.barrier barrier_id(%barrier3A_25)
    } else {
    }
    %eq3A_13 = arith.constant 1 : i32
    %eq3A_14 = arith.cmpi eq, %arg0, %eq3A_13 : i32
    %convert_element_type3A_15 = arith.extui %eq3A_14 : i1 to i32
    %cond3A_16 = arith.constant 0 : i32
    %cond3A_17 = arith.cmpi ne, %convert_element_type3A_15, %cond3A_16 : i32
    scf.if %cond3A_17 {
      "tpu.region"() ({
        %run_scoped3A = tpu.sem_alloc : memref<!tpu.dma_semaphore, #tpu.memory_space<semaphore_mem>>
        %dma_start3A = arith.constant 0 : i32
        %dma_start3A_26 = tpu.memref_slice %arg16[%mul3A_0, %dma_start3A] : memref<50176x32xf32, #tpu.memory_space<vmem_shared>> -> memref<3136x32xf32, #tpu.memory_space<vmem_shared>>
        tpu.enqueue_dma source(%arg8 : memref<3136x32xf32, #tpu.memory_space<hbm>>) target(%dma_start3A_26 : memref<3136x32xf32, #tpu.memory_space<vmem_shared>>) target_semaphore(%run_scoped3A : memref<!tpu.dma_semaphore, #tpu.memory_space<semaphore_mem>>)
        %dma_wait3A = arith.constant 0 : i32
        %dma_wait3A_27 = tpu.memref_slice %arg16[%mul3A_0, %dma_wait3A] : memref<50176x32xf32, #tpu.memory_space<vmem_shared>> -> memref<3136x32xf32, #tpu.memory_space<vmem_shared>>
        tpu.wait_dma2 semaphore(%run_scoped3A : memref<!tpu.dma_semaphore, #tpu.memory_space<semaphore_mem>>) src(%arg8 : memref<3136x32xf32, #tpu.memory_space<hbm>>) dst(%dma_wait3A_27 : memref<3136x32xf32, #tpu.memory_space<vmem_shared>>)
        tpu.yield
      }) : () -> ()
      %barrier3A = arith.constant 0 : index
      tpu.barrier barrier_id(%barrier3A)
      %scan3A = arith.constant 0 : i32
      %scan3A_18 = arith.constant 0 : i32
      %scan3A_19 = arith.constant 20 : i32
      %scan3A_20 = arith.addi %scan3A_18, %scan3A_19 : i32
      %scan3A_21 = arith.constant 1 : i32
      %scan3A_22 = scf.for %scan3A_26 = %scan3A_18 to %scan3A_20 step %scan3A_21 iter_args(%scan3A_27 = %scan3A) -> (i32)  : i32 {
        %mul3A_28 = arith.constant 400 : i32
        %mul3A_29 = arith.muli %arg1, %mul3A_28 : i32
        %mul3A_30 = arith.constant 20 : i32
        %mul3A_31 = arith.muli %scan3A_26, %mul3A_30 : i32
        %add3A = arith.addi %mul3A_29, %mul3A_31 : i32
        "tpu.region"() ({
          %run_scoped3A = tpu.sem_alloc : memref<!tpu.dma_semaphore, #tpu.memory_space<semaphore_mem>>
          %dma_start3A_102 = arith.constant 0 : i32
          %dma_start3A_103 = tpu.memref_slice %arg6[%add3A, %dma_start3A_102] : memref<6400x128xi32, #tpu.memory_space<hbm>> -> memref<20x128xi32, #tpu.memory_space<hbm>>
          %dma_start3A_104 = arith.constant 0 : i32
          %dma_start3A_105 = tpu.memref_slice %arg6[%add3A, %dma_start3A_104] : memref<6400x128xi32, #tpu.memory_space<hbm>> -> memref<20x128xi32, #tpu.memory_space<hbm>>
          tpu.enqueue_dma source(%dma_start3A_105 : memref<20x128xi32, #tpu.memory_space<hbm>>) target(%arg13 : memref<20x128xi32, #tpu.memory_space<vmem>>) target_semaphore(%run_scoped3A : memref<!tpu.dma_semaphore, #tpu.memory_space<semaphore_mem>>)
          %dma_wait3A_106 = arith.constant 0 : i32
          %dma_wait3A_107 = tpu.memref_slice %arg6[%add3A, %dma_wait3A_106] : memref<6400x128xi32, #tpu.memory_space<hbm>> -> memref<20x128xi32, #tpu.memory_space<hbm>>
          %dma_wait3A_108 = arith.constant 0 : i32
          %dma_wait3A_109 = tpu.memref_slice %arg6[%add3A, %dma_wait3A_108] : memref<6400x128xi32, #tpu.memory_space<hbm>> -> memref<20x128xi32, #tpu.memory_space<hbm>>
          tpu.wait_dma2 semaphore(%run_scoped3A : memref<!tpu.dma_semaphore, #tpu.memory_space<semaphore_mem>>) src(%dma_wait3A_109 : memref<20x128xi32, #tpu.memory_space<hbm>>) dst(%arg13 : memref<20x128xi32, #tpu.memory_space<vmem>>)
          tpu.yield
        }) : () -> ()
        "tpu.region"() ({
          %run_scoped3A = tpu.sem_alloc : memref<!tpu.dma_semaphore, #tpu.memory_space<semaphore_mem>>
          %dma_start3A_102 = arith.constant 0 : i32
          %dma_start3A_103 = tpu.memref_slice %arg7[%add3A, %dma_start3A_102] : memref<6400x128xi32, #tpu.memory_space<hbm>> -> memref<20x128xi32, #tpu.memory_space<hbm>>
          %dma_start3A_104 = arith.constant 0 : i32
          %dma_start3A_105 = tpu.memref_slice %arg7[%add3A, %dma_start3A_104] : memref<6400x128xi32, #tpu.memory_space<hbm>> -> memref<20x128xi32, #tpu.memory_space<hbm>>
          tpu.enqueue_dma source(%dma_start3A_105 : memref<20x128xi32, #tpu.memory_space<hbm>>) target(%arg14 : memref<20x128xi32, #tpu.memory_space<vmem>>) target_semaphore(%run_scoped3A : memref<!tpu.dma_semaphore, #tpu.memory_space<semaphore_mem>>)
          %dma_wait3A_106 = arith.constant 0 : i32
          %dma_wait3A_107 = tpu.memref_slice %arg7[%add3A, %dma_wait3A_106] : memref<6400x128xi32, #tpu.memory_space<hbm>> -> memref<20x128xi32, #tpu.memory_space<hbm>>
          %dma_wait3A_108 = arith.constant 0 : i32
          %dma_wait3A_109 = tpu.memref_slice %arg7[%add3A, %dma_wait3A_108] : memref<6400x128xi32, #tpu.memory_space<hbm>> -> memref<20x128xi32, #tpu.memory_space<hbm>>
          tpu.wait_dma2 semaphore(%run_scoped3A : memref<!tpu.dma_semaphore, #tpu.memory_space<semaphore_mem>>) src(%dma_wait3A_109 : memref<20x128xi32, #tpu.memory_space<hbm>>) dst(%arg14 : memref<20x128xi32, #tpu.memory_space<vmem>>)
          tpu.yield
        }) : () -> ()
        %dma_start3A = arith.constant 0 : i32
        %dma_start3A_32 = arith.constant 0 : i32
        %dma_start3A_33 = arith.constant 0 : i32
        %dma_start3A_34 = tpu.memref_slice %arg15[%dma_start3A_32, %dma_start3A_33] : memref<768x32xf32, #tpu.memory_space<vmem>> -> memref<128x32xf32, #tpu.memory_space<vmem>>
        %dma_start3A_35 = arith.constant 0 : i32
        %dma_start3A_36 = tpu.memref_slice %arg14[%dma_start3A, %dma_start3A_35] : memref<20x128xi32, #tpu.memory_space<vmem>> -> memref<1x128xi32, #tpu.memory_space<vmem>>
        %dma_start3A_37 = tpu.memref_squeeze %dma_start3A_36 : memref<1x128xi32, #tpu.memory_space<vmem>> -> memref<128xi32, #tpu.memory_space<vmem>>
        %dma_start3A_38 = arith.constant 0 : i32
        %dma_start3A_39 = arith.constant 0 : i32
        %dma_start3A_40 = tpu.memref_slice %arg5[%dma_start3A_38, %dma_start3A_39] : memref<50176x32xf32, #tpu.memory_space<hbm>> -> memref<50176x32xf32, #tpu.memory_space<hbm>>
        tpu.enqueue_indirect_dma source(%dma_start3A_40 : memref<50176x32xf32, #tpu.memory_space<hbm>>) target(%dma_start3A_34 : memref<128x32xf32, #tpu.memory_space<vmem>>) offsets(%dma_start3A_37 : memref<128xi32, #tpu.memory_space<vmem>>) semaphore(%arg17 : memref<!tpu.dma_semaphore, #tpu.memory_space<semaphore_mem>>)
        %dma_start3A_41 = arith.constant 1 : i32
        %dma_start3A_42 = arith.constant 128 : i32
        %dma_start3A_43 = arith.constant 0 : i32
        %dma_start3A_44 = tpu.memref_slice %arg15[%dma_start3A_42, %dma_start3A_43] : memref<768x32xf32, #tpu.memory_space<vmem>> -> memref<128x32xf32, #tpu.memory_space<vmem>>
        %dma_start3A_45 = arith.constant 0 : i32
        %dma_start3A_46 = tpu.memref_slice %arg14[%dma_start3A_41, %dma_start3A_45] : memref<20x128xi32, #tpu.memory_space<vmem>> -> memref<1x128xi32, #tpu.memory_space<vmem>>
        %dma_start3A_47 = tpu.memref_squeeze %dma_start3A_46 : memref<1x128xi32, #tpu.memory_space<vmem>> -> memref<128xi32, #tpu.memory_space<vmem>>
        %dma_start3A_48 = arith.constant 0 : i32
        %dma_start3A_49 = arith.constant 0 : i32
        %dma_start3A_50 = tpu.memref_slice %arg5[%dma_start3A_48, %dma_start3A_49] : memref<50176x32xf32, #tpu.memory_space<hbm>> -> memref<50176x32xf32, #tpu.memory_space<hbm>>
        tpu.enqueue_indirect_dma source(%dma_start3A_50 : memref<50176x32xf32, #tpu.memory_space<hbm>>) target(%dma_start3A_44 : memref<128x32xf32, #tpu.memory_space<vmem>>) offsets(%dma_start3A_47 : memref<128xi32, #tpu.memory_space<vmem>>) semaphore(%arg17 : memref<!tpu.dma_semaphore, #tpu.memory_space<semaphore_mem>>)
        %dma_start3A_51 = arith.constant 2 : i32
        %dma_start3A_52 = arith.constant 256 : i32
        %dma_start3A_53 = arith.constant 0 : i32
        %dma_start3A_54 = tpu.memref_slice %arg15[%dma_start3A_52, %dma_start3A_53] : memref<768x32xf32, #tpu.memory_space<vmem>> -> memref<128x32xf32, #tpu.memory_space<vmem>>
        %dma_start3A_55 = arith.constant 0 : i32
        %dma_start3A_56 = tpu.memref_slice %arg14[%dma_start3A_51, %dma_start3A_55] : memref<20x128xi32, #tpu.memory_space<vmem>> -> memref<1x128xi32, #tpu.memory_space<vmem>>
        %dma_start3A_57 = tpu.memref_squeeze %dma_start3A_56 : memref<1x128xi32, #tpu.memory_space<vmem>> -> memref<128xi32, #tpu.memory_space<vmem>>
        %dma_start3A_58 = arith.constant 0 : i32
        %dma_start3A_59 = arith.constant 0 : i32
        %dma_start3A_60 = tpu.memref_slice %arg5[%dma_start3A_58, %dma_start3A_59] : memref<50176x32xf32, #tpu.memory_space<hbm>> -> memref<50176x32xf32, #tpu.memory_space<hbm>>
        tpu.enqueue_indirect_dma source(%dma_start3A_60 : memref<50176x32xf32, #tpu.memory_space<hbm>>) target(%dma_start3A_54 : memref<128x32xf32, #tpu.memory_space<vmem>>) offsets(%dma_start3A_57 : memref<128xi32, #tpu.memory_space<vmem>>) semaphore(%arg17 : memref<!tpu.dma_semaphore, #tpu.memory_space<semaphore_mem>>)
        %dma_start3A_61 = arith.constant 3 : i32
        %dma_start3A_62 = arith.constant 384 : i32
        %dma_start3A_63 = arith.constant 0 : i32
        %dma_start3A_64 = tpu.memref_slice %arg15[%dma_start3A_62, %dma_start3A_63] : memref<768x32xf32, #tpu.memory_space<vmem>> -> memref<128x32xf32, #tpu.memory_space<vmem>>
        %dma_start3A_65 = arith.constant 0 : i32
        %dma_start3A_66 = tpu.memref_slice %arg14[%dma_start3A_61, %dma_start3A_65] : memref<20x128xi32, #tpu.memory_space<vmem>> -> memref<1x128xi32, #tpu.memory_space<vmem>>
        %dma_start3A_67 = tpu.memref_squeeze %dma_start3A_66 : memref<1x128xi32, #tpu.memory_space<vmem>> -> memref<128xi32, #tpu.memory_space<vmem>>
        %dma_start3A_68 = arith.constant 0 : i32
        %dma_start3A_69 = arith.constant 0 : i32
        %dma_start3A_70 = tpu.memref_slice %arg5[%dma_start3A_68, %dma_start3A_69] : memref<50176x32xf32, #tpu.memory_space<hbm>> -> memref<50176x32xf32, #tpu.memory_space<hbm>>
        tpu.enqueue_indirect_dma source(%dma_start3A_70 : memref<50176x32xf32, #tpu.memory_space<hbm>>) target(%dma_start3A_64 : memref<128x32xf32, #tpu.memory_space<vmem>>) offsets(%dma_start3A_67 : memref<128xi32, #tpu.memory_space<vmem>>) semaphore(%arg17 : memref<!tpu.dma_semaphore, #tpu.memory_space<semaphore_mem>>)
        %scan3A_71 = arith.constant 0 : i32
        %scan3A_72 = arith.constant 0 : i32
        %scan3A_73 = arith.constant 20 : i32
        %scan3A_74 = arith.addi %scan3A_72, %scan3A_73 : i32
        %scan3A_75 = arith.constant 1 : i32
        %scan3A_76 = scf.for %scan3A_102 = %scan3A_72 to %scan3A_74 step %scan3A_75 iter_args(%scan3A_103 = %scan3A_71) -> (i32)  : i32 {
          %ge3A = arith.constant 2 : i32
          %ge3A_104 = arith.cmpi sge, %scan3A_102, %ge3A : i32
          %convert_element_type3A_105 = arith.extui %ge3A_104 : i1 to i32
          %cond3A_106 = arith.constant 0 : i32
          %cond3A_107 = arith.cmpi ne, %convert_element_type3A_105, %cond3A_106 : i32
          scf.if %cond3A_107 {
            %dma_wait3A_146 = arith.constant 0 : i32
            %dma_wait3A_147 = arith.constant 0 : i32
            %dma_wait3A_148 = tpu.memref_slice %arg15[%dma_wait3A_146, %dma_wait3A_147] : memref<768x32xf32, #tpu.memory_space<vmem>> -> memref<128x32xf32, #tpu.memory_space<vmem>>
            %dma_wait3A_149 = arith.constant 0 : i32
            %dma_wait3A_150 = arith.constant 0 : i32
            %dma_wait3A_151 = tpu.memref_slice %arg16[%dma_wait3A_149, %dma_wait3A_150] : memref<50176x32xf32, #tpu.memory_space<vmem_shared>> -> memref<128x32xf32, #tpu.memory_space<vmem_shared>>
            %dma_wait3A_152 = arith.constant 0 : i32
            %dma_wait3A_153 = arith.constant 0 : i32
            %dma_wait3A_154 = tpu.memref_slice %arg16[%dma_wait3A_152, %dma_wait3A_153] : memref<50176x32xf32, #tpu.memory_space<vmem_shared>> -> memref<128x32xf32, #tpu.memory_space<vmem_shared>>
            %dma_wait3A_155 = arith.constant 0 : i32
            %dma_wait3A_156 = arith.constant 0 : i32
            %dma_wait3A_157 = tpu.memref_slice %arg15[%dma_wait3A_155, %dma_wait3A_156] : memref<768x32xf32, #tpu.memory_space<vmem>> -> memref<128x32xf32, #tpu.memory_space<vmem>>
            tpu.wait_dma2 semaphore(%arg18 : memref<!tpu.dma_semaphore, #tpu.memory_space<semaphore_mem>>) src(%dma_wait3A_157 : memref<128x32xf32, #tpu.memory_space<vmem>>) dst(%dma_wait3A_154 : memref<128x32xf32, #tpu.memory_space<vmem_shared>>)
          } else {
          }
          %lt3A = arith.constant 16 : i32
          %lt3A_108 = arith.cmpi slt, %scan3A_102, %lt3A : i32
          %convert_element_type3A_109 = arith.extui %lt3A_108 : i1 to i32
          %cond3A_110 = arith.constant 0 : i32
          %cond3A_111 = arith.cmpi ne, %convert_element_type3A_109, %cond3A_110 : i32
          scf.if %cond3A_111 {
            %add3A_146 = arith.constant 4 : i32
            %add3A_147 = arith.addi %scan3A_102, %add3A_146 : i32
            %jit3A_148 = arith.constant 6 : i32
            %eq3A_149 = arith.constant 0 : i32
            %eq3A_150 = arith.cmpi eq, %jit3A_148, %eq3A_149 : i32
            %jit3A_151 = arith.constant 1 : i32
            %select_n3A_152 = arith.select %eq3A_150, %jit3A_151, %jit3A_148 : i32
            %rem3A_153 = arith.remsi %add3A_147, %select_n3A_152 : i32
            %ne3A_154 = arith.constant 0 : i32
            %ne3A_155 = arith.cmpi ne, %rem3A_153, %ne3A_154 : i32
            %lt3A_156 = arith.constant 0 : i32
            %lt3A_157 = arith.cmpi slt, %rem3A_153, %lt3A_156 : i32
            %lt3A_158 = arith.constant 0 : i32
            %lt3A_159 = arith.cmpi slt, %select_n3A_152, %lt3A_158 : i32
            %ne3A_160 = arith.xori %lt3A_157, %lt3A_159 : i1
            %and3A_161 = arith.andi %ne3A_160, %ne3A_155 : i1
            %add3A_162 = arith.addi %rem3A_153, %select_n3A_152 : i32
            %select_n3A_163 = arith.select %and3A_161, %add3A_162, %rem3A_153 : i32
            %mul3A_164 = arith.constant 128 : i32
            %mul3A_165 = arith.muli %select_n3A_163, %mul3A_164 : i32
            %add3A_166 = arith.constant 4 : i32
            %add3A_167 = arith.addi %scan3A_102, %add3A_166 : i32
            %dma_start3A_168 = arith.constant 0 : i32
            %dma_start3A_169 = tpu.memref_slice %arg15[%mul3A_165, %dma_start3A_168] : memref<768x32xf32, #tpu.memory_space<vmem>> -> memref<128x32xf32, #tpu.memory_space<vmem>>
            %dma_start3A_170 = arith.constant 0 : i32
            %dma_start3A_171 = tpu.memref_slice %arg14[%add3A_167, %dma_start3A_170] : memref<20x128xi32, #tpu.memory_space<vmem>> -> memref<1x128xi32, #tpu.memory_space<vmem>>
            %dma_start3A_172 = tpu.memref_squeeze %dma_start3A_171 : memref<1x128xi32, #tpu.memory_space<vmem>> -> memref<128xi32, #tpu.memory_space<vmem>>
            %dma_start3A_173 = arith.constant 0 : i32
            %dma_start3A_174 = arith.constant 0 : i32
            %dma_start3A_175 = tpu.memref_slice %arg5[%dma_start3A_173, %dma_start3A_174] : memref<50176x32xf32, #tpu.memory_space<hbm>> -> memref<50176x32xf32, #tpu.memory_space<hbm>>
            tpu.enqueue_indirect_dma source(%dma_start3A_175 : memref<50176x32xf32, #tpu.memory_space<hbm>>) target(%dma_start3A_169 : memref<128x32xf32, #tpu.memory_space<vmem>>) offsets(%dma_start3A_172 : memref<128xi32, #tpu.memory_space<vmem>>) semaphore(%arg17 : memref<!tpu.dma_semaphore, #tpu.memory_space<semaphore_mem>>)
          } else {
          }
          %dma_wait3A_112 = arith.constant 0 : i32
          %dma_wait3A_113 = arith.constant 0 : i32
          %dma_wait3A_114 = tpu.memref_slice %arg15[%dma_wait3A_112, %dma_wait3A_113] : memref<768x32xf32, #tpu.memory_space<vmem>> -> memref<128x32xf32, #tpu.memory_space<vmem>>
          %dma_wait3A_115 = arith.constant 0 : i32
          %dma_wait3A_116 = arith.constant 0 : i32
          %dma_wait3A_117 = tpu.memref_slice %arg8[%dma_wait3A_115, %dma_wait3A_116] : memref<3136x32xf32, #tpu.memory_space<hbm>> -> memref<128x32xf32, #tpu.memory_space<hbm>>
          %dma_wait3A_118 = arith.constant 0 : i32
          %dma_wait3A_119 = arith.constant 0 : i32
          %dma_wait3A_120 = tpu.memref_slice %arg15[%dma_wait3A_118, %dma_wait3A_119] : memref<768x32xf32, #tpu.memory_space<vmem>> -> memref<128x32xf32, #tpu.memory_space<vmem>>
          %dma_wait3A_121 = arith.constant 0 : i32
          %dma_wait3A_122 = arith.constant 0 : i32
          %dma_wait3A_123 = tpu.memref_slice %arg8[%dma_wait3A_121, %dma_wait3A_122] : memref<3136x32xf32, #tpu.memory_space<hbm>> -> memref<128x32xf32, #tpu.memory_space<hbm>>
          tpu.wait_dma2 semaphore(%arg17 : memref<!tpu.dma_semaphore, #tpu.memory_space<semaphore_mem>>) src(%dma_wait3A_123 : memref<128x32xf32, #tpu.memory_space<hbm>>) dst(%dma_wait3A_120 : memref<128x32xf32, #tpu.memory_space<vmem>>)
          %jit3A = arith.constant 6 : i32
          %eq3A_124 = arith.constant 0 : i32
          %eq3A_125 = arith.cmpi eq, %jit3A, %eq3A_124 : i32
          %jit3A_126 = arith.constant 1 : i32
          %select_n3A = arith.select %eq3A_125, %jit3A_126, %jit3A : i32
          %rem3A = arith.remsi %scan3A_102, %select_n3A : i32
          %ne3A = arith.constant 0 : i32
          %ne3A_127 = arith.cmpi ne, %rem3A, %ne3A : i32
          %lt3A_128 = arith.constant 0 : i32
          %lt3A_129 = arith.cmpi slt, %rem3A, %lt3A_128 : i32
          %lt3A_130 = arith.constant 0 : i32
          %lt3A_131 = arith.cmpi slt, %select_n3A, %lt3A_130 : i32
          %ne3A_132 = arith.xori %lt3A_129, %lt3A_131 : i1
          %and3A = arith.andi %ne3A_132, %ne3A_127 : i1
          %add3A_133 = arith.addi %rem3A, %select_n3A : i32
          %select_n3A_134 = arith.select %and3A, %add3A_133, %rem3A : i32
          %mul3A_135 = arith.constant 128 : i32
          %mul3A_136 = arith.muli %select_n3A_134, %mul3A_135 : i32
          %dma_start3A_137 = arith.constant 0 : i32
          %dma_start3A_138 = tpu.memref_slice %arg15[%mul3A_136, %dma_start3A_137] : memref<768x32xf32, #tpu.memory_space<vmem>> -> memref<128x32xf32, #tpu.memory_space<vmem>>
          %dma_start3A_139 = arith.constant 0 : i32
          %dma_start3A_140 = tpu.memref_slice %arg13[%scan3A_102, %dma_start3A_139] : memref<20x128xi32, #tpu.memory_space<vmem>> -> memref<1x128xi32, #tpu.memory_space<vmem>>
          %dma_start3A_141 = tpu.memref_squeeze %dma_start3A_140 : memref<1x128xi32, #tpu.memory_space<vmem>> -> memref<128xi32, #tpu.memory_space<vmem>>
          %dma_start3A_142 = arith.constant 0 : i32
          %dma_start3A_143 = arith.constant 0 : i32
          %dma_start3A_144 = tpu.memref_slice %arg16[%dma_start3A_142, %dma_start3A_143] : memref<50176x32xf32, #tpu.memory_space<vmem_shared>> -> memref<50176x32xf32, #tpu.memory_space<vmem_shared>>
          tpu.enqueue_indirect_dma source(%dma_start3A_138 : memref<128x32xf32, #tpu.memory_space<vmem>>) target(%dma_start3A_144 : memref<50176x32xf32, #tpu.memory_space<vmem_shared>>) offsets(%dma_start3A_141 : memref<128xi32, #tpu.memory_space<vmem>>) semaphore(%arg18 : memref<!tpu.dma_semaphore, #tpu.memory_space<semaphore_mem>>) {add = true}
          %scan3A_145 = arith.constant 0 : i32
          scf.yield %scan3A_145 : i32
        }
        %scan3A_77 = arith.constant 20 : i32
        %dma_wait3A = arith.constant 0 : i32
        %dma_wait3A_78 = arith.constant 0 : i32
        %dma_wait3A_79 = tpu.memref_slice %arg15[%dma_wait3A, %dma_wait3A_78] : memref<768x32xf32, #tpu.memory_space<vmem>> -> memref<128x32xf32, #tpu.memory_space<vmem>>
        %dma_wait3A_80 = arith.constant 0 : i32
        %dma_wait3A_81 = arith.constant 0 : i32
        %dma_wait3A_82 = tpu.memref_slice %arg16[%dma_wait3A_80, %dma_wait3A_81] : memref<50176x32xf32, #tpu.memory_space<vmem_shared>> -> memref<128x32xf32, #tpu.memory_space<vmem_shared>>
        %dma_wait3A_83 = arith.constant 0 : i32
        %dma_wait3A_84 = arith.constant 0 : i32
        %dma_wait3A_85 = tpu.memref_slice %arg16[%dma_wait3A_83, %dma_wait3A_84] : memref<50176x32xf32, #tpu.memory_space<vmem_shared>> -> memref<128x32xf32, #tpu.memory_space<vmem_shared>>
        %dma_wait3A_86 = arith.constant 0 : i32
        %dma_wait3A_87 = arith.constant 0 : i32
        %dma_wait3A_88 = tpu.memref_slice %arg15[%dma_wait3A_86, %dma_wait3A_87] : memref<768x32xf32, #tpu.memory_space<vmem>> -> memref<128x32xf32, #tpu.memory_space<vmem>>
        tpu.wait_dma2 semaphore(%arg18 : memref<!tpu.dma_semaphore, #tpu.memory_space<semaphore_mem>>) src(%dma_wait3A_88 : memref<128x32xf32, #tpu.memory_space<vmem>>) dst(%dma_wait3A_85 : memref<128x32xf32, #tpu.memory_space<vmem_shared>>)
        %dma_wait3A_89 = arith.constant 0 : i32
        %dma_wait3A_90 = arith.constant 0 : i32
        %dma_wait3A_91 = tpu.memref_slice %arg15[%dma_wait3A_89, %dma_wait3A_90] : memref<768x32xf32, #tpu.memory_space<vmem>> -> memref<128x32xf32, #tpu.memory_space<vmem>>
        %dma_wait3A_92 = arith.constant 0 : i32
        %dma_wait3A_93 = arith.constant 0 : i32
        %dma_wait3A_94 = tpu.memref_slice %arg16[%dma_wait3A_92, %dma_wait3A_93] : memref<50176x32xf32, #tpu.memory_space<vmem_shared>> -> memref<128x32xf32, #tpu.memory_space<vmem_shared>>
        %dma_wait3A_95 = arith.constant 0 : i32
        %dma_wait3A_96 = arith.constant 0 : i32
        %dma_wait3A_97 = tpu.memref_slice %arg16[%dma_wait3A_95, %dma_wait3A_96] : memref<50176x32xf32, #tpu.memory_space<vmem_shared>> -> memref<128x32xf32, #tpu.memory_space<vmem_shared>>
        %dma_wait3A_98 = arith.constant 0 : i32
        %dma_wait3A_99 = arith.constant 0 : i32
        %dma_wait3A_100 = tpu.memref_slice %arg15[%dma_wait3A_98, %dma_wait3A_99] : memref<768x32xf32, #tpu.memory_space<vmem>> -> memref<128x32xf32, #tpu.memory_space<vmem>>
        tpu.wait_dma2 semaphore(%arg18 : memref<!tpu.dma_semaphore, #tpu.memory_space<semaphore_mem>>) src(%dma_wait3A_100 : memref<128x32xf32, #tpu.memory_space<vmem>>) dst(%dma_wait3A_97 : memref<128x32xf32, #tpu.memory_space<vmem_shared>>)
        %scan3A_101 = arith.constant 0 : i32
        scf.yield %scan3A_101 : i32
      }
      %scan3A_23 = arith.constant 20 : i32
      %barrier3A_24 = arith.constant 0 : index
      tpu.barrier barrier_id(%barrier3A_24)
      "tpu.region"() ({
        %run_scoped3A = tpu.sem_alloc : memref<!tpu.dma_semaphore, #tpu.memory_space<semaphore_mem>>
        %dma_start3A = arith.constant 0 : i32
        %dma_start3A_26 = tpu.memref_slice %arg12[%mul3A_0, %dma_start3A] : memref<50176x32xf32, #tpu.memory_space<hbm>> -> memref<3136x32xf32, #tpu.memory_space<hbm>>
        %dma_start3A_27 = arith.constant 0 : i32
        %dma_start3A_28 = tpu.memref_slice %arg16[%mul3A_0, %dma_start3A_27] : memref<50176x32xf32, #tpu.memory_space<vmem_shared>> -> memref<3136x32xf32, #tpu.memory_space<vmem_shared>>
        tpu.enqueue_dma source(%dma_start3A_28 : memref<3136x32xf32, #tpu.memory_space<vmem_shared>>) target(%dma_start3A_26 : memref<3136x32xf32, #tpu.memory_space<hbm>>) target_semaphore(%run_scoped3A : memref<!tpu.dma_semaphore, #tpu.memory_space<semaphore_mem>>)
        %dma_wait3A = arith.constant 0 : i32
        %dma_wait3A_29 = tpu.memref_slice %arg12[%mul3A_0, %dma_wait3A] : memref<50176x32xf32, #tpu.memory_space<hbm>> -> memref<3136x32xf32, #tpu.memory_space<hbm>>
        %dma_wait3A_30 = arith.constant 0 : i32
        %dma_wait3A_31 = tpu.memref_slice %arg16[%mul3A_0, %dma_wait3A_30] : memref<50176x32xf32, #tpu.memory_space<vmem_shared>> -> memref<3136x32xf32, #tpu.memory_space<vmem_shared>>
        tpu.wait_dma2 semaphore(%run_scoped3A : memref<!tpu.dma_semaphore, #tpu.memory_space<semaphore_mem>>) src(%dma_wait3A_31 : memref<3136x32xf32, #tpu.memory_space<vmem_shared>>) dst(%dma_wait3A_29 : memref<3136x32xf32, #tpu.memory_space<hbm>>)
        tpu.yield
      }) : () -> ()
      %barrier3A_25 = arith.constant 0 : index
      tpu.barrier barrier_id(%barrier3A_25)
    } else {
    }
    return
  }
}

module attributes {stable_mosaic.version = 14 : i64} {
  func.func @body(%arg0: i32, %arg1: memref<1792x128xf32, #tpu.memory_space<vmem>>, %arg2: memref<128x64xf32, #tpu.memory_space<vmem>>, %arg3: memref<1x64xf32, #tpu.memory_space<vmem>>, %arg4: memref<128x64xf32, #tpu.memory_space<vmem>>, %arg5: memref<1x64xf32, #tpu.memory_space<vmem>>, %arg6: memref<1792x64xf32, #tpu.memory_space<vmem>>, %arg7: memref<1792x32xf32, #tpu.memory_space<vmem>>, %arg8: memref<1792x32xf32, #tpu.memory_space<vmem>>) attributes {dimension_semantics = [#tpu.dimension_semantics<arbitrary>], iteration_bounds = array<i64: 28>, scalar_prefetch = 0 : i64, scratch_operands = 0 : i64, tpu.core_type = #tpu.core_type<tc>, window_params = [{transform_indices = @transform_0, window_bounds = array<i64: 1792, 128>}, {pipeline_mode = #tpu.pipeline_mode<synchronous>, transform_indices = @transform_1, window_bounds = array<i64: 128, 64>}, {pipeline_mode = #tpu.pipeline_mode<synchronous>, transform_indices = @transform_2, window_bounds = array<i64: 1, 64>}, {pipeline_mode = #tpu.pipeline_mode<synchronous>, transform_indices = @transform_3, window_bounds = array<i64: 128, 64>}, {pipeline_mode = #tpu.pipeline_mode<synchronous>, transform_indices = @transform_4, window_bounds = array<i64: 1, 64>}, {transform_indices = @transform_5, window_bounds = array<i64: 1792, 64>}, {transform_indices = @transform_6, window_bounds = array<i64: 1792, 32>}, {transform_indices = @transform_7, window_bounds = array<i64: 1792, 32>}]} {
    %get3A = arith.constant 0 : index
    %get3A_0 = arith.constant 0 : index
    %get3A_1 = vector.load %arg1[%get3A, %get3A_0] : memref<1792x128xf32, #tpu.memory_space<vmem>>, vector<1792x128xf32>
    %get3A_2 = arith.constant 0 : index
    %get3A_3 = arith.constant 0 : index
    %get3A_4 = vector.load %arg2[%get3A_2, %get3A_3] : memref<128x64xf32, #tpu.memory_space<vmem>>, vector<128x64xf32>
    %dot_general3A = arith.constant dense<0.000000e+00> : vector<1792x64xf32>
    %dot_general3A_5 = tpu.matmul %get3A_1, %get3A_4, %dot_general3A {dimension_numbers = #tpu.dot_dimension_numbers<[1], [0], [0], [1], [0, 0, 1, 1], [], []>, transpose_lhs_hint = false} : vector<1792x128xf32>, vector<128x64xf32>, vector<1792x64xf32> -> vector<1792x64xf32>
    %get3A_6 = arith.constant 0 : index
    %get3A_7 = arith.constant 0 : index
    %get3A_8 = vector.load %arg3[%get3A_6, %get3A_7] : memref<1x64xf32, #tpu.memory_space<vmem>>, vector<1x64xf32>
    %add3A = vector.broadcast %get3A_8 : vector<1x64xf32> to vector<1792x64xf32>
    %add3A_9 = arith.addf %dot_general3A_5, %add3A : vector<1792x64xf32>
    %get3A_10 = arith.constant 0 : index
    %get3A_11 = arith.constant 0 : index
    %get3A_12 = vector.load %arg4[%get3A_10, %get3A_11] : memref<128x64xf32, #tpu.memory_space<vmem>>, vector<128x64xf32>
    %dot_general3A_13 = arith.constant dense<0.000000e+00> : vector<1792x64xf32>
    %dot_general3A_14 = tpu.matmul %get3A_1, %get3A_12, %dot_general3A_13 {dimension_numbers = #tpu.dot_dimension_numbers<[1], [0], [0], [1], [0, 0, 1, 1], [], []>, transpose_lhs_hint = false} : vector<1792x128xf32>, vector<128x64xf32>, vector<1792x64xf32> -> vector<1792x64xf32>
    %get3A_15 = arith.constant 0 : index
    %get3A_16 = arith.constant 0 : index
    %get3A_17 = vector.load %arg5[%get3A_15, %get3A_16] : memref<1x64xf32, #tpu.memory_space<vmem>>, vector<1x64xf32>
    %add3A_18 = vector.broadcast %get3A_17 : vector<1x64xf32> to vector<1792x64xf32>
    %add3A_19 = arith.addf %dot_general3A_14, %add3A_18 : vector<1792x64xf32>
    %swap3A = arith.constant 0 : index
    %swap3A_20 = arith.constant 0 : index
    %swap3A_21 = vector.load %arg6[%swap3A, %swap3A_20] : memref<1792x64xf32, #tpu.memory_space<vmem>>, vector<1792x64xf32>
    tpu.vector_store %arg6[%swap3A, %swap3A_20], %add3A_9 {strides = array<i32>} : memref<1792x64xf32, #tpu.memory_space<vmem>>, vector<1792x64xf32>,
    %slice3A = vector.extract_strided_slice %add3A_19 {offsets = [0, 0], sizes = [1792, 32], strides = [1, 1]} : vector<1792x64xf32> to vector<1792x32xf32>
    %swap3A_22 = arith.constant 0 : index
    %swap3A_23 = arith.constant 0 : index
    %swap3A_24 = vector.load %arg7[%swap3A_22, %swap3A_23] : memref<1792x32xf32, #tpu.memory_space<vmem>>, vector<1792x32xf32>
    tpu.vector_store %arg7[%swap3A_22, %swap3A_23], %slice3A {strides = array<i32>} : memref<1792x32xf32, #tpu.memory_space<vmem>>, vector<1792x32xf32>,
    %slice3A_25 = vector.extract_strided_slice %add3A_19 {offsets = [0, 32], sizes = [1792, 32], strides = [1, 1]} : vector<1792x64xf32> to vector<1792x32xf32>
    %swap3A_26 = arith.constant 0 : index
    %swap3A_27 = arith.constant 0 : index
    %swap3A_28 = vector.load %arg8[%swap3A_26, %swap3A_27] : memref<1792x32xf32, #tpu.memory_space<vmem>>, vector<1792x32xf32>
    tpu.vector_store %arg8[%swap3A_26, %swap3A_27], %slice3A_25 {strides = array<i32>} : memref<1792x32xf32, #tpu.memory_space<vmem>>, vector<1792x32xf32>,
    return
  }
  func.func @transform_0(%arg0: i32) -> (i32, i32) {
    %c0_i32 = arith.constant 0 : i32
    %c0_i32_0 = arith.constant 0 : i32
    return %arg0, %c0_i32 : i32, i32
  }
  func.func @transform_1(%arg0: i32) -> (i32, i32) {
    %c0_i32 = arith.constant 0 : i32
    %c0_i32_0 = arith.constant 0 : i32
    %c0_i32_1 = arith.constant 0 : i32
    return %c0_i32, %c0_i32_0 : i32, i32
  }
  func.func @transform_2(%arg0: i32) -> (i32, i32) {
    %c0_i32 = arith.constant 0 : i32
    %c0_i32_0 = arith.constant 0 : i32
    %c0_i32_1 = arith.constant 0 : i32
    return %c0_i32, %c0_i32_0 : i32, i32
  }
  func.func @transform_3(%arg0: i32) -> (i32, i32) {
    %c0_i32 = arith.constant 0 : i32
    %c0_i32_0 = arith.constant 0 : i32
    %c0_i32_1 = arith.constant 0 : i32
    return %c0_i32, %c0_i32_0 : i32, i32
  }
  func.func @transform_4(%arg0: i32) -> (i32, i32) {
    %c0_i32 = arith.constant 0 : i32
    %c0_i32_0 = arith.constant 0 : i32
    %c0_i32_1 = arith.constant 0 : i32
    return %c0_i32, %c0_i32_0 : i32, i32
  }
  func.func @transform_5(%arg0: i32) -> (i32, i32) {
    %c0_i32 = arith.constant 0 : i32
    %c0_i32_0 = arith.constant 0 : i32
    return %arg0, %c0_i32 : i32, i32
  }
  func.func @transform_6(%arg0: i32) -> (i32, i32) {
    %c0_i32 = arith.constant 0 : i32
    %c0_i32_0 = arith.constant 0 : i32
    return %arg0, %c0_i32 : i32, i32
  }
  func.func @transform_7(%arg0: i32) -> (i32, i32) {
    %c0_i32 = arith.constant 0 : i32
    %c0_i32_0 = arith.constant 0 : i32
    return %arg0, %c0_i32 : i32, i32
  }
}

module attributes {stable_mosaic.version = 14 : i64} {
  func.func @body(%arg0: i32, %arg1: memref<1792x64xf32, #tpu.memory_space<vmem>>, %arg2: memref<1792x32xf32, #tpu.memory_space<vmem>>, %arg3: memref<1792x32xf32, #tpu.memory_space<vmem>>, %arg4: memref<64x128xf32, #tpu.memory_space<vmem>>, %arg5: memref<1x128xf32, #tpu.memory_space<vmem>>, %arg6: memref<64x128xf32, #tpu.memory_space<vmem>>, %arg7: memref<1x128xf32, #tpu.memory_space<vmem>>, %arg8: memref<1792x128xf32, #tpu.memory_space<vmem>>, %arg9: memref<1792x32xf32, #tpu.memory_space<vmem>>, %arg10: memref<1792x32xf32, #tpu.memory_space<vmem>>, %arg11: memref<1792x32xf32, #tpu.memory_space<vmem>>, %arg12: memref<1792x32xf32, #tpu.memory_space<vmem>>) attributes {dimension_semantics = [#tpu.dimension_semantics<arbitrary>], iteration_bounds = array<i64: 28>, scalar_prefetch = 0 : i64, scratch_operands = 0 : i64, tpu.core_type = #tpu.core_type<tc>, window_params = [{transform_indices = @transform_0, window_bounds = array<i64: 1792, 64>}, {transform_indices = @transform_1, window_bounds = array<i64: 1792, 32>}, {transform_indices = @transform_2, window_bounds = array<i64: 1792, 32>}, {pipeline_mode = #tpu.pipeline_mode<synchronous>, transform_indices = @transform_3, window_bounds = array<i64: 64, 128>}, {pipeline_mode = #tpu.pipeline_mode<synchronous>, transform_indices = @transform_4, window_bounds = array<i64: 1, 128>}, {pipeline_mode = #tpu.pipeline_mode<synchronous>, transform_indices = @transform_5, window_bounds = array<i64: 64, 128>}, {pipeline_mode = #tpu.pipeline_mode<synchronous>, transform_indices = @transform_6, window_bounds = array<i64: 1, 128>}, {transform_indices = @transform_7, window_bounds = array<i64: 1792, 128>}, {transform_indices = @transform_8, window_bounds = array<i64: 1792, 32>}, {transform_indices = @transform_9, window_bounds = array<i64: 1792, 32>}, {transform_indices = @transform_10, window_bounds = array<i64: 1792, 32>}, {transform_indices = @transform_11, window_bounds = array<i64: 1792, 32>}]} {
    %get3A = arith.constant 0 : index
    %get3A_0 = arith.constant 0 : index
    %get3A_1 = vector.load %arg1[%get3A, %get3A_0] : memref<1792x64xf32, #tpu.memory_space<vmem>>, vector<1792x64xf32>
    %get3A_2 = arith.constant 0 : index
    %get3A_3 = arith.constant 0 : index
    %get3A_4 = vector.load %arg2[%get3A_2, %get3A_3] : memref<1792x32xf32, #tpu.memory_space<vmem>>, vector<1792x32xf32>
    %get3A_5 = arith.constant 0 : index
    %get3A_6 = arith.constant 0 : index
    %get3A_7 = vector.load %arg3[%get3A_5, %get3A_6] : memref<1792x32xf32, #tpu.memory_space<vmem>>, vector<1792x32xf32>
    %concatenate3A = tpu.concatenate %get3A_4, %get3A_7 in 1 : vector<1792x32xf32>, vector<1792x32xf32> -> vector<1792x64xf32>
    %add3A = arith.addf %get3A_1, %concatenate3A : vector<1792x64xf32>
    %max3A = arith.constant 0.000000e+00 : f32
    %max3A_8 = vector.broadcast %max3A : f32 to vector<1792x64xf32>
    %max3A_9 = arith.maximumf %add3A, %max3A_8 : vector<1792x64xf32>
    %get3A_10 = arith.constant 0 : index
    %get3A_11 = arith.constant 0 : index
    %get3A_12 = vector.load %arg4[%get3A_10, %get3A_11] : memref<64x128xf32, #tpu.memory_space<vmem>>, vector<64x128xf32>
    %dot_general3A = arith.constant dense<0.000000e+00> : vector<1792x128xf32>
    %dot_general3A_13 = tpu.matmul %max3A_9, %get3A_12, %dot_general3A {dimension_numbers = #tpu.dot_dimension_numbers<[1], [0], [0], [1], [0, 0, 1, 1], [], []>, transpose_lhs_hint = false} : vector<1792x64xf32>, vector<64x128xf32>, vector<1792x128xf32> -> vector<1792x128xf32>
    %get3A_14 = arith.constant 0 : index
    %get3A_15 = arith.constant 0 : index
    %get3A_16 = vector.load %arg5[%get3A_14, %get3A_15] : memref<1x128xf32, #tpu.memory_space<vmem>>, vector<1x128xf32>
    %add3A_17 = vector.broadcast %get3A_16 : vector<1x128xf32> to vector<1792x128xf32>
    %add3A_18 = arith.addf %dot_general3A_13, %add3A_17 : vector<1792x128xf32>
    %get3A_19 = arith.constant 0 : index
    %get3A_20 = arith.constant 0 : index
    %get3A_21 = vector.load %arg6[%get3A_19, %get3A_20] : memref<64x128xf32, #tpu.memory_space<vmem>>, vector<64x128xf32>
    %dot_general3A_22 = arith.constant dense<0.000000e+00> : vector<1792x128xf32>
    %dot_general3A_23 = tpu.matmul %max3A_9, %get3A_21, %dot_general3A_22 {dimension_numbers = #tpu.dot_dimension_numbers<[1], [0], [0], [1], [0, 0, 1, 1], [], []>, transpose_lhs_hint = false} : vector<1792x64xf32>, vector<64x128xf32>, vector<1792x128xf32> -> vector<1792x128xf32>
    %get3A_24 = arith.constant 0 : index
    %get3A_25 = arith.constant 0 : index
    %get3A_26 = vector.load %arg7[%get3A_24, %get3A_25] : memref<1x128xf32, #tpu.memory_space<vmem>>, vector<1x128xf32>
    %add3A_27 = vector.broadcast %get3A_26 : vector<1x128xf32> to vector<1792x128xf32>
    %add3A_28 = arith.addf %dot_general3A_23, %add3A_27 : vector<1792x128xf32>
    %swap3A = arith.constant 0 : index
    %swap3A_29 = arith.constant 0 : index
    %swap3A_30 = vector.load %arg8[%swap3A, %swap3A_29] : memref<1792x128xf32, #tpu.memory_space<vmem>>, vector<1792x128xf32>
    tpu.vector_store %arg8[%swap3A, %swap3A_29], %add3A_18 {strides = array<i32>} : memref<1792x128xf32, #tpu.memory_space<vmem>>, vector<1792x128xf32>,
    %slice3A = vector.extract_strided_slice %add3A_28 {offsets = [0, 0], sizes = [1792, 32], strides = [1, 1]} : vector<1792x128xf32> to vector<1792x32xf32>
    %swap3A_31 = arith.constant 0 : index
    %swap3A_32 = arith.constant 0 : index
    %swap3A_33 = vector.load %arg9[%swap3A_31, %swap3A_32] : memref<1792x32xf32, #tpu.memory_space<vmem>>, vector<1792x32xf32>
    tpu.vector_store %arg9[%swap3A_31, %swap3A_32], %slice3A {strides = array<i32>} : memref<1792x32xf32, #tpu.memory_space<vmem>>, vector<1792x32xf32>,
    %slice3A_34 = vector.extract_strided_slice %add3A_28 {offsets = [0, 32], sizes = [1792, 32], strides = [1, 1]} : vector<1792x128xf32> to vector<1792x32xf32>
    %swap3A_35 = arith.constant 0 : index
    %swap3A_36 = arith.constant 0 : index
    %swap3A_37 = vector.load %arg10[%swap3A_35, %swap3A_36] : memref<1792x32xf32, #tpu.memory_space<vmem>>, vector<1792x32xf32>
    tpu.vector_store %arg10[%swap3A_35, %swap3A_36], %slice3A_34 {strides = array<i32>} : memref<1792x32xf32, #tpu.memory_space<vmem>>, vector<1792x32xf32>,
    %slice3A_38 = vector.extract_strided_slice %add3A_28 {offsets = [0, 64], sizes = [1792, 32], strides = [1, 1]} : vector<1792x128xf32> to vector<1792x32xf32>
    %swap3A_39 = arith.constant 0 : index
    %swap3A_40 = arith.constant 0 : index
    %swap3A_41 = vector.load %arg11[%swap3A_39, %swap3A_40] : memref<1792x32xf32, #tpu.memory_space<vmem>>, vector<1792x32xf32>
    tpu.vector_store %arg11[%swap3A_39, %swap3A_40], %slice3A_38 {strides = array<i32>} : memref<1792x32xf32, #tpu.memory_space<vmem>>, vector<1792x32xf32>,
    %slice3A_42 = vector.extract_strided_slice %add3A_28 {offsets = [0, 96], sizes = [1792, 32], strides = [1, 1]} : vector<1792x128xf32> to vector<1792x32xf32>
    %swap3A_43 = arith.constant 0 : index
    %swap3A_44 = arith.constant 0 : index
    %swap3A_45 = vector.load %arg12[%swap3A_43, %swap3A_44] : memref<1792x32xf32, #tpu.memory_space<vmem>>, vector<1792x32xf32>
    tpu.vector_store %arg12[%swap3A_43, %swap3A_44], %slice3A_42 {strides = array<i32>} : memref<1792x32xf32, #tpu.memory_space<vmem>>, vector<1792x32xf32>,
    return
  }
  func.func @transform_0(%arg0: i32) -> (i32, i32) {
    %c0_i32 = arith.constant 0 : i32
    %c0_i32_0 = arith.constant 0 : i32
    return %arg0, %c0_i32 : i32, i32
  }
  func.func @transform_1(%arg0: i32) -> (i32, i32) {
    %c0_i32 = arith.constant 0 : i32
    %c0_i32_0 = arith.constant 0 : i32
    return %arg0, %c0_i32 : i32, i32
  }
  func.func @transform_2(%arg0: i32) -> (i32, i32) {
    %c0_i32 = arith.constant 0 : i32
    %c0_i32_0 = arith.constant 0 : i32
    return %arg0, %c0_i32 : i32, i32
  }
  func.func @transform_3(%arg0: i32) -> (i32, i32) {
    %c0_i32 = arith.constant 0 : i32
    %c0_i32_0 = arith.constant 0 : i32
    %c0_i32_1 = arith.constant 0 : i32
    return %c0_i32, %c0_i32_0 : i32, i32
  }
  func.func @transform_4(%arg0: i32) -> (i32, i32) {
    %c0_i32 = arith.constant 0 : i32
    %c0_i32_0 = arith.constant 0 : i32
    %c0_i32_1 = arith.constant 0 : i32
    return %c0_i32, %c0_i32_0 : i32, i32
  }
  func.func @transform_5(%arg0: i32) -> (i32, i32) {
    %c0_i32 = arith.constant 0 : i32
    %c0_i32_0 = arith.constant 0 : i32
    %c0_i32_1 = arith.constant 0 : i32
    return %c0_i32, %c0_i32_0 : i32, i32
  }
  func.func @transform_6(%arg0: i32) -> (i32, i32) {
    %c0_i32 = arith.constant 0 : i32
    %c0_i32_0 = arith.constant 0 : i32
    %c0_i32_1 = arith.constant 0 : i32
    return %c0_i32, %c0_i32_0 : i32, i32
  }
  func.func @transform_7(%arg0: i32) -> (i32, i32) {
    %c0_i32 = arith.constant 0 : i32
    %c0_i32_0 = arith.constant 0 : i32
    return %arg0, %c0_i32 : i32, i32
  }
  func.func @transform_8(%arg0: i32) -> (i32, i32) {
    %c0_i32 = arith.constant 0 : i32
    %c0_i32_0 = arith.constant 0 : i32
    return %arg0, %c0_i32 : i32, i32
  }
  func.func @transform_9(%arg0: i32) -> (i32, i32) {
    %c0_i32 = arith.constant 0 : i32
    %c0_i32_0 = arith.constant 0 : i32
    return %arg0, %c0_i32 : i32, i32
  }
  func.func @transform_10(%arg0: i32) -> (i32, i32) {
    %c0_i32 = arith.constant 0 : i32
    %c0_i32_0 = arith.constant 0 : i32
    return %arg0, %c0_i32 : i32, i32
  }
  func.func @transform_11(%arg0: i32) -> (i32, i32) {
    %c0_i32 = arith.constant 0 : i32
    %c0_i32_0 = arith.constant 0 : i32
    return %arg0, %c0_i32 : i32, i32
  }
}

module attributes {stable_mosaic.version = 14 : i64} {
  func.func @body(%arg0: i32, %arg1: memref<1792x128xf32, #tpu.memory_space<vmem>>, %arg2: memref<1792x32xf32, #tpu.memory_space<vmem>>, %arg3: memref<1792x32xf32, #tpu.memory_space<vmem>>, %arg4: memref<1792x32xf32, #tpu.memory_space<vmem>>, %arg5: memref<1792x32xf32, #tpu.memory_space<vmem>>, %arg6: memref<128x128xf32, #tpu.memory_space<vmem>>, %arg7: memref<1x128xf32, #tpu.memory_space<vmem>>, %arg8: memref<128x128xf32, #tpu.memory_space<vmem>>, %arg9: memref<1x128xf32, #tpu.memory_space<vmem>>, %arg10: memref<1792x128xf32, #tpu.memory_space<vmem>>, %arg11: memref<1792x32xf32, #tpu.memory_space<vmem>>, %arg12: memref<1792x32xf32, #tpu.memory_space<vmem>>, %arg13: memref<1792x32xf32, #tpu.memory_space<vmem>>, %arg14: memref<1792x32xf32, #tpu.memory_space<vmem>>) attributes {dimension_semantics = [#tpu.dimension_semantics<arbitrary>], iteration_bounds = array<i64: 28>, scalar_prefetch = 0 : i64, scratch_operands = 0 : i64, tpu.core_type = #tpu.core_type<tc>, window_params = [{transform_indices = @transform_0, window_bounds = array<i64: 1792, 128>}, {transform_indices = @transform_1, window_bounds = array<i64: 1792, 32>}, {transform_indices = @transform_2, window_bounds = array<i64: 1792, 32>}, {transform_indices = @transform_3, window_bounds = array<i64: 1792, 32>}, {transform_indices = @transform_4, window_bounds = array<i64: 1792, 32>}, {pipeline_mode = #tpu.pipeline_mode<synchronous>, transform_indices = @transform_5, window_bounds = array<i64: 128, 128>}, {pipeline_mode = #tpu.pipeline_mode<synchronous>, transform_indices = @transform_6, window_bounds = array<i64: 1, 128>}, {pipeline_mode = #tpu.pipeline_mode<synchronous>, transform_indices = @transform_7, window_bounds = array<i64: 128, 128>}, {pipeline_mode = #tpu.pipeline_mode<synchronous>, transform_indices = @transform_8, window_bounds = array<i64: 1, 128>}, {transform_indices = @transform_9, window_bounds = array<i64: 1792, 128>}, {transform_indices = @transform_10, window_bounds = array<i64: 1792, 32>}, {transform_indices = @transform_11, window_bounds = array<i64: 1792, 32>}, {transform_indices = @transform_12, window_bounds = array<i64: 1792, 32>}, {transform_indices = @transform_13, window_bounds = array<i64: 1792, 32>}]} {
    %get3A = arith.constant 0 : index
    %get3A_0 = arith.constant 0 : index
    %get3A_1 = vector.load %arg1[%get3A, %get3A_0] : memref<1792x128xf32, #tpu.memory_space<vmem>>, vector<1792x128xf32>
    %get3A_2 = arith.constant 0 : index
    %get3A_3 = arith.constant 0 : index
    %get3A_4 = vector.load %arg2[%get3A_2, %get3A_3] : memref<1792x32xf32, #tpu.memory_space<vmem>>, vector<1792x32xf32>
    %get3A_5 = arith.constant 0 : index
    %get3A_6 = arith.constant 0 : index
    %get3A_7 = vector.load %arg3[%get3A_5, %get3A_6] : memref<1792x32xf32, #tpu.memory_space<vmem>>, vector<1792x32xf32>
    %get3A_8 = arith.constant 0 : index
    %get3A_9 = arith.constant 0 : index
    %get3A_10 = vector.load %arg4[%get3A_8, %get3A_9] : memref<1792x32xf32, #tpu.memory_space<vmem>>, vector<1792x32xf32>
    %get3A_11 = arith.constant 0 : index
    %get3A_12 = arith.constant 0 : index
    %get3A_13 = vector.load %arg5[%get3A_11, %get3A_12] : memref<1792x32xf32, #tpu.memory_space<vmem>>, vector<1792x32xf32>
    %concatenate3A = tpu.concatenate %get3A_4, %get3A_7, %get3A_10, %get3A_13 in 1 : vector<1792x32xf32>, vector<1792x32xf32>, vector<1792x32xf32>, vector<1792x32xf32> -> vector<1792x128xf32>
    %add3A = arith.addf %get3A_1, %concatenate3A : vector<1792x128xf32>
    %max3A = arith.constant 0.000000e+00 : f32
    %max3A_14 = vector.broadcast %max3A : f32 to vector<1792x128xf32>
    %max3A_15 = arith.maximumf %add3A, %max3A_14 : vector<1792x128xf32>
    %get3A_16 = arith.constant 0 : index
    %get3A_17 = arith.constant 0 : index
    %get3A_18 = vector.load %arg6[%get3A_16, %get3A_17] : memref<128x128xf32, #tpu.memory_space<vmem>>, vector<128x128xf32>
    %dot_general3A = arith.constant dense<0.000000e+00> : vector<1792x128xf32>
    %dot_general3A_19 = tpu.matmul %max3A_15, %get3A_18, %dot_general3A {dimension_numbers = #tpu.dot_dimension_numbers<[1], [0], [0], [1], [0, 0, 1, 1], [], []>, transpose_lhs_hint = false} : vector<1792x128xf32>, vector<128x128xf32>, vector<1792x128xf32> -> vector<1792x128xf32>
    %get3A_20 = arith.constant 0 : index
    %get3A_21 = arith.constant 0 : index
    %get3A_22 = vector.load %arg7[%get3A_20, %get3A_21] : memref<1x128xf32, #tpu.memory_space<vmem>>, vector<1x128xf32>
    %add3A_23 = vector.broadcast %get3A_22 : vector<1x128xf32> to vector<1792x128xf32>
    %add3A_24 = arith.addf %dot_general3A_19, %add3A_23 : vector<1792x128xf32>
    %get3A_25 = arith.constant 0 : index
    %get3A_26 = arith.constant 0 : index
    %get3A_27 = vector.load %arg8[%get3A_25, %get3A_26] : memref<128x128xf32, #tpu.memory_space<vmem>>, vector<128x128xf32>
    %dot_general3A_28 = arith.constant dense<0.000000e+00> : vector<1792x128xf32>
    %dot_general3A_29 = tpu.matmul %max3A_15, %get3A_27, %dot_general3A_28 {dimension_numbers = #tpu.dot_dimension_numbers<[1], [0], [0], [1], [0, 0, 1, 1], [], []>, transpose_lhs_hint = false} : vector<1792x128xf32>, vector<128x128xf32>, vector<1792x128xf32> -> vector<1792x128xf32>
    %get3A_30 = arith.constant 0 : index
    %get3A_31 = arith.constant 0 : index
    %get3A_32 = vector.load %arg9[%get3A_30, %get3A_31] : memref<1x128xf32, #tpu.memory_space<vmem>>, vector<1x128xf32>
    %add3A_33 = vector.broadcast %get3A_32 : vector<1x128xf32> to vector<1792x128xf32>
    %add3A_34 = arith.addf %dot_general3A_29, %add3A_33 : vector<1792x128xf32>
    %swap3A = arith.constant 0 : index
    %swap3A_35 = arith.constant 0 : index
    %swap3A_36 = vector.load %arg10[%swap3A, %swap3A_35] : memref<1792x128xf32, #tpu.memory_space<vmem>>, vector<1792x128xf32>
    tpu.vector_store %arg10[%swap3A, %swap3A_35], %add3A_24 {strides = array<i32>} : memref<1792x128xf32, #tpu.memory_space<vmem>>, vector<1792x128xf32>,
    %slice3A = vector.extract_strided_slice %add3A_34 {offsets = [0, 0], sizes = [1792, 32], strides = [1, 1]} : vector<1792x128xf32> to vector<1792x32xf32>
    %swap3A_37 = arith.constant 0 : index
    %swap3A_38 = arith.constant 0 : index
    %swap3A_39 = vector.load %arg11[%swap3A_37, %swap3A_38] : memref<1792x32xf32, #tpu.memory_space<vmem>>, vector<1792x32xf32>
    tpu.vector_store %arg11[%swap3A_37, %swap3A_38], %slice3A {strides = array<i32>} : memref<1792x32xf32, #tpu.memory_space<vmem>>, vector<1792x32xf32>,
    %slice3A_40 = vector.extract_strided_slice %add3A_34 {offsets = [0, 32], sizes = [1792, 32], strides = [1, 1]} : vector<1792x128xf32> to vector<1792x32xf32>
    %swap3A_41 = arith.constant 0 : index
    %swap3A_42 = arith.constant 0 : index
    %swap3A_43 = vector.load %arg12[%swap3A_41, %swap3A_42] : memref<1792x32xf32, #tpu.memory_space<vmem>>, vector<1792x32xf32>
    tpu.vector_store %arg12[%swap3A_41, %swap3A_42], %slice3A_40 {strides = array<i32>} : memref<1792x32xf32, #tpu.memory_space<vmem>>, vector<1792x32xf32>,
    %slice3A_44 = vector.extract_strided_slice %add3A_34 {offsets = [0, 64], sizes = [1792, 32], strides = [1, 1]} : vector<1792x128xf32> to vector<1792x32xf32>
    %swap3A_45 = arith.constant 0 : index
    %swap3A_46 = arith.constant 0 : index
    %swap3A_47 = vector.load %arg13[%swap3A_45, %swap3A_46] : memref<1792x32xf32, #tpu.memory_space<vmem>>, vector<1792x32xf32>
    tpu.vector_store %arg13[%swap3A_45, %swap3A_46], %slice3A_44 {strides = array<i32>} : memref<1792x32xf32, #tpu.memory_space<vmem>>, vector<1792x32xf32>,
    %slice3A_48 = vector.extract_strided_slice %add3A_34 {offsets = [0, 96], sizes = [1792, 32], strides = [1, 1]} : vector<1792x128xf32> to vector<1792x32xf32>
    %swap3A_49 = arith.constant 0 : index
    %swap3A_50 = arith.constant 0 : index
    %swap3A_51 = vector.load %arg14[%swap3A_49, %swap3A_50] : memref<1792x32xf32, #tpu.memory_space<vmem>>, vector<1792x32xf32>
    tpu.vector_store %arg14[%swap3A_49, %swap3A_50], %slice3A_48 {strides = array<i32>} : memref<1792x32xf32, #tpu.memory_space<vmem>>, vector<1792x32xf32>,
    return
  }
  func.func @transform_0(%arg0: i32) -> (i32, i32) {
    %c0_i32 = arith.constant 0 : i32
    %c0_i32_0 = arith.constant 0 : i32
    return %arg0, %c0_i32 : i32, i32
  }
  func.func @transform_1(%arg0: i32) -> (i32, i32) {
    %c0_i32 = arith.constant 0 : i32
    %c0_i32_0 = arith.constant 0 : i32
    return %arg0, %c0_i32 : i32, i32
  }
  func.func @transform_2(%arg0: i32) -> (i32, i32) {
    %c0_i32 = arith.constant 0 : i32
    %c0_i32_0 = arith.constant 0 : i32
    return %arg0, %c0_i32 : i32, i32
  }
  func.func @transform_3(%arg0: i32) -> (i32, i32) {
    %c0_i32 = arith.constant 0 : i32
    %c0_i32_0 = arith.constant 0 : i32
    return %arg0, %c0_i32 : i32, i32
  }
  func.func @transform_4(%arg0: i32) -> (i32, i32) {
    %c0_i32 = arith.constant 0 : i32
    %c0_i32_0 = arith.constant 0 : i32
    return %arg0, %c0_i32 : i32, i32
  }
  func.func @transform_5(%arg0: i32) -> (i32, i32) {
    %c0_i32 = arith.constant 0 : i32
    %c0_i32_0 = arith.constant 0 : i32
    %c0_i32_1 = arith.constant 0 : i32
    return %c0_i32, %c0_i32_0 : i32, i32
  }
  func.func @transform_6(%arg0: i32) -> (i32, i32) {
    %c0_i32 = arith.constant 0 : i32
    %c0_i32_0 = arith.constant 0 : i32
    %c0_i32_1 = arith.constant 0 : i32
    return %c0_i32, %c0_i32_0 : i32, i32
  }
  func.func @transform_7(%arg0: i32) -> (i32, i32) {
    %c0_i32 = arith.constant 0 : i32
    %c0_i32_0 = arith.constant 0 : i32
    %c0_i32_1 = arith.constant 0 : i32
    return %c0_i32, %c0_i32_0 : i32, i32
  }
  func.func @transform_8(%arg0: i32) -> (i32, i32) {
    %c0_i32 = arith.constant 0 : i32
    %c0_i32_0 = arith.constant 0 : i32
    %c0_i32_1 = arith.constant 0 : i32
    return %c0_i32, %c0_i32_0 : i32, i32
  }
  func.func @transform_9(%arg0: i32) -> (i32, i32) {
    %c0_i32 = arith.constant 0 : i32
    %c0_i32_0 = arith.constant 0 : i32
    return %arg0, %c0_i32 : i32, i32
  }
  func.func @transform_10(%arg0: i32) -> (i32, i32) {
    %c0_i32 = arith.constant 0 : i32
    %c0_i32_0 = arith.constant 0 : i32
    return %arg0, %c0_i32 : i32, i32
  }
  func.func @transform_11(%arg0: i32) -> (i32, i32) {
    %c0_i32 = arith.constant 0 : i32
    %c0_i32_0 = arith.constant 0 : i32
    return %arg0, %c0_i32 : i32, i32
  }
  func.func @transform_12(%arg0: i32) -> (i32, i32) {
    %c0_i32 = arith.constant 0 : i32
    %c0_i32_0 = arith.constant 0 : i32
    return %arg0, %c0_i32 : i32, i32
  }
  func.func @transform_13(%arg0: i32) -> (i32, i32) {
    %c0_i32 = arith.constant 0 : i32
    %c0_i32_0 = arith.constant 0 : i32
    return %arg0, %c0_i32 : i32, i32
  }
}

module attributes {stable_mosaic.version = 14 : i64} {
  func.func @body(%arg0: i32, %arg1: memref<1792x128xf32, #tpu.memory_space<vmem>>, %arg2: memref<1792x32xf32, #tpu.memory_space<vmem>>, %arg3: memref<1792x32xf32, #tpu.memory_space<vmem>>, %arg4: memref<1792x32xf32, #tpu.memory_space<vmem>>, %arg5: memref<1792x32xf32, #tpu.memory_space<vmem>>, %arg6: memref<1792x1xf32, #tpu.memory_space<vmem>>, %arg7: memref<128x256xf32, #tpu.memory_space<vmem>>, %arg8: memref<1x256xf32, #tpu.memory_space<vmem>>, %arg9: memref<256x128xf32, #tpu.memory_space<vmem>>, %arg10: memref<1x128xf32, #tpu.memory_space<vmem>>, %arg11: memref<16x128xf32, #tpu.memory_space<vmem>>, %arg12: memref<16x128xf32, #tpu.memory_space<vmem>>, %arg13: memref<16x128xf32, #tpu.memory_space<vmem>>) attributes {dimension_semantics = [#tpu.dimension_semantics<arbitrary>], iteration_bounds = array<i64: 28>, scalar_prefetch = 0 : i64, scratch_operands = 2 : i64, tpu.core_type = #tpu.core_type<tc>, window_params = [{transform_indices = @transform_0, window_bounds = array<i64: 1792, 128>}, {transform_indices = @transform_1, window_bounds = array<i64: 1792, 32>}, {transform_indices = @transform_2, window_bounds = array<i64: 1792, 32>}, {transform_indices = @transform_3, window_bounds = array<i64: 1792, 32>}, {transform_indices = @transform_4, window_bounds = array<i64: 1792, 32>}, {transform_indices = @transform_5, window_bounds = array<i64: 1792, 1>}, {pipeline_mode = #tpu.pipeline_mode<synchronous>, transform_indices = @transform_6, window_bounds = array<i64: 128, 256>}, {pipeline_mode = #tpu.pipeline_mode<synchronous>, transform_indices = @transform_7, window_bounds = array<i64: 1, 256>}, {pipeline_mode = #tpu.pipeline_mode<synchronous>, transform_indices = @transform_8, window_bounds = array<i64: 256, 128>}, {pipeline_mode = #tpu.pipeline_mode<synchronous>, transform_indices = @transform_9, window_bounds = array<i64: 1, 128>}, {pipeline_mode = #tpu.pipeline_mode<synchronous>, transform_indices = @transform_10, window_bounds = array<i64: 16, 128>}]} {
    %eq3A = arith.constant 0 : i32
    %eq3A_0 = arith.cmpi eq, %arg0, %eq3A : i32
    %convert_element_type3A = arith.extui %eq3A_0 : i1 to i32
    %cond3A = arith.constant 0 : i32
    %cond3A_1 = arith.cmpi ne, %convert_element_type3A, %cond3A : i32
    scf.if %cond3A_1 {
      %broadcast_in_dim3A_49 = arith.constant 0.000000e+00 : f32
      %broadcast_in_dim3A_50 = vector.broadcast %broadcast_in_dim3A_49 : f32 to vector<16x128xf32>
      %swap3A_51 = arith.constant 0 : index
      %swap3A_52 = arith.constant 0 : index
      %swap3A_53 = vector.load %arg12[%swap3A_51, %swap3A_52] : memref<16x128xf32, #tpu.memory_space<vmem>>, vector<16x128xf32>
      tpu.vector_store %arg12[%swap3A_51, %swap3A_52], %broadcast_in_dim3A_50 {strides = array<i32>} : memref<16x128xf32, #tpu.memory_space<vmem>>, vector<16x128xf32>,
      %broadcast_in_dim3A_54 = arith.constant 0.000000e+00 : f32
      %broadcast_in_dim3A_55 = vector.broadcast %broadcast_in_dim3A_54 : f32 to vector<16x128xf32>
      %swap3A_56 = arith.constant 0 : index
      %swap3A_57 = arith.constant 0 : index
      %swap3A_58 = vector.load %arg13[%swap3A_56, %swap3A_57] : memref<16x128xf32, #tpu.memory_space<vmem>>, vector<16x128xf32>
      tpu.vector_store %arg13[%swap3A_56, %swap3A_57], %broadcast_in_dim3A_55 {strides = array<i32>} : memref<16x128xf32, #tpu.memory_space<vmem>>, vector<16x128xf32>,
      %broadcast_in_dim3A_59 = arith.constant 0.000000e+00 : f32
      %broadcast_in_dim3A_60 = vector.broadcast %broadcast_in_dim3A_59 : f32 to vector<16x128xf32>
      %swap3A_61 = arith.constant 0 : index
      %swap3A_62 = arith.constant 0 : index
      %swap3A_63 = vector.load %arg11[%swap3A_61, %swap3A_62] : memref<16x128xf32, #tpu.memory_space<vmem>>, vector<16x128xf32>
      tpu.vector_store %arg11[%swap3A_61, %swap3A_62], %broadcast_in_dim3A_60 {strides = array<i32>} : memref<16x128xf32, #tpu.memory_space<vmem>>, vector<16x128xf32>,
    } else {
    }
    %get3A = arith.constant 0 : index
    %get3A_2 = arith.constant 0 : index
    %get3A_3 = vector.load %arg2[%get3A, %get3A_2] : memref<1792x32xf32, #tpu.memory_space<vmem>>, vector<1792x32xf32>
    %get3A_4 = arith.constant 0 : index
    %get3A_5 = arith.constant 0 : index
    %get3A_6 = vector.load %arg3[%get3A_4, %get3A_5] : memref<1792x32xf32, #tpu.memory_space<vmem>>, vector<1792x32xf32>
    %get3A_7 = arith.constant 0 : index
    %get3A_8 = arith.constant 0 : index
    %get3A_9 = vector.load %arg4[%get3A_7, %get3A_8] : memref<1792x32xf32, #tpu.memory_space<vmem>>, vector<1792x32xf32>
    %get3A_10 = arith.constant 0 : index
    %get3A_11 = arith.constant 0 : index
    %get3A_12 = vector.load %arg5[%get3A_10, %get3A_11] : memref<1792x32xf32, #tpu.memory_space<vmem>>, vector<1792x32xf32>
    %concatenate3A = tpu.concatenate %get3A_3, %get3A_6, %get3A_9, %get3A_12 in 1 : vector<1792x32xf32>, vector<1792x32xf32>, vector<1792x32xf32>, vector<1792x32xf32> -> vector<1792x128xf32>
    %get3A_13 = arith.constant 0 : index
    %get3A_14 = arith.constant 0 : index
    %get3A_15 = vector.load %arg1[%get3A_13, %get3A_14] : memref<1792x128xf32, #tpu.memory_space<vmem>>, vector<1792x128xf32>
    %add3A = arith.addf %get3A_15, %concatenate3A : vector<1792x128xf32>
    %max3A = arith.constant 0.000000e+00 : f32
    %max3A_16 = vector.broadcast %max3A : f32 to vector<1792x128xf32>
    %max3A_17 = arith.maximumf %add3A, %max3A_16 : vector<1792x128xf32>
    %iota3A = tpu.iota {dimensions = array<i32: 1>} : vector<1x16xi32>
    %convert_element_type3A_18 = arith.sitofp %iota3A : vector<1x16xi32> to vector<1x16xf32>
    %get3A_19 = arith.constant 0 : index
    %get3A_20 = arith.constant 0 : index
    %get3A_21 = vector.load %arg6[%get3A_19, %get3A_20] : memref<1792x1xf32, #tpu.memory_space<vmem>>, vector<1792x1xf32>
    %eq3A_22 = vector.broadcast %get3A_21 : vector<1792x1xf32> to vector<1792x16xf32>
    %eq3A_23 = vector.broadcast %convert_element_type3A_18 : vector<1x16xf32> to vector<1792x16xf32>
    %eq3A_24 = arith.cmpf oeq, %eq3A_22, %eq3A_23 : vector<1792x16xf32>
    %convert_element_type3A_25 = arith.extui %eq3A_24 : vector<1792x16xi1> to vector<1792x16xi32>
    %convert_element_type3A_26 = arith.sitofp %convert_element_type3A_25 : vector<1792x16xi32> to vector<1792x16xf32>
    %get3A_27 = arith.constant 0 : index
    %get3A_28 = arith.constant 0 : index
    %get3A_29 = vector.load %arg12[%get3A_27, %get3A_28] : memref<16x128xf32, #tpu.memory_space<vmem>>, vector<16x128xf32>
    %dot_general3A = arith.constant dense<0.000000e+00> : vector<16x128xf32>
    %dot_general3A_30 = tpu.matmul %convert_element_type3A_26, %max3A_17, %dot_general3A {dimension_numbers = #tpu.dot_dimension_numbers<[0], [0], [1], [1], [0, 1, 1, 1], [], []>, transpose_lhs_hint = false} : vector<1792x16xf32>, vector<1792x128xf32>, vector<16x128xf32> -> vector<16x128xf32>
    %add3A_31 = arith.addf %get3A_29, %dot_general3A_30 : vector<16x128xf32>
    %swap3A = arith.constant 0 : index
    %swap3A_32 = arith.constant 0 : index
    %swap3A_33 = vector.load %arg12[%swap3A, %swap3A_32] : memref<16x128xf32, #tpu.memory_space<vmem>>, vector<16x128xf32>
    tpu.vector_store %arg12[%swap3A, %swap3A_32], %add3A_31 {strides = array<i32>} : memref<16x128xf32, #tpu.memory_space<vmem>>, vector<16x128xf32>,
    %get3A_34 = arith.constant 0 : index
    %get3A_35 = arith.constant 0 : index
    %get3A_36 = vector.load %arg13[%get3A_34, %get3A_35] : memref<16x128xf32, #tpu.memory_space<vmem>>, vector<16x128xf32>
    %broadcast_in_dim3A = arith.constant 1.000000e+00 : f32
    %broadcast_in_dim3A_37 = vector.broadcast %broadcast_in_dim3A : f32 to vector<1792x128xf32>
    %dot_general3A_38 = arith.constant dense<0.000000e+00> : vector<16x128xf32>
    %dot_general3A_39 = tpu.matmul %convert_element_type3A_26, %broadcast_in_dim3A_37, %dot_general3A_38 {dimension_numbers = #tpu.dot_dimension_numbers<[0], [0], [1], [1], [0, 1, 1, 1], [], []>, transpose_lhs_hint = false} : vector<1792x16xf32>, vector<1792x128xf32>, vector<16x128xf32> -> vector<16x128xf32>
    %add3A_40 = arith.addf %get3A_36, %dot_general3A_39 : vector<16x128xf32>
    %swap3A_41 = arith.constant 0 : index
    %swap3A_42 = arith.constant 0 : index
    %swap3A_43 = vector.load %arg13[%swap3A_41, %swap3A_42] : memref<16x128xf32, #tpu.memory_space<vmem>>, vector<16x128xf32>
    tpu.vector_store %arg13[%swap3A_41, %swap3A_42], %add3A_40 {strides = array<i32>} : memref<16x128xf32, #tpu.memory_space<vmem>>, vector<16x128xf32>,
    %eq3A_44 = arith.constant 27 : i32
    %eq3A_45 = arith.cmpi eq, %arg0, %eq3A_44 : i32
    %convert_element_type3A_46 = arith.extui %eq3A_45 : i1 to i32
    %cond3A_47 = arith.constant 0 : i32
    %cond3A_48 = arith.cmpi ne, %convert_element_type3A_46, %cond3A_47 : i32
    scf.if %cond3A_48 {
      %get3A_49 = arith.constant 0 : index
      %get3A_50 = arith.constant 0 : index
      %get3A_51 = vector.load %arg12[%get3A_49, %get3A_50] : memref<16x128xf32, #tpu.memory_space<vmem>>, vector<16x128xf32>
      %get3A_52 = arith.constant 0 : index
      %get3A_53 = arith.constant 0 : index
      %get3A_54 = vector.load %arg13[%get3A_52, %get3A_53] : memref<16x128xf32, #tpu.memory_space<vmem>>, vector<16x128xf32>
      %max3A_55 = arith.constant 9.99999997E-7 : f32
      %max3A_56 = vector.broadcast %max3A_55 : f32 to vector<16x128xf32>
      %max3A_57 = arith.maximumf %get3A_54, %max3A_56 : vector<16x128xf32>
      %div3A = arith.divf %get3A_51, %max3A_57 : vector<16x128xf32>
      %get3A_58 = arith.constant 0 : index
      %get3A_59 = arith.constant 0 : index
      %get3A_60 = vector.load %arg7[%get3A_58, %get3A_59] : memref<128x256xf32, #tpu.memory_space<vmem>>, vector<128x256xf32>
      %dot_general3A_61 = arith.constant dense<0.000000e+00> : vector<16x256xf32>
      %dot_general3A_62 = tpu.matmul %div3A, %get3A_60, %dot_general3A_61 {dimension_numbers = #tpu.dot_dimension_numbers<[1], [0], [0], [1], [0, 0, 1, 1], [], []>, transpose_lhs_hint = false} : vector<16x128xf32>, vector<128x256xf32>, vector<16x256xf32> -> vector<16x256xf32>
      %get3A_63 = arith.constant 0 : index
      %get3A_64 = arith.constant 0 : index
      %get3A_65 = vector.load %arg8[%get3A_63, %get3A_64] : memref<1x256xf32, #tpu.memory_space<vmem>>, vector<1x256xf32>
      %add3A_66 = vector.broadcast %get3A_65 : vector<1x256xf32> to vector<16x256xf32>
      %add3A_67 = arith.addf %dot_general3A_62, %add3A_66 : vector<16x256xf32>
      %max3A_68 = arith.constant 0.000000e+00 : f32
      %max3A_69 = vector.broadcast %max3A_68 : f32 to vector<16x256xf32>
      %max3A_70 = arith.maximumf %add3A_67, %max3A_69 : vector<16x256xf32>
      %get3A_71 = arith.constant 0 : index
      %get3A_72 = arith.constant 0 : index
      %get3A_73 = vector.load %arg9[%get3A_71, %get3A_72] : memref<256x128xf32, #tpu.memory_space<vmem>>, vector<256x128xf32>
      %dot_general3A_74 = arith.constant dense<0.000000e+00> : vector<16x128xf32>
      %dot_general3A_75 = tpu.matmul %max3A_70, %get3A_73, %dot_general3A_74 {dimension_numbers = #tpu.dot_dimension_numbers<[1], [0], [0], [1], [0, 0, 1, 1], [], []>, transpose_lhs_hint = false} : vector<16x256xf32>, vector<256x128xf32>, vector<16x128xf32> -> vector<16x128xf32>
      %get3A_76 = arith.constant 0 : index
      %get3A_77 = arith.constant 0 : index
      %get3A_78 = vector.load %arg10[%get3A_76, %get3A_77] : memref<1x128xf32, #tpu.memory_space<vmem>>, vector<1x128xf32>
      %add3A_79 = vector.broadcast %get3A_78 : vector<1x128xf32> to vector<16x128xf32>
      %add3A_80 = arith.addf %dot_general3A_75, %add3A_79 : vector<16x128xf32>
      %swap3A_81 = arith.constant 0 : index
      %swap3A_82 = arith.constant 0 : index
      %swap3A_83 = vector.load %arg11[%swap3A_81, %swap3A_82] : memref<16x128xf32, #tpu.memory_space<vmem>>, vector<16x128xf32>
      tpu.vector_store %arg11[%swap3A_81, %swap3A_82], %add3A_80 {strides = array<i32>} : memref<16x128xf32, #tpu.memory_space<vmem>>, vector<16x128xf32>,
    } else {
    }
    return
  }
  func.func @transform_0(%arg0: i32) -> (i32, i32) {
    %c0_i32 = arith.constant 0 : i32
    %c0_i32_0 = arith.constant 0 : i32
    return %arg0, %c0_i32 : i32, i32
  }
  func.func @transform_1(%arg0: i32) -> (i32, i32) {
    %c0_i32 = arith.constant 0 : i32
    %c0_i32_0 = arith.constant 0 : i32
    return %arg0, %c0_i32 : i32, i32
  }
  func.func @transform_2(%arg0: i32) -> (i32, i32) {
    %c0_i32 = arith.constant 0 : i32
    %c0_i32_0 = arith.constant 0 : i32
    return %arg0, %c0_i32 : i32, i32
  }
  func.func @transform_3(%arg0: i32) -> (i32, i32) {
    %c0_i32 = arith.constant 0 : i32
    %c0_i32_0 = arith.constant 0 : i32
    return %arg0, %c0_i32 : i32, i32
  }
  func.func @transform_4(%arg0: i32) -> (i32, i32) {
    %c0_i32 = arith.constant 0 : i32
    %c0_i32_0 = arith.constant 0 : i32
    return %arg0, %c0_i32 : i32, i32
  }
  func.func @transform_5(%arg0: i32) -> (i32, i32) {
    %c0_i32 = arith.constant 0 : i32
    %c0_i32_0 = arith.constant 0 : i32
    return %arg0, %c0_i32 : i32, i32
  }
  func.func @transform_6(%arg0: i32) -> (i32, i32) {
    %c0_i32 = arith.constant 0 : i32
    %c0_i32_0 = arith.constant 0 : i32
    %c0_i32_1 = arith.constant 0 : i32
    return %c0_i32, %c0_i32_0 : i32, i32
  }
  func.func @transform_7(%arg0: i32) -> (i32, i32) {
    %c0_i32 = arith.constant 0 : i32
    %c0_i32_0 = arith.constant 0 : i32
    %c0_i32_1 = arith.constant 0 : i32
    return %c0_i32, %c0_i32_0 : i32, i32
  }
  func.func @transform_8(%arg0: i32) -> (i32, i32) {
    %c0_i32 = arith.constant 0 : i32
    %c0_i32_0 = arith.constant 0 : i32
    %c0_i32_1 = arith.constant 0 : i32
    return %c0_i32, %c0_i32_0 : i32, i32
  }
  func.func @transform_9(%arg0: i32) -> (i32, i32) {
    %c0_i32 = arith.constant 0 : i32
    %c0_i32_0 = arith.constant 0 : i32
    %c0_i32_1 = arith.constant 0 : i32
    return %c0_i32, %c0_i32_0 : i32, i32
  }
  func.func @transform_10(%arg0: i32) -> (i32, i32) {
    %c0_i32 = arith.constant 0 : i32
    %c0_i32_0 = arith.constant 0 : i32
    %c0_i32_1 = arith.constant 0 : i32
    return %c0_i32, %c0_i32_0 : i32, i32
  }
}

</mosaic_0001>

<sc_bundles>
// kernel: kernel.12.cloned.1.call-start
scs
__scs_entry_jumppad:
0x0: {  	(pc) =	sbr.rel $0x88, $3  }
0x1: {  	(tag) =	ssettag $0x0;
	lr =	simm.s32 $0x1  }
0x2: {  	[smem:$0x3F8E] =	sst lr;
	_ =	strace $0xD0000000  }
0x3: {  	_ = 	snop  }
0x4: {  	_ = 	snop  }
0x5: {  	_ = 	snop  }
0x6: {  	_ = 	snop  }
0x7: {  	_ = 	snop  }
__scs_overlays_trampoline_lowered:
0x8: {  	[smem:$0x3F9D] =	sst s0  }
0x9: {  	[smem:$0x3F9E] =	sst s1  }
0xa: {  	[smem:$0x3F9F] =	sst s2  }
0xb: {  	[smem:$0x3FA0] =	sst s3  }
0xc: {  	[smem:$0x3FA1] =	sst s4  }
0xd: {  	[smem:$0x3FA2] =	sst s5  }
0xe: {  	[smem:$0x3FA3] =	sst s6  }
0xf: {  	[smem:$0x3FA4] =	sst s7  }
0x10: {  	[smem:$0x3FA5] =	sst s8  }
0x11: {  	[smem:$0x3FA6] =	sst s9;
	s0 =	simm.s32 @!p0 $0x0  }
0x12: {  	s1 =	sld [smem:$0x3F8C];
	s0 =	simm.s32 @p0 $0x1  }
0x13: {  	[smem:$0x3FA7] =	sst s0;
	s0 =	simm.s32 @!p1 $0x0  }
0x14: {  	s2 =	sld [smem:$0x3F8B];
	s0 =	simm.s32 @p1 $0x1  }
0x15: {  	[smem:$0x3FA8] =	sst s0;
	s0 =	simm.s32 @!p2 $0x0  }
0x16: {  	s3 =	sld [smem:$0x3FDB];
	s0 =	simm.s32 @p2 $0x1  }
0x17: {  	s4 =	simm.s32 $0x1BF5;
	[smem:$0x3FAA] =	sst s0  }
0x18: {  	s0 =	sld [smem:$0x3F8D];
	_ =	swait.ge [sflag:s4], $0x0  }
0x19: {  	s7 =	sld [smem:$0x3F8E]  }
0x1a: {  	s8 =	sadd.s32 $0xFFFFE003, lr  }
0x1b: {  	s9 =	sadd.s32 $0xFFFFFEF7, lr;
	s5 =	simm.s32 $0xFFFFFFFF;
	p2 =	slt.u32 s8, $0xFFFFF086  }
0x1c: {  	p1 =	slt.u32 s9, $0xF7A;
	s5 =	simm.s32 @!p2 $0x0  }
0x1d: {  	s5 =	simm.s32 @p1 $0x1;
	p0 =	seq.s32 s7, s2  }
0x1e: {  	s7 =	smul.u32 @!p0 $0xF7A, s2;
	p2 =	seq.s32 @!p0 s5, $0x0  }
0x1f: {  	s9 =	smul.u32 $0xF7A, s1;
	s8 =	simm.s32 @!p0 $0x1BF5;
	p2 =	por !p2, p0  }
0x20: {  	[sflag:s8] =	ssyncset.s32 @!p0 $0xFFFFF086;
	s6 =	sadd.s32 @!p0 s3, s7;
	s7 =	simm.s32 @!p0 $0x108  }
0x21: {  	s3 =	sadd.s32 s3, s9;
	s6 =	sadd.s32 @!p0 $0x88, s6;
	s7 =	simm.s32 @p2 $0x1082  }
0x22: {  	[simem:s7], [sflag:s8] =	dma.local @!p0 [hbm:s6], $0xF7A  }
0x23: {  	s9 =	sor.u32 $0xD0000000, s2;
	s6 =	simm.s32 $0x108;
	_ =	swait.ge @!p0 [sflag:s8], $0x0  }
0x24: {  	s3 =	sadd.s32 $0x88, s3;
	s6 =	simm.s32 @!p1 $0x1082;
	[sflag:s4] =	ssyncset.s32 $0xFFFFF086  }
0x25: {  	[simem:s6], [sflag:s4] =	dma.local [hbm:s3], $0xF7A  }
0x26: {  	[smem:$0x3F8E] =	sst s1;
	(tag) =	ssettag s2;
	_ =	strace s9  }
0x27: {  	s1 =	sld [smem:$0x3F9E]  }
0x28: {  	s2 =	sld [smem:$0x3F9F]  }
0x29: {  	s4 =	sld [smem:$0x3FA1]  }
0x2a: {  	p0 =	seq.s32 s5, $0x0;
	s5 =	sld [smem:$0x3FA2]  }
0x2b: {  	s6 =	sld [smem:$0x3FA3]  }
0x2c: {  	s7 =	sld [smem:$0x3FA4]  }
0x2d: {  	s3 =	simm.s32 $0x108;
	s8 =	sld [smem:$0x3FA5]  }
0x2e: {  	s3 =	simm.s32 @!p0 $0x1082;
	s9 =	sld [smem:$0x3FA6]  }
0x2f: {  	lr =	sadd.s32 s0, s3;
	s0 =	sld [smem:$0x3F9D]  }
0x30: {  	s3 =	sld [smem:$0x3FA0]  }
0x31: {  	[smem:$0x3FA9] =	sst s10  }
0x32: {  	s10 =	sld [smem:$0x3FA7];
	_ =	sdelay $0x3  }
0x33: {  	p0 =	seq.s32 s10, $0x1;
	s10 =	sld [smem:$0x3FA9];
	_ =	sdelay $0x3  }
0x34: {  	[smem:$0x3FA9] =	sst s10  }
0x35: {  	s10 =	sld [smem:$0x3FA8];
	_ =	sdelay $0x3  }
0x36: {  	p1 =	seq.s32 s10, $0x1;
	s10 =	sld [smem:$0x3FA9];
	_ =	sdelay $0x3  }
0x37: {  	[smem:$0x3FA9] =	sst s10  }
0x38: {  	s10 =	sld [smem:$0x3FAA]  }
0x39: {  	_ = 	snop;
	(pc) =	sbr.ind lr, $3  }
0x3a: {  	_ = 	snop  }
0x3b: {  	_ = 	snop  }
0x3c: {  	p2 =	seq.s32 s10, $0x1;
	s10 =	sld [smem:$0x3FA9]  }
0x3d: {  	_ =	shalt  }
0x3e: {  	_ =	shalt  }
0x3f: {  	_ =	shalt  }
0x40: {  	_ =	shalt  }
0x41: {  	_ =	shalt  }
0x42: {  	_ =	shalt  }
0x43: {  	_ =	shalt  }
0x44: {  	_ =	shalt  }
0x45: {  	_ =	shalt  }
0x46: {  	_ =	shalt  }
0x47: {  	_ =	shalt  }
0x48: {  	_ =	shalt  }
0x49: {  	_ =	shalt  }
0x4a: {  	_ =	shalt  }
0x4b: {  	_ =	shalt  }
0x4c: {  	_ =	shalt  }
0x4d: {  	_ =	shalt  }
0x4e: {  	_ =	shalt  }
0x4f: {  	_ =	shalt  }
0x50: {  	_ =	shalt  }
0x51: {  	_ =	shalt  }
0x52: {  	_ =	shalt  }
0x53: {  	_ =	shalt  }
0x54: {  	_ =	shalt  }
0x55: {  	_ =	shalt  }
0x56: {  	_ =	shalt  }
0x57: {  	_ =	shalt  }
0x58: {  	_ =	shalt  }
0x59: {  	_ =	shalt  }
0x5a: {  	_ =	shalt  }
0x5b: {  	_ =	shalt  }
0x5c: {  	_ =	shalt  }
0x5d: {  	_ =	shalt  }
0x5e: {  	_ =	shalt  }
0x5f: {  	_ =	shalt  }
0x60: {  	_ =	shalt  }
0x61: {  	_ =	shalt  }
0x62: {  	_ =	shalt  }
0x63: {  	_ =	shalt  }
0x64: {  	_ =	shalt  }
0x65: {  	_ =	shalt  }
0x66: {  	_ =	shalt  }
0x67: {  	_ =	shalt  }
0x68: {  	_ =	shalt  }
0x69: {  	_ =	shalt  }
0x6a: {  	_ =	shalt  }
0x6b: {  	_ =	shalt  }
0x6c: {  	_ =	shalt  }
0x6d: {  	_ =	shalt  }
0x6e: {  	_ =	shalt  }
0x6f: {  	_ =	shalt  }
0x70: {  	_ =	shalt  }
0x71: {  	_ =	shalt  }
0x72: {  	_ =	shalt  }
0x73: {  	_ =	shalt  }
0x74: {  	_ =	shalt  }
0x75: {  	_ =	shalt  }
0x76: {  	_ =	shalt  }
0x77: {  	_ =	shalt  }
0x78: {  	_ =	shalt  }
0x79: {  	_ =	shalt  }
0x7a: {  	_ =	shalt  }
0x7b: {  	_ =	shalt  }
0x7c: {  	_ =	shalt  }
0x7d: {  	_ =	shalt  }
0x7e: {  	_ =	shalt  }
0x7f: {  	_ =	shalt  }
0x80: {  	_ =	shalt  }
0x81: {  	_ =	shalt  }
0x82: {  	_ =	shalt  }
0x83: {  	_ =	shalt  }
0x84: {  	_ =	shalt  }
0x85: {  	_ =	shalt  }
0x86: {  	_ =	shalt  }
0x87: {  	_ =	shalt  }
.Lfunc_end0:
.L_simem_size_0:
called_computation.1_lowered:
.L_overlay_start_0:
0x88: {  	s2 =	sld [smem:$0x3FD9]  }
0x89: {  	s3 =	sld [smem:$0x3FFE];
	_ =	sdelay $0x1  }
0x8a: {  	s1 =	srdreg.scid  }
0x8b: {  	s0 =	sand.u32 $0x1, s1  }
0x8c: {  	s16 =	sshll.u32 s0, $0xA;
	s2 =	sadd.s32 s3, s2  }
0x8d: {  	s2 =	sadd.s32 s2, s16  }
0x8e: {  	[smem:$0x3FB5] =	sst s2  }
0x8f: {  	_ = 	snop  }
0x90: {  	(tm) =	ssettm $0x1  }
0x91: {  	s17 =	sld [smem:$0x3FFB];
	_ =	sdelay $0x3  }
0x92: {  	_ =	strace s17  }
0x93: {  	s2 =	sld [smem:$0x3FFC];
	_ =	sdelay $0x3  }
0x94: {  	_ =	strace s2  }
0x95: {  	s2 =	sld [smem:$0x3FFD];
	_ =	sdelay $0x3  }
0x96: {  	_ =	strace s2  }
0x97: {  	_ =	strace $0x8FFFFFFF  }
0x98: {  	s18 =	sld [smem:$0x3FDB];
	_ =	sdelay $0x1  }
0x99: {  	s19 =	simm.s32 $_scs_section_size  }
0x9a: {  	s4 =	simm.s32 $_size__tile_overlayer_lowered;
	s5 =	simm.s32 $_tile_overlayer_lowered  }
0x9b: {  	s22 =	simm.s32 $0x1BFF;
	s21 =	sshll.u32 s5, $0x1;
	s2 =	sadd.s32 s19, s18  }
0x9c: {  	s6 =	simm.s32 $0x0;
	s20 =	sshll.u32 s4, $0x1;
	s4 =	sadd.s32 s21, s2  }
0x9d: {  	[timem:s6], [sflag:s22] =	dma.local [hbm:s4], s20  }
0x9e: {  	_ =	swait.ge [sflag:s22], s20  }
0x9f: {  	s3 =	ssub.s32 $0x0, s20;
	[sflag:s22] =	ssyncset.done $0x0  }
0xa0: {  	[sflag:s22] =	ssyncadd.s32 s3;
	_ =	sdelay $0x1  }
0xa1: {  	s23 =	simm.s32 $0x1B8B  }
0xa2: {  	_ =	swait.ge [sflag:s23], $0x1  }
0xa3: {  	[sflag:s23] =	ssyncset.done $0x0  }
0xa4: {  	s25 =	simm.s32 $0x1B8E;
	s24 =	sld [smem:$0x3FFE];
	[sflag:s23] =	ssyncadd.s32 $0xFFFFFFFF  }
0xa5: {  	s26 =	simm.s32 $execute0_lowered;
	[smem:$0x3FD2] =	sst s25  }
0xa6: {  	s4 =	sshll.u32 s26, $0x1;
	_ =	strace $0x80000049;
	[dreg:$0x1] =	wrdreg $0xFFFFFFFF  }
0xa7: {  	s28 =	simm.s32 $_size_execute0_lowered;
	s2 =	sadd.s32 s2, s4;
	[dreg:$0x0] =	wrdreg $0x0  }
0xa8: {  	s4 =	sshll.u32 s28, $0x1;
	[dreg:$0x2] =	wrdreg s2  }
0xa9: {  	[dreg:$0x3] =	wrdreg s4  }
0xaa: {  	[dreg:$0x4] =	wrdreg $0xC0  }
0xab: {  	_ =	task [dreg:s6], $0x5FFFF  }
0xac: {  	[dreg:$0x1] =	wrdreg $0xFFFFFFFF  }
0xad: {  	[dreg:$0x0] =	wrdreg $0x60  }
0xae: {  	[dreg:$0x2] =	wrdreg s24  }
0xaf: {  	[dreg:$0x3] =	wrdreg $0x74000  }
0xb0: {  	[dreg:$0x4] =	wrdreg $0x9  }
0xb1: {  	_ =	task.clear_ibuf [dreg:s6], $0x5FFFF;
	_ =	strace $0x90000049  }
0xb2: {  	s29 =	simm.s32 $0x9;
	_ =	strace $0x8000004B  }
0xb3: {  	_ =	swait.ge [sflag:s29], $0x1  }
0xb4: {  	[sflag:s29] =	ssyncadd.s32 $0xFFFFFFFF  }
0xb5: {  	_ =	strace $0x9000004B  }
0xb6: {  	_ =	sfence  }
0xb7: {  	s30 =	sld [smem:$0x0];
	_ =	sdelay $0x2  }
0xb8: {  	s31 =	sshll.u32 s1, $0xD;
	s1 =	sshrl.u32 s1, $0x2  }
0xb9: {  	s3 =	sand.u32 $0x4000, s31;
	s1 =	sadd.s32 s1, s30  }
0xba: {  	s0 =	sor.u32 s3, s0;
	s1 =	sshll.u32 s1, $0x11  }
0xbb: {  	s0 =	sor.u32 s1, s0  }
0xbc: {  	s0 =	sadd.s32 $0x8F2B, s0  }
0xbd: {  	[sflag:s0] =	ssyncadd.remote.s32 $0x1  }
0xbe: {  	_ =	sfence.sel $0xFFFF  }
0xbf: {  	[dreg:$0x0] =	wrdreg $0xFFFFFFFF;
	(pc) =	sbr.abs _section_cstart, $3  }
0xc0: {  	[dreg:$0x1] =	wrdreg $0xFFFFFFFF  }
0xc1: {  	_ =	task.clear_ibuf [dreg:s6], $0x2FFFF;
	_ =	strace $0x9FFFFFFF  }
0xc2: {  	(tm) =	ssettm $0x7FFFFFFF  }
0xc3: {  	_ =	shalt  }
tec
execute0_lowered:
.L_overlay_start_1:
0x0: {  	(tag) =	ssettag $0x1  }
0x1: {  	s0 =	rddreg [dreg:$0x0]  }
0x2: {  	s1 =	rddreg [dreg:$0x1];
	s2 =	simm.s32 $0x0  }
0x3: {  	s10 =	stileid.u32;
	s9 =	srdreg.scid;
	s20 =	simm.s32 $0x3  }
0x4: {  	s21 =	simm.s32 $0xA00;
	s28 =	simm.s32 $0x3400;
	s29 =	simm.s32 $0xB80  }
0x5: {  	s30 =	simm.s32 $0x4400;
	s31 =	simm.s32 $0x1;
	[smem:$0x7FF] =	sst s2  }
0x6: {  	s4 =	sadd.s32 $0xD0000, s0;
	s5 =	sadd.s32 $0x9F000, s0;
	s6 =	sadd.s32 $0x38E00, s0  }
0x7: {  	s3 =	smul.u32 $0x18800, s10;
	s7 =	sadd.s32 $0x7E00, s0;
	s8 =	sadd.s32 $0x82E00, s0  }
0x8: {  	s12 =	sand.u32 $0x1, s9;
	s9 =	sadd.s32 $0x69E00, s0;
	s11 =	sadd.s32 $0x9BE00, s0  }
0x9: {  	s16 =	sadd.s32 $0x132000, s0;
	s26 =	sshll.u32 s10, $0x6;
	_ =	strace $0x8000004A  }
0xa: {  	s13 =	ssub.s32 $0x2, s12;
	[dreg:$0x4] =	wrdreg s16;
	s18 =	sor.u32 $0x1C03, s26  }
0xb: {  	p0 =	sne.s32 s12, $0x0;
	s26 =	simm.s32 $0xB00;
	s14 =	sshrl.u32 s3, $0x3  }
0xc: {  	s22 =	sshrl.u32 s13, $0x1;
	s3 =	sadd.s32 s3, s1;
	[dreg:$0x3] =	wrdreg s14  }
0xd: {  	s15 =	sadd.s32 s14, s0;
	s0 =	sadd.s32 $0x101000, s0;
	s23 =	ssub.s32 s13, s22  }
.Ltmp0:
0xe: {  	[dreg:$0x5] =	wrdreg s0;
	s24 =	sadd.s32 $0x163000, s15;
	(pc) =	sbr.rel .LBB2_1-.Ltmp0, $4  }
0xf: {  	s14 =	smul.u32 $0x190, s10;
	s25 =	sadd.s32 $0x194000, s15;
	[dreg:$0x6] =	wrdreg s24  }
0x10: {  	s19 =	sshrl.u32 s3, $0x3;
	s0 =	smax.u32 s23, $0x1;
	[dreg:$0x7] =	wrdreg s25  }
0x11: {  	s22 =	simm.s32 $0x80;
	s23 =	simm.s32 $0x1400;
	[dreg:$0x8] =	wrdreg s0  }
0x12: {  	s24 =	simm.s32 $0xA80;
	s25 =	simm.s32 $0x2400;
	s0 =	simm.s32 $0x2  }
.LBB2_18:
0x13: {  	s10 =	rddreg [dreg:$0x3]  }
0x14: {  	[bflag:$0x0] =	sbarrier.arrive $0xFFFF;
	s3 =	sadd.s32 s3, s10  }
0x15: {  	[hbm:s3], [sflag:s18] =	dma.local [spmem:s19], $0x3100  }
0x16: {  	_ =	swait.ge [sflag:s20], $0x3100  }
0x17: {  	s2 =	sadd.s32 $0x1, s2;
	s17 =	rddreg [dreg:$0x8]  }
0x18: {  	p1 =	sne.s32 s2, s17  }
.Ltmp1:
0x19: {  	_ = 	snop;
	(pc) =	sbr.rel @!p1 .LBB2_19-.Ltmp1, $3  }
0x1a: {  	[sflag:s20] =	ssyncset.done $0x0  }
0x1b: {  	[sflag:s20] =	ssyncadd.s32 $0xFFFFCF00  }
0x1c: {  	[bflag:$0x0] =	sbarrier.arrive $0xFFFF;
	_ =	sdelay $0x1  }
.LBB2_1:
0x1d: {  	[spmem:s19], [sflag:s18] =	dma.local [hbm:s11], $0x3100  }
.Ltmp2:
0x1e: {  	_ =	swait.ge [sflag:s20], $0x3100;
	(pc) =	sbr.rel @p0 .LBB2_10-.Ltmp2, $4  }
0x1f: {  	[sflag:s20] =	ssyncset.done $0x0  }
0x20: {  	[sflag:s20] =	ssyncadd.s32 $0xFFFFCF00  }
0x21: {  	[bflag:$0x0] =	sbarrier.arrive $0xFFFF  }
0x22: {  	s3 =	simm.s32 $0x0;
	s12 =	simm.s32 $0x0  }
.LBB2_2:
0x23: {  	s12 =	smul.u32 $0x14, s3;
	_ =	sdelay $0x1  }
0x24: {  	s12 =	sadd.s32 s14, s12  }
0x25: {  	s13 =	sshll.u32 s12, $0x4  }
0x26: {  	s12 =	simm.s32 $0x0;
	s15 =	sadd.s32 s8, s13  }
0x27: {  	[tilespmem:s12], [sflag:$0x3] =	stream.linear.gather [hbm4b:s15+s12], $0xA00, $0x38;
	[tilespmem:$0x1FC00] =	vst v63  }
0x28: {  	_ =	swait.ge [sflag:s20], $0xA00  }
0x29: {  	[sflag:s20] =	ssyncset.done $0x0  }
0x2a: {  	s13 =	sadd.s32 s9, s13;
	[sflag:s20] =	ssyncadd.s32 $0xFFFFF600  }
0x2b: {  	[tilespmem:s21], [sflag:$0x3] =	stream.linear.gather [hbm4b:s13+s12], $0xA00, $0x38;
	[tilespmem:$0x1FC00] =	vst v63  }
0x2c: {  	_ =	swait.ge [sflag:s20], $0xA00  }
0x2d: {  	[sflag:s20] =	ssyncset.done $0x0  }
0x2e: {  	[sflag:s20] =	ssyncadd.s32 $0xFFFFF600  }
0x2f: {  	[tilespmem:s23], [sflag:$0x1] =	stream.indirect.gather [hbm4b:s4+s22], $0x20, s21, s22, $0xb8;
	[tilespmem:$0x1FC00] =	vst v63  }
0x30: {  	_ = 	snop  }
0x31: {  	[tilespmem:s25], [sflag:$0x1] =	stream.indirect.gather [hbm4b:s4+s22], $0x20, s24, s22, $0xb8;
	[tilespmem:$0x1FC00] =	vst v63  }
0x32: {  	_ = 	snop  }
0x33: {  	[tilespmem:s28], [sflag:$0x1] =	stream.indirect.gather [hbm4b:s4+s22], $0x20, s26, s22, $0xb8;
	[tilespmem:$0x1FC00] =	vst v63  }
0x34: {  	s15 =	simm.s32 $0x0;
	s13 =	simm.s32 $0xC00  }
0x35: {  	[tilespmem:s30], [sflag:$0x1] =	stream.indirect.gather [hbm4b:s4+s22], $0x20, s29, s22, $0xb8;
	[tilespmem:$0x1FC00] =	vst v63  }
.LBB2_3:
0x36: {  	p1 =	slt.u32 s15, $0x2  }
0x37: {  	s16 =	simm.s32 @!p1 $0x2  }
0x38: {  	p2 =	sgt.u32 @!p1 s15, $0xF;
	_ =	swait.ge @!p1 [sflag:s16], $0x1000  }
0x39: {  	p2 =	por p1, !p2;
	[sflag:s16] =	ssyncset.done @!p1 $0x0  }
0x3a: {  	[sflag:s16] =	ssyncadd.s32 @!p1 $0xFFFFF000;
	s16 =	sadd.s32 @p2 $0x4, s15  }
0x3b: {  	s10 =	smul.u32 @p2 $0xAB, s16;
	_ =	sdelay $0x1  }
0x3c: {  	s10 =	sshrl.u32 @p2 s10, $0xA  }
0x3d: {  	s10 =	sand.u32 @p2 $0x3F, s10  }
0x3e: {  	s10 =	smul.u32 @p2 $0x6, s10;
	_ =	sdelay $0x1  }
0x3f: {  	s10 =	ssub.s32 @p2 s16, s10  }
0x40: {  	s10 =	sand.u32 @p2 $0xFF, s10  }
0x41: {  	s10 =	sshll.u32 @p2 s10, $0xC  }
0x42: {  	s17 =	smul.u32 $0xAB, s15;
	s10 =	sadd.s32 @p2 $0x1400, s10  }
0x43: {  	[tilespmem:s10], [sflag:$0x1] =	stream.indirect.gather @p2 [hbm4b:s4+s22], $0x20, s13, s22, $0xb8;
	[tilespmem:$0x1FC00] =	vst v63  }
0x44: {  	s10 =	sshrl.u32 s17, $0xA  }
0x45: {  	s10 =	sand.u32 $0x3F, s10  }
0x46: {  	s10 =	smul.u32 $0x6, s10;
	_ =	sdelay $0x1  }
0x47: {  	s10 =	ssub.s32 s15, s10;
	s15 =	sadd.s32 $0x1, s15  }
0x48: {  	p1 =	sne.s32 s15, $0x14  }
.Ltmp3:
0x49: {  	_ =	swait.ge [sflag:s31], $0x1000;
	s10 =	sand.u32 $0xFF, s10;
	(pc) =	sbr.rel @p1 .LBB2_3-.Ltmp3, $4  }
0x4a: {  	[sflag:s31] =	ssyncset.done $0x0;
	s10 =	sshll.u32 s10, $0xC  }
0x4b: {  	[sflag:s31] =	ssyncadd.s32 $0xFFFFF000;
	s10 =	sadd.s32 $0x1400, s10  }
0x4c: {  	[spmem:s1] =	stream.indirect.scatter.add.f32 [tilespmem:s10], [sflag:$0x2], $0x20, s12, s22, $0xb8;
	[tilespmem:$0x1FC00] =	vst v63  }
0x4d: {  	s13 =	sadd.s32 $0x80, s13;
	s12 =	sadd.s32 $0x80, s12  }
0x4e: {  	s3 =	sadd.s32 $0x1, s3  }
0x4f: {  	_ =	swait.ge [sflag:s0], $0x1000;
	p1 =	sne.s32 s3, $0x14  }
.Ltmp4:
0x50: {  	[sflag:s0] =	ssyncset.done $0x0;
	(pc) =	sbr.rel @p1 .LBB2_2-.Ltmp4, $4  }
0x51: {  	[sflag:s0] =	ssyncadd.s32 $0xFFFFF000  }
0x52: {  	_ =	swait.ge [sflag:s0], $0x1000  }
0x53: {  	[sflag:s0] =	ssyncset.done $0x0  }
0x54: {  	[sflag:s0] =	ssyncadd.s32 $0xFFFFF000  }
0x55: {  	[bflag:$0x0] =	sbarrier.arrive $0xFFFF  }
0x56: {  	s3 =	rddreg [dreg:$0x7]  }
0x57: {  	[hbm:s3], [sflag:s18] =	dma.local [spmem:s19], $0x3100  }
0x58: {  	_ =	swait.ge [sflag:s20], $0x3100  }
0x59: {  	[sflag:s20] =	ssyncset.done $0x0  }
0x5a: {  	[sflag:s20] =	ssyncadd.s32 $0xFFFFCF00  }
0x5b: {  	[bflag:$0x0] =	sbarrier.arrive $0xFFFF  }
0x5c: {  	[spmem:s19], [sflag:s18] =	dma.local [hbm:s11], $0x3100  }
0x5d: {  	_ =	swait.ge [sflag:s20], $0x3100  }
0x5e: {  	[sflag:s20] =	ssyncset.done $0x0  }
0x5f: {  	[sflag:s20] =	ssyncadd.s32 $0xFFFFCF00  }
0x60: {  	s12 =	simm.s32 $0x0;
	s3 =	simm.s32 $0x0;
	[bflag:$0x0] =	sbarrier.arrive $0xFFFF  }
.LBB2_6:
0x61: {  	s10 =	smul.u32 $0x14, s12;
	_ =	sdelay $0x1  }
0x62: {  	s10 =	sadd.s32 s14, s10  }
0x63: {  	s10 =	sshll.u32 s10, $0x4  }
0x64: {  	s13 =	sadd.s32 s8, s10  }
0x65: {  	[tilespmem:s3], [sflag:$0x3] =	stream.linear.gather [hbm4b:s13+s3], $0xA00, $0x38;
	[tilespmem:$0x1FC00] =	vst v63  }
0x66: {  	_ =	swait.ge [sflag:s20], $0xA00  }
0x67: {  	[sflag:s20] =	ssyncset.done $0x0  }
0x68: {  	s10 =	sadd.s32 s9, s10;
	[sflag:s20] =	ssyncadd.s32 $0xFFFFF600  }
0x69: {  	[tilespmem:s21], [sflag:$0x3] =	stream.linear.gather [hbm4b:s10+s3], $0xA00, $0x38;
	[tilespmem:$0x1FC00] =	vst v63  }
0x6a: {  	_ =	swait.ge [sflag:s20], $0xA00  }
0x6b: {  	[sflag:s20] =	ssyncset.done $0x0  }
0x6c: {  	[sflag:s20] =	ssyncadd.s32 $0xFFFFF600  }
0x6d: {  	[tilespmem:s23], [sflag:$0x1] =	stream.indirect.gather [hbm4b:s6+s22], $0x20, s21, s22, $0xb8;
	[tilespmem:$0x1FC00] =	vst v63  }
0x6e: {  	_ = 	snop  }
0x6f: {  	[tilespmem:s25], [sflag:$0x1] =	stream.indirect.gather [hbm4b:s6+s22], $0x20, s24, s22, $0xb8;
	[tilespmem:$0x1FC00] =	vst v63  }
0x70: {  	_ = 	snop  }
0x71: {  	[tilespmem:s28], [sflag:$0x1] =	stream.indirect.gather [hbm4b:s6+s22], $0x20, s26, s22, $0xb8;
	[tilespmem:$0x1FC00] =	vst v63  }
0x72: {  	s15 =	simm.s32 $0x0;
	s16 =	simm.s32 $0x0;
	s13 =	simm.s32 $0xC00  }
0x73: {  	[tilespmem:s30], [sflag:$0x1] =	stream.indirect.gather [hbm4b:s6+s22], $0x20, s29, s22, $0xb8;
	[tilespmem:$0x1FC00] =	vst v63  }
.LBB2_7:
0x74: {  	p1 =	slt.u32 s16, $0x2  }
0x75: {  	s10 =	simm.s32 @!p1 $0x2  }
0x76: {  	p2 =	sgt.u32 @!p1 s16, $0xF;
	_ =	swait.ge @!p1 [sflag:s10], $0x1000  }
0x77: {  	p2 =	por p1, !p2;
	[sflag:s10] =	ssyncset.done @!p1 $0x0  }
0x78: {  	[sflag:s10] =	ssyncadd.s32 @!p1 $0xFFFFF000;
	s10 =	sadd.s32 @p2 $0x4, s16  }
0x79: {  	s17 =	smul.u32 @p2 $0xAB, s10;
	_ =	sdelay $0x1  }
0x7a: {  	s17 =	sshrl.u32 @p2 s17, $0xA  }
0x7b: {  	s17 =	sand.u32 @p2 $0x3F, s17  }
0x7c: {  	s17 =	smul.u32 @p2 $0x6, s17;
	_ =	sdelay $0x1  }
0x7d: {  	s10 =	ssub.s32 @p2 s10, s17  }
0x7e: {  	s10 =	sand.u32 @p2 $0xFF, s10  }
0x7f: {  	s10 =	sshll.u32 @p2 s10, $0xC  }
0x80: {  	s17 =	smul.u32 $0xAB, s16;
	s10 =	sadd.s32 @p2 $0x1400, s10  }
0x81: {  	[tilespmem:s10], [sflag:$0x1] =	stream.indirect.gather @p2 [hbm4b:s6+s22], $0x20, s13, s22, $0xb8;
	[tilespmem:$0x1FC00] =	vst v63  }
0x82: {  	s10 =	sshrl.u32 s17, $0xA  }
0x83: {  	s10 =	sand.u32 $0x3F, s10  }
0x84: {  	s10 =	smul.u32 $0x6, s10;
	_ =	sdelay $0x1  }
0x85: {  	s10 =	ssub.s32 s16, s10;
	s16 =	sadd.s32 $0x1, s16  }
0x86: {  	p1 =	sne.s32 s16, $0x14  }
.Ltmp5:
0x87: {  	_ =	swait.ge [sflag:s31], $0x1000;
	s10 =	sand.u32 $0xFF, s10;
	(pc) =	sbr.rel @p1 .LBB2_7-.Ltmp5, $4  }
0x88: {  	[sflag:s31] =	ssyncset.done $0x0;
	s10 =	sshll.u32 s10, $0xC  }
0x89: {  	[sflag:s31] =	ssyncadd.s32 $0xFFFFF000;
	s10 =	sadd.s32 $0x1400, s10  }
0x8a: {  	[spmem:s1] =	stream.indirect.scatter.add.f32 [tilespmem:s10], [sflag:$0x2], $0x20, s15, s22, $0xb8;
	[tilespmem:$0x1FC00] =	vst v63  }
0x8b: {  	s13 =	sadd.s32 $0x80, s13;
	s15 =	sadd.s32 $0x80, s15  }
0x8c: {  	s12 =	sadd.s32 $0x1, s12  }
0x8d: {  	_ =	swait.ge [sflag:s0], $0x1000;
	p1 =	seq.s32 s12, $0x14  }
.Ltmp6:
0x8e: {  	[sflag:s0] =	ssyncset.done $0x0;
	(pc) =	sbr.rel @!p1 .LBB2_6-.Ltmp6, $4  }
0x8f: {  	[sflag:s0] =	ssyncadd.s32 $0xFFFFF000  }
0x90: {  	_ =	swait.ge [sflag:s0], $0x1000  }
0x91: {  	[sflag:s0] =	ssyncset.done $0x0  }
0x92: {  	[sflag:s0] =	ssyncadd.s32 $0xFFFFF000  }
.Ltmp7:
0x93: {  	(pc) =	sbr.rel .LBB2_18-.Ltmp7, $2  }
0x94: {  	_ =	sdelay $0x2  }
0x95: {  	s3 =	rddreg [dreg:$0x4]  }
.LBB2_10:
0x96: {  	s3 =	smul.u32 $0x14, s12;
	_ =	sdelay $0x1  }
0x97: {  	s3 =	sadd.s32 s14, s3  }
0x98: {  	s10 =	sshll.u32 s3, $0x4  }
0x99: {  	s3 =	simm.s32 $0x0;
	s13 =	sadd.s32 s8, s10  }
0x9a: {  	[tilespmem:s3], [sflag:$0x3] =	stream.linear.gather [hbm4b:s13+s3], $0xA00, $0x38;
	[tilespmem:$0x1FC00] =	vst v63  }
0x9b: {  	_ =	swait.ge [sflag:s20], $0xA00  }
0x9c: {  	[sflag:s20] =	ssyncset.done $0x0  }
0x9d: {  	s10 =	sadd.s32 s9, s10;
	[sflag:s20] =	ssyncadd.s32 $0xFFFFF600  }
0x9e: {  	[tilespmem:s21], [sflag:$0x3] =	stream.linear.gather [hbm4b:s10+s3], $0xA00, $0x38;
	[tilespmem:$0x1FC00] =	vst v63  }
0x9f: {  	_ =	swait.ge [sflag:s20], $0xA00  }
0xa0: {  	[sflag:s20] =	ssyncset.done $0x0  }
0xa1: {  	[sflag:s20] =	ssyncadd.s32 $0xFFFFF600  }
0xa2: {  	[tilespmem:s23], [sflag:$0x1] =	stream.indirect.gather [hbm4b:s5+s22], $0x20, s21, s22, $0xb8;
	[tilespmem:$0x1FC00] =	vst v63  }
0xa3: {  	_ = 	snop  }
0xa4: {  	[tilespmem:s25], [sflag:$0x1] =	stream.indirect.gather [hbm4b:s5+s22], $0x20, s24, s22, $0xb8;
	[tilespmem:$0x1FC00] =	vst v63  }
0xa5: {  	_ = 	snop  }
0xa6: {  	[tilespmem:s28], [sflag:$0x1] =	stream.indirect.gather [hbm4b:s5+s22], $0x20, s26, s22, $0xb8;
	[tilespmem:$0x1FC00] =	vst v63  }
0xa7: {  	s15 =	simm.s32 $0x0;
	s13 =	simm.s32 $0xC00  }
0xa8: {  	[tilespmem:s30], [sflag:$0x1] =	stream.indirect.gather [hbm4b:s5+s22], $0x20, s29, s22, $0xb8;
	[tilespmem:$0x1FC00] =	vst v63  }
.LBB2_11:
0xa9: {  	p1 =	slt.u32 s15, $0x2  }
0xaa: {  	s10 =	simm.s32 @!p1 $0x2  }
0xab: {  	p2 =	sgt.u32 @!p1 s15, $0xF;
	_ =	swait.ge @!p1 [sflag:s10], $0x1000  }
0xac: {  	p2 =	por p1, !p2;
	[sflag:s10] =	ssyncset.done @!p1 $0x0  }
0xad: {  	[sflag:s10] =	ssyncadd.s32 @!p1 $0xFFFFF000;
	s10 =	sadd.s32 @p2 $0x4, s15  }
0xae: {  	s16 =	smul.u32 @p2 $0xAB, s10;
	_ =	sdelay $0x1  }
0xaf: {  	s16 =	sshrl.u32 @p2 s16, $0xA  }
0xb0: {  	s16 =	sand.u32 @p2 $0x3F, s16  }
0xb1: {  	s16 =	smul.u32 @p2 $0x6, s16;
	_ =	sdelay $0x1  }
0xb2: {  	s10 =	ssub.s32 @p2 s10, s16  }
0xb3: {  	s10 =	sand.u32 @p2 $0xFF, s10  }
0xb4: {  	s10 =	sshll.u32 @p2 s10, $0xC  }
0xb5: {  	s17 =	smul.u32 $0xAB, s15;
	s10 =	sadd.s32 @p2 $0x1400, s10  }
0xb6: {  	[tilespmem:s10], [sflag:$0x1] =	stream.indirect.gather @p2 [hbm4b:s5+s22], $0x20, s13, s22, $0xb8;
	[tilespmem:$0x1FC00] =	vst v63  }
0xb7: {  	s10 =	sshrl.u32 s17, $0xA  }
0xb8: {  	s10 =	sand.u32 $0x3F, s10  }
0xb9: {  	s10 =	smul.u32 $0x6, s10;
	_ =	sdelay $0x1  }
0xba: {  	s10 =	ssub.s32 s15, s10;
	s15 =	sadd.s32 $0x1, s15  }
0xbb: {  	p1 =	sne.s32 s15, $0x14  }
.Ltmp8:
0xbc: {  	_ =	swait.ge [sflag:s31], $0x1000;
	s10 =	sand.u32 $0xFF, s10;
	(pc) =	sbr.rel @p1 .LBB2_11-.Ltmp8, $4  }
0xbd: {  	[sflag:s31] =	ssyncset.done $0x0;
	s10 =	sshll.u32 s10, $0xC  }
0xbe: {  	[sflag:s31] =	ssyncadd.s32 $0xFFFFF000;
	s10 =	sadd.s32 $0x1400, s10  }
0xbf: {  	[spmem:s1] =	stream.indirect.scatter.add.f32 [tilespmem:s10], [sflag:$0x2], $0x20, s3, s22, $0xb8;
	[tilespmem:$0x1FC00] =	vst v63  }
0xc0: {  	s13 =	sadd.s32 $0x80, s13;
	s3 =	sadd.s32 $0x80, s3  }
0xc1: {  	s12 =	sadd.s32 $0x1, s12  }
0xc2: {  	_ =	swait.ge [sflag:s0], $0x1000;
	p1 =	seq.s32 s12, $0x14  }
.Ltmp9:
0xc3: {  	[sflag:s0] =	ssyncset.done $0x0;
	(pc) =	sbr.rel @!p1 .LBB2_10-.Ltmp9, $4  }
0xc4: {  	[sflag:s0] =	ssyncadd.s32 $0xFFFFF000  }
0xc5: {  	_ =	swait.ge [sflag:s0], $0x1000  }
0xc6: {  	[sflag:s0] =	ssyncset.done $0x0  }
0xc7: {  	[sflag:s0] =	ssyncadd.s32 $0xFFFFF000  }
0xc8: {  	[bflag:$0x0] =	sbarrier.arrive $0xFFFF  }
0xc9: {  	s3 =	rddreg [dreg:$0x6]  }
0xca: {  	[hbm:s3], [sflag:s18] =	dma.local [spmem:s19], $0x3100  }
0xcb: {  	_ =	swait.ge [sflag:s20], $0x3100  }
0xcc: {  	[sflag:s20] =	ssyncset.done $0x0  }
0xcd: {  	[sflag:s20] =	ssyncadd.s32 $0xFFFFCF00  }
0xce: {  	[bflag:$0x0] =	sbarrier.arrive $0xFFFF  }
0xcf: {  	[spmem:s19], [sflag:s18] =	dma.local [hbm:s11], $0x3100  }
0xd0: {  	_ =	swait.ge [sflag:s20], $0x3100  }
0xd1: {  	[sflag:s20] =	ssyncset.done $0x0  }
0xd2: {  	[sflag:s20] =	ssyncadd.s32 $0xFFFFCF00  }
0xd3: {  	s12 =	simm.s32 $0x0;
	s3 =	simm.s32 $0x0;
	[bflag:$0x0] =	sbarrier.arrive $0xFFFF  }
.LBB2_14:
0xd4: {  	s10 =	smul.u32 $0x14, s12;
	_ =	sdelay $0x1  }
0xd5: {  	s10 =	sadd.s32 s14, s10  }
0xd6: {  	s10 =	sshll.u32 s10, $0x4  }
0xd7: {  	s13 =	sadd.s32 s8, s10  }
0xd8: {  	[tilespmem:s3], [sflag:$0x3] =	stream.linear.gather [hbm4b:s13+s3], $0xA00, $0x38;
	[tilespmem:$0x1FC00] =	vst v63  }
0xd9: {  	_ =	swait.ge [sflag:s20], $0xA00  }
0xda: {  	[sflag:s20] =	ssyncset.done $0x0  }
0xdb: {  	s10 =	sadd.s32 s9, s10;
	[sflag:s20] =	ssyncadd.s32 $0xFFFFF600  }
0xdc: {  	[tilespmem:s21], [sflag:$0x3] =	stream.linear.gather [hbm4b:s10+s3], $0xA00, $0x38;
	[tilespmem:$0x1FC00] =	vst v63  }
0xdd: {  	_ =	swait.ge [sflag:s20], $0xA00  }
0xde: {  	[sflag:s20] =	ssyncset.done $0x0  }
0xdf: {  	[sflag:s20] =	ssyncadd.s32 $0xFFFFF600  }
0xe0: {  	[tilespmem:s23], [sflag:$0x1] =	stream.indirect.gather [hbm4b:s7+s22], $0x20, s21, s22, $0xb8;
	[tilespmem:$0x1FC00] =	vst v63  }
0xe1: {  	_ = 	snop  }
0xe2: {  	[tilespmem:s25], [sflag:$0x1] =	stream.indirect.gather [hbm4b:s7+s22], $0x20, s24, s22, $0xb8;
	[tilespmem:$0x1FC00] =	vst v63  }
0xe3: {  	_ = 	snop  }
0xe4: {  	[tilespmem:s28], [sflag:$0x1] =	stream.indirect.gather [hbm4b:s7+s22], $0x20, s26, s22, $0xb8;
	[tilespmem:$0x1FC00] =	vst v63  }
0xe5: {  	s15 =	simm.s32 $0x0;
	s16 =	simm.s32 $0x0;
	s13 =	simm.s32 $0xC00  }
0xe6: {  	[tilespmem:s30], [sflag:$0x1] =	stream.indirect.gather [hbm4b:s7+s22], $0x20, s29, s22, $0xb8;
	[tilespmem:$0x1FC00] =	vst v63  }
.LBB2_15:
0xe7: {  	p1 =	slt.u32 s16, $0x2  }
0xe8: {  	s10 =	simm.s32 @!p1 $0x2  }
0xe9: {  	p2 =	sgt.u32 @!p1 s16, $0xF;
	_ =	swait.ge @!p1 [sflag:s10], $0x1000  }
0xea: {  	p2 =	por p1, !p2;
	[sflag:s10] =	ssyncset.done @!p1 $0x0  }
0xeb: {  	[sflag:s10] =	ssyncadd.s32 @!p1 $0xFFFFF000;
	s10 =	sadd.s32 @p2 $0x4, s16  }
0xec: {  	s17 =	smul.u32 @p2 $0xAB, s10;
	_ =	sdelay $0x1  }
0xed: {  	s17 =	sshrl.u32 @p2 s17, $0xA  }
0xee: {  	s17 =	sand.u32 @p2 $0x3F, s17  }
0xef: {  	s17 =	smul.u32 @p2 $0x6, s17;
	_ =	sdelay $0x1  }
0xf0: {  	s10 =	ssub.s32 @p2 s10, s17  }
0xf1: {  	s10 =	sand.u32 @p2 $0xFF, s10  }
0xf2: {  	s10 =	sshll.u32 @p2 s10, $0xC  }
0xf3: {  	s17 =	smul.u32 $0xAB, s16;
	s10 =	sadd.s32 @p2 $0x1400, s10  }
0xf4: {  	[tilespmem:s10], [sflag:$0x1] =	stream.indirect.gather @p2 [hbm4b:s7+s22], $0x20, s13, s22, $0xb8;
	[tilespmem:$0x1FC00] =	vst v63  }
0xf5: {  	s10 =	sshrl.u32 s17, $0xA  }
0xf6: {  	s10 =	sand.u32 $0x3F, s10  }
0xf7: {  	s10 =	smul.u32 $0x6, s10;
	_ =	sdelay $0x1  }
0xf8: {  	s10 =	ssub.s32 s16, s10;
	s16 =	sadd.s32 $0x1, s16  }
0xf9: {  	p1 =	sne.s32 s16, $0x14  }
.Ltmp10:
0xfa: {  	_ =	swait.ge [sflag:s31], $0x1000;
	s10 =	sand.u32 $0xFF, s10;
	(pc) =	sbr.rel @p1 .LBB2_15-.Ltmp10, $4  }
0xfb: {  	[sflag:s31] =	ssyncset.done $0x0;
	s10 =	sshll.u32 s10, $0xC  }
0xfc: {  	[sflag:s31] =	ssyncadd.s32 $0xFFFFF000;
	s10 =	sadd.s32 $0x1400, s10  }
0xfd: {  	[spmem:s1] =	stream.indirect.scatter.add.f32 [tilespmem:s10], [sflag:$0x2], $0x20, s15, s22, $0xb8;
	[tilespmem:$0x1FC00] =	vst v63  }
0xfe: {  	s13 =	sadd.s32 $0x80, s13;
	s15 =	sadd.s32 $0x80, s15  }
0xff: {  	s12 =	sadd.s32 $0x1, s12  }
0x100: {  	_ =	swait.ge [sflag:s0], $0x1000;
	p1 =	sne.s32 s12, $0x14  }
.Ltmp11:
0x101: {  	[sflag:s0] =	ssyncset.done $0x0;
	(pc) =	sbr.rel @p1 .LBB2_14-.Ltmp11, $4  }
0x102: {  	[sflag:s0] =	ssyncadd.s32 $0xFFFFF000  }
0x103: {  	_ =	swait.ge [sflag:s0], $0x1000  }
0x104: {  	[sflag:s0] =	ssyncset.done $0x0  }
0x105: {  	[sflag:s0] =	ssyncadd.s32 $0xFFFFF000  }
.Ltmp12:
0x106: {  	(pc) =	sbr.rel .LBB2_18-.Ltmp12, $2  }
0x107: {  	_ =	sdelay $0x2  }
0x108: {  	s3 =	rddreg [dreg:$0x5]  }
.LBB2_19:
0x109: {  	_ =	sfence.sel $0x180000  }
0x10a: {  	[bflag:$0x0] =	sbarrier.arrive $0xFFFF  }
0x10b: {  	_ =	strace $0x9000004A  }
0x10c: {  	s0 =	stileid.u32;
	[bflag:$0x2] =	sbarrier.arrive $0xFFFF  }
0x10d: {  	p0 =	sne.s32 s0, $0x0;
	s0 =	rddreg [dreg:$0x2]  }
0x10e: {  	s0 =	sadd.s32 @!p0 $0x100000, s0  }
0x10f: {  	[sflag:s0] =	ssyncadd.tile.s32 @!p0 $0x1;
	_ =	shalt  }
.Lfunc_end2:
_tile_overlayer_lowered:
.L_overlay_start_2:
0x110: {  	(tag) =	ssettag $0x2  }
0x111: {  	s0 =	rddreg [dreg:$0x0];
	s2 =	stileid.u32  }
0x112: {  	s1 =	rddreg [dreg:$0x1];
	p0 =	sne.s32 s2, $0x0  }
0x113: {  	s3 =	rddreg [dreg:$0x2];
	[bflag:$0x3] =	sbarrier.arrive $0xFFFF;
	s2 =	simm.s32 @!p0 $0x1C03  }
0x114: {  	[timem:s3], [sflag:s2] =	dma.local @!p0 [hbm:s0], s1  }
0x115: {  	s0 =	simm.s32 @!p0 $0x3  }
0x116: {  	_ =	swait.ge @!p0 [sflag:s0], s1  }
0x117: {  	s1 =	ssub.s32 @!p0 $0x0, s1;
	[sflag:s0] =	ssyncset.done @!p0 $0x0  }
0x118: {  	[sflag:s0] =	ssyncadd.s32 @!p0 s1  }
0x119: {  	[bflag:$0x3] =	sbarrier.arrive $0xFFFF  }
0x11a: {  	_ =	shalt  }

// kernel: kernel.15.cloned.1.call-start
scs
__scs_entry_jumppad:
0x0: {  	(pc) =	sbr.rel $0x88, $3  }
0x1: {  	(tag) =	ssettag $0x0;
	lr =	simm.s32 $0x1  }
0x2: {  	[smem:$0x3F8E] =	sst lr;
	_ =	strace $0xD0000000  }
0x3: {  	_ = 	snop  }
0x4: {  	_ = 	snop  }
0x5: {  	_ = 	snop  }
0x6: {  	_ = 	snop  }
0x7: {  	_ = 	snop  }
__scs_overlays_trampoline_lowered:
0x8: {  	[smem:$0x3F9D] =	sst s0  }
0x9: {  	[smem:$0x3F9E] =	sst s1  }
0xa: {  	[smem:$0x3F9F] =	sst s2  }
0xb: {  	[smem:$0x3FA0] =	sst s3  }
0xc: {  	[smem:$0x3FA1] =	sst s4  }
0xd: {  	[smem:$0x3FA2] =	sst s5  }
0xe: {  	[smem:$0x3FA3] =	sst s6  }
0xf: {  	[smem:$0x3FA4] =	sst s7  }
0x10: {  	[smem:$0x3FA5] =	sst s8  }
0x11: {  	[smem:$0x3FA6] =	sst s9;
	s0 =	simm.s32 @!p0 $0x0  }
0x12: {  	s1 =	sld [smem:$0x3F8C];
	s0 =	simm.s32 @p0 $0x1  }
0x13: {  	[smem:$0x3FA7] =	sst s0;
	s0 =	simm.s32 @!p1 $0x0  }
0x14: {  	s2 =	sld [smem:$0x3F8B];
	s0 =	simm.s32 @p1 $0x1  }
0x15: {  	[smem:$0x3FA8] =	sst s0;
	s0 =	simm.s32 @!p2 $0x0  }
0x16: {  	s3 =	sld [smem:$0x3FDB];
	s0 =	simm.s32 @p2 $0x1  }
0x17: {  	s4 =	simm.s32 $0x1BF5;
	[smem:$0x3FAA] =	sst s0  }
0x18: {  	s0 =	sld [smem:$0x3F8D];
	_ =	swait.ge [sflag:s4], $0x0  }
0x19: {  	s7 =	sld [smem:$0x3F8E]  }
0x1a: {  	s8 =	sadd.s32 $0xFFFFE003, lr  }
0x1b: {  	s9 =	sadd.s32 $0xFFFFFEF7, lr;
	s5 =	simm.s32 $0xFFFFFFFF;
	p2 =	slt.u32 s8, $0xFFFFF086  }
0x1c: {  	p1 =	slt.u32 s9, $0xF7A;
	s5 =	simm.s32 @!p2 $0x0  }
0x1d: {  	s5 =	simm.s32 @p1 $0x1;
	p0 =	seq.s32 s7, s2  }
0x1e: {  	s7 =	smul.u32 @!p0 $0xF7A, s2;
	p2 =	seq.s32 @!p0 s5, $0x0  }
0x1f: {  	s9 =	smul.u32 $0xF7A, s1;
	s8 =	simm.s32 @!p0 $0x1BF5;
	p2 =	por !p2, p0  }
0x20: {  	[sflag:s8] =	ssyncset.s32 @!p0 $0xFFFFF086;
	s6 =	sadd.s32 @!p0 s3, s7;
	s7 =	simm.s32 @!p0 $0x108  }
0x21: {  	s3 =	sadd.s32 s3, s9;
	s6 =	sadd.s32 @!p0 $0x88, s6;
	s7 =	simm.s32 @p2 $0x1082  }
0x22: {  	[simem:s7], [sflag:s8] =	dma.local @!p0 [hbm:s6], $0xF7A  }
0x23: {  	s9 =	sor.u32 $0xD0000000, s2;
	s6 =	simm.s32 $0x108;
	_ =	swait.ge @!p0 [sflag:s8], $0x0  }
0x24: {  	s3 =	sadd.s32 $0x88, s3;
	s6 =	simm.s32 @!p1 $0x1082;
	[sflag:s4] =	ssyncset.s32 $0xFFFFF086  }
0x25: {  	[simem:s6], [sflag:s4] =	dma.local [hbm:s3], $0xF7A  }
0x26: {  	[smem:$0x3F8E] =	sst s1;
	(tag) =	ssettag s2;
	_ =	strace s9  }
0x27: {  	s1 =	sld [smem:$0x3F9E]  }
0x28: {  	s2 =	sld [smem:$0x3F9F]  }
0x29: {  	s4 =	sld [smem:$0x3FA1]  }
0x2a: {  	p0 =	seq.s32 s5, $0x0;
	s5 =	sld [smem:$0x3FA2]  }
0x2b: {  	s6 =	sld [smem:$0x3FA3]  }
0x2c: {  	s7 =	sld [smem:$0x3FA4]  }
0x2d: {  	s3 =	simm.s32 $0x108;
	s8 =	sld [smem:$0x3FA5]  }
0x2e: {  	s3 =	simm.s32 @!p0 $0x1082;
	s9 =	sld [smem:$0x3FA6]  }
0x2f: {  	lr =	sadd.s32 s0, s3;
	s0 =	sld [smem:$0x3F9D]  }
0x30: {  	s3 =	sld [smem:$0x3FA0]  }
0x31: {  	[smem:$0x3FA9] =	sst s10  }
0x32: {  	s10 =	sld [smem:$0x3FA7];
	_ =	sdelay $0x3  }
0x33: {  	p0 =	seq.s32 s10, $0x1;
	s10 =	sld [smem:$0x3FA9];
	_ =	sdelay $0x3  }
0x34: {  	[smem:$0x3FA9] =	sst s10  }
0x35: {  	s10 =	sld [smem:$0x3FA8];
	_ =	sdelay $0x3  }
0x36: {  	p1 =	seq.s32 s10, $0x1;
	s10 =	sld [smem:$0x3FA9];
	_ =	sdelay $0x3  }
0x37: {  	[smem:$0x3FA9] =	sst s10  }
0x38: {  	s10 =	sld [smem:$0x3FAA]  }
0x39: {  	_ = 	snop;
	(pc) =	sbr.ind lr, $3  }
0x3a: {  	_ = 	snop  }
0x3b: {  	_ = 	snop  }
0x3c: {  	p2 =	seq.s32 s10, $0x1;
	s10 =	sld [smem:$0x3FA9]  }
0x3d: {  	_ =	shalt  }
0x3e: {  	_ =	shalt  }
0x3f: {  	_ =	shalt  }
0x40: {  	_ =	shalt  }
0x41: {  	_ =	shalt  }
0x42: {  	_ =	shalt  }
0x43: {  	_ =	shalt  }
0x44: {  	_ =	shalt  }
0x45: {  	_ =	shalt  }
0x46: {  	_ =	shalt  }
0x47: {  	_ =	shalt  }
0x48: {  	_ =	shalt  }
0x49: {  	_ =	shalt  }
0x4a: {  	_ =	shalt  }
0x4b: {  	_ =	shalt  }
0x4c: {  	_ =	shalt  }
0x4d: {  	_ =	shalt  }
0x4e: {  	_ =	shalt  }
0x4f: {  	_ =	shalt  }
0x50: {  	_ =	shalt  }
0x51: {  	_ =	shalt  }
0x52: {  	_ =	shalt  }
0x53: {  	_ =	shalt  }
0x54: {  	_ =	shalt  }
0x55: {  	_ =	shalt  }
0x56: {  	_ =	shalt  }
0x57: {  	_ =	shalt  }
0x58: {  	_ =	shalt  }
0x59: {  	_ =	shalt  }
0x5a: {  	_ =	shalt  }
0x5b: {  	_ =	shalt  }
0x5c: {  	_ =	shalt  }
0x5d: {  	_ =	shalt  }
0x5e: {  	_ =	shalt  }
0x5f: {  	_ =	shalt  }
0x60: {  	_ =	shalt  }
0x61: {  	_ =	shalt  }
0x62: {  	_ =	shalt  }
0x63: {  	_ =	shalt  }
0x64: {  	_ =	shalt  }
0x65: {  	_ =	shalt  }
0x66: {  	_ =	shalt  }
0x67: {  	_ =	shalt  }
0x68: {  	_ =	shalt  }
0x69: {  	_ =	shalt  }
0x6a: {  	_ =	shalt  }
0x6b: {  	_ =	shalt  }
0x6c: {  	_ =	shalt  }
0x6d: {  	_ =	shalt  }
0x6e: {  	_ =	shalt  }
0x6f: {  	_ =	shalt  }
0x70: {  	_ =	shalt  }
0x71: {  	_ =	shalt  }
0x72: {  	_ =	shalt  }
0x73: {  	_ =	shalt  }
0x74: {  	_ =	shalt  }
0x75: {  	_ =	shalt  }
0x76: {  	_ =	shalt  }
0x77: {  	_ =	shalt  }
0x78: {  	_ =	shalt  }
0x79: {  	_ =	shalt  }
0x7a: {  	_ =	shalt  }
0x7b: {  	_ =	shalt  }
0x7c: {  	_ =	shalt  }
0x7d: {  	_ =	shalt  }
0x7e: {  	_ =	shalt  }
0x7f: {  	_ =	shalt  }
0x80: {  	_ =	shalt  }
0x81: {  	_ =	shalt  }
0x82: {  	_ =	shalt  }
0x83: {  	_ =	shalt  }
0x84: {  	_ =	shalt  }
0x85: {  	_ =	shalt  }
0x86: {  	_ =	shalt  }
0x87: {  	_ =	shalt  }
.Lfunc_end0:
.L_simem_size_0:
called_computation.2_lowered:
.L_overlay_start_0:
0x88: {  	s2 =	sld [smem:$0x3FD9]  }
0x89: {  	s3 =	sld [smem:$0x3FFE];
	_ =	sdelay $0x1  }
0x8a: {  	s1 =	srdreg.scid  }
0x8b: {  	s0 =	sand.u32 $0x1, s1  }
0x8c: {  	s16 =	sshll.u32 s0, $0xA;
	s2 =	sadd.s32 s3, s2  }
0x8d: {  	s2 =	sadd.s32 s2, s16  }
0x8e: {  	[smem:$0x3FB5] =	sst s2  }
0x8f: {  	_ = 	snop  }
0x90: {  	(tm) =	ssettm $0x1  }
0x91: {  	s17 =	sld [smem:$0x3FFB];
	_ =	sdelay $0x3  }
0x92: {  	_ =	strace s17  }
0x93: {  	s2 =	sld [smem:$0x3FFC];
	_ =	sdelay $0x3  }
0x94: {  	_ =	strace s2  }
0x95: {  	s2 =	sld [smem:$0x3FFD];
	_ =	sdelay $0x3  }
0x96: {  	_ =	strace s2  }
0x97: {  	_ =	strace $0x8FFFFFFF  }
0x98: {  	s18 =	sld [smem:$0x3FDB];
	_ =	sdelay $0x1  }
0x99: {  	s19 =	simm.s32 $_scs_section_size  }
0x9a: {  	s4 =	simm.s32 $_size__tile_overlayer_lowered;
	s5 =	simm.s32 $_tile_overlayer_lowered  }
0x9b: {  	s22 =	simm.s32 $0x1BFF;
	s21 =	sshll.u32 s5, $0x1;
	s2 =	sadd.s32 s19, s18  }
0x9c: {  	s6 =	simm.s32 $0x0;
	s20 =	sshll.u32 s4, $0x1;
	s4 =	sadd.s32 s21, s2  }
0x9d: {  	[timem:s6], [sflag:s22] =	dma.local [hbm:s4], s20  }
0x9e: {  	_ =	swait.ge [sflag:s22], s20  }
0x9f: {  	s3 =	ssub.s32 $0x0, s20;
	[sflag:s22] =	ssyncset.done $0x0  }
0xa0: {  	[sflag:s22] =	ssyncadd.s32 s3;
	_ =	sdelay $0x1  }
0xa1: {  	s23 =	simm.s32 $0x1B8B  }
0xa2: {  	_ =	swait.ge [sflag:s23], $0x1  }
0xa3: {  	[sflag:s23] =	ssyncset.done $0x0  }
0xa4: {  	s25 =	simm.s32 $0x1B8E;
	s24 =	sld [smem:$0x3FFE];
	[sflag:s23] =	ssyncadd.s32 $0xFFFFFFFF  }
0xa5: {  	s26 =	simm.s32 $execute0_lowered;
	[smem:$0x3FD2] =	sst s25  }
0xa6: {  	s4 =	sshll.u32 s26, $0x1;
	_ =	strace $0x8000004C;
	[dreg:$0x1] =	wrdreg $0xFFFFFFFF  }
0xa7: {  	s28 =	simm.s32 $_size_execute0_lowered;
	s2 =	sadd.s32 s2, s4;
	[dreg:$0x0] =	wrdreg $0x0  }
0xa8: {  	s4 =	sshll.u32 s28, $0x1;
	[dreg:$0x2] =	wrdreg s2  }
0xa9: {  	[dreg:$0x3] =	wrdreg s4  }
0xaa: {  	[dreg:$0x4] =	wrdreg $0xC0  }
0xab: {  	_ =	task [dreg:s6], $0x5FFFF  }
0xac: {  	[dreg:$0x1] =	wrdreg $0xFFFFFFFF  }
0xad: {  	[dreg:$0x0] =	wrdreg $0x60  }
0xae: {  	[dreg:$0x2] =	wrdreg s24  }
0xaf: {  	[dreg:$0x3] =	wrdreg $0x74000  }
0xb0: {  	[dreg:$0x4] =	wrdreg $0x9  }
0xb1: {  	_ =	task.clear_ibuf [dreg:s6], $0x5FFFF;
	_ =	strace $0x9000004C  }
0xb2: {  	s29 =	simm.s32 $0x9;
	_ =	strace $0x8000004E  }
0xb3: {  	_ =	swait.ge [sflag:s29], $0x1  }
0xb4: {  	[sflag:s29] =	ssyncadd.s32 $0xFFFFFFFF  }
0xb5: {  	_ =	strace $0x9000004E  }
0xb6: {  	_ =	sfence  }
0xb7: {  	s30 =	sld [smem:$0x0];
	_ =	sdelay $0x2  }
0xb8: {  	s31 =	sshll.u32 s1, $0xD;
	s1 =	sshrl.u32 s1, $0x2  }
0xb9: {  	s3 =	sand.u32 $0x4000, s31;
	s1 =	sadd.s32 s1, s30  }
0xba: {  	s0 =	sor.u32 s3, s0;
	s1 =	sshll.u32 s1, $0x11  }
0xbb: {  	s0 =	sor.u32 s1, s0  }
0xbc: {  	s0 =	sadd.s32 $0x8F2B, s0  }
0xbd: {  	[sflag:s0] =	ssyncadd.remote.s32 $0x1  }
0xbe: {  	_ =	sfence.sel $0xFFFF  }
0xbf: {  	[dreg:$0x0] =	wrdreg $0xFFFFFFFF;
	(pc) =	sbr.abs _section_cstart, $3  }
0xc0: {  	[dreg:$0x1] =	wrdreg $0xFFFFFFFF  }
0xc1: {  	_ =	task.clear_ibuf [dreg:s6], $0x2FFFF;
	_ =	strace $0x9FFFFFFF  }
0xc2: {  	(tm) =	ssettm $0x7FFFFFFF  }
0xc3: {  	_ =	shalt  }
tec
execute0_lowered:
.L_overlay_start_1:
0x0: {  	(tag) =	ssettag $0x1  }
0x1: {  	s0 =	rddreg [dreg:$0x0]  }
0x2: {  	s1 =	rddreg [dreg:$0x1];
	s2 =	simm.s32 $0x0  }
0x3: {  	s10 =	stileid.u32;
	s9 =	srdreg.scid;
	s20 =	simm.s32 $0x3  }
0x4: {  	s21 =	simm.s32 $0xA00;
	s28 =	simm.s32 $0x3400;
	s29 =	simm.s32 $0xB80  }
0x5: {  	s30 =	simm.s32 $0x4400;
	s31 =	simm.s32 $0x1;
	[smem:$0x7FF] =	sst s2  }
0x6: {  	s4 =	sadd.s32 $0x7E00, s0;
	s5 =	sadd.s32 $0x68E000, s0;
	s6 =	sadd.s32 $0x65D000, s0  }
0x7: {  	s3 =	smul.u32 $0x18800, s10;
	s7 =	sadd.s32 $0x38E00, s0;
	s8 =	sadd.s32 $0x82E00, s0  }
0x8: {  	s12 =	sand.u32 $0x1, s9;
	s9 =	sadd.s32 $0x69E00, s0;
	s11 =	sadd.s32 $0x9BE00, s0  }
0x9: {  	s16 =	sadd.s32 $0x6F0000, s0;
	s26 =	sshll.u32 s10, $0x6;
	_ =	strace $0x8000004D  }
0xa: {  	s13 =	ssub.s32 $0x2, s12;
	[dreg:$0x4] =	wrdreg s16;
	s18 =	sor.u32 $0x1C03, s26  }
0xb: {  	p0 =	sne.s32 s12, $0x0;
	s26 =	simm.s32 $0xB00;
	s14 =	sshrl.u32 s3, $0x3  }
0xc: {  	s22 =	sshrl.u32 s13, $0x1;
	s3 =	sadd.s32 s3, s1;
	[dreg:$0x3] =	wrdreg s14  }
0xd: {  	s15 =	sadd.s32 s14, s0;
	s0 =	sadd.s32 $0x6BF000, s0;
	s23 =	ssub.s32 s13, s22  }
.Ltmp0:
0xe: {  	[dreg:$0x5] =	wrdreg s0;
	s24 =	sadd.s32 $0x721000, s15;
	(pc) =	sbr.rel .LBB2_1-.Ltmp0, $4  }
0xf: {  	s14 =	smul.u32 $0x190, s10;
	s25 =	sadd.s32 $0x752000, s15;
	[dreg:$0x6] =	wrdreg s24  }
0x10: {  	s19 =	sshrl.u32 s3, $0x3;
	s0 =	smax.u32 s23, $0x1;
	[dreg:$0x7] =	wrdreg s25  }
0x11: {  	s22 =	simm.s32 $0x80;
	s23 =	simm.s32 $0x1400;
	[dreg:$0x8] =	wrdreg s0  }
0x12: {  	s24 =	simm.s32 $0xA80;
	s25 =	simm.s32 $0x2400;
	s0 =	simm.s32 $0x2  }
.LBB2_18:
0x13: {  	s10 =	rddreg [dreg:$0x3]  }
0x14: {  	[bflag:$0x0] =	sbarrier.arrive $0xFFFF;
	s3 =	sadd.s32 s3, s10  }
0x15: {  	[hbm:s3], [sflag:s18] =	dma.local [spmem:s19], $0x3100  }
0x16: {  	_ =	swait.ge [sflag:s20], $0x3100  }
0x17: {  	s2 =	sadd.s32 $0x1, s2;
	s17 =	rddreg [dreg:$0x8]  }
0x18: {  	p1 =	sne.s32 s2, s17  }
.Ltmp1:
0x19: {  	_ = 	snop;
	(pc) =	sbr.rel @!p1 .LBB2_19-.Ltmp1, $3  }
0x1a: {  	[sflag:s20] =	ssyncset.done $0x0  }
0x1b: {  	[sflag:s20] =	ssyncadd.s32 $0xFFFFCF00  }
0x1c: {  	[bflag:$0x0] =	sbarrier.arrive $0xFFFF;
	_ =	sdelay $0x1  }
.LBB2_1:
0x1d: {  	[spmem:s19], [sflag:s18] =	dma.local [hbm:s11], $0x3100  }
.Ltmp2:
0x1e: {  	_ =	swait.ge [sflag:s20], $0x3100;
	(pc) =	sbr.rel @p0 .LBB2_10-.Ltmp2, $4  }
0x1f: {  	[sflag:s20] =	ssyncset.done $0x0  }
0x20: {  	[sflag:s20] =	ssyncadd.s32 $0xFFFFCF00  }
0x21: {  	[bflag:$0x0] =	sbarrier.arrive $0xFFFF  }
0x22: {  	s3 =	simm.s32 $0x0;
	s12 =	simm.s32 $0x0  }
.LBB2_2:
0x23: {  	s12 =	smul.u32 $0x14, s3;
	_ =	sdelay $0x1  }
0x24: {  	s12 =	sadd.s32 s14, s12  }
0x25: {  	s13 =	sshll.u32 s12, $0x4  }
0x26: {  	s12 =	simm.s32 $0x0;
	s15 =	sadd.s32 s8, s13  }
0x27: {  	[tilespmem:s12], [sflag:$0x3] =	stream.linear.gather [hbm4b:s15+s12], $0xA00, $0x38;
	[tilespmem:$0x1FC00] =	vst v63  }
0x28: {  	_ =	swait.ge [sflag:s20], $0xA00  }
0x29: {  	[sflag:s20] =	ssyncset.done $0x0  }
0x2a: {  	s13 =	sadd.s32 s9, s13;
	[sflag:s20] =	ssyncadd.s32 $0xFFFFF600  }
0x2b: {  	[tilespmem:s21], [sflag:$0x3] =	stream.linear.gather [hbm4b:s13+s12], $0xA00, $0x38;
	[tilespmem:$0x1FC00] =	vst v63  }
0x2c: {  	_ =	swait.ge [sflag:s20], $0xA00  }
0x2d: {  	[sflag:s20] =	ssyncset.done $0x0  }
0x2e: {  	[sflag:s20] =	ssyncadd.s32 $0xFFFFF600  }
0x2f: {  	[tilespmem:s23], [sflag:$0x1] =	stream.indirect.gather [hbm4b:s4+s22], $0x20, s21, s22, $0xb8;
	[tilespmem:$0x1FC00] =	vst v63  }
0x30: {  	_ = 	snop  }
0x31: {  	[tilespmem:s25], [sflag:$0x1] =	stream.indirect.gather [hbm4b:s4+s22], $0x20, s24, s22, $0xb8;
	[tilespmem:$0x1FC00] =	vst v63  }
0x32: {  	_ = 	snop  }
0x33: {  	[tilespmem:s28], [sflag:$0x1] =	stream.indirect.gather [hbm4b:s4+s22], $0x20, s26, s22, $0xb8;
	[tilespmem:$0x1FC00] =	vst v63  }
0x34: {  	s15 =	simm.s32 $0x0;
	s13 =	simm.s32 $0xC00  }
0x35: {  	[tilespmem:s30], [sflag:$0x1] =	stream.indirect.gather [hbm4b:s4+s22], $0x20, s29, s22, $0xb8;
	[tilespmem:$0x1FC00] =	vst v63  }
.LBB2_3:
0x36: {  	p1 =	slt.u32 s15, $0x2  }
0x37: {  	s16 =	simm.s32 @!p1 $0x2  }
0x38: {  	p2 =	sgt.u32 @!p1 s15, $0xF;
	_ =	swait.ge @!p1 [sflag:s16], $0x1000  }
0x39: {  	p2 =	por p1, !p2;
	[sflag:s16] =	ssyncset.done @!p1 $0x0  }
0x3a: {  	[sflag:s16] =	ssyncadd.s32 @!p1 $0xFFFFF000;
	s16 =	sadd.s32 @p2 $0x4, s15  }
0x3b: {  	s10 =	smul.u32 @p2 $0xAB, s16;
	_ =	sdelay $0x1  }
0x3c: {  	s10 =	sshrl.u32 @p2 s10, $0xA  }
0x3d: {  	s10 =	sand.u32 @p2 $0x3F, s10  }
0x3e: {  	s10 =	smul.u32 @p2 $0x6, s10;
	_ =	sdelay $0x1  }
0x3f: {  	s10 =	ssub.s32 @p2 s16, s10  }
0x40: {  	s10 =	sand.u32 @p2 $0xFF, s10  }
0x41: {  	s10 =	sshll.u32 @p2 s10, $0xC  }
0x42: {  	s17 =	smul.u32 $0xAB, s15;
	s10 =	sadd.s32 @p2 $0x1400, s10  }
0x43: {  	[tilespmem:s10], [sflag:$0x1] =	stream.indirect.gather @p2 [hbm4b:s4+s22], $0x20, s13, s22, $0xb8;
	[tilespmem:$0x1FC00] =	vst v63  }
0x44: {  	s10 =	sshrl.u32 s17, $0xA  }
0x45: {  	s10 =	sand.u32 $0x3F, s10  }
0x46: {  	s10 =	smul.u32 $0x6, s10;
	_ =	sdelay $0x1  }
0x47: {  	s10 =	ssub.s32 s15, s10;
	s15 =	sadd.s32 $0x1, s15  }
0x48: {  	p1 =	sne.s32 s15, $0x14  }
.Ltmp3:
0x49: {  	_ =	swait.ge [sflag:s31], $0x1000;
	s10 =	sand.u32 $0xFF, s10;
	(pc) =	sbr.rel @p1 .LBB2_3-.Ltmp3, $4  }
0x4a: {  	[sflag:s31] =	ssyncset.done $0x0;
	s10 =	sshll.u32 s10, $0xC  }
0x4b: {  	[sflag:s31] =	ssyncadd.s32 $0xFFFFF000;
	s10 =	sadd.s32 $0x1400, s10  }
0x4c: {  	[spmem:s1] =	stream.indirect.scatter.add.f32 [tilespmem:s10], [sflag:$0x2], $0x20, s12, s22, $0xb8;
	[tilespmem:$0x1FC00] =	vst v63  }
0x4d: {  	s13 =	sadd.s32 $0x80, s13;
	s12 =	sadd.s32 $0x80, s12  }
0x4e: {  	s3 =	sadd.s32 $0x1, s3  }
0x4f: {  	_ =	swait.ge [sflag:s0], $0x1000;
	p1 =	sne.s32 s3, $0x14  }
.Ltmp4:
0x50: {  	[sflag:s0] =	ssyncset.done $0x0;
	(pc) =	sbr.rel @p1 .LBB2_2-.Ltmp4, $4  }
0x51: {  	[sflag:s0] =	ssyncadd.s32 $0xFFFFF000  }
0x52: {  	_ =	swait.ge [sflag:s0], $0x1000  }
0x53: {  	[sflag:s0] =	ssyncset.done $0x0  }
0x54: {  	[sflag:s0] =	ssyncadd.s32 $0xFFFFF000  }
0x55: {  	[bflag:$0x0] =	sbarrier.arrive $0xFFFF  }
0x56: {  	s3 =	rddreg [dreg:$0x7]  }
0x57: {  	[hbm:s3], [sflag:s18] =	dma.local [spmem:s19], $0x3100  }
0x58: {  	_ =	swait.ge [sflag:s20], $0x3100  }
0x59: {  	[sflag:s20] =	ssyncset.done $0x0  }
0x5a: {  	[sflag:s20] =	ssyncadd.s32 $0xFFFFCF00  }
0x5b: {  	[bflag:$0x0] =	sbarrier.arrive $0xFFFF  }
0x5c: {  	[spmem:s19], [sflag:s18] =	dma.local [hbm:s11], $0x3100  }
0x5d: {  	_ =	swait.ge [sflag:s20], $0x3100  }
0x5e: {  	[sflag:s20] =	ssyncset.done $0x0  }
0x5f: {  	[sflag:s20] =	ssyncadd.s32 $0xFFFFCF00  }
0x60: {  	s12 =	simm.s32 $0x0;
	s3 =	simm.s32 $0x0;
	[bflag:$0x0] =	sbarrier.arrive $0xFFFF  }
.LBB2_6:
0x61: {  	s10 =	smul.u32 $0x14, s12;
	_ =	sdelay $0x1  }
0x62: {  	s10 =	sadd.s32 s14, s10  }
0x63: {  	s10 =	sshll.u32 s10, $0x4  }
0x64: {  	s13 =	sadd.s32 s8, s10  }
0x65: {  	[tilespmem:s3], [sflag:$0x3] =	stream.linear.gather [hbm4b:s13+s3], $0xA00, $0x38;
	[tilespmem:$0x1FC00] =	vst v63  }
0x66: {  	_ =	swait.ge [sflag:s20], $0xA00  }
0x67: {  	[sflag:s20] =	ssyncset.done $0x0  }
0x68: {  	s10 =	sadd.s32 s9, s10;
	[sflag:s20] =	ssyncadd.s32 $0xFFFFF600  }
0x69: {  	[tilespmem:s21], [sflag:$0x3] =	stream.linear.gather [hbm4b:s10+s3], $0xA00, $0x38;
	[tilespmem:$0x1FC00] =	vst v63  }
0x6a: {  	_ =	swait.ge [sflag:s20], $0xA00  }
0x6b: {  	[sflag:s20] =	ssyncset.done $0x0  }
0x6c: {  	[sflag:s20] =	ssyncadd.s32 $0xFFFFF600  }
0x6d: {  	[tilespmem:s23], [sflag:$0x1] =	stream.indirect.gather [hbm4b:s6+s22], $0x20, s21, s22, $0xb8;
	[tilespmem:$0x1FC00] =	vst v63  }
0x6e: {  	_ = 	snop  }
0x6f: {  	[tilespmem:s25], [sflag:$0x1] =	stream.indirect.gather [hbm4b:s6+s22], $0x20, s24, s22, $0xb8;
	[tilespmem:$0x1FC00] =	vst v63  }
0x70: {  	_ = 	snop  }
0x71: {  	[tilespmem:s28], [sflag:$0x1] =	stream.indirect.gather [hbm4b:s6+s22], $0x20, s26, s22, $0xb8;
	[tilespmem:$0x1FC00] =	vst v63  }
0x72: {  	s15 =	simm.s32 $0x0;
	s16 =	simm.s32 $0x0;
	s13 =	simm.s32 $0xC00  }
0x73: {  	[tilespmem:s30], [sflag:$0x1] =	stream.indirect.gather [hbm4b:s6+s22], $0x20, s29, s22, $0xb8;
	[tilespmem:$0x1FC00] =	vst v63  }
.LBB2_7:
0x74: {  	p1 =	slt.u32 s16, $0x2  }
0x75: {  	s10 =	simm.s32 @!p1 $0x2  }
0x76: {  	p2 =	sgt.u32 @!p1 s16, $0xF;
	_ =	swait.ge @!p1 [sflag:s10], $0x1000  }
0x77: {  	p2 =	por p1, !p2;
	[sflag:s10] =	ssyncset.done @!p1 $0x0  }
0x78: {  	[sflag:s10] =	ssyncadd.s32 @!p1 $0xFFFFF000;
	s10 =	sadd.s32 @p2 $0x4, s16  }
0x79: {  	s17 =	smul.u32 @p2 $0xAB, s10;
	_ =	sdelay $0x1  }
0x7a: {  	s17 =	sshrl.u32 @p2 s17, $0xA  }
0x7b: {  	s17 =	sand.u32 @p2 $0x3F, s17  }
0x7c: {  	s17 =	smul.u32 @p2 $0x6, s17;
	_ =	sdelay $0x1  }
0x7d: {  	s10 =	ssub.s32 @p2 s10, s17  }
0x7e: {  	s10 =	sand.u32 @p2 $0xFF, s10  }
0x7f: {  	s10 =	sshll.u32 @p2 s10, $0xC  }
0x80: {  	s17 =	smul.u32 $0xAB, s16;
	s10 =	sadd.s32 @p2 $0x1400, s10  }
0x81: {  	[tilespmem:s10], [sflag:$0x1] =	stream.indirect.gather @p2 [hbm4b:s6+s22], $0x20, s13, s22, $0xb8;
	[tilespmem:$0x1FC00] =	vst v63  }
0x82: {  	s10 =	sshrl.u32 s17, $0xA  }
0x83: {  	s10 =	sand.u32 $0x3F, s10  }
0x84: {  	s10 =	smul.u32 $0x6, s10;
	_ =	sdelay $0x1  }
0x85: {  	s10 =	ssub.s32 s16, s10;
	s16 =	sadd.s32 $0x1, s16  }
0x86: {  	p1 =	sne.s32 s16, $0x14  }
.Ltmp5:
0x87: {  	_ =	swait.ge [sflag:s31], $0x1000;
	s10 =	sand.u32 $0xFF, s10;
	(pc) =	sbr.rel @p1 .LBB2_7-.Ltmp5, $4  }
0x88: {  	[sflag:s31] =	ssyncset.done $0x0;
	s10 =	sshll.u32 s10, $0xC  }
0x89: {  	[sflag:s31] =	ssyncadd.s32 $0xFFFFF000;
	s10 =	sadd.s32 $0x1400, s10  }
0x8a: {  	[spmem:s1] =	stream.indirect.scatter.add.f32 [tilespmem:s10], [sflag:$0x2], $0x20, s15, s22, $0xb8;
	[tilespmem:$0x1FC00] =	vst v63  }
0x8b: {  	s13 =	sadd.s32 $0x80, s13;
	s15 =	sadd.s32 $0x80, s15  }
0x8c: {  	s12 =	sadd.s32 $0x1, s12  }
0x8d: {  	_ =	swait.ge [sflag:s0], $0x1000;
	p1 =	seq.s32 s12, $0x14  }
.Ltmp6:
0x8e: {  	[sflag:s0] =	ssyncset.done $0x0;
	(pc) =	sbr.rel @!p1 .LBB2_6-.Ltmp6, $4  }
0x8f: {  	[sflag:s0] =	ssyncadd.s32 $0xFFFFF000  }
0x90: {  	_ =	swait.ge [sflag:s0], $0x1000  }
0x91: {  	[sflag:s0] =	ssyncset.done $0x0  }
0x92: {  	[sflag:s0] =	ssyncadd.s32 $0xFFFFF000  }
.Ltmp7:
0x93: {  	(pc) =	sbr.rel .LBB2_18-.Ltmp7, $2  }
0x94: {  	_ =	sdelay $0x2  }
0x95: {  	s3 =	rddreg [dreg:$0x4]  }
.LBB2_10:
0x96: {  	s3 =	smul.u32 $0x14, s12;
	_ =	sdelay $0x1  }
0x97: {  	s3 =	sadd.s32 s14, s3  }
0x98: {  	s10 =	sshll.u32 s3, $0x4  }
0x99: {  	s3 =	simm.s32 $0x0;
	s13 =	sadd.s32 s8, s10  }
0x9a: {  	[tilespmem:s3], [sflag:$0x3] =	stream.linear.gather [hbm4b:s13+s3], $0xA00, $0x38;
	[tilespmem:$0x1FC00] =	vst v63  }
0x9b: {  	_ =	swait.ge [sflag:s20], $0xA00  }
0x9c: {  	[sflag:s20] =	ssyncset.done $0x0  }
0x9d: {  	s10 =	sadd.s32 s9, s10;
	[sflag:s20] =	ssyncadd.s32 $0xFFFFF600  }
0x9e: {  	[tilespmem:s21], [sflag:$0x3] =	stream.linear.gather [hbm4b:s10+s3], $0xA00, $0x38;
	[tilespmem:$0x1FC00] =	vst v63  }
0x9f: {  	_ =	swait.ge [sflag:s20], $0xA00  }
0xa0: {  	[sflag:s20] =	ssyncset.done $0x0  }
0xa1: {  	[sflag:s20] =	ssyncadd.s32 $0xFFFFF600  }
0xa2: {  	[tilespmem:s23], [sflag:$0x1] =	stream.indirect.gather [hbm4b:s5+s22], $0x20, s21, s22, $0xb8;
	[tilespmem:$0x1FC00] =	vst v63  }
0xa3: {  	_ = 	snop  }
0xa4: {  	[tilespmem:s25], [sflag:$0x1] =	stream.indirect.gather [hbm4b:s5+s22], $0x20, s24, s22, $0xb8;
	[tilespmem:$0x1FC00] =	vst v63  }
0xa5: {  	_ = 	snop  }
0xa6: {  	[tilespmem:s28], [sflag:$0x1] =	stream.indirect.gather [hbm4b:s5+s22], $0x20, s26, s22, $0xb8;
	[tilespmem:$0x1FC00] =	vst v63  }
0xa7: {  	s15 =	simm.s32 $0x0;
	s13 =	simm.s32 $0xC00  }
0xa8: {  	[tilespmem:s30], [sflag:$0x1] =	stream.indirect.gather [hbm4b:s5+s22], $0x20, s29, s22, $0xb8;
	[tilespmem:$0x1FC00] =	vst v63  }
.LBB2_11:
0xa9: {  	p1 =	slt.u32 s15, $0x2  }
0xaa: {  	s10 =	simm.s32 @!p1 $0x2  }
0xab: {  	p2 =	sgt.u32 @!p1 s15, $0xF;
	_ =	swait.ge @!p1 [sflag:s10], $0x1000  }
0xac: {  	p2 =	por p1, !p2;
	[sflag:s10] =	ssyncset.done @!p1 $0x0  }
0xad: {  	[sflag:s10] =	ssyncadd.s32 @!p1 $0xFFFFF000;
	s10 =	sadd.s32 @p2 $0x4, s15  }
0xae: {  	s16 =	smul.u32 @p2 $0xAB, s10;
	_ =	sdelay $0x1  }
0xaf: {  	s16 =	sshrl.u32 @p2 s16, $0xA  }
0xb0: {  	s16 =	sand.u32 @p2 $0x3F, s16  }
0xb1: {  	s16 =	smul.u32 @p2 $0x6, s16;
	_ =	sdelay $0x1  }
0xb2: {  	s10 =	ssub.s32 @p2 s10, s16  }
0xb3: {  	s10 =	sand.u32 @p2 $0xFF, s10  }
0xb4: {  	s10 =	sshll.u32 @p2 s10, $0xC  }
0xb5: {  	s17 =	smul.u32 $0xAB, s15;
	s10 =	sadd.s32 @p2 $0x1400, s10  }
0xb6: {  	[tilespmem:s10], [sflag:$0x1] =	stream.indirect.gather @p2 [hbm4b:s5+s22], $0x20, s13, s22, $0xb8;
	[tilespmem:$0x1FC00] =	vst v63  }
0xb7: {  	s10 =	sshrl.u32 s17, $0xA  }
0xb8: {  	s10 =	sand.u32 $0x3F, s10  }
0xb9: {  	s10 =	smul.u32 $0x6, s10;
	_ =	sdelay $0x1  }
0xba: {  	s10 =	ssub.s32 s15, s10;
	s15 =	sadd.s32 $0x1, s15  }
0xbb: {  	p1 =	sne.s32 s15, $0x14  }
.Ltmp8:
0xbc: {  	_ =	swait.ge [sflag:s31], $0x1000;
	s10 =	sand.u32 $0xFF, s10;
	(pc) =	sbr.rel @p1 .LBB2_11-.Ltmp8, $4  }
0xbd: {  	[sflag:s31] =	ssyncset.done $0x0;
	s10 =	sshll.u32 s10, $0xC  }
0xbe: {  	[sflag:s31] =	ssyncadd.s32 $0xFFFFF000;
	s10 =	sadd.s32 $0x1400, s10  }
0xbf: {  	[spmem:s1] =	stream.indirect.scatter.add.f32 [tilespmem:s10], [sflag:$0x2], $0x20, s3, s22, $0xb8;
	[tilespmem:$0x1FC00] =	vst v63  }
0xc0: {  	s13 =	sadd.s32 $0x80, s13;
	s3 =	sadd.s32 $0x80, s3  }
0xc1: {  	s12 =	sadd.s32 $0x1, s12  }
0xc2: {  	_ =	swait.ge [sflag:s0], $0x1000;
	p1 =	seq.s32 s12, $0x14  }
.Ltmp9:
0xc3: {  	[sflag:s0] =	ssyncset.done $0x0;
	(pc) =	sbr.rel @!p1 .LBB2_10-.Ltmp9, $4  }
0xc4: {  	[sflag:s0] =	ssyncadd.s32 $0xFFFFF000  }
0xc5: {  	_ =	swait.ge [sflag:s0], $0x1000  }
0xc6: {  	[sflag:s0] =	ssyncset.done $0x0  }
0xc7: {  	[sflag:s0] =	ssyncadd.s32 $0xFFFFF000  }
0xc8: {  	[bflag:$0x0] =	sbarrier.arrive $0xFFFF  }
0xc9: {  	s3 =	rddreg [dreg:$0x6]  }
0xca: {  	[hbm:s3], [sflag:s18] =	dma.local [spmem:s19], $0x3100  }
0xcb: {  	_ =	swait.ge [sflag:s20], $0x3100  }
0xcc: {  	[sflag:s20] =	ssyncset.done $0x0  }
0xcd: {  	[sflag:s20] =	ssyncadd.s32 $0xFFFFCF00  }
0xce: {  	[bflag:$0x0] =	sbarrier.arrive $0xFFFF  }
0xcf: {  	[spmem:s19], [sflag:s18] =	dma.local [hbm:s11], $0x3100  }
0xd0: {  	_ =	swait.ge [sflag:s20], $0x3100  }
0xd1: {  	[sflag:s20] =	ssyncset.done $0x0  }
0xd2: {  	[sflag:s20] =	ssyncadd.s32 $0xFFFFCF00  }
0xd3: {  	s12 =	simm.s32 $0x0;
	s3 =	simm.s32 $0x0;
	[bflag:$0x0] =	sbarrier.arrive $0xFFFF  }
.LBB2_14:
0xd4: {  	s10 =	smul.u32 $0x14, s12;
	_ =	sdelay $0x1  }
0xd5: {  	s10 =	sadd.s32 s14, s10  }
0xd6: {  	s10 =	sshll.u32 s10, $0x4  }
0xd7: {  	s13 =	sadd.s32 s8, s10  }
0xd8: {  	[tilespmem:s3], [sflag:$0x3] =	stream.linear.gather [hbm4b:s13+s3], $0xA00, $0x38;
	[tilespmem:$0x1FC00] =	vst v63  }
0xd9: {  	_ =	swait.ge [sflag:s20], $0xA00  }
0xda: {  	[sflag:s20] =	ssyncset.done $0x0  }
0xdb: {  	s10 =	sadd.s32 s9, s10;
	[sflag:s20] =	ssyncadd.s32 $0xFFFFF600  }
0xdc: {  	[tilespmem:s21], [sflag:$0x3] =	stream.linear.gather [hbm4b:s10+s3], $0xA00, $0x38;
	[tilespmem:$0x1FC00] =	vst v63  }
0xdd: {  	_ =	swait.ge [sflag:s20], $0xA00  }
0xde: {  	[sflag:s20] =	ssyncset.done $0x0  }
0xdf: {  	[sflag:s20] =	ssyncadd.s32 $0xFFFFF600  }
0xe0: {  	[tilespmem:s23], [sflag:$0x1] =	stream.indirect.gather [hbm4b:s7+s22], $0x20, s21, s22, $0xb8;
	[tilespmem:$0x1FC00] =	vst v63  }
0xe1: {  	_ = 	snop  }
0xe2: {  	[tilespmem:s25], [sflag:$0x1] =	stream.indirect.gather [hbm4b:s7+s22], $0x20, s24, s22, $0xb8;
	[tilespmem:$0x1FC00] =	vst v63  }
0xe3: {  	_ = 	snop  }
0xe4: {  	[tilespmem:s28], [sflag:$0x1] =	stream.indirect.gather [hbm4b:s7+s22], $0x20, s26, s22, $0xb8;
	[tilespmem:$0x1FC00] =	vst v63  }
0xe5: {  	s15 =	simm.s32 $0x0;
	s16 =	simm.s32 $0x0;
	s13 =	simm.s32 $0xC00  }
0xe6: {  	[tilespmem:s30], [sflag:$0x1] =	stream.indirect.gather [hbm4b:s7+s22], $0x20, s29, s22, $0xb8;
	[tilespmem:$0x1FC00] =	vst v63  }
.LBB2_15:
0xe7: {  	p1 =	slt.u32 s16, $0x2  }
0xe8: {  	s10 =	simm.s32 @!p1 $0x2  }
0xe9: {  	p2 =	sgt.u32 @!p1 s16, $0xF;
	_ =	swait.ge @!p1 [sflag:s10], $0x1000  }
0xea: {  	p2 =	por p1, !p2;
	[sflag:s10] =	ssyncset.done @!p1 $0x0  }
0xeb: {  	[sflag:s10] =	ssyncadd.s32 @!p1 $0xFFFFF000;
	s10 =	sadd.s32 @p2 $0x4, s16  }
0xec: {  	s17 =	smul.u32 @p2 $0xAB, s10;
	_ =	sdelay $0x1  }
0xed: {  	s17 =	sshrl.u32 @p2 s17, $0xA  }
0xee: {  	s17 =	sand.u32 @p2 $0x3F, s17  }
0xef: {  	s17 =	smul.u32 @p2 $0x6, s17;
	_ =	sdelay $0x1  }
0xf0: {  	s10 =	ssub.s32 @p2 s10, s17  }
0xf1: {  	s10 =	sand.u32 @p2 $0xFF, s10  }
0xf2: {  	s10 =	sshll.u32 @p2 s10, $0xC  }
0xf3: {  	s17 =	smul.u32 $0xAB, s16;
	s10 =	sadd.s32 @p2 $0x1400, s10  }
0xf4: {  	[tilespmem:s10], [sflag:$0x1] =	stream.indirect.gather @p2 [hbm4b:s7+s22], $0x20, s13, s22, $0xb8;
	[tilespmem:$0x1FC00] =	vst v63  }
0xf5: {  	s10 =	sshrl.u32 s17, $0xA  }
0xf6: {  	s10 =	sand.u32 $0x3F, s10  }
0xf7: {  	s10 =	smul.u32 $0x6, s10;
	_ =	sdelay $0x1  }
0xf8: {  	s10 =	ssub.s32 s16, s10;
	s16 =	sadd.s32 $0x1, s16  }
0xf9: {  	p1 =	sne.s32 s16, $0x14  }
.Ltmp10:
0xfa: {  	_ =	swait.ge [sflag:s31], $0x1000;
	s10 =	sand.u32 $0xFF, s10;
	(pc) =	sbr.rel @p1 .LBB2_15-.Ltmp10, $4  }
0xfb: {  	[sflag:s31] =	ssyncset.done $0x0;
	s10 =	sshll.u32 s10, $0xC  }
0xfc: {  	[sflag:s31] =	ssyncadd.s32 $0xFFFFF000;
	s10 =	sadd.s32 $0x1400, s10  }
0xfd: {  	[spmem:s1] =	stream.indirect.scatter.add.f32 [tilespmem:s10], [sflag:$0x2], $0x20, s15, s22, $0xb8;
	[tilespmem:$0x1FC00] =	vst v63  }
0xfe: {  	s13 =	sadd.s32 $0x80, s13;
	s15 =	sadd.s32 $0x80, s15  }
0xff: {  	s12 =	sadd.s32 $0x1, s12  }
0x100: {  	_ =	swait.ge [sflag:s0], $0x1000;
	p1 =	sne.s32 s12, $0x14  }
.Ltmp11:
0x101: {  	[sflag:s0] =	ssyncset.done $0x0;
	(pc) =	sbr.rel @p1 .LBB2_14-.Ltmp11, $4  }
0x102: {  	[sflag:s0] =	ssyncadd.s32 $0xFFFFF000  }
0x103: {  	_ =	swait.ge [sflag:s0], $0x1000  }
0x104: {  	[sflag:s0] =	ssyncset.done $0x0  }
0x105: {  	[sflag:s0] =	ssyncadd.s32 $0xFFFFF000  }
.Ltmp12:
0x106: {  	(pc) =	sbr.rel .LBB2_18-.Ltmp12, $2  }
0x107: {  	_ =	sdelay $0x2  }
0x108: {  	s3 =	rddreg [dreg:$0x5]  }
.LBB2_19:
0x109: {  	_ =	sfence.sel $0x180000  }
0x10a: {  	[bflag:$0x0] =	sbarrier.arrive $0xFFFF  }
0x10b: {  	_ =	strace $0x9000004D  }
0x10c: {  	s0 =	stileid.u32;
	[bflag:$0x2] =	sbarrier.arrive $0xFFFF  }
0x10d: {  	p0 =	sne.s32 s0, $0x0;
	s0 =	rddreg [dreg:$0x2]  }
0x10e: {  	s0 =	sadd.s32 @!p0 $0x100000, s0  }
0x10f: {  	[sflag:s0] =	ssyncadd.tile.s32 @!p0 $0x1;
	_ =	shalt  }
.Lfunc_end2:
_tile_overlayer_lowered:
.L_overlay_start_2:
0x110: {  	(tag) =	ssettag $0x2  }
0x111: {  	s0 =	rddreg [dreg:$0x0];
	s2 =	stileid.u32  }
0x112: {  	s1 =	rddreg [dreg:$0x1];
	p0 =	sne.s32 s2, $0x0  }
0x113: {  	s3 =	rddreg [dreg:$0x2];
	[bflag:$0x3] =	sbarrier.arrive $0xFFFF;
	s2 =	simm.s32 @!p0 $0x1C03  }
0x114: {  	[timem:s3], [sflag:s2] =	dma.local @!p0 [hbm:s0], s1  }
0x115: {  	s0 =	simm.s32 @!p0 $0x3  }
0x116: {  	_ =	swait.ge @!p0 [sflag:s0], s1  }
0x117: {  	s1 =	ssub.s32 @!p0 $0x0, s1;
	[sflag:s0] =	ssyncset.done @!p0 $0x0  }
0x118: {  	[sflag:s0] =	ssyncadd.s32 @!p0 s1  }
0x119: {  	[bflag:$0x3] =	sbarrier.arrive $0xFFFF  }
0x11a: {  	_ =	shalt  }

// kernel: kernel.9.cloned.1.call-start
scs
__scs_entry_jumppad:
0x0: {  	(pc) =	sbr.rel $0x88, $3  }
0x1: {  	(tag) =	ssettag $0x0;
	lr =	simm.s32 $0x1  }
0x2: {  	[smem:$0x3F8E] =	sst lr;
	_ =	strace $0xD0000000  }
0x3: {  	_ = 	snop  }
0x4: {  	_ = 	snop  }
0x5: {  	_ = 	snop  }
0x6: {  	_ = 	snop  }
0x7: {  	_ = 	snop  }
__scs_overlays_trampoline_lowered:
0x8: {  	[smem:$0x3F9D] =	sst s0  }
0x9: {  	[smem:$0x3F9E] =	sst s1  }
0xa: {  	[smem:$0x3F9F] =	sst s2  }
0xb: {  	[smem:$0x3FA0] =	sst s3  }
0xc: {  	[smem:$0x3FA1] =	sst s4  }
0xd: {  	[smem:$0x3FA2] =	sst s5  }
0xe: {  	[smem:$0x3FA3] =	sst s6  }
0xf: {  	[smem:$0x3FA4] =	sst s7  }
0x10: {  	[smem:$0x3FA5] =	sst s8  }
0x11: {  	[smem:$0x3FA6] =	sst s9;
	s0 =	simm.s32 @!p0 $0x0  }
0x12: {  	s1 =	sld [smem:$0x3F8C];
	s0 =	simm.s32 @p0 $0x1  }
0x13: {  	[smem:$0x3FA7] =	sst s0;
	s0 =	simm.s32 @!p1 $0x0  }
0x14: {  	s2 =	sld [smem:$0x3F8B];
	s0 =	simm.s32 @p1 $0x1  }
0x15: {  	[smem:$0x3FA8] =	sst s0;
	s0 =	simm.s32 @!p2 $0x0  }
0x16: {  	s3 =	sld [smem:$0x3FDB];
	s0 =	simm.s32 @p2 $0x1  }
0x17: {  	s4 =	simm.s32 $0x1BF5;
	[smem:$0x3FAA] =	sst s0  }
0x18: {  	s0 =	sld [smem:$0x3F8D];
	_ =	swait.ge [sflag:s4], $0x0  }
0x19: {  	s7 =	sld [smem:$0x3F8E]  }
0x1a: {  	s8 =	sadd.s32 $0xFFFFE003, lr  }
0x1b: {  	s9 =	sadd.s32 $0xFFFFFEF7, lr;
	s5 =	simm.s32 $0xFFFFFFFF;
	p2 =	slt.u32 s8, $0xFFFFF086  }
0x1c: {  	p1 =	slt.u32 s9, $0xF7A;
	s5 =	simm.s32 @!p2 $0x0  }
0x1d: {  	s5 =	simm.s32 @p1 $0x1;
	p0 =	seq.s32 s7, s2  }
0x1e: {  	s7 =	smul.u32 @!p0 $0xF7A, s2;
	p2 =	seq.s32 @!p0 s5, $0x0  }
0x1f: {  	s9 =	smul.u32 $0xF7A, s1;
	s8 =	simm.s32 @!p0 $0x1BF5;
	p2 =	por !p2, p0  }
0x20: {  	[sflag:s8] =	ssyncset.s32 @!p0 $0xFFFFF086;
	s6 =	sadd.s32 @!p0 s3, s7;
	s7 =	simm.s32 @!p0 $0x108  }
0x21: {  	s3 =	sadd.s32 s3, s9;
	s6 =	sadd.s32 @!p0 $0x88, s6;
	s7 =	simm.s32 @p2 $0x1082  }
0x22: {  	[simem:s7], [sflag:s8] =	dma.local @!p0 [hbm:s6], $0xF7A  }
0x23: {  	s9 =	sor.u32 $0xD0000000, s2;
	s6 =	simm.s32 $0x108;
	_ =	swait.ge @!p0 [sflag:s8], $0x0  }
0x24: {  	s3 =	sadd.s32 $0x88, s3;
	s6 =	simm.s32 @!p1 $0x1082;
	[sflag:s4] =	ssyncset.s32 $0xFFFFF086  }
0x25: {  	[simem:s6], [sflag:s4] =	dma.local [hbm:s3], $0xF7A  }
0x26: {  	[smem:$0x3F8E] =	sst s1;
	(tag) =	ssettag s2;
	_ =	strace s9  }
0x27: {  	s1 =	sld [smem:$0x3F9E]  }
0x28: {  	s2 =	sld [smem:$0x3F9F]  }
0x29: {  	s4 =	sld [smem:$0x3FA1]  }
0x2a: {  	p0 =	seq.s32 s5, $0x0;
	s5 =	sld [smem:$0x3FA2]  }
0x2b: {  	s6 =	sld [smem:$0x3FA3]  }
0x2c: {  	s7 =	sld [smem:$0x3FA4]  }
0x2d: {  	s3 =	simm.s32 $0x108;
	s8 =	sld [smem:$0x3FA5]  }
0x2e: {  	s3 =	simm.s32 @!p0 $0x1082;
	s9 =	sld [smem:$0x3FA6]  }
0x2f: {  	lr =	sadd.s32 s0, s3;
	s0 =	sld [smem:$0x3F9D]  }
0x30: {  	s3 =	sld [smem:$0x3FA0]  }
0x31: {  	[smem:$0x3FA9] =	sst s10  }
0x32: {  	s10 =	sld [smem:$0x3FA7];
	_ =	sdelay $0x3  }
0x33: {  	p0 =	seq.s32 s10, $0x1;
	s10 =	sld [smem:$0x3FA9];
	_ =	sdelay $0x3  }
0x34: {  	[smem:$0x3FA9] =	sst s10  }
0x35: {  	s10 =	sld [smem:$0x3FA8];
	_ =	sdelay $0x3  }
0x36: {  	p1 =	seq.s32 s10, $0x1;
	s10 =	sld [smem:$0x3FA9];
	_ =	sdelay $0x3  }
0x37: {  	[smem:$0x3FA9] =	sst s10  }
0x38: {  	s10 =	sld [smem:$0x3FAA]  }
0x39: {  	_ = 	snop;
	(pc) =	sbr.ind lr, $3  }
0x3a: {  	_ = 	snop  }
0x3b: {  	_ = 	snop  }
0x3c: {  	p2 =	seq.s32 s10, $0x1;
	s10 =	sld [smem:$0x3FA9]  }
0x3d: {  	_ =	shalt  }
0x3e: {  	_ =	shalt  }
0x3f: {  	_ =	shalt  }
0x40: {  	_ =	shalt  }
0x41: {  	_ =	shalt  }
0x42: {  	_ =	shalt  }
0x43: {  	_ =	shalt  }
0x44: {  	_ =	shalt  }
0x45: {  	_ =	shalt  }
0x46: {  	_ =	shalt  }
0x47: {  	_ =	shalt  }
0x48: {  	_ =	shalt  }
0x49: {  	_ =	shalt  }
0x4a: {  	_ =	shalt  }
0x4b: {  	_ =	shalt  }
0x4c: {  	_ =	shalt  }
0x4d: {  	_ =	shalt  }
0x4e: {  	_ =	shalt  }
0x4f: {  	_ =	shalt  }
0x50: {  	_ =	shalt  }
0x51: {  	_ =	shalt  }
0x52: {  	_ =	shalt  }
0x53: {  	_ =	shalt  }
0x54: {  	_ =	shalt  }
0x55: {  	_ =	shalt  }
0x56: {  	_ =	shalt  }
0x57: {  	_ =	shalt  }
0x58: {  	_ =	shalt  }
0x59: {  	_ =	shalt  }
0x5a: {  	_ =	shalt  }
0x5b: {  	_ =	shalt  }
0x5c: {  	_ =	shalt  }
0x5d: {  	_ =	shalt  }
0x5e: {  	_ =	shalt  }
0x5f: {  	_ =	shalt  }
0x60: {  	_ =	shalt  }
0x61: {  	_ =	shalt  }
0x62: {  	_ =	shalt  }
0x63: {  	_ =	shalt  }
0x64: {  	_ =	shalt  }
0x65: {  	_ =	shalt  }
0x66: {  	_ =	shalt  }
0x67: {  	_ =	shalt  }
0x68: {  	_ =	shalt  }
0x69: {  	_ =	shalt  }
0x6a: {  	_ =	shalt  }
0x6b: {  	_ =	shalt  }
0x6c: {  	_ =	shalt  }
0x6d: {  	_ =	shalt  }
0x6e: {  	_ =	shalt  }
0x6f: {  	_ =	shalt  }
0x70: {  	_ =	shalt  }
0x71: {  	_ =	shalt  }
0x72: {  	_ =	shalt  }
0x73: {  	_ =	shalt  }
0x74: {  	_ =	shalt  }
0x75: {  	_ =	shalt  }
0x76: {  	_ =	shalt  }
0x77: {  	_ =	shalt  }
0x78: {  	_ =	shalt  }
0x79: {  	_ =	shalt  }
0x7a: {  	_ =	shalt  }
0x7b: {  	_ =	shalt  }
0x7c: {  	_ =	shalt  }
0x7d: {  	_ =	shalt  }
0x7e: {  	_ =	shalt  }
0x7f: {  	_ =	shalt  }
0x80: {  	_ =	shalt  }
0x81: {  	_ =	shalt  }
0x82: {  	_ =	shalt  }
0x83: {  	_ =	shalt  }
0x84: {  	_ =	shalt  }
0x85: {  	_ =	shalt  }
0x86: {  	_ =	shalt  }
0x87: {  	_ =	shalt  }
.Lfunc_end0:
.L_simem_size_0:
called_computation_lowered:
.L_overlay_start_0:
0x88: {  	s2 =	sld [smem:$0x3FD9]  }
0x89: {  	s3 =	sld [smem:$0x3FFE];
	_ =	sdelay $0x1  }
0x8a: {  	s1 =	srdreg.scid  }
0x8b: {  	s0 =	sand.u32 $0x1, s1  }
0x8c: {  	s16 =	sshll.u32 s0, $0xA;
	s2 =	sadd.s32 s3, s2  }
0x8d: {  	s2 =	sadd.s32 s2, s16  }
0x8e: {  	[smem:$0x3FB5] =	sst s2  }
0x8f: {  	_ = 	snop  }
0x90: {  	(tm) =	ssettm $0x1  }
0x91: {  	s17 =	sld [smem:$0x3FFB];
	_ =	sdelay $0x3  }
0x92: {  	_ =	strace s17  }
0x93: {  	s2 =	sld [smem:$0x3FFC];
	_ =	sdelay $0x3  }
0x94: {  	_ =	strace s2  }
0x95: {  	s2 =	sld [smem:$0x3FFD];
	_ =	sdelay $0x3  }
0x96: {  	_ =	strace s2  }
0x97: {  	_ =	strace $0x8FFFFFFF  }
0x98: {  	s18 =	sld [smem:$0x3FDB];
	_ =	sdelay $0x1  }
0x99: {  	s19 =	simm.s32 $_scs_section_size  }
0x9a: {  	s4 =	simm.s32 $_size__tile_overlayer_lowered;
	s5 =	simm.s32 $_tile_overlayer_lowered  }
0x9b: {  	s22 =	simm.s32 $0x1BFF;
	s21 =	sshll.u32 s5, $0x1;
	s2 =	sadd.s32 s19, s18  }
0x9c: {  	s6 =	simm.s32 $0x0;
	s20 =	sshll.u32 s4, $0x1;
	s4 =	sadd.s32 s21, s2  }
0x9d: {  	[timem:s6], [sflag:s22] =	dma.local [hbm:s4], s20  }
0x9e: {  	_ =	swait.ge [sflag:s22], s20  }
0x9f: {  	s3 =	ssub.s32 $0x0, s20;
	[sflag:s22] =	ssyncset.done $0x0  }
0xa0: {  	[sflag:s22] =	ssyncadd.s32 s3;
	_ =	sdelay $0x1  }
0xa1: {  	s23 =	simm.s32 $0x1B8B  }
0xa2: {  	_ =	swait.ge [sflag:s23], $0x1  }
0xa3: {  	[sflag:s23] =	ssyncset.done $0x0  }
0xa4: {  	s25 =	simm.s32 $0x1B8E;
	s24 =	sld [smem:$0x3FFE];
	[sflag:s23] =	ssyncadd.s32 $0xFFFFFFFF  }
0xa5: {  	s26 =	simm.s32 $execute0_lowered;
	[smem:$0x3FD2] =	sst s25  }
0xa6: {  	s4 =	sshll.u32 s26, $0x1;
	_ =	strace $0x80000046;
	[dreg:$0x1] =	wrdreg $0xFFFFFFFF  }
0xa7: {  	s28 =	simm.s32 $_size_execute0_lowered;
	s2 =	sadd.s32 s2, s4;
	[dreg:$0x0] =	wrdreg $0x0  }
0xa8: {  	s4 =	sshll.u32 s28, $0x1;
	[dreg:$0x2] =	wrdreg s2  }
0xa9: {  	[dreg:$0x3] =	wrdreg s4  }
0xaa: {  	[dreg:$0x4] =	wrdreg $0xC0  }
0xab: {  	_ =	task [dreg:s6], $0x5FFFF  }
0xac: {  	[dreg:$0x1] =	wrdreg $0xFFFFFFFF  }
0xad: {  	[dreg:$0x0] =	wrdreg $0x60  }
0xae: {  	[dreg:$0x2] =	wrdreg s24  }
0xaf: {  	[dreg:$0x3] =	wrdreg $0x74000  }
0xb0: {  	[dreg:$0x4] =	wrdreg $0x9  }
0xb1: {  	_ =	task.clear_ibuf [dreg:s6], $0x5FFFF;
	_ =	strace $0x90000046  }
0xb2: {  	s29 =	simm.s32 $0x9;
	_ =	strace $0x80000048  }
0xb3: {  	_ =	swait.ge [sflag:s29], $0x1  }
0xb4: {  	[sflag:s29] =	ssyncadd.s32 $0xFFFFFFFF  }
0xb5: {  	_ =	strace $0x90000048  }
0xb6: {  	_ =	sfence  }
0xb7: {  	s30 =	sld [smem:$0x0];
	_ =	sdelay $0x2  }
0xb8: {  	s31 =	sshll.u32 s1, $0xD;
	s1 =	sshrl.u32 s1, $0x2  }
0xb9: {  	s3 =	sand.u32 $0x4000, s31;
	s1 =	sadd.s32 s1, s30  }
0xba: {  	s0 =	sor.u32 s3, s0;
	s1 =	sshll.u32 s1, $0x11  }
0xbb: {  	s0 =	sor.u32 s1, s0  }
0xbc: {  	s0 =	sadd.s32 $0x8F2B, s0  }
0xbd: {  	[sflag:s0] =	ssyncadd.remote.s32 $0x1  }
0xbe: {  	_ =	sfence.sel $0xFFFF  }
0xbf: {  	[dreg:$0x0] =	wrdreg $0xFFFFFFFF;
	(pc) =	sbr.abs _section_cstart, $3  }
0xc0: {  	[dreg:$0x1] =	wrdreg $0xFFFFFFFF  }
0xc1: {  	_ =	task.clear_ibuf [dreg:s6], $0x2FFFF;
	_ =	strace $0x9FFFFFFF  }
0xc2: {  	(tm) =	ssettm $0x7FFFFFFF  }
0xc3: {  	_ =	shalt  }
tec
execute0_lowered:
.L_overlay_start_1:
0x0: {  	(tag) =	ssettag $0x1  }
0x1: {  	s0 =	rddreg [dreg:$0x0]  }
0x2: {  	s1 =	rddreg [dreg:$0x1]  }
0x3: {  	s2 =	simm.s32 $0x0;
	s8 =	srdreg.scid;
	s4 =	stileid.u32  }
0x4: {  	s16 =	simm.s32 $0x3;
	s17 =	simm.s32 $0xA00;
	s18 =	simm.s32 $0x80  }
0x5: {  	s19 =	simm.s32 $0x1400;
	s20 =	simm.s32 $0xA80;
	s21 =	simm.s32 $0x2400  }
0x6: {  	s22 =	simm.s32 $0xB00;
	s23 =	simm.s32 $0x3400;
	s24 =	simm.s32 $0xB80  }
0x7: {  	s25 =	simm.s32 $0x4400;
	s26 =	simm.s32 $0x1;
	s28 =	simm.s32 $0x2  }
0x8: {  	[smem:$0x7FF] =	sst s2;
	s3 =	sadd.s32 $0x38E00, s0;
	s5 =	sadd.s32 $0x7E00, s0  }
0x9: {  	s6 =	sadd.s32 $0x82E00, s0;
	s7 =	sadd.s32 $0x69E00, s0;
	s11 =	sand.u32 $0x1, s8  }
0xa: {  	s8 =	sadd.s32 $0x9BE00, s0;
	s13 =	smul.u32 $0x18800, s4;
	s9 =	sadd.s32 $0xD0000, s0  }
.Ltmp0:
0xb: {  	s10 =	sadd.s32 $0x9F000, s0;
	s14 =	sshll.u32 s4, $0x6;
	(pc) =	sbr.rel .LBB2_1-.Ltmp0, $4  }
0xc: {  	_ =	strace $0x80000047;
	s12 =	ssub.s32 $0x2, s11;
	[dreg:$0x3] =	wrdreg s9  }
0xd: {  	p0 =	seq.s32 s11, $0x1;
	s11 =	smul.u32 $0x190, s4;
	s31 =	sshrl.u32 s12, $0x1  }
0xe: {  	s14 =	sor.u32 $0x1C03, s14;
	s15 =	sadd.s32 s13, s1;
	s0 =	ssub.s32 s12, s31  }
0xf: {  	s12 =	sshrl.u32 s13, $0x3;
	s15 =	sshrl.u32 s15, $0x3;
	s13 =	smax.u32 s0, $0x1  }
.LBB2_10:
0x10: {  	s0 =	sadd.s32 s0, s12;
	[bflag:$0x0] =	sbarrier.arrive $0xFFFF;
	s2 =	sadd.s32 $0x1, s2  }
0x11: {  	[hbm:s0], [sflag:s14] =	dma.local [spmem:s15], $0x3100  }
0x12: {  	p1 =	sne.s32 s2, s13  }
.Ltmp1:
0x13: {  	_ =	swait.ge [sflag:s16], $0x3100;
	(pc) =	sbr.rel @!p1 .LBB2_11-.Ltmp1, $3  }
0x14: {  	[sflag:s16] =	ssyncset.done $0x0  }
0x15: {  	[sflag:s16] =	ssyncadd.s32 $0xFFFFCF00  }
0x16: {  	[bflag:$0x0] =	sbarrier.arrive $0xFFFF;
	_ =	sdelay $0x1  }
.LBB2_1:
0x17: {  	[spmem:s15], [sflag:s14] =	dma.local [hbm:s8], $0x3100  }
.Ltmp2:
0x18: {  	_ =	swait.ge [sflag:s16], $0x3100;
	(pc) =	sbr.rel @!p0 .LBB2_2-.Ltmp2, $4  }
0x19: {  	[sflag:s16] =	ssyncset.done $0x0  }
0x1a: {  	[sflag:s16] =	ssyncadd.s32 $0xFFFFCF00  }
0x1b: {  	[bflag:$0x0] =	sbarrier.arrive $0xFFFF  }
0x1c: {  	s29 =	simm.s32 $0x0;
	s30 =	simm.s32 $0x0  }
.LBB2_6:
0x1d: {  	s0 =	smul.u32 $0x14, s30;
	_ =	sdelay $0x1  }
0x1e: {  	s0 =	sadd.s32 s11, s0  }
0x1f: {  	s0 =	sshll.u32 s0, $0x4  }
0x20: {  	s29 =	simm.s32 $0x0;
	s4 =	sadd.s32 s6, s0  }
0x21: {  	[tilespmem:s29], [sflag:$0x3] =	stream.linear.gather [hbm4b:s4+s29], $0xA00, $0x38;
	[tilespmem:$0x1FC00] =	vst v63  }
0x22: {  	_ =	swait.ge [sflag:s16], $0xA00  }
0x23: {  	[sflag:s16] =	ssyncset.done $0x0  }
0x24: {  	s0 =	sadd.s32 s7, s0;
	[sflag:s16] =	ssyncadd.s32 $0xFFFFF600  }
0x25: {  	[tilespmem:s17], [sflag:$0x3] =	stream.linear.gather [hbm4b:s0+s29], $0xA00, $0x38;
	[tilespmem:$0x1FC00] =	vst v63  }
0x26: {  	_ =	swait.ge [sflag:s16], $0xA00  }
0x27: {  	[sflag:s16] =	ssyncset.done $0x0  }
0x28: {  	[sflag:s16] =	ssyncadd.s32 $0xFFFFF600  }
0x29: {  	[tilespmem:s19], [sflag:$0x1] =	stream.indirect.gather [hbm4b:s5+s18], $0x20, s17, s18, $0xb8;
	[tilespmem:$0x1FC00] =	vst v63  }
0x2a: {  	_ = 	snop  }
0x2b: {  	[tilespmem:s21], [sflag:$0x1] =	stream.indirect.gather [hbm4b:s5+s18], $0x20, s20, s18, $0xb8;
	[tilespmem:$0x1FC00] =	vst v63  }
0x2c: {  	_ = 	snop  }
0x2d: {  	[tilespmem:s23], [sflag:$0x1] =	stream.indirect.gather [hbm4b:s5+s18], $0x20, s22, s18, $0xb8;
	[tilespmem:$0x1FC00] =	vst v63  }
0x2e: {  	s31 =	simm.s32 $0xC00;
	s0 =	simm.s32 $0x0  }
0x2f: {  	[tilespmem:s25], [sflag:$0x1] =	stream.indirect.gather [hbm4b:s5+s18], $0x20, s24, s18, $0xb8;
	[tilespmem:$0x1FC00] =	vst v63  }
.LBB2_7:
0x30: {  	p1 =	slt.u32 s0, $0x2  }
0x31: {  	s4 =	simm.s32 @!p1 $0x2  }
0x32: {  	p2 =	sgt.u32 @!p1 s0, $0xF;
	_ =	swait.ge @!p1 [sflag:s4], $0x1000  }
0x33: {  	p2 =	por p1, !p2;
	[sflag:s4] =	ssyncset.done @!p1 $0x0  }
0x34: {  	[sflag:s4] =	ssyncadd.s32 @!p1 $0xFFFFF000;
	s4 =	sadd.s32 @p2 $0x4, s0  }
0x35: {  	s9 =	smul.u32 @p2 $0xAB, s4;
	_ =	sdelay $0x1  }
0x36: {  	s9 =	sshrl.u32 @p2 s9, $0xA  }
0x37: {  	s9 =	sand.u32 @p2 $0x3F, s9  }
0x38: {  	s9 =	smul.u32 @p2 $0x6, s9;
	_ =	sdelay $0x1  }
0x39: {  	s4 =	ssub.s32 @p2 s4, s9  }
0x3a: {  	s4 =	sand.u32 @p2 $0xFF, s4  }
0x3b: {  	s4 =	sshll.u32 @p2 s4, $0xC  }
0x3c: {  	s9 =	smul.u32 $0xAB, s0;
	s4 =	sadd.s32 @p2 $0x1400, s4  }
0x3d: {  	[tilespmem:s4], [sflag:$0x1] =	stream.indirect.gather @p2 [hbm4b:s5+s18], $0x20, s31, s18, $0xb8;
	[tilespmem:$0x1FC00] =	vst v63  }
0x3e: {  	s4 =	sshrl.u32 s9, $0xA  }
0x3f: {  	s4 =	sand.u32 $0x3F, s4  }
0x40: {  	s4 =	smul.u32 $0x6, s4;
	_ =	sdelay $0x1  }
0x41: {  	s4 =	ssub.s32 s0, s4;
	s0 =	sadd.s32 $0x1, s0  }
0x42: {  	p1 =	sne.s32 s0, $0x14  }
.Ltmp3:
0x43: {  	_ =	swait.ge [sflag:s26], $0x1000;
	s4 =	sand.u32 $0xFF, s4;
	(pc) =	sbr.rel @p1 .LBB2_7-.Ltmp3, $4  }
0x44: {  	[sflag:s26] =	ssyncset.done $0x0;
	s4 =	sshll.u32 s4, $0xC  }
0x45: {  	[sflag:s26] =	ssyncadd.s32 $0xFFFFF000;
	s4 =	sadd.s32 $0x1400, s4  }
0x46: {  	[spmem:s1] =	stream.indirect.scatter.add.f32 [tilespmem:s4], [sflag:$0x2], $0x20, s29, s18, $0xb8;
	[tilespmem:$0x1FC00] =	vst v63  }
0x47: {  	s31 =	sadd.s32 $0x80, s31;
	s29 =	sadd.s32 $0x80, s29  }
0x48: {  	s30 =	sadd.s32 $0x1, s30  }
0x49: {  	_ =	swait.ge [sflag:s28], $0x1000;
	p1 =	sne.s32 s30, $0x14  }
.Ltmp4:
0x4a: {  	[sflag:s28] =	ssyncset.done $0x0;
	(pc) =	sbr.rel @p1 .LBB2_6-.Ltmp4, $4  }
0x4b: {  	[sflag:s28] =	ssyncadd.s32 $0xFFFFF000  }
0x4c: {  	_ =	swait.ge [sflag:s28], $0x1000  }
0x4d: {  	[sflag:s28] =	ssyncset.done $0x0  }
0x4e: {  	[sflag:s28] =	ssyncadd.s32 $0xFFFFF000  }
.Ltmp5:
0x4f: {  	(pc) =	sbr.rel .LBB2_10-.Ltmp5, $2  }
0x50: {  	_ =	sdelay $0x2  }
0x51: {  	s0 =	smov.u32 s10  }
.LBB2_2:
0x52: {  	s0 =	smul.u32 $0x14, s29;
	_ =	sdelay $0x1  }
0x53: {  	s0 =	sadd.s32 s11, s0  }
0x54: {  	s0 =	sshll.u32 s0, $0x4  }
0x55: {  	s30 =	simm.s32 $0x0;
	s31 =	sadd.s32 s6, s0  }
0x56: {  	[tilespmem:s30], [sflag:$0x3] =	stream.linear.gather [hbm4b:s31+s30], $0xA00, $0x38;
	[tilespmem:$0x1FC00] =	vst v63  }
0x57: {  	_ =	swait.ge [sflag:s16], $0xA00  }
0x58: {  	[sflag:s16] =	ssyncset.done $0x0  }
0x59: {  	s0 =	sadd.s32 s7, s0;
	[sflag:s16] =	ssyncadd.s32 $0xFFFFF600  }
0x5a: {  	[tilespmem:s17], [sflag:$0x3] =	stream.linear.gather [hbm4b:s0+s30], $0xA00, $0x38;
	[tilespmem:$0x1FC00] =	vst v63  }
0x5b: {  	_ =	swait.ge [sflag:s16], $0xA00  }
0x5c: {  	[sflag:s16] =	ssyncset.done $0x0  }
0x5d: {  	[sflag:s16] =	ssyncadd.s32 $0xFFFFF600  }
0x5e: {  	[tilespmem:s19], [sflag:$0x1] =	stream.indirect.gather [hbm4b:s3+s18], $0x20, s17, s18, $0xb8;
	[tilespmem:$0x1FC00] =	vst v63  }
0x5f: {  	_ = 	snop  }
0x60: {  	[tilespmem:s21], [sflag:$0x1] =	stream.indirect.gather [hbm4b:s3+s18], $0x20, s20, s18, $0xb8;
	[tilespmem:$0x1FC00] =	vst v63  }
0x61: {  	_ = 	snop  }
0x62: {  	[tilespmem:s23], [sflag:$0x1] =	stream.indirect.gather [hbm4b:s3+s18], $0x20, s22, s18, $0xb8;
	[tilespmem:$0x1FC00] =	vst v63  }
0x63: {  	s31 =	simm.s32 $0xC00;
	s0 =	simm.s32 $0x0  }
0x64: {  	[tilespmem:s25], [sflag:$0x1] =	stream.indirect.gather [hbm4b:s3+s18], $0x20, s24, s18, $0xb8;
	[tilespmem:$0x1FC00] =	vst v63  }
.LBB2_3:
0x65: {  	p1 =	slt.u32 s0, $0x2  }
0x66: {  	s4 =	simm.s32 @!p1 $0x2  }
0x67: {  	p2 =	sgt.u32 @!p1 s0, $0xF;
	_ =	swait.ge @!p1 [sflag:s4], $0x1000  }
0x68: {  	p2 =	por p1, !p2;
	[sflag:s4] =	ssyncset.done @!p1 $0x0  }
0x69: {  	[sflag:s4] =	ssyncadd.s32 @!p1 $0xFFFFF000;
	s4 =	sadd.s32 @p2 $0x4, s0  }
0x6a: {  	s9 =	smul.u32 @p2 $0xAB, s4;
	_ =	sdelay $0x1  }
0x6b: {  	s9 =	sshrl.u32 @p2 s9, $0xA  }
0x6c: {  	s9 =	sand.u32 @p2 $0x3F, s9  }
0x6d: {  	s9 =	smul.u32 @p2 $0x6, s9;
	_ =	sdelay $0x1  }
0x6e: {  	s4 =	ssub.s32 @p2 s4, s9  }
0x6f: {  	s4 =	sand.u32 @p2 $0xFF, s4  }
0x70: {  	s4 =	sshll.u32 @p2 s4, $0xC  }
0x71: {  	s9 =	smul.u32 $0xAB, s0;
	s4 =	sadd.s32 @p2 $0x1400, s4  }
0x72: {  	[tilespmem:s4], [sflag:$0x1] =	stream.indirect.gather @p2 [hbm4b:s3+s18], $0x20, s31, s18, $0xb8;
	[tilespmem:$0x1FC00] =	vst v63  }
0x73: {  	s4 =	sshrl.u32 s9, $0xA  }
0x74: {  	s4 =	sand.u32 $0x3F, s4  }
0x75: {  	s4 =	smul.u32 $0x6, s4;
	_ =	sdelay $0x1  }
0x76: {  	s4 =	ssub.s32 s0, s4;
	s0 =	sadd.s32 $0x1, s0  }
0x77: {  	p1 =	sne.s32 s0, $0x14  }
.Ltmp6:
0x78: {  	_ =	swait.ge [sflag:s26], $0x1000;
	s4 =	sand.u32 $0xFF, s4;
	(pc) =	sbr.rel @p1 .LBB2_3-.Ltmp6, $4  }
0x79: {  	[sflag:s26] =	ssyncset.done $0x0;
	s4 =	sshll.u32 s4, $0xC  }
0x7a: {  	[sflag:s26] =	ssyncadd.s32 $0xFFFFF000;
	s4 =	sadd.s32 $0x1400, s4  }
0x7b: {  	[spmem:s1] =	stream.indirect.scatter.add.f32 [tilespmem:s4], [sflag:$0x2], $0x20, s30, s18, $0xb8;
	[tilespmem:$0x1FC00] =	vst v63  }
0x7c: {  	s31 =	sadd.s32 $0x80, s31;
	s30 =	sadd.s32 $0x80, s30  }
0x7d: {  	s29 =	sadd.s32 $0x1, s29  }
0x7e: {  	_ =	swait.ge [sflag:s28], $0x1000;
	p1 =	seq.s32 s29, $0x14  }
.Ltmp7:
0x7f: {  	[sflag:s28] =	ssyncset.done $0x0;
	(pc) =	sbr.rel @!p1 .LBB2_2-.Ltmp7, $4  }
0x80: {  	[sflag:s28] =	ssyncadd.s32 $0xFFFFF000  }
0x81: {  	_ =	swait.ge [sflag:s28], $0x1000  }
0x82: {  	[sflag:s28] =	ssyncset.done $0x0  }
0x83: {  	[sflag:s28] =	ssyncadd.s32 $0xFFFFF000  }
.Ltmp8:
0x84: {  	(pc) =	sbr.rel .LBB2_10-.Ltmp8, $2  }
0x85: {  	_ =	sdelay $0x2  }
0x86: {  	s0 =	rddreg [dreg:$0x3]  }
.LBB2_11:
0x87: {  	_ =	sfence.sel $0x180000  }
0x88: {  	[bflag:$0x0] =	sbarrier.arrive $0xFFFF  }
0x89: {  	_ =	strace $0x90000047  }
0x8a: {  	s0 =	stileid.u32;
	[bflag:$0x2] =	sbarrier.arrive $0xFFFF  }
0x8b: {  	p0 =	sne.s32 s0, $0x0;
	s0 =	rddreg [dreg:$0x2]  }
0x8c: {  	s0 =	sadd.s32 @!p0 $0x100000, s0  }
0x8d: {  	[sflag:s0] =	ssyncadd.tile.s32 @!p0 $0x1;
	_ =	shalt  }
.Lfunc_end2:
_tile_overlayer_lowered:
.L_overlay_start_2:
0x8e: {  	(tag) =	ssettag $0x2  }
0x8f: {  	s0 =	rddreg [dreg:$0x0];
	s2 =	stileid.u32  }
0x90: {  	s1 =	rddreg [dreg:$0x1];
	p0 =	sne.s32 s2, $0x0  }
0x91: {  	s3 =	rddreg [dreg:$0x2];
	[bflag:$0x3] =	sbarrier.arrive $0xFFFF;
	s2 =	simm.s32 @!p0 $0x1C03  }
0x92: {  	[timem:s3], [sflag:s2] =	dma.local @!p0 [hbm:s0], s1  }
0x93: {  	s0 =	simm.s32 @!p0 $0x3  }
0x94: {  	_ =	swait.ge @!p0 [sflag:s0], s1  }
0x95: {  	s1 =	ssub.s32 @!p0 $0x0, s1;
	[sflag:s0] =	ssyncset.done @!p0 $0x0  }
0x96: {  	[sflag:s0] =	ssyncadd.s32 @!p0 s1  }
0x97: {  	[bflag:$0x3] =	sbarrier.arrive $0xFFFF  }
0x98: {  	_ =	shalt  }

</sc_bundles>
